<compile_context>
chip_gen: v7x
topology: tpu7x:2x2x1
jax: 0.10.2.dev20260603
libtpu: 0.0.44.dev20260713+nightly
codegen_flags: <defaults>
</compile_context>

<pallas_src>
import jax
import jax.numpy as jnp
from jax import lax
from jax.experimental import pallas as pl
from jax.experimental.pallas import tpu as pltpu
from jax.experimental.pallas import tpu_sc as plsc

N = 10000
E = 320000
D = 128
H = 128
ALPHA = 0.01

NPAD = 10240
CHUNK = 128
NCORES = 2
NSUB = 16
NW = NCORES * NSUB
CPW = 80
E_PAD = CPW * NW * CHUNK
SLABS_PER_SUB = NPAD // (CHUNK * NSUB)



def _mm_body(data_ref, noise_ref, w_ref, x_ref):
    feat = data_ref[...] + ALPHA * noise_ref[...]
    x_ref[...] = jnp.dot(feat, w_ref[...], preferred_element_type=jnp.float32)


def _project(data, noise, W):
    blk = 1000
    return pl.pallas_call(
        _mm_body,
        grid=(N // blk,),
        in_specs=[
            pl.BlockSpec((blk, D), lambda i: (i, 0)),
            pl.BlockSpec((blk, D), lambda i: (i, 0)),
            pl.BlockSpec((D, H), lambda i: (0, 0)),
        ],
        out_specs=pl.BlockSpec((blk, H), lambda i: (i, 0)),
        out_shape=jax.ShapeDtypeStruct((N, H), jnp.float32),
    )(data, noise, W)



def _spmm_body(x_hbm, row_hbm, col_hbm, val_hbm, out_hbm,
               col0, col1, row0, row1, val0, val1, buf0, buf1,
               srow0, srow1, acc_sh, is0, is1, gs0, gs1, ss0, ss1):
    cid = lax.axis_index("c")
    sid = lax.axis_index("s")
    wid = sid * NCORES + cid

    zeros16 = jnp.zeros((16,), jnp.float32)

    def _zrow(j, _):
        for q in range(H // 16):
            buf0[j, pl.ds(q * 16, 16)] = zeros16
        return 0

    lax.fori_loop(0, CHUNK, _zrow, 0)
    for t in range(SLABS_PER_SUB):
        pltpu.sync_copy(
            buf0, acc_sh.at[pl.ds((t * NSUB + 0) * CHUNK + sid * CHUNK, CHUNK)])
    plsc.subcore_barrier()

    col = (col0, col1)
    row = (row0, row1)
    val = (val0, val1)
    buf = (buf0, buf1)
    srow = (srow0, srow1)
    isem = (is0, is1)
    gsem = (gs0, gs1)
    ssem = (ss0, ss1)

    def _base(i):
        return (wid + i * NW) * CHUNK

    def _scale(b, vl):
        def grp(g, _):
            vv = vl[pl.ds(g * 16, 16)]
            for lane in range(16):
                v = vv[lane]
                j = g * 16 + lane
                for q in range(H // 16):
                    b[j, pl.ds(q * 16, 16)] = b[j, pl.ds(q * 16, 16)] * v
            return 0

        lax.fori_loop(0, CHUNK // 16, grp, 0)

    def _stage(i, p, copy):
        b = _base(i)
        copy(col_hbm.at[pl.ds(b, CHUNK)], col[p], isem[p])
        copy(row_hbm.at[pl.ds(b, CHUNK)], row[p], isem[p])
        copy(val_hbm.at[pl.ds(b, CHUNK)], val[p], isem[p])

    def _wait_stage(i, p):
        b = _base(i)
        pltpu.make_async_copy(col_hbm.at[pl.ds(b, CHUNK)], col[p],
                              isem[p]).wait()
        pltpu.make_async_copy(row_hbm.at[pl.ds(b, CHUNK)], row[p],
                              isem[p]).wait()
        pltpu.make_async_copy(val_hbm.at[pl.ds(b, CHUNK)], val[p],
                              isem[p]).wait()

    b0 = _base(0)
    pltpu.sync_copy(col_hbm.at[pl.ds(b0, CHUNK)], col0)
    pltpu.sync_copy(row_hbm.at[pl.ds(b0, CHUNK)], row0)
    pltpu.sync_copy(val_hbm.at[pl.ds(b0, CHUNK)], val0)
    pltpu.async_copy(x_hbm.at[col0], buf0, gs0)
    _stage(1, 1, pltpu.async_copy)

    def _pair(t, _):
        i0 = 2 * t
        for p in range(2):
            i = i0 + p
            q = 1 - p

            @pl.when(i + 1 < CPW)
            def _():
                @pl.when(i >= 1)
                def _():
                    pltpu.make_async_copy(buf[q], acc_sh.at[srow[q]],
                                          ssem[q]).wait()
                _wait_stage(i + 1, q)
                pltpu.async_copy(x_hbm.at[col[q]], buf[q], gsem[q])

            pltpu.make_async_copy(x_hbm.at[col[p]], buf[p], gsem[p]).wait()
            _scale(buf[p], val[p])
            for k in range(CHUNK // 16):
                srow[p][pl.ds(k * 16, 16)] = row[p][pl.ds(k * 16, 16)]
            pltpu.async_copy(buf[p], acc_sh.at[srow[p]], ssem[p], add=True)

            @pl.when(i + 2 < CPW)
            def _():
                _stage(i + 2, p, pltpu.async_copy)
        return 0

    lax.fori_loop(0, CPW // 2, _pair, 0)
    pltpu.make_async_copy(buf[0], acc_sh.at[srow[0]], ssem[0]).wait()
    pltpu.make_async_copy(buf[1], acc_sh.at[srow[1]], ssem[1]).wait()
    plsc.subcore_barrier()

    for t in range(SLABS_PER_SUB):
        slab = (t * NSUB + 0) * CHUNK + sid * CHUNK
        pltpu.sync_copy(acc_sh.at[pl.ds(slab, CHUNK)],
                        out_hbm.at[cid, pl.ds(slab, CHUNK)])


def _spmm_partials(x, row1d, col1d, val1d):
    mesh = plsc.VectorSubcoreMesh(core_axis_name="c", subcore_axis_name="s")
    f = pl.kernel(
        _spmm_body,
        out_type=jax.ShapeDtypeStruct((NCORES, NPAD, H), jnp.float32),
        mesh=mesh,
        scratch_types=[
            pltpu.VMEM((CHUNK,), jnp.int32),
            pltpu.VMEM((CHUNK,), jnp.int32),
            pltpu.VMEM((CHUNK,), jnp.int32),
            pltpu.VMEM((CHUNK,), jnp.int32),
            pltpu.VMEM((CHUNK,), jnp.float32),
            pltpu.VMEM((CHUNK,), jnp.float32),
            pltpu.VMEM((CHUNK, H), jnp.float32),
            pltpu.VMEM((CHUNK, H), jnp.float32),
            pltpu.VMEM((CHUNK,), jnp.int32),
            pltpu.VMEM((CHUNK,), jnp.int32),
            pltpu.VMEM_SHARED((NPAD, H), jnp.float32),
            pltpu.SemaphoreType.DMA,
            pltpu.SemaphoreType.DMA,
            pltpu.SemaphoreType.DMA,
            pltpu.SemaphoreType.DMA,
            pltpu.SemaphoreType.DMA,
            pltpu.SemaphoreType.DMA,
        ],
    )
    return f(x, row1d, col1d, val1d)



def _fin_body(p_ref, out_ref):
    s = p_ref[0] + p_ref[1]
    out_ref[...] = jnp.where(s > 0, s, jnp.exp(s) - 1.0)


def _finish(partials):
    blk = 1000
    return pl.pallas_call(
        _fin_body,
        grid=(N // blk,),
        in_specs=[pl.BlockSpec((NCORES, blk, H), lambda i: (0, i, 0))],
        out_specs=pl.BlockSpec((blk, H), lambda i: (i, 0)),
        out_shape=jax.ShapeDtypeStruct((N, H), jnp.float32),
    )(partials)


def kernel(data, adj_indices, adj_values, W):
    noise = jax.random.normal(jax.random.key(42), data.shape, dtype=data.dtype)
    x = _project(data, noise, W)
    npad = E_PAD - E
    pad_row = N + (jnp.arange(npad, dtype=jnp.int32) % (NPAD - N))
    pad_col = jnp.arange(npad, dtype=jnp.int32) % N
    row1d = jnp.concatenate([adj_indices[0], pad_row])
    col1d = jnp.concatenate([adj_indices[1], pad_col])
    val1d = jnp.pad(adj_values, (0, npad))
    partials = _spmm_partials(x, row1d, col1d, val1d)
    return _finish(partials)

# --- scband reference (transcript-rebuilt; emitter-appended) ---
"""Pipeline reference for scband-shared-gcnencoder-17910013624521 (READ-ONLY COPY).

The authoritative reference and input builder live on the scoring server;
editing this copy changes nothing except your own understanding.
"""

import jax, jax.numpy as jnp
import numpy as np

N = 10000
E = 320000
D = 128
H = 128
ALPHA = 0.01


def setup_inputs(seed: int = 0) -> dict:
    key = jax.random.key(seed)
    k1, k2, k3, k4 = jax.random.split(key, 4)
    data = jax.random.normal(k1, (N, D), dtype=jnp.float32)
    adj_indices = jax.random.randint(k2, (2, E), 0, N, dtype=jnp.int32)
    adj_values = jax.random.uniform(k3, (E,), dtype=jnp.float32)
    # xavier_uniform init for W[D, H]
    limit = float(np.sqrt(6.0 / (D + H)))
    W = jax.random.uniform(k4, (D, H), minval=-limit, maxval=limit, dtype=jnp.float32)
    return {"data": data, "adj_indices": adj_indices, "adj_values": adj_values, "W": W}


def reference(data, adj_indices, adj_values, W):
    # NoiseLayer: x + alpha * randn_like(x); dropout is identity in eval mode
    noise = jax.random.normal(jax.random.key(42), data.shape, dtype=data.dtype)
    feature = data + ALPHA * noise
    # TransForm_W: dropout (identity in eval) then linear projection
    x = feature @ W
    # edge dropout on adj values is identity with training=False
    # torch.spmm(adj, x): out[row] += val * x[col]
    row = adj_indices[0]
    col = adj_indices[1]
    msgs = adj_values[:, None] * jnp.take(x, col, axis=0)
    agg = jax.ops.segment_sum(msgs, row, num_segments=data.shape[0])
    # ELU activation; view_type=None -> no batchnorm branch
    return jax.nn.elu(agg)

if __name__ == "__main__":
    import jax
    _d = setup_inputs()
    print(jax.jit(kernel)(*tuple(_d.values())))

</pallas_src>

<mosaic_0001>
#map = affine_map<(d0, d1) -> (0, 0)>
#map1 = affine_map<(d0, d1) -> (0)>
#map2 = affine_map<(d0, d1) -> (0, 0, 0)>
module attributes {stable_mosaic.version = 14 : i64} {
  func.func @_spmm_body(%arg0: i32, %arg1: i32, %arg2: memref<10000x128xf32, #tpu.memory_space<hbm>>, %arg3: memref<327680xi32, #tpu.memory_space<hbm>>, %arg4: memref<327680xi32, #tpu.memory_space<hbm>>, %arg5: memref<327680xf32, #tpu.memory_space<hbm>>, %arg6: memref<2x10240x128xf32, #tpu.memory_space<hbm>>, %arg7: memref<128xi32, #tpu.memory_space<vmem>>, %arg8: memref<128xi32, #tpu.memory_space<vmem>>, %arg9: memref<128xi32, #tpu.memory_space<vmem>>, %arg10: memref<128xi32, #tpu.memory_space<vmem>>, %arg11: memref<128xf32, #tpu.memory_space<vmem>>, %arg12: memref<128xf32, #tpu.memory_space<vmem>>, %arg13: memref<128x128xf32, #tpu.memory_space<vmem>>, %arg14: memref<128x128xf32, #tpu.memory_space<vmem>>, %arg15: memref<128xi32, #tpu.memory_space<vmem>>, %arg16: memref<128xi32, #tpu.memory_space<vmem>>, %arg17: memref<10240x128xf32, #tpu.memory_space<vmem_shared>>, %arg18: memref<!tpu.dma_semaphore, #tpu.memory_space<semaphore_mem>>, %arg19: memref<!tpu.dma_semaphore, #tpu.memory_space<semaphore_mem>>, %arg20: memref<!tpu.dma_semaphore, #tpu.memory_space<semaphore_mem>>, %arg21: memref<!tpu.dma_semaphore, #tpu.memory_space<semaphore_mem>>, %arg22: memref<!tpu.dma_semaphore, #tpu.memory_space<semaphore_mem>>, %arg23: memref<!tpu.dma_semaphore, #tpu.memory_space<semaphore_mem>>) attributes {dimension_semantics = [#tpu.dimension_semantics<core_parallel>, #tpu.dimension_semantics<subcore_parallel>], iteration_bounds = array<i64: 2, 16>, scalar_prefetch = 0 : i64, scratch_operands = 17 : i64, tpu.core_type = #tpu.core_type<sc_vector_subcore>, window_params = [{transform_indices = #map}, {transform_indices = #map1}, {transform_indices = #map1}, {transform_indices = #map1}, {transform_indices = #map2}]} {
    %mul3A = arith.constant 2 : i32
    %mul3A_0 = arith.muli %arg1, %mul3A : i32
    %add3A = arith.addi %mul3A_0, %arg0 : i32
    %broadcast_in_dim3A = arith.constant 0.000000e+00 : f32
    %broadcast_in_dim3A_1 = vector.broadcast %broadcast_in_dim3A : f32 to vector<16xf32>
    %scan3A = arith.constant 0 : i32
    %scan3A_2 = arith.constant 0 : i32
    %scan3A_3 = arith.constant 128 : i32
    %scan3A_4 = arith.addi %scan3A_2, %scan3A_3 : i32
    %scan3A_5 = arith.constant 1 : i32
    %scan3A_6 = scf.for %scan3A_77 = %scan3A_2 to %scan3A_4 step %scan3A_5 iter_args(%scan3A_78 = %scan3A) -> (i32)  : i32 {
      %swap3A = arith.index_cast %scan3A_77 : i32 to index
      %swap3A_79 = arith.constant 0 : index
      %swap3A_80 = tpu.vector_load %arg13[%swap3A, %swap3A_79] {strides = array<i32>} : memref<128x128xf32, #tpu.memory_space<vmem>>, vector<1x16xf32>,
      %swap3A_81 = vector.shape_cast %swap3A_80 : vector<1x16xf32> to vector<16xf32>
      %swap3A_82 = vector.shape_cast %broadcast_in_dim3A_1 : vector<16xf32> to vector<1x16xf32>
      tpu.vector_store %arg13[%swap3A, %swap3A_79], %swap3A_82 {strides = array<i32>} : memref<128x128xf32, #tpu.memory_space<vmem>>, vector<1x16xf32>,
      %swap3A_83 = arith.index_cast %scan3A_77 : i32 to index
      %swap3A_84 = arith.constant 16 : index
      %swap3A_85 = tpu.vector_load %arg13[%swap3A_83, %swap3A_84] {strides = array<i32>} : memref<128x128xf32, #tpu.memory_space<vmem>>, vector<1x16xf32>,
      %swap3A_86 = vector.shape_cast %swap3A_85 : vector<1x16xf32> to vector<16xf32>
      %swap3A_87 = vector.shape_cast %broadcast_in_dim3A_1 : vector<16xf32> to vector<1x16xf32>
      tpu.vector_store %arg13[%swap3A_83, %swap3A_84], %swap3A_87 {strides = array<i32>} : memref<128x128xf32, #tpu.memory_space<vmem>>, vector<1x16xf32>,
      %swap3A_88 = arith.index_cast %scan3A_77 : i32 to index
      %swap3A_89 = arith.constant 32 : index
      %swap3A_90 = tpu.vector_load %arg13[%swap3A_88, %swap3A_89] {strides = array<i32>} : memref<128x128xf32, #tpu.memory_space<vmem>>, vector<1x16xf32>,
      %swap3A_91 = vector.shape_cast %swap3A_90 : vector<1x16xf32> to vector<16xf32>
      %swap3A_92 = vector.shape_cast %broadcast_in_dim3A_1 : vector<16xf32> to vector<1x16xf32>
      tpu.vector_store %arg13[%swap3A_88, %swap3A_89], %swap3A_92 {strides = array<i32>} : memref<128x128xf32, #tpu.memory_space<vmem>>, vector<1x16xf32>,
      %swap3A_93 = arith.index_cast %scan3A_77 : i32 to index
      %swap3A_94 = arith.constant 48 : index
      %swap3A_95 = tpu.vector_load %arg13[%swap3A_93, %swap3A_94] {strides = array<i32>} : memref<128x128xf32, #tpu.memory_space<vmem>>, vector<1x16xf32>,
      %swap3A_96 = vector.shape_cast %swap3A_95 : vector<1x16xf32> to vector<16xf32>
      %swap3A_97 = vector.shape_cast %broadcast_in_dim3A_1 : vector<16xf32> to vector<1x16xf32>
      tpu.vector_store %arg13[%swap3A_93, %swap3A_94], %swap3A_97 {strides = array<i32>} : memref<128x128xf32, #tpu.memory_space<vmem>>, vector<1x16xf32>,
      %swap3A_98 = arith.index_cast %scan3A_77 : i32 to index
      %swap3A_99 = arith.constant 64 : index
      %swap3A_100 = tpu.vector_load %arg13[%swap3A_98, %swap3A_99] {strides = array<i32>} : memref<128x128xf32, #tpu.memory_space<vmem>>, vector<1x16xf32>,
      %swap3A_101 = vector.shape_cast %swap3A_100 : vector<1x16xf32> to vector<16xf32>
      %swap3A_102 = vector.shape_cast %broadcast_in_dim3A_1 : vector<16xf32> to vector<1x16xf32>
      tpu.vector_store %arg13[%swap3A_98, %swap3A_99], %swap3A_102 {strides = array<i32>} : memref<128x128xf32, #tpu.memory_space<vmem>>, vector<1x16xf32>,
      %swap3A_103 = arith.index_cast %scan3A_77 : i32 to index
      %swap3A_104 = arith.constant 80 : index
      %swap3A_105 = tpu.vector_load %arg13[%swap3A_103, %swap3A_104] {strides = array<i32>} : memref<128x128xf32, #tpu.memory_space<vmem>>, vector<1x16xf32>,
      %swap3A_106 = vector.shape_cast %swap3A_105 : vector<1x16xf32> to vector<16xf32>
      %swap3A_107 = vector.shape_cast %broadcast_in_dim3A_1 : vector<16xf32> to vector<1x16xf32>
      tpu.vector_store %arg13[%swap3A_103, %swap3A_104], %swap3A_107 {strides = array<i32>} : memref<128x128xf32, #tpu.memory_space<vmem>>, vector<1x16xf32>,
      %swap3A_108 = arith.index_cast %scan3A_77 : i32 to index
      %swap3A_109 = arith.constant 96 : index
      %swap3A_110 = tpu.vector_load %arg13[%swap3A_108, %swap3A_109] {strides = array<i32>} : memref<128x128xf32, #tpu.memory_space<vmem>>, vector<1x16xf32>,
      %swap3A_111 = vector.shape_cast %swap3A_110 : vector<1x16xf32> to vector<16xf32>
      %swap3A_112 = vector.shape_cast %broadcast_in_dim3A_1 : vector<16xf32> to vector<1x16xf32>
      tpu.vector_store %arg13[%swap3A_108, %swap3A_109], %swap3A_112 {strides = array<i32>} : memref<128x128xf32, #tpu.memory_space<vmem>>, vector<1x16xf32>,
      %swap3A_113 = arith.index_cast %scan3A_77 : i32 to index
      %swap3A_114 = arith.constant 112 : index
      %swap3A_115 = tpu.vector_load %arg13[%swap3A_113, %swap3A_114] {strides = array<i32>} : memref<128x128xf32, #tpu.memory_space<vmem>>, vector<1x16xf32>,
      %swap3A_116 = vector.shape_cast %swap3A_115 : vector<1x16xf32> to vector<16xf32>
      %swap3A_117 = vector.shape_cast %broadcast_in_dim3A_1 : vector<16xf32> to vector<1x16xf32>
      tpu.vector_store %arg13[%swap3A_113, %swap3A_114], %swap3A_117 {strides = array<i32>} : memref<128x128xf32, #tpu.memory_space<vmem>>, vector<1x16xf32>,
      %scan3A_118 = arith.constant 0 : i32
      scf.yield %scan3A_118 : i32
    }
    %scan3A_7 = arith.constant 128 : i32
    %mul3A_8 = arith.constant 128 : i32
    %mul3A_9 = arith.muli %arg1, %mul3A_8 : i32
    %add3A_10 = arith.constant 0 : i32
    %add3A_11 = arith.addi %add3A_10, %mul3A_9 : i32
    "tpu.region"() ({
      %run_scoped3A = tpu.sem_alloc : memref<!tpu.dma_semaphore, #tpu.memory_space<semaphore_mem>>
      %dma_start3A_77 = arith.constant 0 : i32
      %dma_start3A_78 = tpu.memref_slice %arg17[%add3A_11, %dma_start3A_77] : memref<10240x128xf32, #tpu.memory_space<vmem_shared>> -> memref<128x128xf32, #tpu.memory_space<vmem_shared>>
      %dma_start3A_79 = arith.constant 0 : i32
      %dma_start3A_80 = tpu.memref_slice %arg17[%add3A_11, %dma_start3A_79] : memref<10240x128xf32, #tpu.memory_space<vmem_shared>> -> memref<128x128xf32, #tpu.memory_space<vmem_shared>>
      tpu.enqueue_dma source(%arg13 : memref<128x128xf32, #tpu.memory_space<vmem>>) target(%dma_start3A_80 : memref<128x128xf32, #tpu.memory_space<vmem_shared>>) target_semaphore(%run_scoped3A : memref<!tpu.dma_semaphore, #tpu.memory_space<semaphore_mem>>)
      %dma_wait3A_81 = arith.constant 0 : i32
      %dma_wait3A_82 = tpu.memref_slice %arg17[%add3A_11, %dma_wait3A_81] : memref<10240x128xf32, #tpu.memory_space<vmem_shared>> -> memref<128x128xf32, #tpu.memory_space<vmem_shared>>
      %dma_wait3A_83 = arith.constant 0 : i32
      %dma_wait3A_84 = tpu.memref_slice %arg17[%add3A_11, %dma_wait3A_83] : memref<10240x128xf32, #tpu.memory_space<vmem_shared>> -> memref<128x128xf32, #tpu.memory_space<vmem_shared>>
      tpu.wait_dma2 semaphore(%run_scoped3A : memref<!tpu.dma_semaphore, #tpu.memory_space<semaphore_mem>>) src(%arg13 : memref<128x128xf32, #tpu.memory_space<vmem>>) dst(%dma_wait3A_84 : memref<128x128xf32, #tpu.memory_space<vmem_shared>>)
      tpu.yield
    }) : () -> ()
    %mul3A_12 = arith.constant 128 : i32
    %mul3A_13 = arith.muli %arg1, %mul3A_12 : i32
    %add3A_14 = arith.constant 2048 : i32
    %add3A_15 = arith.addi %add3A_14, %mul3A_13 : i32
    "tpu.region"() ({
      %run_scoped3A = tpu.sem_alloc : memref<!tpu.dma_semaphore, #tpu.memory_space<semaphore_mem>>
      %dma_start3A_77 = arith.constant 0 : i32
      %dma_start3A_78 = tpu.memref_slice %arg17[%add3A_15, %dma_start3A_77] : memref<10240x128xf32, #tpu.memory_space<vmem_shared>> -> memref<128x128xf32, #tpu.memory_space<vmem_shared>>
      %dma_start3A_79 = arith.constant 0 : i32
      %dma_start3A_80 = tpu.memref_slice %arg17[%add3A_15, %dma_start3A_79] : memref<10240x128xf32, #tpu.memory_space<vmem_shared>> -> memref<128x128xf32, #tpu.memory_space<vmem_shared>>
      tpu.enqueue_dma source(%arg13 : memref<128x128xf32, #tpu.memory_space<vmem>>) target(%dma_start3A_80 : memref<128x128xf32, #tpu.memory_space<vmem_shared>>) target_semaphore(%run_scoped3A : memref<!tpu.dma_semaphore, #tpu.memory_space<semaphore_mem>>)
      %dma_wait3A_81 = arith.constant 0 : i32
      %dma_wait3A_82 = tpu.memref_slice %arg17[%add3A_15, %dma_wait3A_81] : memref<10240x128xf32, #tpu.memory_space<vmem_shared>> -> memref<128x128xf32, #tpu.memory_space<vmem_shared>>
      %dma_wait3A_83 = arith.constant 0 : i32
      %dma_wait3A_84 = tpu.memref_slice %arg17[%add3A_15, %dma_wait3A_83] : memref<10240x128xf32, #tpu.memory_space<vmem_shared>> -> memref<128x128xf32, #tpu.memory_space<vmem_shared>>
      tpu.wait_dma2 semaphore(%run_scoped3A : memref<!tpu.dma_semaphore, #tpu.memory_space<semaphore_mem>>) src(%arg13 : memref<128x128xf32, #tpu.memory_space<vmem>>) dst(%dma_wait3A_84 : memref<128x128xf32, #tpu.memory_space<vmem_shared>>)
      tpu.yield
    }) : () -> ()
    %mul3A_16 = arith.constant 128 : i32
    %mul3A_17 = arith.muli %arg1, %mul3A_16 : i32
    %add3A_18 = arith.constant 4096 : i32
    %add3A_19 = arith.addi %add3A_18, %mul3A_17 : i32
    "tpu.region"() ({
      %run_scoped3A = tpu.sem_alloc : memref<!tpu.dma_semaphore, #tpu.memory_space<semaphore_mem>>
      %dma_start3A_77 = arith.constant 0 : i32
      %dma_start3A_78 = tpu.memref_slice %arg17[%add3A_19, %dma_start3A_77] : memref<10240x128xf32, #tpu.memory_space<vmem_shared>> -> memref<128x128xf32, #tpu.memory_space<vmem_shared>>
      %dma_start3A_79 = arith.constant 0 : i32
      %dma_start3A_80 = tpu.memref_slice %arg17[%add3A_19, %dma_start3A_79] : memref<10240x128xf32, #tpu.memory_space<vmem_shared>> -> memref<128x128xf32, #tpu.memory_space<vmem_shared>>
      tpu.enqueue_dma source(%arg13 : memref<128x128xf32, #tpu.memory_space<vmem>>) target(%dma_start3A_80 : memref<128x128xf32, #tpu.memory_space<vmem_shared>>) target_semaphore(%run_scoped3A : memref<!tpu.dma_semaphore, #tpu.memory_space<semaphore_mem>>)
      %dma_wait3A_81 = arith.constant 0 : i32
      %dma_wait3A_82 = tpu.memref_slice %arg17[%add3A_19, %dma_wait3A_81] : memref<10240x128xf32, #tpu.memory_space<vmem_shared>> -> memref<128x128xf32, #tpu.memory_space<vmem_shared>>
      %dma_wait3A_83 = arith.constant 0 : i32
      %dma_wait3A_84 = tpu.memref_slice %arg17[%add3A_19, %dma_wait3A_83] : memref<10240x128xf32, #tpu.memory_space<vmem_shared>> -> memref<128x128xf32, #tpu.memory_space<vmem_shared>>
      tpu.wait_dma2 semaphore(%run_scoped3A : memref<!tpu.dma_semaphore, #tpu.memory_space<semaphore_mem>>) src(%arg13 : memref<128x128xf32, #tpu.memory_space<vmem>>) dst(%dma_wait3A_84 : memref<128x128xf32, #tpu.memory_space<vmem_shared>>)
      tpu.yield
    }) : () -> ()
    %mul3A_20 = arith.constant 128 : i32
    %mul3A_21 = arith.muli %arg1, %mul3A_20 : i32
    %add3A_22 = arith.constant 6144 : i32
    %add3A_23 = arith.addi %add3A_22, %mul3A_21 : i32
    "tpu.region"() ({
      %run_scoped3A = tpu.sem_alloc : memref<!tpu.dma_semaphore, #tpu.memory_space<semaphore_mem>>
      %dma_start3A_77 = arith.constant 0 : i32
      %dma_start3A_78 = tpu.memref_slice %arg17[%add3A_23, %dma_start3A_77] : memref<10240x128xf32, #tpu.memory_space<vmem_shared>> -> memref<128x128xf32, #tpu.memory_space<vmem_shared>>
      %dma_start3A_79 = arith.constant 0 : i32
      %dma_start3A_80 = tpu.memref_slice %arg17[%add3A_23, %dma_start3A_79] : memref<10240x128xf32, #tpu.memory_space<vmem_shared>> -> memref<128x128xf32, #tpu.memory_space<vmem_shared>>
      tpu.enqueue_dma source(%arg13 : memref<128x128xf32, #tpu.memory_space<vmem>>) target(%dma_start3A_80 : memref<128x128xf32, #tpu.memory_space<vmem_shared>>) target_semaphore(%run_scoped3A : memref<!tpu.dma_semaphore, #tpu.memory_space<semaphore_mem>>)
      %dma_wait3A_81 = arith.constant 0 : i32
      %dma_wait3A_82 = tpu.memref_slice %arg17[%add3A_23, %dma_wait3A_81] : memref<10240x128xf32, #tpu.memory_space<vmem_shared>> -> memref<128x128xf32, #tpu.memory_space<vmem_shared>>
      %dma_wait3A_83 = arith.constant 0 : i32
      %dma_wait3A_84 = tpu.memref_slice %arg17[%add3A_23, %dma_wait3A_83] : memref<10240x128xf32, #tpu.memory_space<vmem_shared>> -> memref<128x128xf32, #tpu.memory_space<vmem_shared>>
      tpu.wait_dma2 semaphore(%run_scoped3A : memref<!tpu.dma_semaphore, #tpu.memory_space<semaphore_mem>>) src(%arg13 : memref<128x128xf32, #tpu.memory_space<vmem>>) dst(%dma_wait3A_84 : memref<128x128xf32, #tpu.memory_space<vmem_shared>>)
      tpu.yield
    }) : () -> ()
    %mul3A_24 = arith.constant 128 : i32
    %mul3A_25 = arith.muli %arg1, %mul3A_24 : i32
    %add3A_26 = arith.constant 8192 : i32
    %add3A_27 = arith.addi %add3A_26, %mul3A_25 : i32
    "tpu.region"() ({
      %run_scoped3A = tpu.sem_alloc : memref<!tpu.dma_semaphore, #tpu.memory_space<semaphore_mem>>
      %dma_start3A_77 = arith.constant 0 : i32
      %dma_start3A_78 = tpu.memref_slice %arg17[%add3A_27, %dma_start3A_77] : memref<10240x128xf32, #tpu.memory_space<vmem_shared>> -> memref<128x128xf32, #tpu.memory_space<vmem_shared>>
      %dma_start3A_79 = arith.constant 0 : i32
      %dma_start3A_80 = tpu.memref_slice %arg17[%add3A_27, %dma_start3A_79] : memref<10240x128xf32, #tpu.memory_space<vmem_shared>> -> memref<128x128xf32, #tpu.memory_space<vmem_shared>>
      tpu.enqueue_dma source(%arg13 : memref<128x128xf32, #tpu.memory_space<vmem>>) target(%dma_start3A_80 : memref<128x128xf32, #tpu.memory_space<vmem_shared>>) target_semaphore(%run_scoped3A : memref<!tpu.dma_semaphore, #tpu.memory_space<semaphore_mem>>)
      %dma_wait3A_81 = arith.constant 0 : i32
      %dma_wait3A_82 = tpu.memref_slice %arg17[%add3A_27, %dma_wait3A_81] : memref<10240x128xf32, #tpu.memory_space<vmem_shared>> -> memref<128x128xf32, #tpu.memory_space<vmem_shared>>
      %dma_wait3A_83 = arith.constant 0 : i32
      %dma_wait3A_84 = tpu.memref_slice %arg17[%add3A_27, %dma_wait3A_83] : memref<10240x128xf32, #tpu.memory_space<vmem_shared>> -> memref<128x128xf32, #tpu.memory_space<vmem_shared>>
      tpu.wait_dma2 semaphore(%run_scoped3A : memref<!tpu.dma_semaphore, #tpu.memory_space<semaphore_mem>>) src(%arg13 : memref<128x128xf32, #tpu.memory_space<vmem>>) dst(%dma_wait3A_84 : memref<128x128xf32, #tpu.memory_space<vmem_shared>>)
      tpu.yield
    }) : () -> ()
    %barrier3A = arith.constant 0 : index
    tpu.barrier barrier_id(%barrier3A)
    %add3A_28 = arith.constant 0 : i32
    %add3A_29 = arith.addi %add3A, %add3A_28 : i32
    %mul3A_30 = arith.constant 128 : i32
    %mul3A_31 = arith.muli %add3A_29, %mul3A_30 : i32
    "tpu.region"() ({
      %run_scoped3A = tpu.sem_alloc : memref<!tpu.dma_semaphore, #tpu.memory_space<semaphore_mem>>
      %dma_start3A_77 = tpu.memref_slice %arg4[%mul3A_31] : memref<327680xi32, #tpu.memory_space<hbm>> -> memref<128xi32, #tpu.memory_space<hbm>>
      %dma_start3A_78 = tpu.memref_slice %arg4[%mul3A_31] : memref<327680xi32, #tpu.memory_space<hbm>> -> memref<128xi32, #tpu.memory_space<hbm>>
      tpu.enqueue_dma source(%dma_start3A_78 : memref<128xi32, #tpu.memory_space<hbm>>) target(%arg7 : memref<128xi32, #tpu.memory_space<vmem>>) target_semaphore(%run_scoped3A : memref<!tpu.dma_semaphore, #tpu.memory_space<semaphore_mem>>)
      %dma_wait3A_79 = tpu.memref_slice %arg4[%mul3A_31] : memref<327680xi32, #tpu.memory_space<hbm>> -> memref<128xi32, #tpu.memory_space<hbm>>
      %dma_wait3A_80 = tpu.memref_slice %arg4[%mul3A_31] : memref<327680xi32, #tpu.memory_space<hbm>> -> memref<128xi32, #tpu.memory_space<hbm>>
      tpu.wait_dma2 semaphore(%run_scoped3A : memref<!tpu.dma_semaphore, #tpu.memory_space<semaphore_mem>>) src(%dma_wait3A_80 : memref<128xi32, #tpu.memory_space<hbm>>) dst(%arg7 : memref<128xi32, #tpu.memory_space<vmem>>)
      tpu.yield
    }) : () -> ()
    "tpu.region"() ({
      %run_scoped3A = tpu.sem_alloc : memref<!tpu.dma_semaphore, #tpu.memory_space<semaphore_mem>>
      %dma_start3A_77 = tpu.memref_slice %arg3[%mul3A_31] : memref<327680xi32, #tpu.memory_space<hbm>> -> memref<128xi32, #tpu.memory_space<hbm>>
      %dma_start3A_78 = tpu.memref_slice %arg3[%mul3A_31] : memref<327680xi32, #tpu.memory_space<hbm>> -> memref<128xi32, #tpu.memory_space<hbm>>
      tpu.enqueue_dma source(%dma_start3A_78 : memref<128xi32, #tpu.memory_space<hbm>>) target(%arg9 : memref<128xi32, #tpu.memory_space<vmem>>) target_semaphore(%run_scoped3A : memref<!tpu.dma_semaphore, #tpu.memory_space<semaphore_mem>>)
      %dma_wait3A_79 = tpu.memref_slice %arg3[%mul3A_31] : memref<327680xi32, #tpu.memory_space<hbm>> -> memref<128xi32, #tpu.memory_space<hbm>>
      %dma_wait3A_80 = tpu.memref_slice %arg3[%mul3A_31] : memref<327680xi32, #tpu.memory_space<hbm>> -> memref<128xi32, #tpu.memory_space<hbm>>
      tpu.wait_dma2 semaphore(%run_scoped3A : memref<!tpu.dma_semaphore, #tpu.memory_space<semaphore_mem>>) src(%dma_wait3A_80 : memref<128xi32, #tpu.memory_space<hbm>>) dst(%arg9 : memref<128xi32, #tpu.memory_space<vmem>>)
      tpu.yield
    }) : () -> ()
    "tpu.region"() ({
      %run_scoped3A = tpu.sem_alloc : memref<!tpu.dma_semaphore, #tpu.memory_space<semaphore_mem>>
      %dma_start3A_77 = tpu.memref_slice %arg5[%mul3A_31] : memref<327680xf32, #tpu.memory_space<hbm>> -> memref<128xf32, #tpu.memory_space<hbm>>
      %dma_start3A_78 = tpu.memref_slice %arg5[%mul3A_31] : memref<327680xf32, #tpu.memory_space<hbm>> -> memref<128xf32, #tpu.memory_space<hbm>>
      tpu.enqueue_dma source(%dma_start3A_78 : memref<128xf32, #tpu.memory_space<hbm>>) target(%arg11 : memref<128xf32, #tpu.memory_space<vmem>>) target_semaphore(%run_scoped3A : memref<!tpu.dma_semaphore, #tpu.memory_space<semaphore_mem>>)
      %dma_wait3A_79 = tpu.memref_slice %arg5[%mul3A_31] : memref<327680xf32, #tpu.memory_space<hbm>> -> memref<128xf32, #tpu.memory_space<hbm>>
      %dma_wait3A_80 = tpu.memref_slice %arg5[%mul3A_31] : memref<327680xf32, #tpu.memory_space<hbm>> -> memref<128xf32, #tpu.memory_space<hbm>>
      tpu.wait_dma2 semaphore(%run_scoped3A : memref<!tpu.dma_semaphore, #tpu.memory_space<semaphore_mem>>) src(%dma_wait3A_80 : memref<128xf32, #tpu.memory_space<hbm>>) dst(%arg11 : memref<128xf32, #tpu.memory_space<vmem>>)
      tpu.yield
    }) : () -> ()
    %dma_start3A = arith.constant 0 : i32
    %dma_start3A_32 = arith.constant 0 : i32
    %dma_start3A_33 = tpu.memref_slice %arg2[%dma_start3A, %dma_start3A_32] : memref<10000x128xf32, #tpu.memory_space<hbm>> -> memref<10000x128xf32, #tpu.memory_space<hbm>>
    tpu.enqueue_indirect_dma source(%dma_start3A_33 : memref<10000x128xf32, #tpu.memory_space<hbm>>) target(%arg13 : memref<128x128xf32, #tpu.memory_space<vmem>>) offsets(%arg7 : memref<128xi32, #tpu.memory_space<vmem>>) semaphore(%arg20 : memref<!tpu.dma_semaphore, #tpu.memory_space<semaphore_mem>>)
    %add3A_34 = arith.constant 32 : i32
    %add3A_35 = arith.addi %add3A, %add3A_34 : i32
    %mul3A_36 = arith.constant 128 : i32
    %mul3A_37 = arith.muli %add3A_35, %mul3A_36 : i32
    %dma_start3A_38 = tpu.memref_slice %arg4[%mul3A_37] : memref<327680xi32, #tpu.memory_space<hbm>> -> memref<128xi32, #tpu.memory_space<hbm>>
    %dma_start3A_39 = tpu.memref_slice %arg4[%mul3A_37] : memref<327680xi32, #tpu.memory_space<hbm>> -> memref<128xi32, #tpu.memory_space<hbm>>
    tpu.enqueue_dma source(%dma_start3A_39 : memref<128xi32, #tpu.memory_space<hbm>>) target(%arg8 : memref<128xi32, #tpu.memory_space<vmem>>) target_semaphore(%arg19 : memref<!tpu.dma_semaphore, #tpu.memory_space<semaphore_mem>>)
    %dma_start3A_40 = tpu.memref_slice %arg3[%mul3A_37] : memref<327680xi32, #tpu.memory_space<hbm>> -> memref<128xi32, #tpu.memory_space<hbm>>
    %dma_start3A_41 = tpu.memref_slice %arg3[%mul3A_37] : memref<327680xi32, #tpu.memory_space<hbm>> -> memref<128xi32, #tpu.memory_space<hbm>>
    tpu.enqueue_dma source(%dma_start3A_41 : memref<128xi32, #tpu.memory_space<hbm>>) target(%arg10 : memref<128xi32, #tpu.memory_space<vmem>>) target_semaphore(%arg19 : memref<!tpu.dma_semaphore, #tpu.memory_space<semaphore_mem>>)
    %dma_start3A_42 = tpu.memref_slice %arg5[%mul3A_37] : memref<327680xf32, #tpu.memory_space<hbm>> -> memref<128xf32, #tpu.memory_space<hbm>>
    %dma_start3A_43 = tpu.memref_slice %arg5[%mul3A_37] : memref<327680xf32, #tpu.memory_space<hbm>> -> memref<128xf32, #tpu.memory_space<hbm>>
    tpu.enqueue_dma source(%dma_start3A_43 : memref<128xf32, #tpu.memory_space<hbm>>) target(%arg12 : memref<128xf32, #tpu.memory_space<vmem>>) target_semaphore(%arg19 : memref<!tpu.dma_semaphore, #tpu.memory_space<semaphore_mem>>)
    %scan3A_44 = arith.constant 0 : i32
    %scan3A_45 = arith.constant 0 : i32
    %scan3A_46 = arith.constant 40 : i32
    %scan3A_47 = arith.addi %scan3A_45, %scan3A_46 : i32
    %scan3A_48 = arith.constant 1 : i32
    %scan3A_49 = scf.for %scan3A_77 = %scan3A_45 to %scan3A_47 step %scan3A_48 iter_args(%scan3A_78 = %scan3A_44) -> (i32)  : i32 {
      %mul3A_79 = arith.constant 2 : i32
      %mul3A_80 = arith.muli %mul3A_79, %scan3A_77 : i32
      %add3A_81 = arith.constant 0 : i32
      %add3A_82 = arith.addi %mul3A_80, %add3A_81 : i32
      %add3A_83 = arith.constant 1 : i32
      %add3A_84 = arith.addi %add3A_82, %add3A_83 : i32
      %lt3A = arith.constant 80 : i32
      %lt3A_85 = arith.cmpi slt, %add3A_84, %lt3A : i32
      %convert_element_type3A = arith.extui %lt3A_85 : i1 to i32
      %cond3A = arith.constant 0 : i32
      %cond3A_86 = arith.cmpi ne, %convert_element_type3A, %cond3A : i32
      scf.if %cond3A_86 {
        %ge3A = arith.constant 1 : i32
        %ge3A_247 = arith.cmpi sge, %add3A_82, %ge3A : i32
        %convert_element_type3A_248 = arith.extui %ge3A_247 : i1 to i32
        %cond3A_249 = arith.constant 0 : i32
        %cond3A_250 = arith.cmpi ne, %convert_element_type3A_248, %cond3A_249 : i32
        scf.if %cond3A_250 {
          %dma_wait3A_267 = arith.constant 0 : i32
          %dma_wait3A_268 = arith.constant 0 : i32
          %dma_wait3A_269 = tpu.memref_slice %arg17[%dma_wait3A_267, %dma_wait3A_268] : memref<10240x128xf32, #tpu.memory_space<vmem_shared>> -> memref<10240x128xf32, #tpu.memory_space<vmem_shared>>
          tpu.wait_indirect_dma semaphore(%arg23 : memref<!tpu.dma_semaphore, #tpu.memory_space<semaphore_mem>>) src(%arg14 : memref<128x128xf32, #tpu.memory_space<vmem>>) dst(%dma_wait3A_269 : memref<10240x128xf32, #tpu.memory_space<vmem_shared>>)
        } else {
        }
        %add3A_251 = arith.constant 1 : i32
        %add3A_252 = arith.addi %add3A_82, %add3A_251 : i32
        %mul3A_253 = arith.constant 32 : i32
        %mul3A_254 = arith.muli %add3A_252, %mul3A_253 : i32
        %add3A_255 = arith.addi %add3A, %mul3A_254 : i32
        %mul3A_256 = arith.constant 128 : i32
        %mul3A_257 = arith.muli %add3A_255, %mul3A_256 : i32
        %dma_wait3A_258 = tpu.memref_slice %arg4[%mul3A_257] : memref<327680xi32, #tpu.memory_space<hbm>> -> memref<128xi32, #tpu.memory_space<hbm>>
        %dma_wait3A_259 = tpu.memref_slice %arg4[%mul3A_257] : memref<327680xi32, #tpu.memory_space<hbm>> -> memref<128xi32, #tpu.memory_space<hbm>>
        tpu.wait_dma2 semaphore(%arg19 : memref<!tpu.dma_semaphore, #tpu.memory_space<semaphore_mem>>) src(%dma_wait3A_259 : memref<128xi32, #tpu.memory_space<hbm>>) dst(%arg8 : memref<128xi32, #tpu.memory_space<vmem>>)
        %dma_wait3A_260 = tpu.memref_slice %arg3[%mul3A_257] : memref<327680xi32, #tpu.memory_space<hbm>> -> memref<128xi32, #tpu.memory_space<hbm>>
        %dma_wait3A_261 = tpu.memref_slice %arg3[%mul3A_257] : memref<327680xi32, #tpu.memory_space<hbm>> -> memref<128xi32, #tpu.memory_space<hbm>>
        tpu.wait_dma2 semaphore(%arg19 : memref<!tpu.dma_semaphore, #tpu.memory_space<semaphore_mem>>) src(%dma_wait3A_261 : memref<128xi32, #tpu.memory_space<hbm>>) dst(%arg10 : memref<128xi32, #tpu.memory_space<vmem>>)
        %dma_wait3A_262 = tpu.memref_slice %arg5[%mul3A_257] : memref<327680xf32, #tpu.memory_space<hbm>> -> memref<128xf32, #tpu.memory_space<hbm>>
        %dma_wait3A_263 = tpu.memref_slice %arg5[%mul3A_257] : memref<327680xf32, #tpu.memory_space<hbm>> -> memref<128xf32, #tpu.memory_space<hbm>>
        tpu.wait_dma2 semaphore(%arg19 : memref<!tpu.dma_semaphore, #tpu.memory_space<semaphore_mem>>) src(%dma_wait3A_263 : memref<128xf32, #tpu.memory_space<hbm>>) dst(%arg12 : memref<128xf32, #tpu.memory_space<vmem>>)
        %dma_start3A_264 = arith.constant 0 : i32
        %dma_start3A_265 = arith.constant 0 : i32
        %dma_start3A_266 = tpu.memref_slice %arg2[%dma_start3A_264, %dma_start3A_265] : memref<10000x128xf32, #tpu.memory_space<hbm>> -> memref<10000x128xf32, #tpu.memory_space<hbm>>
        tpu.enqueue_indirect_dma source(%dma_start3A_266 : memref<10000x128xf32, #tpu.memory_space<hbm>>) target(%arg14 : memref<128x128xf32, #tpu.memory_space<vmem>>) offsets(%arg8 : memref<128xi32, #tpu.memory_space<vmem>>) semaphore(%arg21 : memref<!tpu.dma_semaphore, #tpu.memory_space<semaphore_mem>>)
      } else {
      }
      %dma_wait3A_87 = arith.constant 0 : i32
      %dma_wait3A_88 = arith.constant 0 : i32
      %dma_wait3A_89 = tpu.memref_slice %arg2[%dma_wait3A_87, %dma_wait3A_88] : memref<10000x128xf32, #tpu.memory_space<hbm>> -> memref<10000x128xf32, #tpu.memory_space<hbm>>
      tpu.wait_indirect_dma semaphore(%arg20 : memref<!tpu.dma_semaphore, #tpu.memory_space<semaphore_mem>>) src(%dma_wait3A_89 : memref<10000x128xf32, #tpu.memory_space<hbm>>) dst(%arg13 : memref<128x128xf32, #tpu.memory_space<vmem>>)
      %scan3A_90 = arith.constant 0 : i32
      %scan3A_91 = arith.constant 0 : i32
      %scan3A_92 = arith.constant 8 : i32
      %scan3A_93 = arith.addi %scan3A_91, %scan3A_92 : i32
      %scan3A_94 = arith.constant 1 : i32
      %scan3A_95 = scf.for %scan3A_247 = %scan3A_91 to %scan3A_93 step %scan3A_94 iter_args(%scan3A_248 = %scan3A_90) -> (i32)  : i32 {
        %mul3A_249 = arith.constant 16 : i32
        %mul3A_250 = arith.muli %scan3A_247, %mul3A_249 : i32
        %get3A_251 = arith.index_cast %mul3A_250 : i32 to index
        %get3A_252 = tpu.vector_load %arg11[%get3A_251] {strides = array<i32>} : memref<128xf32, #tpu.memory_space<vmem>>, vector<16xf32>,
        %get3A_253 = vector.shape_cast %get3A_252 : vector<16xf32> to vector<16xf32>
        %slice3A = vector.extract_strided_slice %get3A_253 {offsets = [0], sizes = [1], strides = [1]} : vector<16xf32> to vector<1xf32>
        %squeeze3A = vector.extract %slice3A[0] : f32 from vector<1xf32>
        %mul3A_254 = arith.constant 16 : i32
        %mul3A_255 = arith.muli %scan3A_247, %mul3A_254 : i32
        %add3A_256 = arith.constant 0 : i32
        %add3A_257 = arith.addi %mul3A_255, %add3A_256 : i32
        %get3A_258 = arith.index_cast %add3A_257 : i32 to index
        %get3A_259 = arith.constant 0 : index
        %get3A_260 = tpu.vector_load %arg13[%get3A_258, %get3A_259] {strides = array<i32>} : memref<128x128xf32, #tpu.memory_space<vmem>>, vector<1x16xf32>,
        %get3A_261 = vector.shape_cast %get3A_260 : vector<1x16xf32> to vector<16xf32>
        %mul3A_262 = vector.broadcast %squeeze3A : f32 to vector<16xf32>
        %mul3A_263 = arith.mulf %get3A_261, %mul3A_262 : vector<16xf32>
        %swap3A_264 = arith.index_cast %add3A_257 : i32 to index
        %swap3A_265 = arith.constant 0 : index
        %swap3A_266 = tpu.vector_load %arg13[%swap3A_264, %swap3A_265] {strides = array<i32>} : memref<128x128xf32, #tpu.memory_space<vmem>>, vector<1x16xf32>,
        %swap3A_267 = vector.shape_cast %swap3A_266 : vector<1x16xf32> to vector<16xf32>
        %swap3A_268 = vector.shape_cast %mul3A_263 : vector<16xf32> to vector<1x16xf32>
        tpu.vector_store %arg13[%swap3A_264, %swap3A_265], %swap3A_268 {strides = array<i32>} : memref<128x128xf32, #tpu.memory_space<vmem>>, vector<1x16xf32>,
        %get3A_269 = arith.index_cast %add3A_257 : i32 to index
        %get3A_270 = arith.constant 16 : index
        %get3A_271 = tpu.vector_load %arg13[%get3A_269, %get3A_270] {strides = array<i32>} : memref<128x128xf32, #tpu.memory_space<vmem>>, vector<1x16xf32>,
        %get3A_272 = vector.shape_cast %get3A_271 : vector<1x16xf32> to vector<16xf32>
        %mul3A_273 = vector.broadcast %squeeze3A : f32 to vector<16xf32>
        %mul3A_274 = arith.mulf %get3A_272, %mul3A_273 : vector<16xf32>
        %swap3A_275 = arith.index_cast %add3A_257 : i32 to index
        %swap3A_276 = arith.constant 16 : index
        %swap3A_277 = tpu.vector_load %arg13[%swap3A_275, %swap3A_276] {strides = array<i32>} : memref<128x128xf32, #tpu.memory_space<vmem>>, vector<1x16xf32>,
        %swap3A_278 = vector.shape_cast %swap3A_277 : vector<1x16xf32> to vector<16xf32>
        %swap3A_279 = vector.shape_cast %mul3A_274 : vector<16xf32> to vector<1x16xf32>
        tpu.vector_store %arg13[%swap3A_275, %swap3A_276], %swap3A_279 {strides = array<i32>} : memref<128x128xf32, #tpu.memory_space<vmem>>, vector<1x16xf32>,
        %get3A_280 = arith.index_cast %add3A_257 : i32 to index
        %get3A_281 = arith.constant 32 : index
        %get3A_282 = tpu.vector_load %arg13[%get3A_280, %get3A_281] {strides = array<i32>} : memref<128x128xf32, #tpu.memory_space<vmem>>, vector<1x16xf32>,
        %get3A_283 = vector.shape_cast %get3A_282 : vector<1x16xf32> to vector<16xf32>
        %mul3A_284 = vector.broadcast %squeeze3A : f32 to vector<16xf32>
        %mul3A_285 = arith.mulf %get3A_283, %mul3A_284 : vector<16xf32>
        %swap3A_286 = arith.index_cast %add3A_257 : i32 to index
        %swap3A_287 = arith.constant 32 : index
        %swap3A_288 = tpu.vector_load %arg13[%swap3A_286, %swap3A_287] {strides = array<i32>} : memref<128x128xf32, #tpu.memory_space<vmem>>, vector<1x16xf32>,
        %swap3A_289 = vector.shape_cast %swap3A_288 : vector<1x16xf32> to vector<16xf32>
        %swap3A_290 = vector.shape_cast %mul3A_285 : vector<16xf32> to vector<1x16xf32>
        tpu.vector_store %arg13[%swap3A_286, %swap3A_287], %swap3A_290 {strides = array<i32>} : memref<128x128xf32, #tpu.memory_space<vmem>>, vector<1x16xf32>,
        %get3A_291 = arith.index_cast %add3A_257 : i32 to index
        %get3A_292 = arith.constant 48 : index
        %get3A_293 = tpu.vector_load %arg13[%get3A_291, %get3A_292] {strides = array<i32>} : memref<128x128xf32, #tpu.memory_space<vmem>>, vector<1x16xf32>,
        %get3A_294 = vector.shape_cast %get3A_293 : vector<1x16xf32> to vector<16xf32>
        %mul3A_295 = vector.broadcast %squeeze3A : f32 to vector<16xf32>
        %mul3A_296 = arith.mulf %get3A_294, %mul3A_295 : vector<16xf32>
        %swap3A_297 = arith.index_cast %add3A_257 : i32 to index
        %swap3A_298 = arith.constant 48 : index
        %swap3A_299 = tpu.vector_load %arg13[%swap3A_297, %swap3A_298] {strides = array<i32>} : memref<128x128xf32, #tpu.memory_space<vmem>>, vector<1x16xf32>,
        %swap3A_300 = vector.shape_cast %swap3A_299 : vector<1x16xf32> to vector<16xf32>
        %swap3A_301 = vector.shape_cast %mul3A_296 : vector<16xf32> to vector<1x16xf32>
        tpu.vector_store %arg13[%swap3A_297, %swap3A_298], %swap3A_301 {strides = array<i32>} : memref<128x128xf32, #tpu.memory_space<vmem>>, vector<1x16xf32>,
        %get3A_302 = arith.index_cast %add3A_257 : i32 to index
        %get3A_303 = arith.constant 64 : index
        %get3A_304 = tpu.vector_load %arg13[%get3A_302, %get3A_303] {strides = array<i32>} : memref<128x128xf32, #tpu.memory_space<vmem>>, vector<1x16xf32>,
        %get3A_305 = vector.shape_cast %get3A_304 : vector<1x16xf32> to vector<16xf32>
        %mul3A_306 = vector.broadcast %squeeze3A : f32 to vector<16xf32>
        %mul3A_307 = arith.mulf %get3A_305, %mul3A_306 : vector<16xf32>
        %swap3A_308 = arith.index_cast %add3A_257 : i32 to index
        %swap3A_309 = arith.constant 64 : index
        %swap3A_310 = tpu.vector_load %arg13[%swap3A_308, %swap3A_309] {strides = array<i32>} : memref<128x128xf32, #tpu.memory_space<vmem>>, vector<1x16xf32>,
        %swap3A_311 = vector.shape_cast %swap3A_310 : vector<1x16xf32> to vector<16xf32>
        %swap3A_312 = vector.shape_cast %mul3A_307 : vector<16xf32> to vector<1x16xf32>
        tpu.vector_store %arg13[%swap3A_308, %swap3A_309], %swap3A_312 {strides = array<i32>} : memref<128x128xf32, #tpu.memory_space<vmem>>, vector<1x16xf32>,
        %get3A_313 = arith.index_cast %add3A_257 : i32 to index
        %get3A_314 = arith.constant 80 : index
        %get3A_315 = tpu.vector_load %arg13[%get3A_313, %get3A_314] {strides = array<i32>} : memref<128x128xf32, #tpu.memory_space<vmem>>, vector<1x16xf32>,
        %get3A_316 = vector.shape_cast %get3A_315 : vector<1x16xf32> to vector<16xf32>
        %mul3A_317 = vector.broadcast %squeeze3A : f32 to vector<16xf32>
        %mul3A_318 = arith.mulf %get3A_316, %mul3A_317 : vector<16xf32>
        %swap3A_319 = arith.index_cast %add3A_257 : i32 to index
        %swap3A_320 = arith.constant 80 : index
        %swap3A_321 = tpu.vector_load %arg13[%swap3A_319, %swap3A_320] {strides = array<i32>} : memref<128x128xf32, #tpu.memory_space<vmem>>, vector<1x16xf32>,
        %swap3A_322 = vector.shape_cast %swap3A_321 : vector<1x16xf32> to vector<16xf32>
        %swap3A_323 = vector.shape_cast %mul3A_318 : vector<16xf32> to vector<1x16xf32>
        tpu.vector_store %arg13[%swap3A_319, %swap3A_320], %swap3A_323 {strides = array<i32>} : memref<128x128xf32, #tpu.memory_space<vmem>>, vector<1x16xf32>,
        %get3A_324 = arith.index_cast %add3A_257 : i32 to index
        %get3A_325 = arith.constant 96 : index
        %get3A_326 = tpu.vector_load %arg13[%get3A_324, %get3A_325] {strides = array<i32>} : memref<128x128xf32, #tpu.memory_space<vmem>>, vector<1x16xf32>,
        %get3A_327 = vector.shape_cast %get3A_326 : vector<1x16xf32> to vector<16xf32>
        %mul3A_328 = vector.broadcast %squeeze3A : f32 to vector<16xf32>
        %mul3A_329 = arith.mulf %get3A_327, %mul3A_328 : vector<16xf32>
        %swap3A_330 = arith.index_cast %add3A_257 : i32 to index
        %swap3A_331 = arith.constant 96 : index
        %swap3A_332 = tpu.vector_load %arg13[%swap3A_330, %swap3A_331] {strides = array<i32>} : memref<128x128xf32, #tpu.memory_space<vmem>>, vector<1x16xf32>,
        %swap3A_333 = vector.shape_cast %swap3A_332 : vector<1x16xf32> to vector<16xf32>
        %swap3A_334 = vector.shape_cast %mul3A_329 : vector<16xf32> to vector<1x16xf32>
        tpu.vector_store %arg13[%swap3A_330, %swap3A_331], %swap3A_334 {strides = array<i32>} : memref<128x128xf32, #tpu.memory_space<vmem>>, vector<1x16xf32>,
        %get3A_335 = arith.index_cast %add3A_257 : i32 to index
        %get3A_336 = arith.constant 112 : index
        %get3A_337 = tpu.vector_load %arg13[%get3A_335, %get3A_336] {strides = array<i32>} : memref<128x128xf32, #tpu.memory_space<vmem>>, vector<1x16xf32>,
        %get3A_338 = vector.shape_cast %get3A_337 : vector<1x16xf32> to vector<16xf32>
        %mul3A_339 = vector.broadcast %squeeze3A : f32 to vector<16xf32>
        %mul3A_340 = arith.mulf %get3A_338, %mul3A_339 : vector<16xf32>
        %swap3A_341 = arith.index_cast %add3A_257 : i32 to index
        %swap3A_342 = arith.constant 112 : index
        %swap3A_343 = tpu.vector_load %arg13[%swap3A_341, %swap3A_342] {strides = array<i32>} : memref<128x128xf32, #tpu.memory_space<vmem>>, vector<1x16xf32>,
        %swap3A_344 = vector.shape_cast %swap3A_343 : vector<1x16xf32> to vector<16xf32>
        %swap3A_345 = vector.shape_cast %mul3A_340 : vector<16xf32> to vector<1x16xf32>
        tpu.vector_store %arg13[%swap3A_341, %swap3A_342], %swap3A_345 {strides = array<i32>} : memref<128x128xf32, #tpu.memory_space<vmem>>, vector<1x16xf32>,
        %slice3A_346 = vector.extract_strided_slice %get3A_253 {offsets = [1], sizes = [1], strides = [1]} : vector<16xf32> to vector<1xf32>
        %squeeze3A_347 = vector.extract %slice3A_346[0] : f32 from vector<1xf32>
        %mul3A_348 = arith.constant 16 : i32
        %mul3A_349 = arith.muli %scan3A_247, %mul3A_348 : i32
        %add3A_350 = arith.constant 1 : i32
        %add3A_351 = arith.addi %mul3A_349, %add3A_350 : i32
        %get3A_352 = arith.index_cast %add3A_351 : i32 to index
        %get3A_353 = arith.constant 0 : index
        %get3A_354 = tpu.vector_load %arg13[%get3A_352, %get3A_353] {strides = array<i32>} : memref<128x128xf32, #tpu.memory_space<vmem>>, vector<1x16xf32>,
        %get3A_355 = vector.shape_cast %get3A_354 : vector<1x16xf32> to vector<16xf32>
        %mul3A_356 = vector.broadcast %squeeze3A_347 : f32 to vector<16xf32>
        %mul3A_357 = arith.mulf %get3A_355, %mul3A_356 : vector<16xf32>
        %swap3A_358 = arith.index_cast %add3A_351 : i32 to index
        %swap3A_359 = arith.constant 0 : index
        %swap3A_360 = tpu.vector_load %arg13[%swap3A_358, %swap3A_359] {strides = array<i32>} : memref<128x128xf32, #tpu.memory_space<vmem>>, vector<1x16xf32>,
        %swap3A_361 = vector.shape_cast %swap3A_360 : vector<1x16xf32> to vector<16xf32>
        %swap3A_362 = vector.shape_cast %mul3A_357 : vector<16xf32> to vector<1x16xf32>
        tpu.vector_store %arg13[%swap3A_358, %swap3A_359], %swap3A_362 {strides = array<i32>} : memref<128x128xf32, #tpu.memory_space<vmem>>, vector<1x16xf32>,
        %get3A_363 = arith.index_cast %add3A_351 : i32 to index
        %get3A_364 = arith.constant 16 : index
        %get3A_365 = tpu.vector_load %arg13[%get3A_363, %get3A_364] {strides = array<i32>} : memref<128x128xf32, #tpu.memory_space<vmem>>, vector<1x16xf32>,
        %get3A_366 = vector.shape_cast %get3A_365 : vector<1x16xf32> to vector<16xf32>
        %mul3A_367 = vector.broadcast %squeeze3A_347 : f32 to vector<16xf32>
        %mul3A_368 = arith.mulf %get3A_366, %mul3A_367 : vector<16xf32>
        %swap3A_369 = arith.index_cast %add3A_351 : i32 to index
        %swap3A_370 = arith.constant 16 : index
        %swap3A_371 = tpu.vector_load %arg13[%swap3A_369, %swap3A_370] {strides = array<i32>} : memref<128x128xf32, #tpu.memory_space<vmem>>, vector<1x16xf32>,
        %swap3A_372 = vector.shape_cast %swap3A_371 : vector<1x16xf32> to vector<16xf32>
        %swap3A_373 = vector.shape_cast %mul3A_368 : vector<16xf32> to vector<1x16xf32>
        tpu.vector_store %arg13[%swap3A_369, %swap3A_370], %swap3A_373 {strides = array<i32>} : memref<128x128xf32, #tpu.memory_space<vmem>>, vector<1x16xf32>,
        %get3A_374 = arith.index_cast %add3A_351 : i32 to index
        %get3A_375 = arith.constant 32 : index
        %get3A_376 = tpu.vector_load %arg13[%get3A_374, %get3A_375] {strides = array<i32>} : memref<128x128xf32, #tpu.memory_space<vmem>>, vector<1x16xf32>,
        %get3A_377 = vector.shape_cast %get3A_376 : vector<1x16xf32> to vector<16xf32>
        %mul3A_378 = vector.broadcast %squeeze3A_347 : f32 to vector<16xf32>
        %mul3A_379 = arith.mulf %get3A_377, %mul3A_378 : vector<16xf32>
        %swap3A_380 = arith.index_cast %add3A_351 : i32 to index
        %swap3A_381 = arith.constant 32 : index
        %swap3A_382 = tpu.vector_load %arg13[%swap3A_380, %swap3A_381] {strides = array<i32>} : memref<128x128xf32, #tpu.memory_space<vmem>>, vector<1x16xf32>,
        %swap3A_383 = vector.shape_cast %swap3A_382 : vector<1x16xf32> to vector<16xf32>
        %swap3A_384 = vector.shape_cast %mul3A_379 : vector<16xf32> to vector<1x16xf32>
        tpu.vector_store %arg13[%swap3A_380, %swap3A_381], %swap3A_384 {strides = array<i32>} : memref<128x128xf32, #tpu.memory_space<vmem>>, vector<1x16xf32>,
        %get3A_385 = arith.index_cast %add3A_351 : i32 to index
        %get3A_386 = arith.constant 48 : index
        %get3A_387 = tpu.vector_load %arg13[%get3A_385, %get3A_386] {strides = array<i32>} : memref<128x128xf32, #tpu.memory_space<vmem>>, vector<1x16xf32>,
        %get3A_388 = vector.shape_cast %get3A_387 : vector<1x16xf32> to vector<16xf32>
        %mul3A_389 = vector.broadcast %squeeze3A_347 : f32 to vector<16xf32>
        %mul3A_390 = arith.mulf %get3A_388, %mul3A_389 : vector<16xf32>
        %swap3A_391 = arith.index_cast %add3A_351 : i32 to index
        %swap3A_392 = arith.constant 48 : index
        %swap3A_393 = tpu.vector_load %arg13[%swap3A_391, %swap3A_392] {strides = array<i32>} : memref<128x128xf32, #tpu.memory_space<vmem>>, vector<1x16xf32>,
        %swap3A_394 = vector.shape_cast %swap3A_393 : vector<1x16xf32> to vector<16xf32>
        %swap3A_395 = vector.shape_cast %mul3A_390 : vector<16xf32> to vector<1x16xf32>
        tpu.vector_store %arg13[%swap3A_391, %swap3A_392], %swap3A_395 {strides = array<i32>} : memref<128x128xf32, #tpu.memory_space<vmem>>, vector<1x16xf32>,
        %get3A_396 = arith.index_cast %add3A_351 : i32 to index
        %get3A_397 = arith.constant 64 : index
        %get3A_398 = tpu.vector_load %arg13[%get3A_396, %get3A_397] {strides = array<i32>} : memref<128x128xf32, #tpu.memory_space<vmem>>, vector<1x16xf32>,
        %get3A_399 = vector.shape_cast %get3A_398 : vector<1x16xf32> to vector<16xf32>
        %mul3A_400 = vector.broadcast %squeeze3A_347 : f32 to vector<16xf32>
        %mul3A_401 = arith.mulf %get3A_399, %mul3A_400 : vector<16xf32>
        %swap3A_402 = arith.index_cast %add3A_351 : i32 to index
        %swap3A_403 = arith.constant 64 : index
        %swap3A_404 = tpu.vector_load %arg13[%swap3A_402, %swap3A_403] {strides = array<i32>} : memref<128x128xf32, #tpu.memory_space<vmem>>, vector<1x16xf32>,
        %swap3A_405 = vector.shape_cast %swap3A_404 : vector<1x16xf32> to vector<16xf32>
        %swap3A_406 = vector.shape_cast %mul3A_401 : vector<16xf32> to vector<1x16xf32>
        tpu.vector_store %arg13[%swap3A_402, %swap3A_403], %swap3A_406 {strides = array<i32>} : memref<128x128xf32, #tpu.memory_space<vmem>>, vector<1x16xf32>,
        %get3A_407 = arith.index_cast %add3A_351 : i32 to index
        %get3A_408 = arith.constant 80 : index
        %get3A_409 = tpu.vector_load %arg13[%get3A_407, %get3A_408] {strides = array<i32>} : memref<128x128xf32, #tpu.memory_space<vmem>>, vector<1x16xf32>,
        %get3A_410 = vector.shape_cast %get3A_409 : vector<1x16xf32> to vector<16xf32>
        %mul3A_411 = vector.broadcast %squeeze3A_347 : f32 to vector<16xf32>
        %mul3A_412 = arith.mulf %get3A_410, %mul3A_411 : vector<16xf32>
        %swap3A_413 = arith.index_cast %add3A_351 : i32 to index
        %swap3A_414 = arith.constant 80 : index
        %swap3A_415 = tpu.vector_load %arg13[%swap3A_413, %swap3A_414] {strides = array<i32>} : memref<128x128xf32, #tpu.memory_space<vmem>>, vector<1x16xf32>,
        %swap3A_416 = vector.shape_cast %swap3A_415 : vector<1x16xf32> to vector<16xf32>
        %swap3A_417 = vector.shape_cast %mul3A_412 : vector<16xf32> to vector<1x16xf32>
        tpu.vector_store %arg13[%swap3A_413, %swap3A_414], %swap3A_417 {strides = array<i32>} : memref<128x128xf32, #tpu.memory_space<vmem>>, vector<1x16xf32>,
        %get3A_418 = arith.index_cast %add3A_351 : i32 to index
        %get3A_419 = arith.constant 96 : index
        %get3A_420 = tpu.vector_load %arg13[%get3A_418, %get3A_419] {strides = array<i32>} : memref<128x128xf32, #tpu.memory_space<vmem>>, vector<1x16xf32>,
        %get3A_421 = vector.shape_cast %get3A_420 : vector<1x16xf32> to vector<16xf32>
        %mul3A_422 = vector.broadcast %squeeze3A_347 : f32 to vector<16xf32>
        %mul3A_423 = arith.mulf %get3A_421, %mul3A_422 : vector<16xf32>
        %swap3A_424 = arith.index_cast %add3A_351 : i32 to index
        %swap3A_425 = arith.constant 96 : index
        %swap3A_426 = tpu.vector_load %arg13[%swap3A_424, %swap3A_425] {strides = array<i32>} : memref<128x128xf32, #tpu.memory_space<vmem>>, vector<1x16xf32>,
        %swap3A_427 = vector.shape_cast %swap3A_426 : vector<1x16xf32> to vector<16xf32>
        %swap3A_428 = vector.shape_cast %mul3A_423 : vector<16xf32> to vector<1x16xf32>
        tpu.vector_store %arg13[%swap3A_424, %swap3A_425], %swap3A_428 {strides = array<i32>} : memref<128x128xf32, #tpu.memory_space<vmem>>, vector<1x16xf32>,
        %get3A_429 = arith.index_cast %add3A_351 : i32 to index
        %get3A_430 = arith.constant 112 : index
        %get3A_431 = tpu.vector_load %arg13[%get3A_429, %get3A_430] {strides = array<i32>} : memref<128x128xf32, #tpu.memory_space<vmem>>, vector<1x16xf32>,
        %get3A_432 = vector.shape_cast %get3A_431 : vector<1x16xf32> to vector<16xf32>
        %mul3A_433 = vector.broadcast %squeeze3A_347 : f32 to vector<16xf32>
        %mul3A_434 = arith.mulf %get3A_432, %mul3A_433 : vector<16xf32>
        %swap3A_435 = arith.index_cast %add3A_351 : i32 to index
        %swap3A_436 = arith.constant 112 : index
        %swap3A_437 = tpu.vector_load %arg13[%swap3A_435, %swap3A_436] {strides = array<i32>} : memref<128x128xf32, #tpu.memory_space<vmem>>, vector<1x16xf32>,
        %swap3A_438 = vector.shape_cast %swap3A_437 : vector<1x16xf32> to vector<16xf32>
        %swap3A_439 = vector.shape_cast %mul3A_434 : vector<16xf32> to vector<1x16xf32>
        tpu.vector_store %arg13[%swap3A_435, %swap3A_436], %swap3A_439 {strides = array<i32>} : memref<128x128xf32, #tpu.memory_space<vmem>>, vector<1x16xf32>,
        %slice3A_440 = vector.extract_strided_slice %get3A_253 {offsets = [2], sizes = [1], strides = [1]} : vector<16xf32> to vector<1xf32>
        %squeeze3A_441 = vector.extract %slice3A_440[0] : f32 from vector<1xf32>
        %mul3A_442 = arith.constant 16 : i32
        %mul3A_443 = arith.muli %scan3A_247, %mul3A_442 : i32
        %add3A_444 = arith.constant 2 : i32
        %add3A_445 = arith.addi %mul3A_443, %add3A_444 : i32
        %get3A_446 = arith.index_cast %add3A_445 : i32 to index
        %get3A_447 = arith.constant 0 : index
        %get3A_448 = tpu.vector_load %arg13[%get3A_446, %get3A_447] {strides = array<i32>} : memref<128x128xf32, #tpu.memory_space<vmem>>, vector<1x16xf32>,
        %get3A_449 = vector.shape_cast %get3A_448 : vector<1x16xf32> to vector<16xf32>
        %mul3A_450 = vector.broadcast %squeeze3A_441 : f32 to vector<16xf32>
        %mul3A_451 = arith.mulf %get3A_449, %mul3A_450 : vector<16xf32>
        %swap3A_452 = arith.index_cast %add3A_445 : i32 to index
        %swap3A_453 = arith.constant 0 : index
        %swap3A_454 = tpu.vector_load %arg13[%swap3A_452, %swap3A_453] {strides = array<i32>} : memref<128x128xf32, #tpu.memory_space<vmem>>, vector<1x16xf32>,
        %swap3A_455 = vector.shape_cast %swap3A_454 : vector<1x16xf32> to vector<16xf32>
        %swap3A_456 = vector.shape_cast %mul3A_451 : vector<16xf32> to vector<1x16xf32>
        tpu.vector_store %arg13[%swap3A_452, %swap3A_453], %swap3A_456 {strides = array<i32>} : memref<128x128xf32, #tpu.memory_space<vmem>>, vector<1x16xf32>,
        %get3A_457 = arith.index_cast %add3A_445 : i32 to index
        %get3A_458 = arith.constant 16 : index
        %get3A_459 = tpu.vector_load %arg13[%get3A_457, %get3A_458] {strides = array<i32>} : memref<128x128xf32, #tpu.memory_space<vmem>>, vector<1x16xf32>,
        %get3A_460 = vector.shape_cast %get3A_459 : vector<1x16xf32> to vector<16xf32>
        %mul3A_461 = vector.broadcast %squeeze3A_441 : f32 to vector<16xf32>
        %mul3A_462 = arith.mulf %get3A_460, %mul3A_461 : vector<16xf32>
        %swap3A_463 = arith.index_cast %add3A_445 : i32 to index
        %swap3A_464 = arith.constant 16 : index
        %swap3A_465 = tpu.vector_load %arg13[%swap3A_463, %swap3A_464] {strides = array<i32>} : memref<128x128xf32, #tpu.memory_space<vmem>>, vector<1x16xf32>,
        %swap3A_466 = vector.shape_cast %swap3A_465 : vector<1x16xf32> to vector<16xf32>
        %swap3A_467 = vector.shape_cast %mul3A_462 : vector<16xf32> to vector<1x16xf32>
        tpu.vector_store %arg13[%swap3A_463, %swap3A_464], %swap3A_467 {strides = array<i32>} : memref<128x128xf32, #tpu.memory_space<vmem>>, vector<1x16xf32>,
        %get3A_468 = arith.index_cast %add3A_445 : i32 to index
        %get3A_469 = arith.constant 32 : index
        %get3A_470 = tpu.vector_load %arg13[%get3A_468, %get3A_469] {strides = array<i32>} : memref<128x128xf32, #tpu.memory_space<vmem>>, vector<1x16xf32>,
        %get3A_471 = vector.shape_cast %get3A_470 : vector<1x16xf32> to vector<16xf32>
        %mul3A_472 = vector.broadcast %squeeze3A_441 : f32 to vector<16xf32>
        %mul3A_473 = arith.mulf %get3A_471, %mul3A_472 : vector<16xf32>
        %swap3A_474 = arith.index_cast %add3A_445 : i32 to index
        %swap3A_475 = arith.constant 32 : index
        %swap3A_476 = tpu.vector_load %arg13[%swap3A_474, %swap3A_475] {strides = array<i32>} : memref<128x128xf32, #tpu.memory_space<vmem>>, vector<1x16xf32>,
        %swap3A_477 = vector.shape_cast %swap3A_476 : vector<1x16xf32> to vector<16xf32>
        %swap3A_478 = vector.shape_cast %mul3A_473 : vector<16xf32> to vector<1x16xf32>
        tpu.vector_store %arg13[%swap3A_474, %swap3A_475], %swap3A_478 {strides = array<i32>} : memref<128x128xf32, #tpu.memory_space<vmem>>, vector<1x16xf32>,
        %get3A_479 = arith.index_cast %add3A_445 : i32 to index
        %get3A_480 = arith.constant 48 : index
        %get3A_481 = tpu.vector_load %arg13[%get3A_479, %get3A_480] {strides = array<i32>} : memref<128x128xf32, #tpu.memory_space<vmem>>, vector<1x16xf32>,
        %get3A_482 = vector.shape_cast %get3A_481 : vector<1x16xf32> to vector<16xf32>
        %mul3A_483 = vector.broadcast %squeeze3A_441 : f32 to vector<16xf32>
        %mul3A_484 = arith.mulf %get3A_482, %mul3A_483 : vector<16xf32>
        %swap3A_485 = arith.index_cast %add3A_445 : i32 to index
        %swap3A_486 = arith.constant 48 : index
        %swap3A_487 = tpu.vector_load %arg13[%swap3A_485, %swap3A_486] {strides = array<i32>} : memref<128x128xf32, #tpu.memory_space<vmem>>, vector<1x16xf32>,
        %swap3A_488 = vector.shape_cast %swap3A_487 : vector<1x16xf32> to vector<16xf32>
        %swap3A_489 = vector.shape_cast %mul3A_484 : vector<16xf32> to vector<1x16xf32>
        tpu.vector_store %arg13[%swap3A_485, %swap3A_486], %swap3A_489 {strides = array<i32>} : memref<128x128xf32, #tpu.memory_space<vmem>>, vector<1x16xf32>,
        %get3A_490 = arith.index_cast %add3A_445 : i32 to index
        %get3A_491 = arith.constant 64 : index
        %get3A_492 = tpu.vector_load %arg13[%get3A_490, %get3A_491] {strides = array<i32>} : memref<128x128xf32, #tpu.memory_space<vmem>>, vector<1x16xf32>,
        %get3A_493 = vector.shape_cast %get3A_492 : vector<1x16xf32> to vector<16xf32>
        %mul3A_494 = vector.broadcast %squeeze3A_441 : f32 to vector<16xf32>
        %mul3A_495 = arith.mulf %get3A_493, %mul3A_494 : vector<16xf32>
        %swap3A_496 = arith.index_cast %add3A_445 : i32 to index
        %swap3A_497 = arith.constant 64 : index
        %swap3A_498 = tpu.vector_load %arg13[%swap3A_496, %swap3A_497] {strides = array<i32>} : memref<128x128xf32, #tpu.memory_space<vmem>>, vector<1x16xf32>,
        %swap3A_499 = vector.shape_cast %swap3A_498 : vector<1x16xf32> to vector<16xf32>
        %swap3A_500 = vector.shape_cast %mul3A_495 : vector<16xf32> to vector<1x16xf32>
        tpu.vector_store %arg13[%swap3A_496, %swap3A_497], %swap3A_500 {strides = array<i32>} : memref<128x128xf32, #tpu.memory_space<vmem>>, vector<1x16xf32>,
        %get3A_501 = arith.index_cast %add3A_445 : i32 to index
        %get3A_502 = arith.constant 80 : index
        %get3A_503 = tpu.vector_load %arg13[%get3A_501, %get3A_502] {strides = array<i32>} : memref<128x128xf32, #tpu.memory_space<vmem>>, vector<1x16xf32>,
        %get3A_504 = vector.shape_cast %get3A_503 : vector<1x16xf32> to vector<16xf32>
        %mul3A_505 = vector.broadcast %squeeze3A_441 : f32 to vector<16xf32>
        %mul3A_506 = arith.mulf %get3A_504, %mul3A_505 : vector<16xf32>
        %swap3A_507 = arith.index_cast %add3A_445 : i32 to index
        %swap3A_508 = arith.constant 80 : index
        %swap3A_509 = tpu.vector_load %arg13[%swap3A_507, %swap3A_508] {strides = array<i32>} : memref<128x128xf32, #tpu.memory_space<vmem>>, vector<1x16xf32>,
        %swap3A_510 = vector.shape_cast %swap3A_509 : vector<1x16xf32> to vector<16xf32>
        %swap3A_511 = vector.shape_cast %mul3A_506 : vector<16xf32> to vector<1x16xf32>
        tpu.vector_store %arg13[%swap3A_507, %swap3A_508], %swap3A_511 {strides = array<i32>} : memref<128x128xf32, #tpu.memory_space<vmem>>, vector<1x16xf32>,
        %get3A_512 = arith.index_cast %add3A_445 : i32 to index
        %get3A_513 = arith.constant 96 : index
        %get3A_514 = tpu.vector_load %arg13[%get3A_512, %get3A_513] {strides = array<i32>} : memref<128x128xf32, #tpu.memory_space<vmem>>, vector<1x16xf32>,
        %get3A_515 = vector.shape_cast %get3A_514 : vector<1x16xf32> to vector<16xf32>
        %mul3A_516 = vector.broadcast %squeeze3A_441 : f32 to vector<16xf32>
        %mul3A_517 = arith.mulf %get3A_515, %mul3A_516 : vector<16xf32>
        %swap3A_518 = arith.index_cast %add3A_445 : i32 to index
        %swap3A_519 = arith.constant 96 : index
        %swap3A_520 = tpu.vector_load %arg13[%swap3A_518, %swap3A_519] {strides = array<i32>} : memref<128x128xf32, #tpu.memory_space<vmem>>, vector<1x16xf32>,
        %swap3A_521 = vector.shape_cast %swap3A_520 : vector<1x16xf32> to vector<16xf32>
        %swap3A_522 = vector.shape_cast %mul3A_517 : vector<16xf32> to vector<1x16xf32>
        tpu.vector_store %arg13[%swap3A_518, %swap3A_519], %swap3A_522 {strides = array<i32>} : memref<128x128xf32, #tpu.memory_space<vmem>>, vector<1x16xf32>,
        %get3A_523 = arith.index_cast %add3A_445 : i32 to index
        %get3A_524 = arith.constant 112 : index
        %get3A_525 = tpu.vector_load %arg13[%get3A_523, %get3A_524] {strides = array<i32>} : memref<128x128xf32, #tpu.memory_space<vmem>>, vector<1x16xf32>,
        %get3A_526 = vector.shape_cast %get3A_525 : vector<1x16xf32> to vector<16xf32>
        %mul3A_527 = vector.broadcast %squeeze3A_441 : f32 to vector<16xf32>
        %mul3A_528 = arith.mulf %get3A_526, %mul3A_527 : vector<16xf32>
        %swap3A_529 = arith.index_cast %add3A_445 : i32 to index
        %swap3A_530 = arith.constant 112 : index
        %swap3A_531 = tpu.vector_load %arg13[%swap3A_529, %swap3A_530] {strides = array<i32>} : memref<128x128xf32, #tpu.memory_space<vmem>>, vector<1x16xf32>,
        %swap3A_532 = vector.shape_cast %swap3A_531 : vector<1x16xf32> to vector<16xf32>
        %swap3A_533 = vector.shape_cast %mul3A_528 : vector<16xf32> to vector<1x16xf32>
        tpu.vector_store %arg13[%swap3A_529, %swap3A_530], %swap3A_533 {strides = array<i32>} : memref<128x128xf32, #tpu.memory_space<vmem>>, vector<1x16xf32>,
        %slice3A_534 = vector.extract_strided_slice %get3A_253 {offsets = [3], sizes = [1], strides = [1]} : vector<16xf32> to vector<1xf32>
        %squeeze3A_535 = vector.extract %slice3A_534[0] : f32 from vector<1xf32>
        %mul3A_536 = arith.constant 16 : i32
        %mul3A_537 = arith.muli %scan3A_247, %mul3A_536 : i32
        %add3A_538 = arith.constant 3 : i32
        %add3A_539 = arith.addi %mul3A_537, %add3A_538 : i32
        %get3A_540 = arith.index_cast %add3A_539 : i32 to index
        %get3A_541 = arith.constant 0 : index
        %get3A_542 = tpu.vector_load %arg13[%get3A_540, %get3A_541] {strides = array<i32>} : memref<128x128xf32, #tpu.memory_space<vmem>>, vector<1x16xf32>,
        %get3A_543 = vector.shape_cast %get3A_542 : vector<1x16xf32> to vector<16xf32>
        %mul3A_544 = vector.broadcast %squeeze3A_535 : f32 to vector<16xf32>
        %mul3A_545 = arith.mulf %get3A_543, %mul3A_544 : vector<16xf32>
        %swap3A_546 = arith.index_cast %add3A_539 : i32 to index
        %swap3A_547 = arith.constant 0 : index
        %swap3A_548 = tpu.vector_load %arg13[%swap3A_546, %swap3A_547] {strides = array<i32>} : memref<128x128xf32, #tpu.memory_space<vmem>>, vector<1x16xf32>,
        %swap3A_549 = vector.shape_cast %swap3A_548 : vector<1x16xf32> to vector<16xf32>
        %swap3A_550 = vector.shape_cast %mul3A_545 : vector<16xf32> to vector<1x16xf32>
        tpu.vector_store %arg13[%swap3A_546, %swap3A_547], %swap3A_550 {strides = array<i32>} : memref<128x128xf32, #tpu.memory_space<vmem>>, vector<1x16xf32>,
        %get3A_551 = arith.index_cast %add3A_539 : i32 to index
        %get3A_552 = arith.constant 16 : index
        %get3A_553 = tpu.vector_load %arg13[%get3A_551, %get3A_552] {strides = array<i32>} : memref<128x128xf32, #tpu.memory_space<vmem>>, vector<1x16xf32>,
        %get3A_554 = vector.shape_cast %get3A_553 : vector<1x16xf32> to vector<16xf32>
        %mul3A_555 = vector.broadcast %squeeze3A_535 : f32 to vector<16xf32>
        %mul3A_556 = arith.mulf %get3A_554, %mul3A_555 : vector<16xf32>
        %swap3A_557 = arith.index_cast %add3A_539 : i32 to index
        %swap3A_558 = arith.constant 16 : index
        %swap3A_559 = tpu.vector_load %arg13[%swap3A_557, %swap3A_558] {strides = array<i32>} : memref<128x128xf32, #tpu.memory_space<vmem>>, vector<1x16xf32>,
        %swap3A_560 = vector.shape_cast %swap3A_559 : vector<1x16xf32> to vector<16xf32>
        %swap3A_561 = vector.shape_cast %mul3A_556 : vector<16xf32> to vector<1x16xf32>
        tpu.vector_store %arg13[%swap3A_557, %swap3A_558], %swap3A_561 {strides = array<i32>} : memref<128x128xf32, #tpu.memory_space<vmem>>, vector<1x16xf32>,
        %get3A_562 = arith.index_cast %add3A_539 : i32 to index
        %get3A_563 = arith.constant 32 : index
        %get3A_564 = tpu.vector_load %arg13[%get3A_562, %get3A_563] {strides = array<i32>} : memref<128x128xf32, #tpu.memory_space<vmem>>, vector<1x16xf32>,
        %get3A_565 = vector.shape_cast %get3A_564 : vector<1x16xf32> to vector<16xf32>
        %mul3A_566 = vector.broadcast %squeeze3A_535 : f32 to vector<16xf32>
        %mul3A_567 = arith.mulf %get3A_565, %mul3A_566 : vector<16xf32>
        %swap3A_568 = arith.index_cast %add3A_539 : i32 to index
        %swap3A_569 = arith.constant 32 : index
        %swap3A_570 = tpu.vector_load %arg13[%swap3A_568, %swap3A_569] {strides = array<i32>} : memref<128x128xf32, #tpu.memory_space<vmem>>, vector<1x16xf32>,
        %swap3A_571 = vector.shape_cast %swap3A_570 : vector<1x16xf32> to vector<16xf32>
        %swap3A_572 = vector.shape_cast %mul3A_567 : vector<16xf32> to vector<1x16xf32>
        tpu.vector_store %arg13[%swap3A_568, %swap3A_569], %swap3A_572 {strides = array<i32>} : memref<128x128xf32, #tpu.memory_space<vmem>>, vector<1x16xf32>,
        %get3A_573 = arith.index_cast %add3A_539 : i32 to index
        %get3A_574 = arith.constant 48 : index
        %get3A_575 = tpu.vector_load %arg13[%get3A_573, %get3A_574] {strides = array<i32>} : memref<128x128xf32, #tpu.memory_space<vmem>>, vector<1x16xf32>,
        %get3A_576 = vector.shape_cast %get3A_575 : vector<1x16xf32> to vector<16xf32>
        %mul3A_577 = vector.broadcast %squeeze3A_535 : f32 to vector<16xf32>
        %mul3A_578 = arith.mulf %get3A_576, %mul3A_577 : vector<16xf32>
        %swap3A_579 = arith.index_cast %add3A_539 : i32 to index
        %swap3A_580 = arith.constant 48 : index
        %swap3A_581 = tpu.vector_load %arg13[%swap3A_579, %swap3A_580] {strides = array<i32>} : memref<128x128xf32, #tpu.memory_space<vmem>>, vector<1x16xf32>,
        %swap3A_582 = vector.shape_cast %swap3A_581 : vector<1x16xf32> to vector<16xf32>
        %swap3A_583 = vector.shape_cast %mul3A_578 : vector<16xf32> to vector<1x16xf32>
        tpu.vector_store %arg13[%swap3A_579, %swap3A_580], %swap3A_583 {strides = array<i32>} : memref<128x128xf32, #tpu.memory_space<vmem>>, vector<1x16xf32>,
        %get3A_584 = arith.index_cast %add3A_539 : i32 to index
        %get3A_585 = arith.constant 64 : index
        %get3A_586 = tpu.vector_load %arg13[%get3A_584, %get3A_585] {strides = array<i32>} : memref<128x128xf32, #tpu.memory_space<vmem>>, vector<1x16xf32>,
        %get3A_587 = vector.shape_cast %get3A_586 : vector<1x16xf32> to vector<16xf32>
        %mul3A_588 = vector.broadcast %squeeze3A_535 : f32 to vector<16xf32>
        %mul3A_589 = arith.mulf %get3A_587, %mul3A_588 : vector<16xf32>
        %swap3A_590 = arith.index_cast %add3A_539 : i32 to index
        %swap3A_591 = arith.constant 64 : index
        %swap3A_592 = tpu.vector_load %arg13[%swap3A_590, %swap3A_591] {strides = array<i32>} : memref<128x128xf32, #tpu.memory_space<vmem>>, vector<1x16xf32>,
        %swap3A_593 = vector.shape_cast %swap3A_592 : vector<1x16xf32> to vector<16xf32>
        %swap3A_594 = vector.shape_cast %mul3A_589 : vector<16xf32> to vector<1x16xf32>
        tpu.vector_store %arg13[%swap3A_590, %swap3A_591], %swap3A_594 {strides = array<i32>} : memref<128x128xf32, #tpu.memory_space<vmem>>, vector<1x16xf32>,
        %get3A_595 = arith.index_cast %add3A_539 : i32 to index
        %get3A_596 = arith.constant 80 : index
        %get3A_597 = tpu.vector_load %arg13[%get3A_595, %get3A_596] {strides = array<i32>} : memref<128x128xf32, #tpu.memory_space<vmem>>, vector<1x16xf32>,
        %get3A_598 = vector.shape_cast %get3A_597 : vector<1x16xf32> to vector<16xf32>
        %mul3A_599 = vector.broadcast %squeeze3A_535 : f32 to vector<16xf32>
        %mul3A_600 = arith.mulf %get3A_598, %mul3A_599 : vector<16xf32>
        %swap3A_601 = arith.index_cast %add3A_539 : i32 to index
        %swap3A_602 = arith.constant 80 : index
        %swap3A_603 = tpu.vector_load %arg13[%swap3A_601, %swap3A_602] {strides = array<i32>} : memref<128x128xf32, #tpu.memory_space<vmem>>, vector<1x16xf32>,
        %swap3A_604 = vector.shape_cast %swap3A_603 : vector<1x16xf32> to vector<16xf32>
        %swap3A_605 = vector.shape_cast %mul3A_600 : vector<16xf32> to vector<1x16xf32>
        tpu.vector_store %arg13[%swap3A_601, %swap3A_602], %swap3A_605 {strides = array<i32>} : memref<128x128xf32, #tpu.memory_space<vmem>>, vector<1x16xf32>,
        %get3A_606 = arith.index_cast %add3A_539 : i32 to index
        %get3A_607 = arith.constant 96 : index
        %get3A_608 = tpu.vector_load %arg13[%get3A_606, %get3A_607] {strides = array<i32>} : memref<128x128xf32, #tpu.memory_space<vmem>>, vector<1x16xf32>,
        %get3A_609 = vector.shape_cast %get3A_608 : vector<1x16xf32> to vector<16xf32>
        %mul3A_610 = vector.broadcast %squeeze3A_535 : f32 to vector<16xf32>
        %mul3A_611 = arith.mulf %get3A_609, %mul3A_610 : vector<16xf32>
        %swap3A_612 = arith.index_cast %add3A_539 : i32 to index
        %swap3A_613 = arith.constant 96 : index
        %swap3A_614 = tpu.vector_load %arg13[%swap3A_612, %swap3A_613] {strides = array<i32>} : memref<128x128xf32, #tpu.memory_space<vmem>>, vector<1x16xf32>,
        %swap3A_615 = vector.shape_cast %swap3A_614 : vector<1x16xf32> to vector<16xf32>
        %swap3A_616 = vector.shape_cast %mul3A_611 : vector<16xf32> to vector<1x16xf32>
        tpu.vector_store %arg13[%swap3A_612, %swap3A_613], %swap3A_616 {strides = array<i32>} : memref<128x128xf32, #tpu.memory_space<vmem>>, vector<1x16xf32>,
        %get3A_617 = arith.index_cast %add3A_539 : i32 to index
        %get3A_618 = arith.constant 112 : index
        %get3A_619 = tpu.vector_load %arg13[%get3A_617, %get3A_618] {strides = array<i32>} : memref<128x128xf32, #tpu.memory_space<vmem>>, vector<1x16xf32>,
        %get3A_620 = vector.shape_cast %get3A_619 : vector<1x16xf32> to vector<16xf32>
        %mul3A_621 = vector.broadcast %squeeze3A_535 : f32 to vector<16xf32>
        %mul3A_622 = arith.mulf %get3A_620, %mul3A_621 : vector<16xf32>
        %swap3A_623 = arith.index_cast %add3A_539 : i32 to index
        %swap3A_624 = arith.constant 112 : index
        %swap3A_625 = tpu.vector_load %arg13[%swap3A_623, %swap3A_624] {strides = array<i32>} : memref<128x128xf32, #tpu.memory_space<vmem>>, vector<1x16xf32>,
        %swap3A_626 = vector.shape_cast %swap3A_625 : vector<1x16xf32> to vector<16xf32>
        %swap3A_627 = vector.shape_cast %mul3A_622 : vector<16xf32> to vector<1x16xf32>
        tpu.vector_store %arg13[%swap3A_623, %swap3A_624], %swap3A_627 {strides = array<i32>} : memref<128x128xf32, #tpu.memory_space<vmem>>, vector<1x16xf32>,
        %slice3A_628 = vector.extract_strided_slice %get3A_253 {offsets = [4], sizes = [1], strides = [1]} : vector<16xf32> to vector<1xf32>
        %squeeze3A_629 = vector.extract %slice3A_628[0] : f32 from vector<1xf32>
        %mul3A_630 = arith.constant 16 : i32
        %mul3A_631 = arith.muli %scan3A_247, %mul3A_630 : i32
        %add3A_632 = arith.constant 4 : i32
        %add3A_633 = arith.addi %mul3A_631, %add3A_632 : i32
        %get3A_634 = arith.index_cast %add3A_633 : i32 to index
        %get3A_635 = arith.constant 0 : index
        %get3A_636 = tpu.vector_load %arg13[%get3A_634, %get3A_635] {strides = array<i32>} : memref<128x128xf32, #tpu.memory_space<vmem>>, vector<1x16xf32>,
        %get3A_637 = vector.shape_cast %get3A_636 : vector<1x16xf32> to vector<16xf32>
        %mul3A_638 = vector.broadcast %squeeze3A_629 : f32 to vector<16xf32>
        %mul3A_639 = arith.mulf %get3A_637, %mul3A_638 : vector<16xf32>
        %swap3A_640 = arith.index_cast %add3A_633 : i32 to index
        %swap3A_641 = arith.constant 0 : index
        %swap3A_642 = tpu.vector_load %arg13[%swap3A_640, %swap3A_641] {strides = array<i32>} : memref<128x128xf32, #tpu.memory_space<vmem>>, vector<1x16xf32>,
        %swap3A_643 = vector.shape_cast %swap3A_642 : vector<1x16xf32> to vector<16xf32>
        %swap3A_644 = vector.shape_cast %mul3A_639 : vector<16xf32> to vector<1x16xf32>
        tpu.vector_store %arg13[%swap3A_640, %swap3A_641], %swap3A_644 {strides = array<i32>} : memref<128x128xf32, #tpu.memory_space<vmem>>, vector<1x16xf32>,
        %get3A_645 = arith.index_cast %add3A_633 : i32 to index
        %get3A_646 = arith.constant 16 : index
        %get3A_647 = tpu.vector_load %arg13[%get3A_645, %get3A_646] {strides = array<i32>} : memref<128x128xf32, #tpu.memory_space<vmem>>, vector<1x16xf32>,
        %get3A_648 = vector.shape_cast %get3A_647 : vector<1x16xf32> to vector<16xf32>
        %mul3A_649 = vector.broadcast %squeeze3A_629 : f32 to vector<16xf32>
        %mul3A_650 = arith.mulf %get3A_648, %mul3A_649 : vector<16xf32>
        %swap3A_651 = arith.index_cast %add3A_633 : i32 to index
        %swap3A_652 = arith.constant 16 : index
        %swap3A_653 = tpu.vector_load %arg13[%swap3A_651, %swap3A_652] {strides = array<i32>} : memref<128x128xf32, #tpu.memory_space<vmem>>, vector<1x16xf32>,
        %swap3A_654 = vector.shape_cast %swap3A_653 : vector<1x16xf32> to vector<16xf32>
        %swap3A_655 = vector.shape_cast %mul3A_650 : vector<16xf32> to vector<1x16xf32>
        tpu.vector_store %arg13[%swap3A_651, %swap3A_652], %swap3A_655 {strides = array<i32>} : memref<128x128xf32, #tpu.memory_space<vmem>>, vector<1x16xf32>,
        %get3A_656 = arith.index_cast %add3A_633 : i32 to index
        %get3A_657 = arith.constant 32 : index
        %get3A_658 = tpu.vector_load %arg13[%get3A_656, %get3A_657] {strides = array<i32>} : memref<128x128xf32, #tpu.memory_space<vmem>>, vector<1x16xf32>,
        %get3A_659 = vector.shape_cast %get3A_658 : vector<1x16xf32> to vector<16xf32>
        %mul3A_660 = vector.broadcast %squeeze3A_629 : f32 to vector<16xf32>
        %mul3A_661 = arith.mulf %get3A_659, %mul3A_660 : vector<16xf32>
        %swap3A_662 = arith.index_cast %add3A_633 : i32 to index
        %swap3A_663 = arith.constant 32 : index
        %swap3A_664 = tpu.vector_load %arg13[%swap3A_662, %swap3A_663] {strides = array<i32>} : memref<128x128xf32, #tpu.memory_space<vmem>>, vector<1x16xf32>,
        %swap3A_665 = vector.shape_cast %swap3A_664 : vector<1x16xf32> to vector<16xf32>
        %swap3A_666 = vector.shape_cast %mul3A_661 : vector<16xf32> to vector<1x16xf32>
        tpu.vector_store %arg13[%swap3A_662, %swap3A_663], %swap3A_666 {strides = array<i32>} : memref<128x128xf32, #tpu.memory_space<vmem>>, vector<1x16xf32>,
        %get3A_667 = arith.index_cast %add3A_633 : i32 to index
        %get3A_668 = arith.constant 48 : index
        %get3A_669 = tpu.vector_load %arg13[%get3A_667, %get3A_668] {strides = array<i32>} : memref<128x128xf32, #tpu.memory_space<vmem>>, vector<1x16xf32>,
        %get3A_670 = vector.shape_cast %get3A_669 : vector<1x16xf32> to vector<16xf32>
        %mul3A_671 = vector.broadcast %squeeze3A_629 : f32 to vector<16xf32>
        %mul3A_672 = arith.mulf %get3A_670, %mul3A_671 : vector<16xf32>
        %swap3A_673 = arith.index_cast %add3A_633 : i32 to index
        %swap3A_674 = arith.constant 48 : index
        %swap3A_675 = tpu.vector_load %arg13[%swap3A_673, %swap3A_674] {strides = array<i32>} : memref<128x128xf32, #tpu.memory_space<vmem>>, vector<1x16xf32>,
        %swap3A_676 = vector.shape_cast %swap3A_675 : vector<1x16xf32> to vector<16xf32>
        %swap3A_677 = vector.shape_cast %mul3A_672 : vector<16xf32> to vector<1x16xf32>
        tpu.vector_store %arg13[%swap3A_673, %swap3A_674], %swap3A_677 {strides = array<i32>} : memref<128x128xf32, #tpu.memory_space<vmem>>, vector<1x16xf32>,
        %get3A_678 = arith.index_cast %add3A_633 : i32 to index
        %get3A_679 = arith.constant 64 : index
        %get3A_680 = tpu.vector_load %arg13[%get3A_678, %get3A_679] {strides = array<i32>} : memref<128x128xf32, #tpu.memory_space<vmem>>, vector<1x16xf32>,
        %get3A_681 = vector.shape_cast %get3A_680 : vector<1x16xf32> to vector<16xf32>
        %mul3A_682 = vector.broadcast %squeeze3A_629 : f32 to vector<16xf32>
        %mul3A_683 = arith.mulf %get3A_681, %mul3A_682 : vector<16xf32>
        %swap3A_684 = arith.index_cast %add3A_633 : i32 to index
        %swap3A_685 = arith.constant 64 : index
        %swap3A_686 = tpu.vector_load %arg13[%swap3A_684, %swap3A_685] {strides = array<i32>} : memref<128x128xf32, #tpu.memory_space<vmem>>, vector<1x16xf32>,
        %swap3A_687 = vector.shape_cast %swap3A_686 : vector<1x16xf32> to vector<16xf32>
        %swap3A_688 = vector.shape_cast %mul3A_683 : vector<16xf32> to vector<1x16xf32>
        tpu.vector_store %arg13[%swap3A_684, %swap3A_685], %swap3A_688 {strides = array<i32>} : memref<128x128xf32, #tpu.memory_space<vmem>>, vector<1x16xf32>,
        %get3A_689 = arith.index_cast %add3A_633 : i32 to index
        %get3A_690 = arith.constant 80 : index
        %get3A_691 = tpu.vector_load %arg13[%get3A_689, %get3A_690] {strides = array<i32>} : memref<128x128xf32, #tpu.memory_space<vmem>>, vector<1x16xf32>,
        %get3A_692 = vector.shape_cast %get3A_691 : vector<1x16xf32> to vector<16xf32>
        %mul3A_693 = vector.broadcast %squeeze3A_629 : f32 to vector<16xf32>
        %mul3A_694 = arith.mulf %get3A_692, %mul3A_693 : vector<16xf32>
        %swap3A_695 = arith.index_cast %add3A_633 : i32 to index
        %swap3A_696 = arith.constant 80 : index
        %swap3A_697 = tpu.vector_load %arg13[%swap3A_695, %swap3A_696] {strides = array<i32>} : memref<128x128xf32, #tpu.memory_space<vmem>>, vector<1x16xf32>,
        %swap3A_698 = vector.shape_cast %swap3A_697 : vector<1x16xf32> to vector<16xf32>
        %swap3A_699 = vector.shape_cast %mul3A_694 : vector<16xf32> to vector<1x16xf32>
        tpu.vector_store %arg13[%swap3A_695, %swap3A_696], %swap3A_699 {strides = array<i32>} : memref<128x128xf32, #tpu.memory_space<vmem>>, vector<1x16xf32>,
        %get3A_700 = arith.index_cast %add3A_633 : i32 to index
        %get3A_701 = arith.constant 96 : index
        %get3A_702 = tpu.vector_load %arg13[%get3A_700, %get3A_701] {strides = array<i32>} : memref<128x128xf32, #tpu.memory_space<vmem>>, vector<1x16xf32>,
        %get3A_703 = vector.shape_cast %get3A_702 : vector<1x16xf32> to vector<16xf32>
        %mul3A_704 = vector.broadcast %squeeze3A_629 : f32 to vector<16xf32>
        %mul3A_705 = arith.mulf %get3A_703, %mul3A_704 : vector<16xf32>
        %swap3A_706 = arith.index_cast %add3A_633 : i32 to index
        %swap3A_707 = arith.constant 96 : index
        %swap3A_708 = tpu.vector_load %arg13[%swap3A_706, %swap3A_707] {strides = array<i32>} : memref<128x128xf32, #tpu.memory_space<vmem>>, vector<1x16xf32>,
        %swap3A_709 = vector.shape_cast %swap3A_708 : vector<1x16xf32> to vector<16xf32>
        %swap3A_710 = vector.shape_cast %mul3A_705 : vector<16xf32> to vector<1x16xf32>
        tpu.vector_store %arg13[%swap3A_706, %swap3A_707], %swap3A_710 {strides = array<i32>} : memref<128x128xf32, #tpu.memory_space<vmem>>, vector<1x16xf32>,
        %get3A_711 = arith.index_cast %add3A_633 : i32 to index
        %get3A_712 = arith.constant 112 : index
        %get3A_713 = tpu.vector_load %arg13[%get3A_711, %get3A_712] {strides = array<i32>} : memref<128x128xf32, #tpu.memory_space<vmem>>, vector<1x16xf32>,
        %get3A_714 = vector.shape_cast %get3A_713 : vector<1x16xf32> to vector<16xf32>
        %mul3A_715 = vector.broadcast %squeeze3A_629 : f32 to vector<16xf32>
        %mul3A_716 = arith.mulf %get3A_714, %mul3A_715 : vector<16xf32>
        %swap3A_717 = arith.index_cast %add3A_633 : i32 to index
        %swap3A_718 = arith.constant 112 : index
        %swap3A_719 = tpu.vector_load %arg13[%swap3A_717, %swap3A_718] {strides = array<i32>} : memref<128x128xf32, #tpu.memory_space<vmem>>, vector<1x16xf32>,
        %swap3A_720 = vector.shape_cast %swap3A_719 : vector<1x16xf32> to vector<16xf32>
        %swap3A_721 = vector.shape_cast %mul3A_716 : vector<16xf32> to vector<1x16xf32>
        tpu.vector_store %arg13[%swap3A_717, %swap3A_718], %swap3A_721 {strides = array<i32>} : memref<128x128xf32, #tpu.memory_space<vmem>>, vector<1x16xf32>,
        %slice3A_722 = vector.extract_strided_slice %get3A_253 {offsets = [5], sizes = [1], strides = [1]} : vector<16xf32> to vector<1xf32>
        %squeeze3A_723 = vector.extract %slice3A_722[0] : f32 from vector<1xf32>
        %mul3A_724 = arith.constant 16 : i32
        %mul3A_725 = arith.muli %scan3A_247, %mul3A_724 : i32
        %add3A_726 = arith.constant 5 : i32
        %add3A_727 = arith.addi %mul3A_725, %add3A_726 : i32
        %get3A_728 = arith.index_cast %add3A_727 : i32 to index
        %get3A_729 = arith.constant 0 : index
        %get3A_730 = tpu.vector_load %arg13[%get3A_728, %get3A_729] {strides = array<i32>} : memref<128x128xf32, #tpu.memory_space<vmem>>, vector<1x16xf32>,
        %get3A_731 = vector.shape_cast %get3A_730 : vector<1x16xf32> to vector<16xf32>
        %mul3A_732 = vector.broadcast %squeeze3A_723 : f32 to vector<16xf32>
        %mul3A_733 = arith.mulf %get3A_731, %mul3A_732 : vector<16xf32>
        %swap3A_734 = arith.index_cast %add3A_727 : i32 to index
        %swap3A_735 = arith.constant 0 : index
        %swap3A_736 = tpu.vector_load %arg13[%swap3A_734, %swap3A_735] {strides = array<i32>} : memref<128x128xf32, #tpu.memory_space<vmem>>, vector<1x16xf32>,
        %swap3A_737 = vector.shape_cast %swap3A_736 : vector<1x16xf32> to vector<16xf32>
        %swap3A_738 = vector.shape_cast %mul3A_733 : vector<16xf32> to vector<1x16xf32>
        tpu.vector_store %arg13[%swap3A_734, %swap3A_735], %swap3A_738 {strides = array<i32>} : memref<128x128xf32, #tpu.memory_space<vmem>>, vector<1x16xf32>,
        %get3A_739 = arith.index_cast %add3A_727 : i32 to index
        %get3A_740 = arith.constant 16 : index
        %get3A_741 = tpu.vector_load %arg13[%get3A_739, %get3A_740] {strides = array<i32>} : memref<128x128xf32, #tpu.memory_space<vmem>>, vector<1x16xf32>,
        %get3A_742 = vector.shape_cast %get3A_741 : vector<1x16xf32> to vector<16xf32>
        %mul3A_743 = vector.broadcast %squeeze3A_723 : f32 to vector<16xf32>
        %mul3A_744 = arith.mulf %get3A_742, %mul3A_743 : vector<16xf32>
        %swap3A_745 = arith.index_cast %add3A_727 : i32 to index
        %swap3A_746 = arith.constant 16 : index
        %swap3A_747 = tpu.vector_load %arg13[%swap3A_745, %swap3A_746] {strides = array<i32>} : memref<128x128xf32, #tpu.memory_space<vmem>>, vector<1x16xf32>,
        %swap3A_748 = vector.shape_cast %swap3A_747 : vector<1x16xf32> to vector<16xf32>
        %swap3A_749 = vector.shape_cast %mul3A_744 : vector<16xf32> to vector<1x16xf32>
        tpu.vector_store %arg13[%swap3A_745, %swap3A_746], %swap3A_749 {strides = array<i32>} : memref<128x128xf32, #tpu.memory_space<vmem>>, vector<1x16xf32>,
        %get3A_750 = arith.index_cast %add3A_727 : i32 to index
        %get3A_751 = arith.constant 32 : index
        %get3A_752 = tpu.vector_load %arg13[%get3A_750, %get3A_751] {strides = array<i32>} : memref<128x128xf32, #tpu.memory_space<vmem>>, vector<1x16xf32>,
        %get3A_753 = vector.shape_cast %get3A_752 : vector<1x16xf32> to vector<16xf32>
        %mul3A_754 = vector.broadcast %squeeze3A_723 : f32 to vector<16xf32>
        %mul3A_755 = arith.mulf %get3A_753, %mul3A_754 : vector<16xf32>
        %swap3A_756 = arith.index_cast %add3A_727 : i32 to index
        %swap3A_757 = arith.constant 32 : index
        %swap3A_758 = tpu.vector_load %arg13[%swap3A_756, %swap3A_757] {strides = array<i32>} : memref<128x128xf32, #tpu.memory_space<vmem>>, vector<1x16xf32>,
        %swap3A_759 = vector.shape_cast %swap3A_758 : vector<1x16xf32> to vector<16xf32>
        %swap3A_760 = vector.shape_cast %mul3A_755 : vector<16xf32> to vector<1x16xf32>
        tpu.vector_store %arg13[%swap3A_756, %swap3A_757], %swap3A_760 {strides = array<i32>} : memref<128x128xf32, #tpu.memory_space<vmem>>, vector<1x16xf32>,
        %get3A_761 = arith.index_cast %add3A_727 : i32 to index
        %get3A_762 = arith.constant 48 : index
        %get3A_763 = tpu.vector_load %arg13[%get3A_761, %get3A_762] {strides = array<i32>} : memref<128x128xf32, #tpu.memory_space<vmem>>, vector<1x16xf32>,
        %get3A_764 = vector.shape_cast %get3A_763 : vector<1x16xf32> to vector<16xf32>
        %mul3A_765 = vector.broadcast %squeeze3A_723 : f32 to vector<16xf32>
        %mul3A_766 = arith.mulf %get3A_764, %mul3A_765 : vector<16xf32>
        %swap3A_767 = arith.index_cast %add3A_727 : i32 to index
        %swap3A_768 = arith.constant 48 : index
        %swap3A_769 = tpu.vector_load %arg13[%swap3A_767, %swap3A_768] {strides = array<i32>} : memref<128x128xf32, #tpu.memory_space<vmem>>, vector<1x16xf32>,
        %swap3A_770 = vector.shape_cast %swap3A_769 : vector<1x16xf32> to vector<16xf32>
        %swap3A_771 = vector.shape_cast %mul3A_766 : vector<16xf32> to vector<1x16xf32>
        tpu.vector_store %arg13[%swap3A_767, %swap3A_768], %swap3A_771 {strides = array<i32>} : memref<128x128xf32, #tpu.memory_space<vmem>>, vector<1x16xf32>,
        %get3A_772 = arith.index_cast %add3A_727 : i32 to index
        %get3A_773 = arith.constant 64 : index
        %get3A_774 = tpu.vector_load %arg13[%get3A_772, %get3A_773] {strides = array<i32>} : memref<128x128xf32, #tpu.memory_space<vmem>>, vector<1x16xf32>,
        %get3A_775 = vector.shape_cast %get3A_774 : vector<1x16xf32> to vector<16xf32>
        %mul3A_776 = vector.broadcast %squeeze3A_723 : f32 to vector<16xf32>
        %mul3A_777 = arith.mulf %get3A_775, %mul3A_776 : vector<16xf32>
        %swap3A_778 = arith.index_cast %add3A_727 : i32 to index
        %swap3A_779 = arith.constant 64 : index
        %swap3A_780 = tpu.vector_load %arg13[%swap3A_778, %swap3A_779] {strides = array<i32>} : memref<128x128xf32, #tpu.memory_space<vmem>>, vector<1x16xf32>,
        %swap3A_781 = vector.shape_cast %swap3A_780 : vector<1x16xf32> to vector<16xf32>
        %swap3A_782 = vector.shape_cast %mul3A_777 : vector<16xf32> to vector<1x16xf32>
        tpu.vector_store %arg13[%swap3A_778, %swap3A_779], %swap3A_782 {strides = array<i32>} : memref<128x128xf32, #tpu.memory_space<vmem>>, vector<1x16xf32>,
        %get3A_783 = arith.index_cast %add3A_727 : i32 to index
        %get3A_784 = arith.constant 80 : index
        %get3A_785 = tpu.vector_load %arg13[%get3A_783, %get3A_784] {strides = array<i32>} : memref<128x128xf32, #tpu.memory_space<vmem>>, vector<1x16xf32>,
        %get3A_786 = vector.shape_cast %get3A_785 : vector<1x16xf32> to vector<16xf32>
        %mul3A_787 = vector.broadcast %squeeze3A_723 : f32 to vector<16xf32>
        %mul3A_788 = arith.mulf %get3A_786, %mul3A_787 : vector<16xf32>
        %swap3A_789 = arith.index_cast %add3A_727 : i32 to index
        %swap3A_790 = arith.constant 80 : index
        %swap3A_791 = tpu.vector_load %arg13[%swap3A_789, %swap3A_790] {strides = array<i32>} : memref<128x128xf32, #tpu.memory_space<vmem>>, vector<1x16xf32>,
        %swap3A_792 = vector.shape_cast %swap3A_791 : vector<1x16xf32> to vector<16xf32>
        %swap3A_793 = vector.shape_cast %mul3A_788 : vector<16xf32> to vector<1x16xf32>
        tpu.vector_store %arg13[%swap3A_789, %swap3A_790], %swap3A_793 {strides = array<i32>} : memref<128x128xf32, #tpu.memory_space<vmem>>, vector<1x16xf32>,
        %get3A_794 = arith.index_cast %add3A_727 : i32 to index
        %get3A_795 = arith.constant 96 : index
        %get3A_796 = tpu.vector_load %arg13[%get3A_794, %get3A_795] {strides = array<i32>} : memref<128x128xf32, #tpu.memory_space<vmem>>, vector<1x16xf32>,
        %get3A_797 = vector.shape_cast %get3A_796 : vector<1x16xf32> to vector<16xf32>
        %mul3A_798 = vector.broadcast %squeeze3A_723 : f32 to vector<16xf32>
        %mul3A_799 = arith.mulf %get3A_797, %mul3A_798 : vector<16xf32>
        %swap3A_800 = arith.index_cast %add3A_727 : i32 to index
        %swap3A_801 = arith.constant 96 : index
        %swap3A_802 = tpu.vector_load %arg13[%swap3A_800, %swap3A_801] {strides = array<i32>} : memref<128x128xf32, #tpu.memory_space<vmem>>, vector<1x16xf32>,
        %swap3A_803 = vector.shape_cast %swap3A_802 : vector<1x16xf32> to vector<16xf32>
        %swap3A_804 = vector.shape_cast %mul3A_799 : vector<16xf32> to vector<1x16xf32>
        tpu.vector_store %arg13[%swap3A_800, %swap3A_801], %swap3A_804 {strides = array<i32>} : memref<128x128xf32, #tpu.memory_space<vmem>>, vector<1x16xf32>,
        %get3A_805 = arith.index_cast %add3A_727 : i32 to index
        %get3A_806 = arith.constant 112 : index
        %get3A_807 = tpu.vector_load %arg13[%get3A_805, %get3A_806] {strides = array<i32>} : memref<128x128xf32, #tpu.memory_space<vmem>>, vector<1x16xf32>,
        %get3A_808 = vector.shape_cast %get3A_807 : vector<1x16xf32> to vector<16xf32>
        %mul3A_809 = vector.broadcast %squeeze3A_723 : f32 to vector<16xf32>
        %mul3A_810 = arith.mulf %get3A_808, %mul3A_809 : vector<16xf32>
        %swap3A_811 = arith.index_cast %add3A_727 : i32 to index
        %swap3A_812 = arith.constant 112 : index
        %swap3A_813 = tpu.vector_load %arg13[%swap3A_811, %swap3A_812] {strides = array<i32>} : memref<128x128xf32, #tpu.memory_space<vmem>>, vector<1x16xf32>,
        %swap3A_814 = vector.shape_cast %swap3A_813 : vector<1x16xf32> to vector<16xf32>
        %swap3A_815 = vector.shape_cast %mul3A_810 : vector<16xf32> to vector<1x16xf32>
        tpu.vector_store %arg13[%swap3A_811, %swap3A_812], %swap3A_815 {strides = array<i32>} : memref<128x128xf32, #tpu.memory_space<vmem>>, vector<1x16xf32>,
        %slice3A_816 = vector.extract_strided_slice %get3A_253 {offsets = [6], sizes = [1], strides = [1]} : vector<16xf32> to vector<1xf32>
        %squeeze3A_817 = vector.extract %slice3A_816[0] : f32 from vector<1xf32>
        %mul3A_818 = arith.constant 16 : i32
        %mul3A_819 = arith.muli %scan3A_247, %mul3A_818 : i32
        %add3A_820 = arith.constant 6 : i32
        %add3A_821 = arith.addi %mul3A_819, %add3A_820 : i32
        %get3A_822 = arith.index_cast %add3A_821 : i32 to index
        %get3A_823 = arith.constant 0 : index
        %get3A_824 = tpu.vector_load %arg13[%get3A_822, %get3A_823] {strides = array<i32>} : memref<128x128xf32, #tpu.memory_space<vmem>>, vector<1x16xf32>,
        %get3A_825 = vector.shape_cast %get3A_824 : vector<1x16xf32> to vector<16xf32>
        %mul3A_826 = vector.broadcast %squeeze3A_817 : f32 to vector<16xf32>
        %mul3A_827 = arith.mulf %get3A_825, %mul3A_826 : vector<16xf32>
        %swap3A_828 = arith.index_cast %add3A_821 : i32 to index
        %swap3A_829 = arith.constant 0 : index
        %swap3A_830 = tpu.vector_load %arg13[%swap3A_828, %swap3A_829] {strides = array<i32>} : memref<128x128xf32, #tpu.memory_space<vmem>>, vector<1x16xf32>,
        %swap3A_831 = vector.shape_cast %swap3A_830 : vector<1x16xf32> to vector<16xf32>
        %swap3A_832 = vector.shape_cast %mul3A_827 : vector<16xf32> to vector<1x16xf32>
        tpu.vector_store %arg13[%swap3A_828, %swap3A_829], %swap3A_832 {strides = array<i32>} : memref<128x128xf32, #tpu.memory_space<vmem>>, vector<1x16xf32>,
        %get3A_833 = arith.index_cast %add3A_821 : i32 to index
        %get3A_834 = arith.constant 16 : index
        %get3A_835 = tpu.vector_load %arg13[%get3A_833, %get3A_834] {strides = array<i32>} : memref<128x128xf32, #tpu.memory_space<vmem>>, vector<1x16xf32>,
        %get3A_836 = vector.shape_cast %get3A_835 : vector<1x16xf32> to vector<16xf32>
        %mul3A_837 = vector.broadcast %squeeze3A_817 : f32 to vector<16xf32>
        %mul3A_838 = arith.mulf %get3A_836, %mul3A_837 : vector<16xf32>
        %swap3A_839 = arith.index_cast %add3A_821 : i32 to index
        %swap3A_840 = arith.constant 16 : index
        %swap3A_841 = tpu.vector_load %arg13[%swap3A_839, %swap3A_840] {strides = array<i32>} : memref<128x128xf32, #tpu.memory_space<vmem>>, vector<1x16xf32>,
        %swap3A_842 = vector.shape_cast %swap3A_841 : vector<1x16xf32> to vector<16xf32>
        %swap3A_843 = vector.shape_cast %mul3A_838 : vector<16xf32> to vector<1x16xf32>
        tpu.vector_store %arg13[%swap3A_839, %swap3A_840], %swap3A_843 {strides = array<i32>} : memref<128x128xf32, #tpu.memory_space<vmem>>, vector<1x16xf32>,
        %get3A_844 = arith.index_cast %add3A_821 : i32 to index
        %get3A_845 = arith.constant 32 : index
        %get3A_846 = tpu.vector_load %arg13[%get3A_844, %get3A_845] {strides = array<i32>} : memref<128x128xf32, #tpu.memory_space<vmem>>, vector<1x16xf32>,
        %get3A_847 = vector.shape_cast %get3A_846 : vector<1x16xf32> to vector<16xf32>
        %mul3A_848 = vector.broadcast %squeeze3A_817 : f32 to vector<16xf32>
        %mul3A_849 = arith.mulf %get3A_847, %mul3A_848 : vector<16xf32>
        %swap3A_850 = arith.index_cast %add3A_821 : i32 to index
        %swap3A_851 = arith.constant 32 : index
        %swap3A_852 = tpu.vector_load %arg13[%swap3A_850, %swap3A_851] {strides = array<i32>} : memref<128x128xf32, #tpu.memory_space<vmem>>, vector<1x16xf32>,
        %swap3A_853 = vector.shape_cast %swap3A_852 : vector<1x16xf32> to vector<16xf32>
        %swap3A_854 = vector.shape_cast %mul3A_849 : vector<16xf32> to vector<1x16xf32>
        tpu.vector_store %arg13[%swap3A_850, %swap3A_851], %swap3A_854 {strides = array<i32>} : memref<128x128xf32, #tpu.memory_space<vmem>>, vector<1x16xf32>,
        %get3A_855 = arith.index_cast %add3A_821 : i32 to index
        %get3A_856 = arith.constant 48 : index
        %get3A_857 = tpu.vector_load %arg13[%get3A_855, %get3A_856] {strides = array<i32>} : memref<128x128xf32, #tpu.memory_space<vmem>>, vector<1x16xf32>,
        %get3A_858 = vector.shape_cast %get3A_857 : vector<1x16xf32> to vector<16xf32>
        %mul3A_859 = vector.broadcast %squeeze3A_817 : f32 to vector<16xf32>
        %mul3A_860 = arith.mulf %get3A_858, %mul3A_859 : vector<16xf32>
        %swap3A_861 = arith.index_cast %add3A_821 : i32 to index
        %swap3A_862 = arith.constant 48 : index
        %swap3A_863 = tpu.vector_load %arg13[%swap3A_861, %swap3A_862] {strides = array<i32>} : memref<128x128xf32, #tpu.memory_space<vmem>>, vector<1x16xf32>,
        %swap3A_864 = vector.shape_cast %swap3A_863 : vector<1x16xf32> to vector<16xf32>
        %swap3A_865 = vector.shape_cast %mul3A_860 : vector<16xf32> to vector<1x16xf32>
        tpu.vector_store %arg13[%swap3A_861, %swap3A_862], %swap3A_865 {strides = array<i32>} : memref<128x128xf32, #tpu.memory_space<vmem>>, vector<1x16xf32>,
        %get3A_866 = arith.index_cast %add3A_821 : i32 to index
        %get3A_867 = arith.constant 64 : index
        %get3A_868 = tpu.vector_load %arg13[%get3A_866, %get3A_867] {strides = array<i32>} : memref<128x128xf32, #tpu.memory_space<vmem>>, vector<1x16xf32>,
        %get3A_869 = vector.shape_cast %get3A_868 : vector<1x16xf32> to vector<16xf32>
        %mul3A_870 = vector.broadcast %squeeze3A_817 : f32 to vector<16xf32>
        %mul3A_871 = arith.mulf %get3A_869, %mul3A_870 : vector<16xf32>
        %swap3A_872 = arith.index_cast %add3A_821 : i32 to index
        %swap3A_873 = arith.constant 64 : index
        %swap3A_874 = tpu.vector_load %arg13[%swap3A_872, %swap3A_873] {strides = array<i32>} : memref<128x128xf32, #tpu.memory_space<vmem>>, vector<1x16xf32>,
        %swap3A_875 = vector.shape_cast %swap3A_874 : vector<1x16xf32> to vector<16xf32>
        %swap3A_876 = vector.shape_cast %mul3A_871 : vector<16xf32> to vector<1x16xf32>
        tpu.vector_store %arg13[%swap3A_872, %swap3A_873], %swap3A_876 {strides = array<i32>} : memref<128x128xf32, #tpu.memory_space<vmem>>, vector<1x16xf32>,
        %get3A_877 = arith.index_cast %add3A_821 : i32 to index
        %get3A_878 = arith.constant 80 : index
        %get3A_879 = tpu.vector_load %arg13[%get3A_877, %get3A_878] {strides = array<i32>} : memref<128x128xf32, #tpu.memory_space<vmem>>, vector<1x16xf32>,
        %get3A_880 = vector.shape_cast %get3A_879 : vector<1x16xf32> to vector<16xf32>
        %mul3A_881 = vector.broadcast %squeeze3A_817 : f32 to vector<16xf32>
        %mul3A_882 = arith.mulf %get3A_880, %mul3A_881 : vector<16xf32>
        %swap3A_883 = arith.index_cast %add3A_821 : i32 to index
        %swap3A_884 = arith.constant 80 : index
        %swap3A_885 = tpu.vector_load %arg13[%swap3A_883, %swap3A_884] {strides = array<i32>} : memref<128x128xf32, #tpu.memory_space<vmem>>, vector<1x16xf32>,
        %swap3A_886 = vector.shape_cast %swap3A_885 : vector<1x16xf32> to vector<16xf32>
        %swap3A_887 = vector.shape_cast %mul3A_882 : vector<16xf32> to vector<1x16xf32>
        tpu.vector_store %arg13[%swap3A_883, %swap3A_884], %swap3A_887 {strides = array<i32>} : memref<128x128xf32, #tpu.memory_space<vmem>>, vector<1x16xf32>,
        %get3A_888 = arith.index_cast %add3A_821 : i32 to index
        %get3A_889 = arith.constant 96 : index
        %get3A_890 = tpu.vector_load %arg13[%get3A_888, %get3A_889] {strides = array<i32>} : memref<128x128xf32, #tpu.memory_space<vmem>>, vector<1x16xf32>,
        %get3A_891 = vector.shape_cast %get3A_890 : vector<1x16xf32> to vector<16xf32>
        %mul3A_892 = vector.broadcast %squeeze3A_817 : f32 to vector<16xf32>
        %mul3A_893 = arith.mulf %get3A_891, %mul3A_892 : vector<16xf32>
        %swap3A_894 = arith.index_cast %add3A_821 : i32 to index
        %swap3A_895 = arith.constant 96 : index
        %swap3A_896 = tpu.vector_load %arg13[%swap3A_894, %swap3A_895] {strides = array<i32>} : memref<128x128xf32, #tpu.memory_space<vmem>>, vector<1x16xf32>,
        %swap3A_897 = vector.shape_cast %swap3A_896 : vector<1x16xf32> to vector<16xf32>
        %swap3A_898 = vector.shape_cast %mul3A_893 : vector<16xf32> to vector<1x16xf32>
        tpu.vector_store %arg13[%swap3A_894, %swap3A_895], %swap3A_898 {strides = array<i32>} : memref<128x128xf32, #tpu.memory_space<vmem>>, vector<1x16xf32>,
        %get3A_899 = arith.index_cast %add3A_821 : i32 to index
        %get3A_900 = arith.constant 112 : index
        %get3A_901 = tpu.vector_load %arg13[%get3A_899, %get3A_900] {strides = array<i32>} : memref<128x128xf32, #tpu.memory_space<vmem>>, vector<1x16xf32>,
        %get3A_902 = vector.shape_cast %get3A_901 : vector<1x16xf32> to vector<16xf32>
        %mul3A_903 = vector.broadcast %squeeze3A_817 : f32 to vector<16xf32>
        %mul3A_904 = arith.mulf %get3A_902, %mul3A_903 : vector<16xf32>
        %swap3A_905 = arith.index_cast %add3A_821 : i32 to index
        %swap3A_906 = arith.constant 112 : index
        %swap3A_907 = tpu.vector_load %arg13[%swap3A_905, %swap3A_906] {strides = array<i32>} : memref<128x128xf32, #tpu.memory_space<vmem>>, vector<1x16xf32>,
        %swap3A_908 = vector.shape_cast %swap3A_907 : vector<1x16xf32> to vector<16xf32>
        %swap3A_909 = vector.shape_cast %mul3A_904 : vector<16xf32> to vector<1x16xf32>
        tpu.vector_store %arg13[%swap3A_905, %swap3A_906], %swap3A_909 {strides = array<i32>} : memref<128x128xf32, #tpu.memory_space<vmem>>, vector<1x16xf32>,
        %slice3A_910 = vector.extract_strided_slice %get3A_253 {offsets = [7], sizes = [1], strides = [1]} : vector<16xf32> to vector<1xf32>
        %squeeze3A_911 = vector.extract %slice3A_910[0] : f32 from vector<1xf32>
        %mul3A_912 = arith.constant 16 : i32
        %mul3A_913 = arith.muli %scan3A_247, %mul3A_912 : i32
        %add3A_914 = arith.constant 7 : i32
        %add3A_915 = arith.addi %mul3A_913, %add3A_914 : i32
        %get3A_916 = arith.index_cast %add3A_915 : i32 to index
        %get3A_917 = arith.constant 0 : index
        %get3A_918 = tpu.vector_load %arg13[%get3A_916, %get3A_917] {strides = array<i32>} : memref<128x128xf32, #tpu.memory_space<vmem>>, vector<1x16xf32>,
        %get3A_919 = vector.shape_cast %get3A_918 : vector<1x16xf32> to vector<16xf32>
        %mul3A_920 = vector.broadcast %squeeze3A_911 : f32 to vector<16xf32>
        %mul3A_921 = arith.mulf %get3A_919, %mul3A_920 : vector<16xf32>
        %swap3A_922 = arith.index_cast %add3A_915 : i32 to index
        %swap3A_923 = arith.constant 0 : index
        %swap3A_924 = tpu.vector_load %arg13[%swap3A_922, %swap3A_923] {strides = array<i32>} : memref<128x128xf32, #tpu.memory_space<vmem>>, vector<1x16xf32>,
        %swap3A_925 = vector.shape_cast %swap3A_924 : vector<1x16xf32> to vector<16xf32>
        %swap3A_926 = vector.shape_cast %mul3A_921 : vector<16xf32> to vector<1x16xf32>
        tpu.vector_store %arg13[%swap3A_922, %swap3A_923], %swap3A_926 {strides = array<i32>} : memref<128x128xf32, #tpu.memory_space<vmem>>, vector<1x16xf32>,
        %get3A_927 = arith.index_cast %add3A_915 : i32 to index
        %get3A_928 = arith.constant 16 : index
        %get3A_929 = tpu.vector_load %arg13[%get3A_927, %get3A_928] {strides = array<i32>} : memref<128x128xf32, #tpu.memory_space<vmem>>, vector<1x16xf32>,
        %get3A_930 = vector.shape_cast %get3A_929 : vector<1x16xf32> to vector<16xf32>
        %mul3A_931 = vector.broadcast %squeeze3A_911 : f32 to vector<16xf32>
        %mul3A_932 = arith.mulf %get3A_930, %mul3A_931 : vector<16xf32>
        %swap3A_933 = arith.index_cast %add3A_915 : i32 to index
        %swap3A_934 = arith.constant 16 : index
        %swap3A_935 = tpu.vector_load %arg13[%swap3A_933, %swap3A_934] {strides = array<i32>} : memref<128x128xf32, #tpu.memory_space<vmem>>, vector<1x16xf32>,
        %swap3A_936 = vector.shape_cast %swap3A_935 : vector<1x16xf32> to vector<16xf32>
        %swap3A_937 = vector.shape_cast %mul3A_932 : vector<16xf32> to vector<1x16xf32>
        tpu.vector_store %arg13[%swap3A_933, %swap3A_934], %swap3A_937 {strides = array<i32>} : memref<128x128xf32, #tpu.memory_space<vmem>>, vector<1x16xf32>,
        %get3A_938 = arith.index_cast %add3A_915 : i32 to index
        %get3A_939 = arith.constant 32 : index
        %get3A_940 = tpu.vector_load %arg13[%get3A_938, %get3A_939] {strides = array<i32>} : memref<128x128xf32, #tpu.memory_space<vmem>>, vector<1x16xf32>,
        %get3A_941 = vector.shape_cast %get3A_940 : vector<1x16xf32> to vector<16xf32>
        %mul3A_942 = vector.broadcast %squeeze3A_911 : f32 to vector<16xf32>
        %mul3A_943 = arith.mulf %get3A_941, %mul3A_942 : vector<16xf32>
        %swap3A_944 = arith.index_cast %add3A_915 : i32 to index
        %swap3A_945 = arith.constant 32 : index
        %swap3A_946 = tpu.vector_load %arg13[%swap3A_944, %swap3A_945] {strides = array<i32>} : memref<128x128xf32, #tpu.memory_space<vmem>>, vector<1x16xf32>,
        %swap3A_947 = vector.shape_cast %swap3A_946 : vector<1x16xf32> to vector<16xf32>
        %swap3A_948 = vector.shape_cast %mul3A_943 : vector<16xf32> to vector<1x16xf32>
        tpu.vector_store %arg13[%swap3A_944, %swap3A_945], %swap3A_948 {strides = array<i32>} : memref<128x128xf32, #tpu.memory_space<vmem>>, vector<1x16xf32>,
        %get3A_949 = arith.index_cast %add3A_915 : i32 to index
        %get3A_950 = arith.constant 48 : index
        %get3A_951 = tpu.vector_load %arg13[%get3A_949, %get3A_950] {strides = array<i32>} : memref<128x128xf32, #tpu.memory_space<vmem>>, vector<1x16xf32>,
        %get3A_952 = vector.shape_cast %get3A_951 : vector<1x16xf32> to vector<16xf32>
        %mul3A_953 = vector.broadcast %squeeze3A_911 : f32 to vector<16xf32>
        %mul3A_954 = arith.mulf %get3A_952, %mul3A_953 : vector<16xf32>
        %swap3A_955 = arith.index_cast %add3A_915 : i32 to index
        %swap3A_956 = arith.constant 48 : index
        %swap3A_957 = tpu.vector_load %arg13[%swap3A_955, %swap3A_956] {strides = array<i32>} : memref<128x128xf32, #tpu.memory_space<vmem>>, vector<1x16xf32>,
        %swap3A_958 = vector.shape_cast %swap3A_957 : vector<1x16xf32> to vector<16xf32>
        %swap3A_959 = vector.shape_cast %mul3A_954 : vector<16xf32> to vector<1x16xf32>
        tpu.vector_store %arg13[%swap3A_955, %swap3A_956], %swap3A_959 {strides = array<i32>} : memref<128x128xf32, #tpu.memory_space<vmem>>, vector<1x16xf32>,
        %get3A_960 = arith.index_cast %add3A_915 : i32 to index
        %get3A_961 = arith.constant 64 : index
        %get3A_962 = tpu.vector_load %arg13[%get3A_960, %get3A_961] {strides = array<i32>} : memref<128x128xf32, #tpu.memory_space<vmem>>, vector<1x16xf32>,
        %get3A_963 = vector.shape_cast %get3A_962 : vector<1x16xf32> to vector<16xf32>
        %mul3A_964 = vector.broadcast %squeeze3A_911 : f32 to vector<16xf32>
        %mul3A_965 = arith.mulf %get3A_963, %mul3A_964 : vector<16xf32>
        %swap3A_966 = arith.index_cast %add3A_915 : i32 to index
        %swap3A_967 = arith.constant 64 : index
        %swap3A_968 = tpu.vector_load %arg13[%swap3A_966, %swap3A_967] {strides = array<i32>} : memref<128x128xf32, #tpu.memory_space<vmem>>, vector<1x16xf32>,
        %swap3A_969 = vector.shape_cast %swap3A_968 : vector<1x16xf32> to vector<16xf32>
        %swap3A_970 = vector.shape_cast %mul3A_965 : vector<16xf32> to vector<1x16xf32>
        tpu.vector_store %arg13[%swap3A_966, %swap3A_967], %swap3A_970 {strides = array<i32>} : memref<128x128xf32, #tpu.memory_space<vmem>>, vector<1x16xf32>,
        %get3A_971 = arith.index_cast %add3A_915 : i32 to index
        %get3A_972 = arith.constant 80 : index
        %get3A_973 = tpu.vector_load %arg13[%get3A_971, %get3A_972] {strides = array<i32>} : memref<128x128xf32, #tpu.memory_space<vmem>>, vector<1x16xf32>,
        %get3A_974 = vector.shape_cast %get3A_973 : vector<1x16xf32> to vector<16xf32>
        %mul3A_975 = vector.broadcast %squeeze3A_911 : f32 to vector<16xf32>
        %mul3A_976 = arith.mulf %get3A_974, %mul3A_975 : vector<16xf32>
        %swap3A_977 = arith.index_cast %add3A_915 : i32 to index
        %swap3A_978 = arith.constant 80 : index
        %swap3A_979 = tpu.vector_load %arg13[%swap3A_977, %swap3A_978] {strides = array<i32>} : memref<128x128xf32, #tpu.memory_space<vmem>>, vector<1x16xf32>,
        %swap3A_980 = vector.shape_cast %swap3A_979 : vector<1x16xf32> to vector<16xf32>
        %swap3A_981 = vector.shape_cast %mul3A_976 : vector<16xf32> to vector<1x16xf32>
        tpu.vector_store %arg13[%swap3A_977, %swap3A_978], %swap3A_981 {strides = array<i32>} : memref<128x128xf32, #tpu.memory_space<vmem>>, vector<1x16xf32>,
        %get3A_982 = arith.index_cast %add3A_915 : i32 to index
        %get3A_983 = arith.constant 96 : index
        %get3A_984 = tpu.vector_load %arg13[%get3A_982, %get3A_983] {strides = array<i32>} : memref<128x128xf32, #tpu.memory_space<vmem>>, vector<1x16xf32>,
        %get3A_985 = vector.shape_cast %get3A_984 : vector<1x16xf32> to vector<16xf32>
        %mul3A_986 = vector.broadcast %squeeze3A_911 : f32 to vector<16xf32>
        %mul3A_987 = arith.mulf %get3A_985, %mul3A_986 : vector<16xf32>
        %swap3A_988 = arith.index_cast %add3A_915 : i32 to index
        %swap3A_989 = arith.constant 96 : index
        %swap3A_990 = tpu.vector_load %arg13[%swap3A_988, %swap3A_989] {strides = array<i32>} : memref<128x128xf32, #tpu.memory_space<vmem>>, vector<1x16xf32>,
        %swap3A_991 = vector.shape_cast %swap3A_990 : vector<1x16xf32> to vector<16xf32>
        %swap3A_992 = vector.shape_cast %mul3A_987 : vector<16xf32> to vector<1x16xf32>
        tpu.vector_store %arg13[%swap3A_988, %swap3A_989], %swap3A_992 {strides = array<i32>} : memref<128x128xf32, #tpu.memory_space<vmem>>, vector<1x16xf32>,
        %get3A_993 = arith.index_cast %add3A_915 : i32 to index
        %get3A_994 = arith.constant 112 : index
        %get3A_995 = tpu.vector_load %arg13[%get3A_993, %get3A_994] {strides = array<i32>} : memref<128x128xf32, #tpu.memory_space<vmem>>, vector<1x16xf32>,
        %get3A_996 = vector.shape_cast %get3A_995 : vector<1x16xf32> to vector<16xf32>
        %mul3A_997 = vector.broadcast %squeeze3A_911 : f32 to vector<16xf32>
        %mul3A_998 = arith.mulf %get3A_996, %mul3A_997 : vector<16xf32>
        %swap3A_999 = arith.index_cast %add3A_915 : i32 to index
        %swap3A_1000 = arith.constant 112 : index
        %swap3A_1001 = tpu.vector_load %arg13[%swap3A_999, %swap3A_1000] {strides = array<i32>} : memref<128x128xf32, #tpu.memory_space<vmem>>, vector<1x16xf32>,
        %swap3A_1002 = vector.shape_cast %swap3A_1001 : vector<1x16xf32> to vector<16xf32>
        %swap3A_1003 = vector.shape_cast %mul3A_998 : vector<16xf32> to vector<1x16xf32>
        tpu.vector_store %arg13[%swap3A_999, %swap3A_1000], %swap3A_1003 {strides = array<i32>} : memref<128x128xf32, #tpu.memory_space<vmem>>, vector<1x16xf32>,
        %slice3A_1004 = vector.extract_strided_slice %get3A_253 {offsets = [8], sizes = [1], strides = [1]} : vector<16xf32> to vector<1xf32>
        %squeeze3A_1005 = vector.extract %slice3A_1004[0] : f32 from vector<1xf32>
        %mul3A_1006 = arith.constant 16 : i32
        %mul3A_1007 = arith.muli %scan3A_247, %mul3A_1006 : i32
        %add3A_1008 = arith.constant 8 : i32
        %add3A_1009 = arith.addi %mul3A_1007, %add3A_1008 : i32
        %get3A_1010 = arith.index_cast %add3A_1009 : i32 to index
        %get3A_1011 = arith.constant 0 : index
        %get3A_1012 = tpu.vector_load %arg13[%get3A_1010, %get3A_1011] {strides = array<i32>} : memref<128x128xf32, #tpu.memory_space<vmem>>, vector<1x16xf32>,
        %get3A_1013 = vector.shape_cast %get3A_1012 : vector<1x16xf32> to vector<16xf32>
        %mul3A_1014 = vector.broadcast %squeeze3A_1005 : f32 to vector<16xf32>
        %mul3A_1015 = arith.mulf %get3A_1013, %mul3A_1014 : vector<16xf32>
        %swap3A_1016 = arith.index_cast %add3A_1009 : i32 to index
        %swap3A_1017 = arith.constant 0 : index
        %swap3A_1018 = tpu.vector_load %arg13[%swap3A_1016, %swap3A_1017] {strides = array<i32>} : memref<128x128xf32, #tpu.memory_space<vmem>>, vector<1x16xf32>,
        %swap3A_1019 = vector.shape_cast %swap3A_1018 : vector<1x16xf32> to vector<16xf32>
        %swap3A_1020 = vector.shape_cast %mul3A_1015 : vector<16xf32> to vector<1x16xf32>
        tpu.vector_store %arg13[%swap3A_1016, %swap3A_1017], %swap3A_1020 {strides = array<i32>} : memref<128x128xf32, #tpu.memory_space<vmem>>, vector<1x16xf32>,
        %get3A_1021 = arith.index_cast %add3A_1009 : i32 to index
        %get3A_1022 = arith.constant 16 : index
        %get3A_1023 = tpu.vector_load %arg13[%get3A_1021, %get3A_1022] {strides = array<i32>} : memref<128x128xf32, #tpu.memory_space<vmem>>, vector<1x16xf32>,
        %get3A_1024 = vector.shape_cast %get3A_1023 : vector<1x16xf32> to vector<16xf32>
        %mul3A_1025 = vector.broadcast %squeeze3A_1005 : f32 to vector<16xf32>
        %mul3A_1026 = arith.mulf %get3A_1024, %mul3A_1025 : vector<16xf32>
        %swap3A_1027 = arith.index_cast %add3A_1009 : i32 to index
        %swap3A_1028 = arith.constant 16 : index
        %swap3A_1029 = tpu.vector_load %arg13[%swap3A_1027, %swap3A_1028] {strides = array<i32>} : memref<128x128xf32, #tpu.memory_space<vmem>>, vector<1x16xf32>,
        %swap3A_1030 = vector.shape_cast %swap3A_1029 : vector<1x16xf32> to vector<16xf32>
        %swap3A_1031 = vector.shape_cast %mul3A_1026 : vector<16xf32> to vector<1x16xf32>
        tpu.vector_store %arg13[%swap3A_1027, %swap3A_1028], %swap3A_1031 {strides = array<i32>} : memref<128x128xf32, #tpu.memory_space<vmem>>, vector<1x16xf32>,
        %get3A_1032 = arith.index_cast %add3A_1009 : i32 to index
        %get3A_1033 = arith.constant 32 : index
        %get3A_1034 = tpu.vector_load %arg13[%get3A_1032, %get3A_1033] {strides = array<i32>} : memref<128x128xf32, #tpu.memory_space<vmem>>, vector<1x16xf32>,
        %get3A_1035 = vector.shape_cast %get3A_1034 : vector<1x16xf32> to vector<16xf32>
        %mul3A_1036 = vector.broadcast %squeeze3A_1005 : f32 to vector<16xf32>
        %mul3A_1037 = arith.mulf %get3A_1035, %mul3A_1036 : vector<16xf32>
        %swap3A_1038 = arith.index_cast %add3A_1009 : i32 to index
        %swap3A_1039 = arith.constant 32 : index
        %swap3A_1040 = tpu.vector_load %arg13[%swap3A_1038, %swap3A_1039] {strides = array<i32>} : memref<128x128xf32, #tpu.memory_space<vmem>>, vector<1x16xf32>,
        %swap3A_1041 = vector.shape_cast %swap3A_1040 : vector<1x16xf32> to vector<16xf32>
        %swap3A_1042 = vector.shape_cast %mul3A_1037 : vector<16xf32> to vector<1x16xf32>
        tpu.vector_store %arg13[%swap3A_1038, %swap3A_1039], %swap3A_1042 {strides = array<i32>} : memref<128x128xf32, #tpu.memory_space<vmem>>, vector<1x16xf32>,
        %get3A_1043 = arith.index_cast %add3A_1009 : i32 to index
        %get3A_1044 = arith.constant 48 : index
        %get3A_1045 = tpu.vector_load %arg13[%get3A_1043, %get3A_1044] {strides = array<i32>} : memref<128x128xf32, #tpu.memory_space<vmem>>, vector<1x16xf32>,
        %get3A_1046 = vector.shape_cast %get3A_1045 : vector<1x16xf32> to vector<16xf32>
        %mul3A_1047 = vector.broadcast %squeeze3A_1005 : f32 to vector<16xf32>
        %mul3A_1048 = arith.mulf %get3A_1046, %mul3A_1047 : vector<16xf32>
        %swap3A_1049 = arith.index_cast %add3A_1009 : i32 to index
        %swap3A_1050 = arith.constant 48 : index
        %swap3A_1051 = tpu.vector_load %arg13[%swap3A_1049, %swap3A_1050] {strides = array<i32>} : memref<128x128xf32, #tpu.memory_space<vmem>>, vector<1x16xf32>,
        %swap3A_1052 = vector.shape_cast %swap3A_1051 : vector<1x16xf32> to vector<16xf32>
        %swap3A_1053 = vector.shape_cast %mul3A_1048 : vector<16xf32> to vector<1x16xf32>
        tpu.vector_store %arg13[%swap3A_1049, %swap3A_1050], %swap3A_1053 {strides = array<i32>} : memref<128x128xf32, #tpu.memory_space<vmem>>, vector<1x16xf32>,
        %get3A_1054 = arith.index_cast %add3A_1009 : i32 to index
        %get3A_1055 = arith.constant 64 : index
        %get3A_1056 = tpu.vector_load %arg13[%get3A_1054, %get3A_1055] {strides = array<i32>} : memref<128x128xf32, #tpu.memory_space<vmem>>, vector<1x16xf32>,
        %get3A_1057 = vector.shape_cast %get3A_1056 : vector<1x16xf32> to vector<16xf32>
        %mul3A_1058 = vector.broadcast %squeeze3A_1005 : f32 to vector<16xf32>
        %mul3A_1059 = arith.mulf %get3A_1057, %mul3A_1058 : vector<16xf32>
        %swap3A_1060 = arith.index_cast %add3A_1009 : i32 to index
        %swap3A_1061 = arith.constant 64 : index
        %swap3A_1062 = tpu.vector_load %arg13[%swap3A_1060, %swap3A_1061] {strides = array<i32>} : memref<128x128xf32, #tpu.memory_space<vmem>>, vector<1x16xf32>,
        %swap3A_1063 = vector.shape_cast %swap3A_1062 : vector<1x16xf32> to vector<16xf32>
        %swap3A_1064 = vector.shape_cast %mul3A_1059 : vector<16xf32> to vector<1x16xf32>
        tpu.vector_store %arg13[%swap3A_1060, %swap3A_1061], %swap3A_1064 {strides = array<i32>} : memref<128x128xf32, #tpu.memory_space<vmem>>, vector<1x16xf32>,
        %get3A_1065 = arith.index_cast %add3A_1009 : i32 to index
        %get3A_1066 = arith.constant 80 : index
        %get3A_1067 = tpu.vector_load %arg13[%get3A_1065, %get3A_1066] {strides = array<i32>} : memref<128x128xf32, #tpu.memory_space<vmem>>, vector<1x16xf32>,
        %get3A_1068 = vector.shape_cast %get3A_1067 : vector<1x16xf32> to vector<16xf32>
        %mul3A_1069 = vector.broadcast %squeeze3A_1005 : f32 to vector<16xf32>
        %mul3A_1070 = arith.mulf %get3A_1068, %mul3A_1069 : vector<16xf32>
        %swap3A_1071 = arith.index_cast %add3A_1009 : i32 to index
        %swap3A_1072 = arith.constant 80 : index
        %swap3A_1073 = tpu.vector_load %arg13[%swap3A_1071, %swap3A_1072] {strides = array<i32>} : memref<128x128xf32, #tpu.memory_space<vmem>>, vector<1x16xf32>,
        %swap3A_1074 = vector.shape_cast %swap3A_1073 : vector<1x16xf32> to vector<16xf32>
        %swap3A_1075 = vector.shape_cast %mul3A_1070 : vector<16xf32> to vector<1x16xf32>
        tpu.vector_store %arg13[%swap3A_1071, %swap3A_1072], %swap3A_1075 {strides = array<i32>} : memref<128x128xf32, #tpu.memory_space<vmem>>, vector<1x16xf32>,
        %get3A_1076 = arith.index_cast %add3A_1009 : i32 to index
        %get3A_1077 = arith.constant 96 : index
        %get3A_1078 = tpu.vector_load %arg13[%get3A_1076, %get3A_1077] {strides = array<i32>} : memref<128x128xf32, #tpu.memory_space<vmem>>, vector<1x16xf32>,
        %get3A_1079 = vector.shape_cast %get3A_1078 : vector<1x16xf32> to vector<16xf32>
        %mul3A_1080 = vector.broadcast %squeeze3A_1005 : f32 to vector<16xf32>
        %mul3A_1081 = arith.mulf %get3A_1079, %mul3A_1080 : vector<16xf32>
        %swap3A_1082 = arith.index_cast %add3A_1009 : i32 to index
        %swap3A_1083 = arith.constant 96 : index
        %swap3A_1084 = tpu.vector_load %arg13[%swap3A_1082, %swap3A_1083] {strides = array<i32>} : memref<128x128xf32, #tpu.memory_space<vmem>>, vector<1x16xf32>,
        %swap3A_1085 = vector.shape_cast %swap3A_1084 : vector<1x16xf32> to vector<16xf32>
        %swap3A_1086 = vector.shape_cast %mul3A_1081 : vector<16xf32> to vector<1x16xf32>
        tpu.vector_store %arg13[%swap3A_1082, %swap3A_1083], %swap3A_1086 {strides = array<i32>} : memref<128x128xf32, #tpu.memory_space<vmem>>, vector<1x16xf32>,
        %get3A_1087 = arith.index_cast %add3A_1009 : i32 to index
        %get3A_1088 = arith.constant 112 : index
        %get3A_1089 = tpu.vector_load %arg13[%get3A_1087, %get3A_1088] {strides = array<i32>} : memref<128x128xf32, #tpu.memory_space<vmem>>, vector<1x16xf32>,
        %get3A_1090 = vector.shape_cast %get3A_1089 : vector<1x16xf32> to vector<16xf32>
        %mul3A_1091 = vector.broadcast %squeeze3A_1005 : f32 to vector<16xf32>
        %mul3A_1092 = arith.mulf %get3A_1090, %mul3A_1091 : vector<16xf32>
        %swap3A_1093 = arith.index_cast %add3A_1009 : i32 to index
        %swap3A_1094 = arith.constant 112 : index
        %swap3A_1095 = tpu.vector_load %arg13[%swap3A_1093, %swap3A_1094] {strides = array<i32>} : memref<128x128xf32, #tpu.memory_space<vmem>>, vector<1x16xf32>,
        %swap3A_1096 = vector.shape_cast %swap3A_1095 : vector<1x16xf32> to vector<16xf32>
        %swap3A_1097 = vector.shape_cast %mul3A_1092 : vector<16xf32> to vector<1x16xf32>
        tpu.vector_store %arg13[%swap3A_1093, %swap3A_1094], %swap3A_1097 {strides = array<i32>} : memref<128x128xf32, #tpu.memory_space<vmem>>, vector<1x16xf32>,
        %slice3A_1098 = vector.extract_strided_slice %get3A_253 {offsets = [9], sizes = [1], strides = [1]} : vector<16xf32> to vector<1xf32>
        %squeeze3A_1099 = vector.extract %slice3A_1098[0] : f32 from vector<1xf32>
        %mul3A_1100 = arith.constant 16 : i32
        %mul3A_1101 = arith.muli %scan3A_247, %mul3A_1100 : i32
        %add3A_1102 = arith.constant 9 : i32
        %add3A_1103 = arith.addi %mul3A_1101, %add3A_1102 : i32
        %get3A_1104 = arith.index_cast %add3A_1103 : i32 to index
        %get3A_1105 = arith.constant 0 : index
        %get3A_1106 = tpu.vector_load %arg13[%get3A_1104, %get3A_1105] {strides = array<i32>} : memref<128x128xf32, #tpu.memory_space<vmem>>, vector<1x16xf32>,
        %get3A_1107 = vector.shape_cast %get3A_1106 : vector<1x16xf32> to vector<16xf32>
        %mul3A_1108 = vector.broadcast %squeeze3A_1099 : f32 to vector<16xf32>
        %mul3A_1109 = arith.mulf %get3A_1107, %mul3A_1108 : vector<16xf32>
        %swap3A_1110 = arith.index_cast %add3A_1103 : i32 to index
        %swap3A_1111 = arith.constant 0 : index
        %swap3A_1112 = tpu.vector_load %arg13[%swap3A_1110, %swap3A_1111] {strides = array<i32>} : memref<128x128xf32, #tpu.memory_space<vmem>>, vector<1x16xf32>,
        %swap3A_1113 = vector.shape_cast %swap3A_1112 : vector<1x16xf32> to vector<16xf32>
        %swap3A_1114 = vector.shape_cast %mul3A_1109 : vector<16xf32> to vector<1x16xf32>
        tpu.vector_store %arg13[%swap3A_1110, %swap3A_1111], %swap3A_1114 {strides = array<i32>} : memref<128x128xf32, #tpu.memory_space<vmem>>, vector<1x16xf32>,
        %get3A_1115 = arith.index_cast %add3A_1103 : i32 to index
        %get3A_1116 = arith.constant 16 : index
        %get3A_1117 = tpu.vector_load %arg13[%get3A_1115, %get3A_1116] {strides = array<i32>} : memref<128x128xf32, #tpu.memory_space<vmem>>, vector<1x16xf32>,
        %get3A_1118 = vector.shape_cast %get3A_1117 : vector<1x16xf32> to vector<16xf32>
        %mul3A_1119 = vector.broadcast %squeeze3A_1099 : f32 to vector<16xf32>
        %mul3A_1120 = arith.mulf %get3A_1118, %mul3A_1119 : vector<16xf32>
        %swap3A_1121 = arith.index_cast %add3A_1103 : i32 to index
        %swap3A_1122 = arith.constant 16 : index
        %swap3A_1123 = tpu.vector_load %arg13[%swap3A_1121, %swap3A_1122] {strides = array<i32>} : memref<128x128xf32, #tpu.memory_space<vmem>>, vector<1x16xf32>,
        %swap3A_1124 = vector.shape_cast %swap3A_1123 : vector<1x16xf32> to vector<16xf32>
        %swap3A_1125 = vector.shape_cast %mul3A_1120 : vector<16xf32> to vector<1x16xf32>
        tpu.vector_store %arg13[%swap3A_1121, %swap3A_1122], %swap3A_1125 {strides = array<i32>} : memref<128x128xf32, #tpu.memory_space<vmem>>, vector<1x16xf32>,
        %get3A_1126 = arith.index_cast %add3A_1103 : i32 to index
        %get3A_1127 = arith.constant 32 : index
        %get3A_1128 = tpu.vector_load %arg13[%get3A_1126, %get3A_1127] {strides = array<i32>} : memref<128x128xf32, #tpu.memory_space<vmem>>, vector<1x16xf32>,
        %get3A_1129 = vector.shape_cast %get3A_1128 : vector<1x16xf32> to vector<16xf32>
        %mul3A_1130 = vector.broadcast %squeeze3A_1099 : f32 to vector<16xf32>
        %mul3A_1131 = arith.mulf %get3A_1129, %mul3A_1130 : vector<16xf32>
        %swap3A_1132 = arith.index_cast %add3A_1103 : i32 to index
        %swap3A_1133 = arith.constant 32 : index
        %swap3A_1134 = tpu.vector_load %arg13[%swap3A_1132, %swap3A_1133] {strides = array<i32>} : memref<128x128xf32, #tpu.memory_space<vmem>>, vector<1x16xf32>,
        %swap3A_1135 = vector.shape_cast %swap3A_1134 : vector<1x16xf32> to vector<16xf32>
        %swap3A_1136 = vector.shape_cast %mul3A_1131 : vector<16xf32> to vector<1x16xf32>
        tpu.vector_store %arg13[%swap3A_1132, %swap3A_1133], %swap3A_1136 {strides = array<i32>} : memref<128x128xf32, #tpu.memory_space<vmem>>, vector<1x16xf32>,
        %get3A_1137 = arith.index_cast %add3A_1103 : i32 to index
        %get3A_1138 = arith.constant 48 : index
        %get3A_1139 = tpu.vector_load %arg13[%get3A_1137, %get3A_1138] {strides = array<i32>} : memref<128x128xf32, #tpu.memory_space<vmem>>, vector<1x16xf32>,
        %get3A_1140 = vector.shape_cast %get3A_1139 : vector<1x16xf32> to vector<16xf32>
        %mul3A_1141 = vector.broadcast %squeeze3A_1099 : f32 to vector<16xf32>
        %mul3A_1142 = arith.mulf %get3A_1140, %mul3A_1141 : vector<16xf32>
        %swap3A_1143 = arith.index_cast %add3A_1103 : i32 to index
        %swap3A_1144 = arith.constant 48 : index
        %swap3A_1145 = tpu.vector_load %arg13[%swap3A_1143, %swap3A_1144] {strides = array<i32>} : memref<128x128xf32, #tpu.memory_space<vmem>>, vector<1x16xf32>,
        %swap3A_1146 = vector.shape_cast %swap3A_1145 : vector<1x16xf32> to vector<16xf32>
        %swap3A_1147 = vector.shape_cast %mul3A_1142 : vector<16xf32> to vector<1x16xf32>
        tpu.vector_store %arg13[%swap3A_1143, %swap3A_1144], %swap3A_1147 {strides = array<i32>} : memref<128x128xf32, #tpu.memory_space<vmem>>, vector<1x16xf32>,
        %get3A_1148 = arith.index_cast %add3A_1103 : i32 to index
        %get3A_1149 = arith.constant 64 : index
        %get3A_1150 = tpu.vector_load %arg13[%get3A_1148, %get3A_1149] {strides = array<i32>} : memref<128x128xf32, #tpu.memory_space<vmem>>, vector<1x16xf32>,
        %get3A_1151 = vector.shape_cast %get3A_1150 : vector<1x16xf32> to vector<16xf32>
        %mul3A_1152 = vector.broadcast %squeeze3A_1099 : f32 to vector<16xf32>
        %mul3A_1153 = arith.mulf %get3A_1151, %mul3A_1152 : vector<16xf32>
        %swap3A_1154 = arith.index_cast %add3A_1103 : i32 to index
        %swap3A_1155 = arith.constant 64 : index
        %swap3A_1156 = tpu.vector_load %arg13[%swap3A_1154, %swap3A_1155] {strides = array<i32>} : memref<128x128xf32, #tpu.memory_space<vmem>>, vector<1x16xf32>,
        %swap3A_1157 = vector.shape_cast %swap3A_1156 : vector<1x16xf32> to vector<16xf32>
        %swap3A_1158 = vector.shape_cast %mul3A_1153 : vector<16xf32> to vector<1x16xf32>
        tpu.vector_store %arg13[%swap3A_1154, %swap3A_1155], %swap3A_1158 {strides = array<i32>} : memref<128x128xf32, #tpu.memory_space<vmem>>, vector<1x16xf32>,
        %get3A_1159 = arith.index_cast %add3A_1103 : i32 to index
        %get3A_1160 = arith.constant 80 : index
        %get3A_1161 = tpu.vector_load %arg13[%get3A_1159, %get3A_1160] {strides = array<i32>} : memref<128x128xf32, #tpu.memory_space<vmem>>, vector<1x16xf32>,
        %get3A_1162 = vector.shape_cast %get3A_1161 : vector<1x16xf32> to vector<16xf32>
        %mul3A_1163 = vector.broadcast %squeeze3A_1099 : f32 to vector<16xf32>
        %mul3A_1164 = arith.mulf %get3A_1162, %mul3A_1163 : vector<16xf32>
        %swap3A_1165 = arith.index_cast %add3A_1103 : i32 to index
        %swap3A_1166 = arith.constant 80 : index
        %swap3A_1167 = tpu.vector_load %arg13[%swap3A_1165, %swap3A_1166] {strides = array<i32>} : memref<128x128xf32, #tpu.memory_space<vmem>>, vector<1x16xf32>,
        %swap3A_1168 = vector.shape_cast %swap3A_1167 : vector<1x16xf32> to vector<16xf32>
        %swap3A_1169 = vector.shape_cast %mul3A_1164 : vector<16xf32> to vector<1x16xf32>
        tpu.vector_store %arg13[%swap3A_1165, %swap3A_1166], %swap3A_1169 {strides = array<i32>} : memref<128x128xf32, #tpu.memory_space<vmem>>, vector<1x16xf32>,
        %get3A_1170 = arith.index_cast %add3A_1103 : i32 to index
        %get3A_1171 = arith.constant 96 : index
        %get3A_1172 = tpu.vector_load %arg13[%get3A_1170, %get3A_1171] {strides = array<i32>} : memref<128x128xf32, #tpu.memory_space<vmem>>, vector<1x16xf32>,
        %get3A_1173 = vector.shape_cast %get3A_1172 : vector<1x16xf32> to vector<16xf32>
        %mul3A_1174 = vector.broadcast %squeeze3A_1099 : f32 to vector<16xf32>
        %mul3A_1175 = arith.mulf %get3A_1173, %mul3A_1174 : vector<16xf32>
        %swap3A_1176 = arith.index_cast %add3A_1103 : i32 to index
        %swap3A_1177 = arith.constant 96 : index
        %swap3A_1178 = tpu.vector_load %arg13[%swap3A_1176, %swap3A_1177] {strides = array<i32>} : memref<128x128xf32, #tpu.memory_space<vmem>>, vector<1x16xf32>,
        %swap3A_1179 = vector.shape_cast %swap3A_1178 : vector<1x16xf32> to vector<16xf32>
        %swap3A_1180 = vector.shape_cast %mul3A_1175 : vector<16xf32> to vector<1x16xf32>
        tpu.vector_store %arg13[%swap3A_1176, %swap3A_1177], %swap3A_1180 {strides = array<i32>} : memref<128x128xf32, #tpu.memory_space<vmem>>, vector<1x16xf32>,
        %get3A_1181 = arith.index_cast %add3A_1103 : i32 to index
        %get3A_1182 = arith.constant 112 : index
        %get3A_1183 = tpu.vector_load %arg13[%get3A_1181, %get3A_1182] {strides = array<i32>} : memref<128x128xf32, #tpu.memory_space<vmem>>, vector<1x16xf32>,
        %get3A_1184 = vector.shape_cast %get3A_1183 : vector<1x16xf32> to vector<16xf32>
        %mul3A_1185 = vector.broadcast %squeeze3A_1099 : f32 to vector<16xf32>
        %mul3A_1186 = arith.mulf %get3A_1184, %mul3A_1185 : vector<16xf32>
        %swap3A_1187 = arith.index_cast %add3A_1103 : i32 to index
        %swap3A_1188 = arith.constant 112 : index
        %swap3A_1189 = tpu.vector_load %arg13[%swap3A_1187, %swap3A_1188] {strides = array<i32>} : memref<128x128xf32, #tpu.memory_space<vmem>>, vector<1x16xf32>,
        %swap3A_1190 = vector.shape_cast %swap3A_1189 : vector<1x16xf32> to vector<16xf32>
        %swap3A_1191 = vector.shape_cast %mul3A_1186 : vector<16xf32> to vector<1x16xf32>
        tpu.vector_store %arg13[%swap3A_1187, %swap3A_1188], %swap3A_1191 {strides = array<i32>} : memref<128x128xf32, #tpu.memory_space<vmem>>, vector<1x16xf32>,
        %slice3A_1192 = vector.extract_strided_slice %get3A_253 {offsets = [10], sizes = [1], strides = [1]} : vector<16xf32> to vector<1xf32>
        %squeeze3A_1193 = vector.extract %slice3A_1192[0] : f32 from vector<1xf32>
        %mul3A_1194 = arith.constant 16 : i32
        %mul3A_1195 = arith.muli %scan3A_247, %mul3A_1194 : i32
        %add3A_1196 = arith.constant 10 : i32
        %add3A_1197 = arith.addi %mul3A_1195, %add3A_1196 : i32
        %get3A_1198 = arith.index_cast %add3A_1197 : i32 to index
        %get3A_1199 = arith.constant 0 : index
        %get3A_1200 = tpu.vector_load %arg13[%get3A_1198, %get3A_1199] {strides = array<i32>} : memref<128x128xf32, #tpu.memory_space<vmem>>, vector<1x16xf32>,
        %get3A_1201 = vector.shape_cast %get3A_1200 : vector<1x16xf32> to vector<16xf32>
        %mul3A_1202 = vector.broadcast %squeeze3A_1193 : f32 to vector<16xf32>
        %mul3A_1203 = arith.mulf %get3A_1201, %mul3A_1202 : vector<16xf32>
        %swap3A_1204 = arith.index_cast %add3A_1197 : i32 to index
        %swap3A_1205 = arith.constant 0 : index
        %swap3A_1206 = tpu.vector_load %arg13[%swap3A_1204, %swap3A_1205] {strides = array<i32>} : memref<128x128xf32, #tpu.memory_space<vmem>>, vector<1x16xf32>,
        %swap3A_1207 = vector.shape_cast %swap3A_1206 : vector<1x16xf32> to vector<16xf32>
        %swap3A_1208 = vector.shape_cast %mul3A_1203 : vector<16xf32> to vector<1x16xf32>
        tpu.vector_store %arg13[%swap3A_1204, %swap3A_1205], %swap3A_1208 {strides = array<i32>} : memref<128x128xf32, #tpu.memory_space<vmem>>, vector<1x16xf32>,
        %get3A_1209 = arith.index_cast %add3A_1197 : i32 to index
        %get3A_1210 = arith.constant 16 : index
        %get3A_1211 = tpu.vector_load %arg13[%get3A_1209, %get3A_1210] {strides = array<i32>} : memref<128x128xf32, #tpu.memory_space<vmem>>, vector<1x16xf32>,
        %get3A_1212 = vector.shape_cast %get3A_1211 : vector<1x16xf32> to vector<16xf32>
        %mul3A_1213 = vector.broadcast %squeeze3A_1193 : f32 to vector<16xf32>
        %mul3A_1214 = arith.mulf %get3A_1212, %mul3A_1213 : vector<16xf32>
        %swap3A_1215 = arith.index_cast %add3A_1197 : i32 to index
        %swap3A_1216 = arith.constant 16 : index
        %swap3A_1217 = tpu.vector_load %arg13[%swap3A_1215, %swap3A_1216] {strides = array<i32>} : memref<128x128xf32, #tpu.memory_space<vmem>>, vector<1x16xf32>,
        %swap3A_1218 = vector.shape_cast %swap3A_1217 : vector<1x16xf32> to vector<16xf32>
        %swap3A_1219 = vector.shape_cast %mul3A_1214 : vector<16xf32> to vector<1x16xf32>
        tpu.vector_store %arg13[%swap3A_1215, %swap3A_1216], %swap3A_1219 {strides = array<i32>} : memref<128x128xf32, #tpu.memory_space<vmem>>, vector<1x16xf32>,
        %get3A_1220 = arith.index_cast %add3A_1197 : i32 to index
        %get3A_1221 = arith.constant 32 : index
        %get3A_1222 = tpu.vector_load %arg13[%get3A_1220, %get3A_1221] {strides = array<i32>} : memref<128x128xf32, #tpu.memory_space<vmem>>, vector<1x16xf32>,
        %get3A_1223 = vector.shape_cast %get3A_1222 : vector<1x16xf32> to vector<16xf32>
        %mul3A_1224 = vector.broadcast %squeeze3A_1193 : f32 to vector<16xf32>
        %mul3A_1225 = arith.mulf %get3A_1223, %mul3A_1224 : vector<16xf32>
        %swap3A_1226 = arith.index_cast %add3A_1197 : i32 to index
        %swap3A_1227 = arith.constant 32 : index
        %swap3A_1228 = tpu.vector_load %arg13[%swap3A_1226, %swap3A_1227] {strides = array<i32>} : memref<128x128xf32, #tpu.memory_space<vmem>>, vector<1x16xf32>,
        %swap3A_1229 = vector.shape_cast %swap3A_1228 : vector<1x16xf32> to vector<16xf32>
        %swap3A_1230 = vector.shape_cast %mul3A_1225 : vector<16xf32> to vector<1x16xf32>
        tpu.vector_store %arg13[%swap3A_1226, %swap3A_1227], %swap3A_1230 {strides = array<i32>} : memref<128x128xf32, #tpu.memory_space<vmem>>, vector<1x16xf32>,
        %get3A_1231 = arith.index_cast %add3A_1197 : i32 to index
        %get3A_1232 = arith.constant 48 : index
        %get3A_1233 = tpu.vector_load %arg13[%get3A_1231, %get3A_1232] {strides = array<i32>} : memref<128x128xf32, #tpu.memory_space<vmem>>, vector<1x16xf32>,
        %get3A_1234 = vector.shape_cast %get3A_1233 : vector<1x16xf32> to vector<16xf32>
        %mul3A_1235 = vector.broadcast %squeeze3A_1193 : f32 to vector<16xf32>
        %mul3A_1236 = arith.mulf %get3A_1234, %mul3A_1235 : vector<16xf32>
        %swap3A_1237 = arith.index_cast %add3A_1197 : i32 to index
        %swap3A_1238 = arith.constant 48 : index
        %swap3A_1239 = tpu.vector_load %arg13[%swap3A_1237, %swap3A_1238] {strides = array<i32>} : memref<128x128xf32, #tpu.memory_space<vmem>>, vector<1x16xf32>,
        %swap3A_1240 = vector.shape_cast %swap3A_1239 : vector<1x16xf32> to vector<16xf32>
        %swap3A_1241 = vector.shape_cast %mul3A_1236 : vector<16xf32> to vector<1x16xf32>
        tpu.vector_store %arg13[%swap3A_1237, %swap3A_1238], %swap3A_1241 {strides = array<i32>} : memref<128x128xf32, #tpu.memory_space<vmem>>, vector<1x16xf32>,
        %get3A_1242 = arith.index_cast %add3A_1197 : i32 to index
        %get3A_1243 = arith.constant 64 : index
        %get3A_1244 = tpu.vector_load %arg13[%get3A_1242, %get3A_1243] {strides = array<i32>} : memref<128x128xf32, #tpu.memory_space<vmem>>, vector<1x16xf32>,
        %get3A_1245 = vector.shape_cast %get3A_1244 : vector<1x16xf32> to vector<16xf32>
        %mul3A_1246 = vector.broadcast %squeeze3A_1193 : f32 to vector<16xf32>
        %mul3A_1247 = arith.mulf %get3A_1245, %mul3A_1246 : vector<16xf32>
        %swap3A_1248 = arith.index_cast %add3A_1197 : i32 to index
        %swap3A_1249 = arith.constant 64 : index
        %swap3A_1250 = tpu.vector_load %arg13[%swap3A_1248, %swap3A_1249] {strides = array<i32>} : memref<128x128xf32, #tpu.memory_space<vmem>>, vector<1x16xf32>,
        %swap3A_1251 = vector.shape_cast %swap3A_1250 : vector<1x16xf32> to vector<16xf32>
        %swap3A_1252 = vector.shape_cast %mul3A_1247 : vector<16xf32> to vector<1x16xf32>
        tpu.vector_store %arg13[%swap3A_1248, %swap3A_1249], %swap3A_1252 {strides = array<i32>} : memref<128x128xf32, #tpu.memory_space<vmem>>, vector<1x16xf32>,
        %get3A_1253 = arith.index_cast %add3A_1197 : i32 to index
        %get3A_1254 = arith.constant 80 : index
        %get3A_1255 = tpu.vector_load %arg13[%get3A_1253, %get3A_1254] {strides = array<i32>} : memref<128x128xf32, #tpu.memory_space<vmem>>, vector<1x16xf32>,
        %get3A_1256 = vector.shape_cast %get3A_1255 : vector<1x16xf32> to vector<16xf32>
        %mul3A_1257 = vector.broadcast %squeeze3A_1193 : f32 to vector<16xf32>
        %mul3A_1258 = arith.mulf %get3A_1256, %mul3A_1257 : vector<16xf32>
        %swap3A_1259 = arith.index_cast %add3A_1197 : i32 to index
        %swap3A_1260 = arith.constant 80 : index
        %swap3A_1261 = tpu.vector_load %arg13[%swap3A_1259, %swap3A_1260] {strides = array<i32>} : memref<128x128xf32, #tpu.memory_space<vmem>>, vector<1x16xf32>,
        %swap3A_1262 = vector.shape_cast %swap3A_1261 : vector<1x16xf32> to vector<16xf32>
        %swap3A_1263 = vector.shape_cast %mul3A_1258 : vector<16xf32> to vector<1x16xf32>
        tpu.vector_store %arg13[%swap3A_1259, %swap3A_1260], %swap3A_1263 {strides = array<i32>} : memref<128x128xf32, #tpu.memory_space<vmem>>, vector<1x16xf32>,
        %get3A_1264 = arith.index_cast %add3A_1197 : i32 to index
        %get3A_1265 = arith.constant 96 : index
        %get3A_1266 = tpu.vector_load %arg13[%get3A_1264, %get3A_1265] {strides = array<i32>} : memref<128x128xf32, #tpu.memory_space<vmem>>, vector<1x16xf32>,
        %get3A_1267 = vector.shape_cast %get3A_1266 : vector<1x16xf32> to vector<16xf32>
        %mul3A_1268 = vector.broadcast %squeeze3A_1193 : f32 to vector<16xf32>
        %mul3A_1269 = arith.mulf %get3A_1267, %mul3A_1268 : vector<16xf32>
        %swap3A_1270 = arith.index_cast %add3A_1197 : i32 to index
        %swap3A_1271 = arith.constant 96 : index
        %swap3A_1272 = tpu.vector_load %arg13[%swap3A_1270, %swap3A_1271] {strides = array<i32>} : memref<128x128xf32, #tpu.memory_space<vmem>>, vector<1x16xf32>,
        %swap3A_1273 = vector.shape_cast %swap3A_1272 : vector<1x16xf32> to vector<16xf32>
        %swap3A_1274 = vector.shape_cast %mul3A_1269 : vector<16xf32> to vector<1x16xf32>
        tpu.vector_store %arg13[%swap3A_1270, %swap3A_1271], %swap3A_1274 {strides = array<i32>} : memref<128x128xf32, #tpu.memory_space<vmem>>, vector<1x16xf32>,
        %get3A_1275 = arith.index_cast %add3A_1197 : i32 to index
        %get3A_1276 = arith.constant 112 : index
        %get3A_1277 = tpu.vector_load %arg13[%get3A_1275, %get3A_1276] {strides = array<i32>} : memref<128x128xf32, #tpu.memory_space<vmem>>, vector<1x16xf32>,
        %get3A_1278 = vector.shape_cast %get3A_1277 : vector<1x16xf32> to vector<16xf32>
        %mul3A_1279 = vector.broadcast %squeeze3A_1193 : f32 to vector<16xf32>
        %mul3A_1280 = arith.mulf %get3A_1278, %mul3A_1279 : vector<16xf32>
        %swap3A_1281 = arith.index_cast %add3A_1197 : i32 to index
        %swap3A_1282 = arith.constant 112 : index
        %swap3A_1283 = tpu.vector_load %arg13[%swap3A_1281, %swap3A_1282] {strides = array<i32>} : memref<128x128xf32, #tpu.memory_space<vmem>>, vector<1x16xf32>,
        %swap3A_1284 = vector.shape_cast %swap3A_1283 : vector<1x16xf32> to vector<16xf32>
        %swap3A_1285 = vector.shape_cast %mul3A_1280 : vector<16xf32> to vector<1x16xf32>
        tpu.vector_store %arg13[%swap3A_1281, %swap3A_1282], %swap3A_1285 {strides = array<i32>} : memref<128x128xf32, #tpu.memory_space<vmem>>, vector<1x16xf32>,
        %slice3A_1286 = vector.extract_strided_slice %get3A_253 {offsets = [11], sizes = [1], strides = [1]} : vector<16xf32> to vector<1xf32>
        %squeeze3A_1287 = vector.extract %slice3A_1286[0] : f32 from vector<1xf32>
        %mul3A_1288 = arith.constant 16 : i32
        %mul3A_1289 = arith.muli %scan3A_247, %mul3A_1288 : i32
        %add3A_1290 = arith.constant 11 : i32
        %add3A_1291 = arith.addi %mul3A_1289, %add3A_1290 : i32
        %get3A_1292 = arith.index_cast %add3A_1291 : i32 to index
        %get3A_1293 = arith.constant 0 : index
        %get3A_1294 = tpu.vector_load %arg13[%get3A_1292, %get3A_1293] {strides = array<i32>} : memref<128x128xf32, #tpu.memory_space<vmem>>, vector<1x16xf32>,
        %get3A_1295 = vector.shape_cast %get3A_1294 : vector<1x16xf32> to vector<16xf32>
        %mul3A_1296 = vector.broadcast %squeeze3A_1287 : f32 to vector<16xf32>
        %mul3A_1297 = arith.mulf %get3A_1295, %mul3A_1296 : vector<16xf32>
        %swap3A_1298 = arith.index_cast %add3A_1291 : i32 to index
        %swap3A_1299 = arith.constant 0 : index
        %swap3A_1300 = tpu.vector_load %arg13[%swap3A_1298, %swap3A_1299] {strides = array<i32>} : memref<128x128xf32, #tpu.memory_space<vmem>>, vector<1x16xf32>,
        %swap3A_1301 = vector.shape_cast %swap3A_1300 : vector<1x16xf32> to vector<16xf32>
        %swap3A_1302 = vector.shape_cast %mul3A_1297 : vector<16xf32> to vector<1x16xf32>
        tpu.vector_store %arg13[%swap3A_1298, %swap3A_1299], %swap3A_1302 {strides = array<i32>} : memref<128x128xf32, #tpu.memory_space<vmem>>, vector<1x16xf32>,
        %get3A_1303 = arith.index_cast %add3A_1291 : i32 to index
        %get3A_1304 = arith.constant 16 : index
        %get3A_1305 = tpu.vector_load %arg13[%get3A_1303, %get3A_1304] {strides = array<i32>} : memref<128x128xf32, #tpu.memory_space<vmem>>, vector<1x16xf32>,
        %get3A_1306 = vector.shape_cast %get3A_1305 : vector<1x16xf32> to vector<16xf32>
        %mul3A_1307 = vector.broadcast %squeeze3A_1287 : f32 to vector<16xf32>
        %mul3A_1308 = arith.mulf %get3A_1306, %mul3A_1307 : vector<16xf32>
        %swap3A_1309 = arith.index_cast %add3A_1291 : i32 to index
        %swap3A_1310 = arith.constant 16 : index
        %swap3A_1311 = tpu.vector_load %arg13[%swap3A_1309, %swap3A_1310] {strides = array<i32>} : memref<128x128xf32, #tpu.memory_space<vmem>>, vector<1x16xf32>,
        %swap3A_1312 = vector.shape_cast %swap3A_1311 : vector<1x16xf32> to vector<16xf32>
        %swap3A_1313 = vector.shape_cast %mul3A_1308 : vector<16xf32> to vector<1x16xf32>
        tpu.vector_store %arg13[%swap3A_1309, %swap3A_1310], %swap3A_1313 {strides = array<i32>} : memref<128x128xf32, #tpu.memory_space<vmem>>, vector<1x16xf32>,
        %get3A_1314 = arith.index_cast %add3A_1291 : i32 to index
        %get3A_1315 = arith.constant 32 : index
        %get3A_1316 = tpu.vector_load %arg13[%get3A_1314, %get3A_1315] {strides = array<i32>} : memref<128x128xf32, #tpu.memory_space<vmem>>, vector<1x16xf32>,
        %get3A_1317 = vector.shape_cast %get3A_1316 : vector<1x16xf32> to vector<16xf32>
        %mul3A_1318 = vector.broadcast %squeeze3A_1287 : f32 to vector<16xf32>
        %mul3A_1319 = arith.mulf %get3A_1317, %mul3A_1318 : vector<16xf32>
        %swap3A_1320 = arith.index_cast %add3A_1291 : i32 to index
        %swap3A_1321 = arith.constant 32 : index
        %swap3A_1322 = tpu.vector_load %arg13[%swap3A_1320, %swap3A_1321] {strides = array<i32>} : memref<128x128xf32, #tpu.memory_space<vmem>>, vector<1x16xf32>,
        %swap3A_1323 = vector.shape_cast %swap3A_1322 : vector<1x16xf32> to vector<16xf32>
        %swap3A_1324 = vector.shape_cast %mul3A_1319 : vector<16xf32> to vector<1x16xf32>
        tpu.vector_store %arg13[%swap3A_1320, %swap3A_1321], %swap3A_1324 {strides = array<i32>} : memref<128x128xf32, #tpu.memory_space<vmem>>, vector<1x16xf32>,
        %get3A_1325 = arith.index_cast %add3A_1291 : i32 to index
        %get3A_1326 = arith.constant 48 : index
        %get3A_1327 = tpu.vector_load %arg13[%get3A_1325, %get3A_1326] {strides = array<i32>} : memref<128x128xf32, #tpu.memory_space<vmem>>, vector<1x16xf32>,
        %get3A_1328 = vector.shape_cast %get3A_1327 : vector<1x16xf32> to vector<16xf32>
        %mul3A_1329 = vector.broadcast %squeeze3A_1287 : f32 to vector<16xf32>
        %mul3A_1330 = arith.mulf %get3A_1328, %mul3A_1329 : vector<16xf32>
        %swap3A_1331 = arith.index_cast %add3A_1291 : i32 to index
        %swap3A_1332 = arith.constant 48 : index
        %swap3A_1333 = tpu.vector_load %arg13[%swap3A_1331, %swap3A_1332] {strides = array<i32>} : memref<128x128xf32, #tpu.memory_space<vmem>>, vector<1x16xf32>,
        %swap3A_1334 = vector.shape_cast %swap3A_1333 : vector<1x16xf32> to vector<16xf32>
        %swap3A_1335 = vector.shape_cast %mul3A_1330 : vector<16xf32> to vector<1x16xf32>
        tpu.vector_store %arg13[%swap3A_1331, %swap3A_1332], %swap3A_1335 {strides = array<i32>} : memref<128x128xf32, #tpu.memory_space<vmem>>, vector<1x16xf32>,
        %get3A_1336 = arith.index_cast %add3A_1291 : i32 to index
        %get3A_1337 = arith.constant 64 : index
        %get3A_1338 = tpu.vector_load %arg13[%get3A_1336, %get3A_1337] {strides = array<i32>} : memref<128x128xf32, #tpu.memory_space<vmem>>, vector<1x16xf32>,
        %get3A_1339 = vector.shape_cast %get3A_1338 : vector<1x16xf32> to vector<16xf32>
        %mul3A_1340 = vector.broadcast %squeeze3A_1287 : f32 to vector<16xf32>
        %mul3A_1341 = arith.mulf %get3A_1339, %mul3A_1340 : vector<16xf32>
        %swap3A_1342 = arith.index_cast %add3A_1291 : i32 to index
        %swap3A_1343 = arith.constant 64 : index
        %swap3A_1344 = tpu.vector_load %arg13[%swap3A_1342, %swap3A_1343] {strides = array<i32>} : memref<128x128xf32, #tpu.memory_space<vmem>>, vector<1x16xf32>,
        %swap3A_1345 = vector.shape_cast %swap3A_1344 : vector<1x16xf32> to vector<16xf32>
        %swap3A_1346 = vector.shape_cast %mul3A_1341 : vector<16xf32> to vector<1x16xf32>
        tpu.vector_store %arg13[%swap3A_1342, %swap3A_1343], %swap3A_1346 {strides = array<i32>} : memref<128x128xf32, #tpu.memory_space<vmem>>, vector<1x16xf32>,
        %get3A_1347 = arith.index_cast %add3A_1291 : i32 to index
        %get3A_1348 = arith.constant 80 : index
        %get3A_1349 = tpu.vector_load %arg13[%get3A_1347, %get3A_1348] {strides = array<i32>} : memref<128x128xf32, #tpu.memory_space<vmem>>, vector<1x16xf32>,
        %get3A_1350 = vector.shape_cast %get3A_1349 : vector<1x16xf32> to vector<16xf32>
        %mul3A_1351 = vector.broadcast %squeeze3A_1287 : f32 to vector<16xf32>
        %mul3A_1352 = arith.mulf %get3A_1350, %mul3A_1351 : vector<16xf32>
        %swap3A_1353 = arith.index_cast %add3A_1291 : i32 to index
        %swap3A_1354 = arith.constant 80 : index
        %swap3A_1355 = tpu.vector_load %arg13[%swap3A_1353, %swap3A_1354] {strides = array<i32>} : memref<128x128xf32, #tpu.memory_space<vmem>>, vector<1x16xf32>,
        %swap3A_1356 = vector.shape_cast %swap3A_1355 : vector<1x16xf32> to vector<16xf32>
        %swap3A_1357 = vector.shape_cast %mul3A_1352 : vector<16xf32> to vector<1x16xf32>
        tpu.vector_store %arg13[%swap3A_1353, %swap3A_1354], %swap3A_1357 {strides = array<i32>} : memref<128x128xf32, #tpu.memory_space<vmem>>, vector<1x16xf32>,
        %get3A_1358 = arith.index_cast %add3A_1291 : i32 to index
        %get3A_1359 = arith.constant 96 : index
        %get3A_1360 = tpu.vector_load %arg13[%get3A_1358, %get3A_1359] {strides = array<i32>} : memref<128x128xf32, #tpu.memory_space<vmem>>, vector<1x16xf32>,
        %get3A_1361 = vector.shape_cast %get3A_1360 : vector<1x16xf32> to vector<16xf32>
        %mul3A_1362 = vector.broadcast %squeeze3A_1287 : f32 to vector<16xf32>
        %mul3A_1363 = arith.mulf %get3A_1361, %mul3A_1362 : vector<16xf32>
        %swap3A_1364 = arith.index_cast %add3A_1291 : i32 to index
        %swap3A_1365 = arith.constant 96 : index
        %swap3A_1366 = tpu.vector_load %arg13[%swap3A_1364, %swap3A_1365] {strides = array<i32>} : memref<128x128xf32, #tpu.memory_space<vmem>>, vector<1x16xf32>,
        %swap3A_1367 = vector.shape_cast %swap3A_1366 : vector<1x16xf32> to vector<16xf32>
        %swap3A_1368 = vector.shape_cast %mul3A_1363 : vector<16xf32> to vector<1x16xf32>
        tpu.vector_store %arg13[%swap3A_1364, %swap3A_1365], %swap3A_1368 {strides = array<i32>} : memref<128x128xf32, #tpu.memory_space<vmem>>, vector<1x16xf32>,
        %get3A_1369 = arith.index_cast %add3A_1291 : i32 to index
        %get3A_1370 = arith.constant 112 : index
        %get3A_1371 = tpu.vector_load %arg13[%get3A_1369, %get3A_1370] {strides = array<i32>} : memref<128x128xf32, #tpu.memory_space<vmem>>, vector<1x16xf32>,
        %get3A_1372 = vector.shape_cast %get3A_1371 : vector<1x16xf32> to vector<16xf32>
        %mul3A_1373 = vector.broadcast %squeeze3A_1287 : f32 to vector<16xf32>
        %mul3A_1374 = arith.mulf %get3A_1372, %mul3A_1373 : vector<16xf32>
        %swap3A_1375 = arith.index_cast %add3A_1291 : i32 to index
        %swap3A_1376 = arith.constant 112 : index
        %swap3A_1377 = tpu.vector_load %arg13[%swap3A_1375, %swap3A_1376] {strides = array<i32>} : memref<128x128xf32, #tpu.memory_space<vmem>>, vector<1x16xf32>,
        %swap3A_1378 = vector.shape_cast %swap3A_1377 : vector<1x16xf32> to vector<16xf32>
        %swap3A_1379 = vector.shape_cast %mul3A_1374 : vector<16xf32> to vector<1x16xf32>
        tpu.vector_store %arg13[%swap3A_1375, %swap3A_1376], %swap3A_1379 {strides = array<i32>} : memref<128x128xf32, #tpu.memory_space<vmem>>, vector<1x16xf32>,
        %slice3A_1380 = vector.extract_strided_slice %get3A_253 {offsets = [12], sizes = [1], strides = [1]} : vector<16xf32> to vector<1xf32>
        %squeeze3A_1381 = vector.extract %slice3A_1380[0] : f32 from vector<1xf32>
        %mul3A_1382 = arith.constant 16 : i32
        %mul3A_1383 = arith.muli %scan3A_247, %mul3A_1382 : i32
        %add3A_1384 = arith.constant 12 : i32
        %add3A_1385 = arith.addi %mul3A_1383, %add3A_1384 : i32
        %get3A_1386 = arith.index_cast %add3A_1385 : i32 to index
        %get3A_1387 = arith.constant 0 : index
        %get3A_1388 = tpu.vector_load %arg13[%get3A_1386, %get3A_1387] {strides = array<i32>} : memref<128x128xf32, #tpu.memory_space<vmem>>, vector<1x16xf32>,
        %get3A_1389 = vector.shape_cast %get3A_1388 : vector<1x16xf32> to vector<16xf32>
        %mul3A_1390 = vector.broadcast %squeeze3A_1381 : f32 to vector<16xf32>
        %mul3A_1391 = arith.mulf %get3A_1389, %mul3A_1390 : vector<16xf32>
        %swap3A_1392 = arith.index_cast %add3A_1385 : i32 to index
        %swap3A_1393 = arith.constant 0 : index
        %swap3A_1394 = tpu.vector_load %arg13[%swap3A_1392, %swap3A_1393] {strides = array<i32>} : memref<128x128xf32, #tpu.memory_space<vmem>>, vector<1x16xf32>,
        %swap3A_1395 = vector.shape_cast %swap3A_1394 : vector<1x16xf32> to vector<16xf32>
        %swap3A_1396 = vector.shape_cast %mul3A_1391 : vector<16xf32> to vector<1x16xf32>
        tpu.vector_store %arg13[%swap3A_1392, %swap3A_1393], %swap3A_1396 {strides = array<i32>} : memref<128x128xf32, #tpu.memory_space<vmem>>, vector<1x16xf32>,
        %get3A_1397 = arith.index_cast %add3A_1385 : i32 to index
        %get3A_1398 = arith.constant 16 : index
        %get3A_1399 = tpu.vector_load %arg13[%get3A_1397, %get3A_1398] {strides = array<i32>} : memref<128x128xf32, #tpu.memory_space<vmem>>, vector<1x16xf32>,
        %get3A_1400 = vector.shape_cast %get3A_1399 : vector<1x16xf32> to vector<16xf32>
        %mul3A_1401 = vector.broadcast %squeeze3A_1381 : f32 to vector<16xf32>
        %mul3A_1402 = arith.mulf %get3A_1400, %mul3A_1401 : vector<16xf32>
        %swap3A_1403 = arith.index_cast %add3A_1385 : i32 to index
        %swap3A_1404 = arith.constant 16 : index
        %swap3A_1405 = tpu.vector_load %arg13[%swap3A_1403, %swap3A_1404] {strides = array<i32>} : memref<128x128xf32, #tpu.memory_space<vmem>>, vector<1x16xf32>,
        %swap3A_1406 = vector.shape_cast %swap3A_1405 : vector<1x16xf32> to vector<16xf32>
        %swap3A_1407 = vector.shape_cast %mul3A_1402 : vector<16xf32> to vector<1x16xf32>
        tpu.vector_store %arg13[%swap3A_1403, %swap3A_1404], %swap3A_1407 {strides = array<i32>} : memref<128x128xf32, #tpu.memory_space<vmem>>, vector<1x16xf32>,
        %get3A_1408 = arith.index_cast %add3A_1385 : i32 to index
        %get3A_1409 = arith.constant 32 : index
        %get3A_1410 = tpu.vector_load %arg13[%get3A_1408, %get3A_1409] {strides = array<i32>} : memref<128x128xf32, #tpu.memory_space<vmem>>, vector<1x16xf32>,
        %get3A_1411 = vector.shape_cast %get3A_1410 : vector<1x16xf32> to vector<16xf32>
        %mul3A_1412 = vector.broadcast %squeeze3A_1381 : f32 to vector<16xf32>
        %mul3A_1413 = arith.mulf %get3A_1411, %mul3A_1412 : vector<16xf32>
        %swap3A_1414 = arith.index_cast %add3A_1385 : i32 to index
        %swap3A_1415 = arith.constant 32 : index
        %swap3A_1416 = tpu.vector_load %arg13[%swap3A_1414, %swap3A_1415] {strides = array<i32>} : memref<128x128xf32, #tpu.memory_space<vmem>>, vector<1x16xf32>,
        %swap3A_1417 = vector.shape_cast %swap3A_1416 : vector<1x16xf32> to vector<16xf32>
        %swap3A_1418 = vector.shape_cast %mul3A_1413 : vector<16xf32> to vector<1x16xf32>
        tpu.vector_store %arg13[%swap3A_1414, %swap3A_1415], %swap3A_1418 {strides = array<i32>} : memref<128x128xf32, #tpu.memory_space<vmem>>, vector<1x16xf32>,
        %get3A_1419 = arith.index_cast %add3A_1385 : i32 to index
        %get3A_1420 = arith.constant 48 : index
        %get3A_1421 = tpu.vector_load %arg13[%get3A_1419, %get3A_1420] {strides = array<i32>} : memref<128x128xf32, #tpu.memory_space<vmem>>, vector<1x16xf32>,
        %get3A_1422 = vector.shape_cast %get3A_1421 : vector<1x16xf32> to vector<16xf32>
        %mul3A_1423 = vector.broadcast %squeeze3A_1381 : f32 to vector<16xf32>
        %mul3A_1424 = arith.mulf %get3A_1422, %mul3A_1423 : vector<16xf32>
        %swap3A_1425 = arith.index_cast %add3A_1385 : i32 to index
        %swap3A_1426 = arith.constant 48 : index
        %swap3A_1427 = tpu.vector_load %arg13[%swap3A_1425, %swap3A_1426] {strides = array<i32>} : memref<128x128xf32, #tpu.memory_space<vmem>>, vector<1x16xf32>,
        %swap3A_1428 = vector.shape_cast %swap3A_1427 : vector<1x16xf32> to vector<16xf32>
        %swap3A_1429 = vector.shape_cast %mul3A_1424 : vector<16xf32> to vector<1x16xf32>
        tpu.vector_store %arg13[%swap3A_1425, %swap3A_1426], %swap3A_1429 {strides = array<i32>} : memref<128x128xf32, #tpu.memory_space<vmem>>, vector<1x16xf32>,
        %get3A_1430 = arith.index_cast %add3A_1385 : i32 to index
        %get3A_1431 = arith.constant 64 : index
        %get3A_1432 = tpu.vector_load %arg13[%get3A_1430, %get3A_1431] {strides = array<i32>} : memref<128x128xf32, #tpu.memory_space<vmem>>, vector<1x16xf32>,
        %get3A_1433 = vector.shape_cast %get3A_1432 : vector<1x16xf32> to vector<16xf32>
        %mul3A_1434 = vector.broadcast %squeeze3A_1381 : f32 to vector<16xf32>
        %mul3A_1435 = arith.mulf %get3A_1433, %mul3A_1434 : vector<16xf32>
        %swap3A_1436 = arith.index_cast %add3A_1385 : i32 to index
        %swap3A_1437 = arith.constant 64 : index
        %swap3A_1438 = tpu.vector_load %arg13[%swap3A_1436, %swap3A_1437] {strides = array<i32>} : memref<128x128xf32, #tpu.memory_space<vmem>>, vector<1x16xf32>,
        %swap3A_1439 = vector.shape_cast %swap3A_1438 : vector<1x16xf32> to vector<16xf32>
        %swap3A_1440 = vector.shape_cast %mul3A_1435 : vector<16xf32> to vector<1x16xf32>
        tpu.vector_store %arg13[%swap3A_1436, %swap3A_1437], %swap3A_1440 {strides = array<i32>} : memref<128x128xf32, #tpu.memory_space<vmem>>, vector<1x16xf32>,
        %get3A_1441 = arith.index_cast %add3A_1385 : i32 to index
        %get3A_1442 = arith.constant 80 : index
        %get3A_1443 = tpu.vector_load %arg13[%get3A_1441, %get3A_1442] {strides = array<i32>} : memref<128x128xf32, #tpu.memory_space<vmem>>, vector<1x16xf32>,
        %get3A_1444 = vector.shape_cast %get3A_1443 : vector<1x16xf32> to vector<16xf32>
        %mul3A_1445 = vector.broadcast %squeeze3A_1381 : f32 to vector<16xf32>
        %mul3A_1446 = arith.mulf %get3A_1444, %mul3A_1445 : vector<16xf32>
        %swap3A_1447 = arith.index_cast %add3A_1385 : i32 to index
        %swap3A_1448 = arith.constant 80 : index
        %swap3A_1449 = tpu.vector_load %arg13[%swap3A_1447, %swap3A_1448] {strides = array<i32>} : memref<128x128xf32, #tpu.memory_space<vmem>>, vector<1x16xf32>,
        %swap3A_1450 = vector.shape_cast %swap3A_1449 : vector<1x16xf32> to vector<16xf32>
        %swap3A_1451 = vector.shape_cast %mul3A_1446 : vector<16xf32> to vector<1x16xf32>
        tpu.vector_store %arg13[%swap3A_1447, %swap3A_1448], %swap3A_1451 {strides = array<i32>} : memref<128x128xf32, #tpu.memory_space<vmem>>, vector<1x16xf32>,
        %get3A_1452 = arith.index_cast %add3A_1385 : i32 to index
        %get3A_1453 = arith.constant 96 : index
        %get3A_1454 = tpu.vector_load %arg13[%get3A_1452, %get3A_1453] {strides = array<i32>} : memref<128x128xf32, #tpu.memory_space<vmem>>, vector<1x16xf32>,
        %get3A_1455 = vector.shape_cast %get3A_1454 : vector<1x16xf32> to vector<16xf32>
        %mul3A_1456 = vector.broadcast %squeeze3A_1381 : f32 to vector<16xf32>
        %mul3A_1457 = arith.mulf %get3A_1455, %mul3A_1456 : vector<16xf32>
        %swap3A_1458 = arith.index_cast %add3A_1385 : i32 to index
        %swap3A_1459 = arith.constant 96 : index
        %swap3A_1460 = tpu.vector_load %arg13[%swap3A_1458, %swap3A_1459] {strides = array<i32>} : memref<128x128xf32, #tpu.memory_space<vmem>>, vector<1x16xf32>,
        %swap3A_1461 = vector.shape_cast %swap3A_1460 : vector<1x16xf32> to vector<16xf32>
        %swap3A_1462 = vector.shape_cast %mul3A_1457 : vector<16xf32> to vector<1x16xf32>
        tpu.vector_store %arg13[%swap3A_1458, %swap3A_1459], %swap3A_1462 {strides = array<i32>} : memref<128x128xf32, #tpu.memory_space<vmem>>, vector<1x16xf32>,
        %get3A_1463 = arith.index_cast %add3A_1385 : i32 to index
        %get3A_1464 = arith.constant 112 : index
        %get3A_1465 = tpu.vector_load %arg13[%get3A_1463, %get3A_1464] {strides = array<i32>} : memref<128x128xf32, #tpu.memory_space<vmem>>, vector<1x16xf32>,
        %get3A_1466 = vector.shape_cast %get3A_1465 : vector<1x16xf32> to vector<16xf32>
        %mul3A_1467 = vector.broadcast %squeeze3A_1381 : f32 to vector<16xf32>
        %mul3A_1468 = arith.mulf %get3A_1466, %mul3A_1467 : vector<16xf32>
        %swap3A_1469 = arith.index_cast %add3A_1385 : i32 to index
        %swap3A_1470 = arith.constant 112 : index
        %swap3A_1471 = tpu.vector_load %arg13[%swap3A_1469, %swap3A_1470] {strides = array<i32>} : memref<128x128xf32, #tpu.memory_space<vmem>>, vector<1x16xf32>,
        %swap3A_1472 = vector.shape_cast %swap3A_1471 : vector<1x16xf32> to vector<16xf32>
        %swap3A_1473 = vector.shape_cast %mul3A_1468 : vector<16xf32> to vector<1x16xf32>
        tpu.vector_store %arg13[%swap3A_1469, %swap3A_1470], %swap3A_1473 {strides = array<i32>} : memref<128x128xf32, #tpu.memory_space<vmem>>, vector<1x16xf32>,
        %slice3A_1474 = vector.extract_strided_slice %get3A_253 {offsets = [13], sizes = [1], strides = [1]} : vector<16xf32> to vector<1xf32>
        %squeeze3A_1475 = vector.extract %slice3A_1474[0] : f32 from vector<1xf32>
        %mul3A_1476 = arith.constant 16 : i32
        %mul3A_1477 = arith.muli %scan3A_247, %mul3A_1476 : i32
        %add3A_1478 = arith.constant 13 : i32
        %add3A_1479 = arith.addi %mul3A_1477, %add3A_1478 : i32
        %get3A_1480 = arith.index_cast %add3A_1479 : i32 to index
        %get3A_1481 = arith.constant 0 : index
        %get3A_1482 = tpu.vector_load %arg13[%get3A_1480, %get3A_1481] {strides = array<i32>} : memref<128x128xf32, #tpu.memory_space<vmem>>, vector<1x16xf32>,
        %get3A_1483 = vector.shape_cast %get3A_1482 : vector<1x16xf32> to vector<16xf32>
        %mul3A_1484 = vector.broadcast %squeeze3A_1475 : f32 to vector<16xf32>
        %mul3A_1485 = arith.mulf %get3A_1483, %mul3A_1484 : vector<16xf32>
        %swap3A_1486 = arith.index_cast %add3A_1479 : i32 to index
        %swap3A_1487 = arith.constant 0 : index
        %swap3A_1488 = tpu.vector_load %arg13[%swap3A_1486, %swap3A_1487] {strides = array<i32>} : memref<128x128xf32, #tpu.memory_space<vmem>>, vector<1x16xf32>,
        %swap3A_1489 = vector.shape_cast %swap3A_1488 : vector<1x16xf32> to vector<16xf32>
        %swap3A_1490 = vector.shape_cast %mul3A_1485 : vector<16xf32> to vector<1x16xf32>
        tpu.vector_store %arg13[%swap3A_1486, %swap3A_1487], %swap3A_1490 {strides = array<i32>} : memref<128x128xf32, #tpu.memory_space<vmem>>, vector<1x16xf32>,
        %get3A_1491 = arith.index_cast %add3A_1479 : i32 to index
        %get3A_1492 = arith.constant 16 : index
        %get3A_1493 = tpu.vector_load %arg13[%get3A_1491, %get3A_1492] {strides = array<i32>} : memref<128x128xf32, #tpu.memory_space<vmem>>, vector<1x16xf32>,
        %get3A_1494 = vector.shape_cast %get3A_1493 : vector<1x16xf32> to vector<16xf32>
        %mul3A_1495 = vector.broadcast %squeeze3A_1475 : f32 to vector<16xf32>
        %mul3A_1496 = arith.mulf %get3A_1494, %mul3A_1495 : vector<16xf32>
        %swap3A_1497 = arith.index_cast %add3A_1479 : i32 to index
        %swap3A_1498 = arith.constant 16 : index
        %swap3A_1499 = tpu.vector_load %arg13[%swap3A_1497, %swap3A_1498] {strides = array<i32>} : memref<128x128xf32, #tpu.memory_space<vmem>>, vector<1x16xf32>,
        %swap3A_1500 = vector.shape_cast %swap3A_1499 : vector<1x16xf32> to vector<16xf32>
        %swap3A_1501 = vector.shape_cast %mul3A_1496 : vector<16xf32> to vector<1x16xf32>
        tpu.vector_store %arg13[%swap3A_1497, %swap3A_1498], %swap3A_1501 {strides = array<i32>} : memref<128x128xf32, #tpu.memory_space<vmem>>, vector<1x16xf32>,
        %get3A_1502 = arith.index_cast %add3A_1479 : i32 to index
        %get3A_1503 = arith.constant 32 : index
        %get3A_1504 = tpu.vector_load %arg13[%get3A_1502, %get3A_1503] {strides = array<i32>} : memref<128x128xf32, #tpu.memory_space<vmem>>, vector<1x16xf32>,
        %get3A_1505 = vector.shape_cast %get3A_1504 : vector<1x16xf32> to vector<16xf32>
        %mul3A_1506 = vector.broadcast %squeeze3A_1475 : f32 to vector<16xf32>
        %mul3A_1507 = arith.mulf %get3A_1505, %mul3A_1506 : vector<16xf32>
        %swap3A_1508 = arith.index_cast %add3A_1479 : i32 to index
        %swap3A_1509 = arith.constant 32 : index
        %swap3A_1510 = tpu.vector_load %arg13[%swap3A_1508, %swap3A_1509] {strides = array<i32>} : memref<128x128xf32, #tpu.memory_space<vmem>>, vector<1x16xf32>,
        %swap3A_1511 = vector.shape_cast %swap3A_1510 : vector<1x16xf32> to vector<16xf32>
        %swap3A_1512 = vector.shape_cast %mul3A_1507 : vector<16xf32> to vector<1x16xf32>
        tpu.vector_store %arg13[%swap3A_1508, %swap3A_1509], %swap3A_1512 {strides = array<i32>} : memref<128x128xf32, #tpu.memory_space<vmem>>, vector<1x16xf32>,
        %get3A_1513 = arith.index_cast %add3A_1479 : i32 to index
        %get3A_1514 = arith.constant 48 : index
        %get3A_1515 = tpu.vector_load %arg13[%get3A_1513, %get3A_1514] {strides = array<i32>} : memref<128x128xf32, #tpu.memory_space<vmem>>, vector<1x16xf32>,
        %get3A_1516 = vector.shape_cast %get3A_1515 : vector<1x16xf32> to vector<16xf32>
        %mul3A_1517 = vector.broadcast %squeeze3A_1475 : f32 to vector<16xf32>
        %mul3A_1518 = arith.mulf %get3A_1516, %mul3A_1517 : vector<16xf32>
        %swap3A_1519 = arith.index_cast %add3A_1479 : i32 to index
        %swap3A_1520 = arith.constant 48 : index
        %swap3A_1521 = tpu.vector_load %arg13[%swap3A_1519, %swap3A_1520] {strides = array<i32>} : memref<128x128xf32, #tpu.memory_space<vmem>>, vector<1x16xf32>,
        %swap3A_1522 = vector.shape_cast %swap3A_1521 : vector<1x16xf32> to vector<16xf32>
        %swap3A_1523 = vector.shape_cast %mul3A_1518 : vector<16xf32> to vector<1x16xf32>
        tpu.vector_store %arg13[%swap3A_1519, %swap3A_1520], %swap3A_1523 {strides = array<i32>} : memref<128x128xf32, #tpu.memory_space<vmem>>, vector<1x16xf32>,
        %get3A_1524 = arith.index_cast %add3A_1479 : i32 to index
        %get3A_1525 = arith.constant 64 : index
        %get3A_1526 = tpu.vector_load %arg13[%get3A_1524, %get3A_1525] {strides = array<i32>} : memref<128x128xf32, #tpu.memory_space<vmem>>, vector<1x16xf32>,
        %get3A_1527 = vector.shape_cast %get3A_1526 : vector<1x16xf32> to vector<16xf32>
        %mul3A_1528 = vector.broadcast %squeeze3A_1475 : f32 to vector<16xf32>
        %mul3A_1529 = arith.mulf %get3A_1527, %mul3A_1528 : vector<16xf32>
        %swap3A_1530 = arith.index_cast %add3A_1479 : i32 to index
        %swap3A_1531 = arith.constant 64 : index
        %swap3A_1532 = tpu.vector_load %arg13[%swap3A_1530, %swap3A_1531] {strides = array<i32>} : memref<128x128xf32, #tpu.memory_space<vmem>>, vector<1x16xf32>,
        %swap3A_1533 = vector.shape_cast %swap3A_1532 : vector<1x16xf32> to vector<16xf32>
        %swap3A_1534 = vector.shape_cast %mul3A_1529 : vector<16xf32> to vector<1x16xf32>
        tpu.vector_store %arg13[%swap3A_1530, %swap3A_1531], %swap3A_1534 {strides = array<i32>} : memref<128x128xf32, #tpu.memory_space<vmem>>, vector<1x16xf32>,
        %get3A_1535 = arith.index_cast %add3A_1479 : i32 to index
        %get3A_1536 = arith.constant 80 : index
        %get3A_1537 = tpu.vector_load %arg13[%get3A_1535, %get3A_1536] {strides = array<i32>} : memref<128x128xf32, #tpu.memory_space<vmem>>, vector<1x16xf32>,
        %get3A_1538 = vector.shape_cast %get3A_1537 : vector<1x16xf32> to vector<16xf32>
        %mul3A_1539 = vector.broadcast %squeeze3A_1475 : f32 to vector<16xf32>
        %mul3A_1540 = arith.mulf %get3A_1538, %mul3A_1539 : vector<16xf32>
        %swap3A_1541 = arith.index_cast %add3A_1479 : i32 to index
        %swap3A_1542 = arith.constant 80 : index
        %swap3A_1543 = tpu.vector_load %arg13[%swap3A_1541, %swap3A_1542] {strides = array<i32>} : memref<128x128xf32, #tpu.memory_space<vmem>>, vector<1x16xf32>,
        %swap3A_1544 = vector.shape_cast %swap3A_1543 : vector<1x16xf32> to vector<16xf32>
        %swap3A_1545 = vector.shape_cast %mul3A_1540 : vector<16xf32> to vector<1x16xf32>
        tpu.vector_store %arg13[%swap3A_1541, %swap3A_1542], %swap3A_1545 {strides = array<i32>} : memref<128x128xf32, #tpu.memory_space<vmem>>, vector<1x16xf32>,
        %get3A_1546 = arith.index_cast %add3A_1479 : i32 to index
        %get3A_1547 = arith.constant 96 : index
        %get3A_1548 = tpu.vector_load %arg13[%get3A_1546, %get3A_1547] {strides = array<i32>} : memref<128x128xf32, #tpu.memory_space<vmem>>, vector<1x16xf32>,
        %get3A_1549 = vector.shape_cast %get3A_1548 : vector<1x16xf32> to vector<16xf32>
        %mul3A_1550 = vector.broadcast %squeeze3A_1475 : f32 to vector<16xf32>
        %mul3A_1551 = arith.mulf %get3A_1549, %mul3A_1550 : vector<16xf32>
        %swap3A_1552 = arith.index_cast %add3A_1479 : i32 to index
        %swap3A_1553 = arith.constant 96 : index
        %swap3A_1554 = tpu.vector_load %arg13[%swap3A_1552, %swap3A_1553] {strides = array<i32>} : memref<128x128xf32, #tpu.memory_space<vmem>>, vector<1x16xf32>,
        %swap3A_1555 = vector.shape_cast %swap3A_1554 : vector<1x16xf32> to vector<16xf32>
        %swap3A_1556 = vector.shape_cast %mul3A_1551 : vector<16xf32> to vector<1x16xf32>
        tpu.vector_store %arg13[%swap3A_1552, %swap3A_1553], %swap3A_1556 {strides = array<i32>} : memref<128x128xf32, #tpu.memory_space<vmem>>, vector<1x16xf32>,
        %get3A_1557 = arith.index_cast %add3A_1479 : i32 to index
        %get3A_1558 = arith.constant 112 : index
        %get3A_1559 = tpu.vector_load %arg13[%get3A_1557, %get3A_1558] {strides = array<i32>} : memref<128x128xf32, #tpu.memory_space<vmem>>, vector<1x16xf32>,
        %get3A_1560 = vector.shape_cast %get3A_1559 : vector<1x16xf32> to vector<16xf32>
        %mul3A_1561 = vector.broadcast %squeeze3A_1475 : f32 to vector<16xf32>
        %mul3A_1562 = arith.mulf %get3A_1560, %mul3A_1561 : vector<16xf32>
        %swap3A_1563 = arith.index_cast %add3A_1479 : i32 to index
        %swap3A_1564 = arith.constant 112 : index
        %swap3A_1565 = tpu.vector_load %arg13[%swap3A_1563, %swap3A_1564] {strides = array<i32>} : memref<128x128xf32, #tpu.memory_space<vmem>>, vector<1x16xf32>,
        %swap3A_1566 = vector.shape_cast %swap3A_1565 : vector<1x16xf32> to vector<16xf32>
        %swap3A_1567 = vector.shape_cast %mul3A_1562 : vector<16xf32> to vector<1x16xf32>
        tpu.vector_store %arg13[%swap3A_1563, %swap3A_1564], %swap3A_1567 {strides = array<i32>} : memref<128x128xf32, #tpu.memory_space<vmem>>, vector<1x16xf32>,
        %slice3A_1568 = vector.extract_strided_slice %get3A_253 {offsets = [14], sizes = [1], strides = [1]} : vector<16xf32> to vector<1xf32>
        %squeeze3A_1569 = vector.extract %slice3A_1568[0] : f32 from vector<1xf32>
        %mul3A_1570 = arith.constant 16 : i32
        %mul3A_1571 = arith.muli %scan3A_247, %mul3A_1570 : i32
        %add3A_1572 = arith.constant 14 : i32
        %add3A_1573 = arith.addi %mul3A_1571, %add3A_1572 : i32
        %get3A_1574 = arith.index_cast %add3A_1573 : i32 to index
        %get3A_1575 = arith.constant 0 : index
        %get3A_1576 = tpu.vector_load %arg13[%get3A_1574, %get3A_1575] {strides = array<i32>} : memref<128x128xf32, #tpu.memory_space<vmem>>, vector<1x16xf32>,
        %get3A_1577 = vector.shape_cast %get3A_1576 : vector<1x16xf32> to vector<16xf32>
        %mul3A_1578 = vector.broadcast %squeeze3A_1569 : f32 to vector<16xf32>
        %mul3A_1579 = arith.mulf %get3A_1577, %mul3A_1578 : vector<16xf32>
        %swap3A_1580 = arith.index_cast %add3A_1573 : i32 to index
        %swap3A_1581 = arith.constant 0 : index
        %swap3A_1582 = tpu.vector_load %arg13[%swap3A_1580, %swap3A_1581] {strides = array<i32>} : memref<128x128xf32, #tpu.memory_space<vmem>>, vector<1x16xf32>,
        %swap3A_1583 = vector.shape_cast %swap3A_1582 : vector<1x16xf32> to vector<16xf32>
        %swap3A_1584 = vector.shape_cast %mul3A_1579 : vector<16xf32> to vector<1x16xf32>
        tpu.vector_store %arg13[%swap3A_1580, %swap3A_1581], %swap3A_1584 {strides = array<i32>} : memref<128x128xf32, #tpu.memory_space<vmem>>, vector<1x16xf32>,
        %get3A_1585 = arith.index_cast %add3A_1573 : i32 to index
        %get3A_1586 = arith.constant 16 : index
        %get3A_1587 = tpu.vector_load %arg13[%get3A_1585, %get3A_1586] {strides = array<i32>} : memref<128x128xf32, #tpu.memory_space<vmem>>, vector<1x16xf32>,
        %get3A_1588 = vector.shape_cast %get3A_1587 : vector<1x16xf32> to vector<16xf32>
        %mul3A_1589 = vector.broadcast %squeeze3A_1569 : f32 to vector<16xf32>
        %mul3A_1590 = arith.mulf %get3A_1588, %mul3A_1589 : vector<16xf32>
        %swap3A_1591 = arith.index_cast %add3A_1573 : i32 to index
        %swap3A_1592 = arith.constant 16 : index
        %swap3A_1593 = tpu.vector_load %arg13[%swap3A_1591, %swap3A_1592] {strides = array<i32>} : memref<128x128xf32, #tpu.memory_space<vmem>>, vector<1x16xf32>,
        %swap3A_1594 = vector.shape_cast %swap3A_1593 : vector<1x16xf32> to vector<16xf32>
        %swap3A_1595 = vector.shape_cast %mul3A_1590 : vector<16xf32> to vector<1x16xf32>
        tpu.vector_store %arg13[%swap3A_1591, %swap3A_1592], %swap3A_1595 {strides = array<i32>} : memref<128x128xf32, #tpu.memory_space<vmem>>, vector<1x16xf32>,
        %get3A_1596 = arith.index_cast %add3A_1573 : i32 to index
        %get3A_1597 = arith.constant 32 : index
        %get3A_1598 = tpu.vector_load %arg13[%get3A_1596, %get3A_1597] {strides = array<i32>} : memref<128x128xf32, #tpu.memory_space<vmem>>, vector<1x16xf32>,
        %get3A_1599 = vector.shape_cast %get3A_1598 : vector<1x16xf32> to vector<16xf32>
        %mul3A_1600 = vector.broadcast %squeeze3A_1569 : f32 to vector<16xf32>
        %mul3A_1601 = arith.mulf %get3A_1599, %mul3A_1600 : vector<16xf32>
        %swap3A_1602 = arith.index_cast %add3A_1573 : i32 to index
        %swap3A_1603 = arith.constant 32 : index
        %swap3A_1604 = tpu.vector_load %arg13[%swap3A_1602, %swap3A_1603] {strides = array<i32>} : memref<128x128xf32, #tpu.memory_space<vmem>>, vector<1x16xf32>,
        %swap3A_1605 = vector.shape_cast %swap3A_1604 : vector<1x16xf32> to vector<16xf32>
        %swap3A_1606 = vector.shape_cast %mul3A_1601 : vector<16xf32> to vector<1x16xf32>
        tpu.vector_store %arg13[%swap3A_1602, %swap3A_1603], %swap3A_1606 {strides = array<i32>} : memref<128x128xf32, #tpu.memory_space<vmem>>, vector<1x16xf32>,
        %get3A_1607 = arith.index_cast %add3A_1573 : i32 to index
        %get3A_1608 = arith.constant 48 : index
        %get3A_1609 = tpu.vector_load %arg13[%get3A_1607, %get3A_1608] {strides = array<i32>} : memref<128x128xf32, #tpu.memory_space<vmem>>, vector<1x16xf32>,
        %get3A_1610 = vector.shape_cast %get3A_1609 : vector<1x16xf32> to vector<16xf32>
        %mul3A_1611 = vector.broadcast %squeeze3A_1569 : f32 to vector<16xf32>
        %mul3A_1612 = arith.mulf %get3A_1610, %mul3A_1611 : vector<16xf32>
        %swap3A_1613 = arith.index_cast %add3A_1573 : i32 to index
        %swap3A_1614 = arith.constant 48 : index
        %swap3A_1615 = tpu.vector_load %arg13[%swap3A_1613, %swap3A_1614] {strides = array<i32>} : memref<128x128xf32, #tpu.memory_space<vmem>>, vector<1x16xf32>,
        %swap3A_1616 = vector.shape_cast %swap3A_1615 : vector<1x16xf32> to vector<16xf32>
        %swap3A_1617 = vector.shape_cast %mul3A_1612 : vector<16xf32> to vector<1x16xf32>
        tpu.vector_store %arg13[%swap3A_1613, %swap3A_1614], %swap3A_1617 {strides = array<i32>} : memref<128x128xf32, #tpu.memory_space<vmem>>, vector<1x16xf32>,
        %get3A_1618 = arith.index_cast %add3A_1573 : i32 to index
        %get3A_1619 = arith.constant 64 : index
        %get3A_1620 = tpu.vector_load %arg13[%get3A_1618, %get3A_1619] {strides = array<i32>} : memref<128x128xf32, #tpu.memory_space<vmem>>, vector<1x16xf32>,
        %get3A_1621 = vector.shape_cast %get3A_1620 : vector<1x16xf32> to vector<16xf32>
        %mul3A_1622 = vector.broadcast %squeeze3A_1569 : f32 to vector<16xf32>
        %mul3A_1623 = arith.mulf %get3A_1621, %mul3A_1622 : vector<16xf32>
        %swap3A_1624 = arith.index_cast %add3A_1573 : i32 to index
        %swap3A_1625 = arith.constant 64 : index
        %swap3A_1626 = tpu.vector_load %arg13[%swap3A_1624, %swap3A_1625] {strides = array<i32>} : memref<128x128xf32, #tpu.memory_space<vmem>>, vector<1x16xf32>,
        %swap3A_1627 = vector.shape_cast %swap3A_1626 : vector<1x16xf32> to vector<16xf32>
        %swap3A_1628 = vector.shape_cast %mul3A_1623 : vector<16xf32> to vector<1x16xf32>
        tpu.vector_store %arg13[%swap3A_1624, %swap3A_1625], %swap3A_1628 {strides = array<i32>} : memref<128x128xf32, #tpu.memory_space<vmem>>, vector<1x16xf32>,
        %get3A_1629 = arith.index_cast %add3A_1573 : i32 to index
        %get3A_1630 = arith.constant 80 : index
        %get3A_1631 = tpu.vector_load %arg13[%get3A_1629, %get3A_1630] {strides = array<i32>} : memref<128x128xf32, #tpu.memory_space<vmem>>, vector<1x16xf32>,
        %get3A_1632 = vector.shape_cast %get3A_1631 : vector<1x16xf32> to vector<16xf32>
        %mul3A_1633 = vector.broadcast %squeeze3A_1569 : f32 to vector<16xf32>
        %mul3A_1634 = arith.mulf %get3A_1632, %mul3A_1633 : vector<16xf32>
        %swap3A_1635 = arith.index_cast %add3A_1573 : i32 to index
        %swap3A_1636 = arith.constant 80 : index
        %swap3A_1637 = tpu.vector_load %arg13[%swap3A_1635, %swap3A_1636] {strides = array<i32>} : memref<128x128xf32, #tpu.memory_space<vmem>>, vector<1x16xf32>,
        %swap3A_1638 = vector.shape_cast %swap3A_1637 : vector<1x16xf32> to vector<16xf32>
        %swap3A_1639 = vector.shape_cast %mul3A_1634 : vector<16xf32> to vector<1x16xf32>
        tpu.vector_store %arg13[%swap3A_1635, %swap3A_1636], %swap3A_1639 {strides = array<i32>} : memref<128x128xf32, #tpu.memory_space<vmem>>, vector<1x16xf32>,
        %get3A_1640 = arith.index_cast %add3A_1573 : i32 to index
        %get3A_1641 = arith.constant 96 : index
        %get3A_1642 = tpu.vector_load %arg13[%get3A_1640, %get3A_1641] {strides = array<i32>} : memref<128x128xf32, #tpu.memory_space<vmem>>, vector<1x16xf32>,
        %get3A_1643 = vector.shape_cast %get3A_1642 : vector<1x16xf32> to vector<16xf32>
        %mul3A_1644 = vector.broadcast %squeeze3A_1569 : f32 to vector<16xf32>
        %mul3A_1645 = arith.mulf %get3A_1643, %mul3A_1644 : vector<16xf32>
        %swap3A_1646 = arith.index_cast %add3A_1573 : i32 to index
        %swap3A_1647 = arith.constant 96 : index
        %swap3A_1648 = tpu.vector_load %arg13[%swap3A_1646, %swap3A_1647] {strides = array<i32>} : memref<128x128xf32, #tpu.memory_space<vmem>>, vector<1x16xf32>,
        %swap3A_1649 = vector.shape_cast %swap3A_1648 : vector<1x16xf32> to vector<16xf32>
        %swap3A_1650 = vector.shape_cast %mul3A_1645 : vector<16xf32> to vector<1x16xf32>
        tpu.vector_store %arg13[%swap3A_1646, %swap3A_1647], %swap3A_1650 {strides = array<i32>} : memref<128x128xf32, #tpu.memory_space<vmem>>, vector<1x16xf32>,
        %get3A_1651 = arith.index_cast %add3A_1573 : i32 to index
        %get3A_1652 = arith.constant 112 : index
        %get3A_1653 = tpu.vector_load %arg13[%get3A_1651, %get3A_1652] {strides = array<i32>} : memref<128x128xf32, #tpu.memory_space<vmem>>, vector<1x16xf32>,
        %get3A_1654 = vector.shape_cast %get3A_1653 : vector<1x16xf32> to vector<16xf32>
        %mul3A_1655 = vector.broadcast %squeeze3A_1569 : f32 to vector<16xf32>
        %mul3A_1656 = arith.mulf %get3A_1654, %mul3A_1655 : vector<16xf32>
        %swap3A_1657 = arith.index_cast %add3A_1573 : i32 to index
        %swap3A_1658 = arith.constant 112 : index
        %swap3A_1659 = tpu.vector_load %arg13[%swap3A_1657, %swap3A_1658] {strides = array<i32>} : memref<128x128xf32, #tpu.memory_space<vmem>>, vector<1x16xf32>,
        %swap3A_1660 = vector.shape_cast %swap3A_1659 : vector<1x16xf32> to vector<16xf32>
        %swap3A_1661 = vector.shape_cast %mul3A_1656 : vector<16xf32> to vector<1x16xf32>
        tpu.vector_store %arg13[%swap3A_1657, %swap3A_1658], %swap3A_1661 {strides = array<i32>} : memref<128x128xf32, #tpu.memory_space<vmem>>, vector<1x16xf32>,
        %slice3A_1662 = vector.extract_strided_slice %get3A_253 {offsets = [15], sizes = [1], strides = [1]} : vector<16xf32> to vector<1xf32>
        %squeeze3A_1663 = vector.extract %slice3A_1662[0] : f32 from vector<1xf32>
        %mul3A_1664 = arith.constant 16 : i32
        %mul3A_1665 = arith.muli %scan3A_247, %mul3A_1664 : i32
        %add3A_1666 = arith.constant 15 : i32
        %add3A_1667 = arith.addi %mul3A_1665, %add3A_1666 : i32
        %get3A_1668 = arith.index_cast %add3A_1667 : i32 to index
        %get3A_1669 = arith.constant 0 : index
        %get3A_1670 = tpu.vector_load %arg13[%get3A_1668, %get3A_1669] {strides = array<i32>} : memref<128x128xf32, #tpu.memory_space<vmem>>, vector<1x16xf32>,
        %get3A_1671 = vector.shape_cast %get3A_1670 : vector<1x16xf32> to vector<16xf32>
        %mul3A_1672 = vector.broadcast %squeeze3A_1663 : f32 to vector<16xf32>
        %mul3A_1673 = arith.mulf %get3A_1671, %mul3A_1672 : vector<16xf32>
        %swap3A_1674 = arith.index_cast %add3A_1667 : i32 to index
        %swap3A_1675 = arith.constant 0 : index
        %swap3A_1676 = tpu.vector_load %arg13[%swap3A_1674, %swap3A_1675] {strides = array<i32>} : memref<128x128xf32, #tpu.memory_space<vmem>>, vector<1x16xf32>,
        %swap3A_1677 = vector.shape_cast %swap3A_1676 : vector<1x16xf32> to vector<16xf32>
        %swap3A_1678 = vector.shape_cast %mul3A_1673 : vector<16xf32> to vector<1x16xf32>
        tpu.vector_store %arg13[%swap3A_1674, %swap3A_1675], %swap3A_1678 {strides = array<i32>} : memref<128x128xf32, #tpu.memory_space<vmem>>, vector<1x16xf32>,
        %get3A_1679 = arith.index_cast %add3A_1667 : i32 to index
        %get3A_1680 = arith.constant 16 : index
        %get3A_1681 = tpu.vector_load %arg13[%get3A_1679, %get3A_1680] {strides = array<i32>} : memref<128x128xf32, #tpu.memory_space<vmem>>, vector<1x16xf32>,
        %get3A_1682 = vector.shape_cast %get3A_1681 : vector<1x16xf32> to vector<16xf32>
        %mul3A_1683 = vector.broadcast %squeeze3A_1663 : f32 to vector<16xf32>
        %mul3A_1684 = arith.mulf %get3A_1682, %mul3A_1683 : vector<16xf32>
        %swap3A_1685 = arith.index_cast %add3A_1667 : i32 to index
        %swap3A_1686 = arith.constant 16 : index
        %swap3A_1687 = tpu.vector_load %arg13[%swap3A_1685, %swap3A_1686] {strides = array<i32>} : memref<128x128xf32, #tpu.memory_space<vmem>>, vector<1x16xf32>,
        %swap3A_1688 = vector.shape_cast %swap3A_1687 : vector<1x16xf32> to vector<16xf32>
        %swap3A_1689 = vector.shape_cast %mul3A_1684 : vector<16xf32> to vector<1x16xf32>
        tpu.vector_store %arg13[%swap3A_1685, %swap3A_1686], %swap3A_1689 {strides = array<i32>} : memref<128x128xf32, #tpu.memory_space<vmem>>, vector<1x16xf32>,
        %get3A_1690 = arith.index_cast %add3A_1667 : i32 to index
        %get3A_1691 = arith.constant 32 : index
        %get3A_1692 = tpu.vector_load %arg13[%get3A_1690, %get3A_1691] {strides = array<i32>} : memref<128x128xf32, #tpu.memory_space<vmem>>, vector<1x16xf32>,
        %get3A_1693 = vector.shape_cast %get3A_1692 : vector<1x16xf32> to vector<16xf32>
        %mul3A_1694 = vector.broadcast %squeeze3A_1663 : f32 to vector<16xf32>
        %mul3A_1695 = arith.mulf %get3A_1693, %mul3A_1694 : vector<16xf32>
        %swap3A_1696 = arith.index_cast %add3A_1667 : i32 to index
        %swap3A_1697 = arith.constant 32 : index
        %swap3A_1698 = tpu.vector_load %arg13[%swap3A_1696, %swap3A_1697] {strides = array<i32>} : memref<128x128xf32, #tpu.memory_space<vmem>>, vector<1x16xf32>,
        %swap3A_1699 = vector.shape_cast %swap3A_1698 : vector<1x16xf32> to vector<16xf32>
        %swap3A_1700 = vector.shape_cast %mul3A_1695 : vector<16xf32> to vector<1x16xf32>
        tpu.vector_store %arg13[%swap3A_1696, %swap3A_1697], %swap3A_1700 {strides = array<i32>} : memref<128x128xf32, #tpu.memory_space<vmem>>, vector<1x16xf32>,
        %get3A_1701 = arith.index_cast %add3A_1667 : i32 to index
        %get3A_1702 = arith.constant 48 : index
        %get3A_1703 = tpu.vector_load %arg13[%get3A_1701, %get3A_1702] {strides = array<i32>} : memref<128x128xf32, #tpu.memory_space<vmem>>, vector<1x16xf32>,
        %get3A_1704 = vector.shape_cast %get3A_1703 : vector<1x16xf32> to vector<16xf32>
        %mul3A_1705 = vector.broadcast %squeeze3A_1663 : f32 to vector<16xf32>
        %mul3A_1706 = arith.mulf %get3A_1704, %mul3A_1705 : vector<16xf32>
        %swap3A_1707 = arith.index_cast %add3A_1667 : i32 to index
        %swap3A_1708 = arith.constant 48 : index
        %swap3A_1709 = tpu.vector_load %arg13[%swap3A_1707, %swap3A_1708] {strides = array<i32>} : memref<128x128xf32, #tpu.memory_space<vmem>>, vector<1x16xf32>,
        %swap3A_1710 = vector.shape_cast %swap3A_1709 : vector<1x16xf32> to vector<16xf32>
        %swap3A_1711 = vector.shape_cast %mul3A_1706 : vector<16xf32> to vector<1x16xf32>
        tpu.vector_store %arg13[%swap3A_1707, %swap3A_1708], %swap3A_1711 {strides = array<i32>} : memref<128x128xf32, #tpu.memory_space<vmem>>, vector<1x16xf32>,
        %get3A_1712 = arith.index_cast %add3A_1667 : i32 to index
        %get3A_1713 = arith.constant 64 : index
        %get3A_1714 = tpu.vector_load %arg13[%get3A_1712, %get3A_1713] {strides = array<i32>} : memref<128x128xf32, #tpu.memory_space<vmem>>, vector<1x16xf32>,
        %get3A_1715 = vector.shape_cast %get3A_1714 : vector<1x16xf32> to vector<16xf32>
        %mul3A_1716 = vector.broadcast %squeeze3A_1663 : f32 to vector<16xf32>
        %mul3A_1717 = arith.mulf %get3A_1715, %mul3A_1716 : vector<16xf32>
        %swap3A_1718 = arith.index_cast %add3A_1667 : i32 to index
        %swap3A_1719 = arith.constant 64 : index
        %swap3A_1720 = tpu.vector_load %arg13[%swap3A_1718, %swap3A_1719] {strides = array<i32>} : memref<128x128xf32, #tpu.memory_space<vmem>>, vector<1x16xf32>,
        %swap3A_1721 = vector.shape_cast %swap3A_1720 : vector<1x16xf32> to vector<16xf32>
        %swap3A_1722 = vector.shape_cast %mul3A_1717 : vector<16xf32> to vector<1x16xf32>
        tpu.vector_store %arg13[%swap3A_1718, %swap3A_1719], %swap3A_1722 {strides = array<i32>} : memref<128x128xf32, #tpu.memory_space<vmem>>, vector<1x16xf32>,
        %get3A_1723 = arith.index_cast %add3A_1667 : i32 to index
        %get3A_1724 = arith.constant 80 : index
        %get3A_1725 = tpu.vector_load %arg13[%get3A_1723, %get3A_1724] {strides = array<i32>} : memref<128x128xf32, #tpu.memory_space<vmem>>, vector<1x16xf32>,
        %get3A_1726 = vector.shape_cast %get3A_1725 : vector<1x16xf32> to vector<16xf32>
        %mul3A_1727 = vector.broadcast %squeeze3A_1663 : f32 to vector<16xf32>
        %mul3A_1728 = arith.mulf %get3A_1726, %mul3A_1727 : vector<16xf32>
        %swap3A_1729 = arith.index_cast %add3A_1667 : i32 to index
        %swap3A_1730 = arith.constant 80 : index
        %swap3A_1731 = tpu.vector_load %arg13[%swap3A_1729, %swap3A_1730] {strides = array<i32>} : memref<128x128xf32, #tpu.memory_space<vmem>>, vector<1x16xf32>,
        %swap3A_1732 = vector.shape_cast %swap3A_1731 : vector<1x16xf32> to vector<16xf32>
        %swap3A_1733 = vector.shape_cast %mul3A_1728 : vector<16xf32> to vector<1x16xf32>
        tpu.vector_store %arg13[%swap3A_1729, %swap3A_1730], %swap3A_1733 {strides = array<i32>} : memref<128x128xf32, #tpu.memory_space<vmem>>, vector<1x16xf32>,
        %get3A_1734 = arith.index_cast %add3A_1667 : i32 to index
        %get3A_1735 = arith.constant 96 : index
        %get3A_1736 = tpu.vector_load %arg13[%get3A_1734, %get3A_1735] {strides = array<i32>} : memref<128x128xf32, #tpu.memory_space<vmem>>, vector<1x16xf32>,
        %get3A_1737 = vector.shape_cast %get3A_1736 : vector<1x16xf32> to vector<16xf32>
        %mul3A_1738 = vector.broadcast %squeeze3A_1663 : f32 to vector<16xf32>
        %mul3A_1739 = arith.mulf %get3A_1737, %mul3A_1738 : vector<16xf32>
        %swap3A_1740 = arith.index_cast %add3A_1667 : i32 to index
        %swap3A_1741 = arith.constant 96 : index
        %swap3A_1742 = tpu.vector_load %arg13[%swap3A_1740, %swap3A_1741] {strides = array<i32>} : memref<128x128xf32, #tpu.memory_space<vmem>>, vector<1x16xf32>,
        %swap3A_1743 = vector.shape_cast %swap3A_1742 : vector<1x16xf32> to vector<16xf32>
        %swap3A_1744 = vector.shape_cast %mul3A_1739 : vector<16xf32> to vector<1x16xf32>
        tpu.vector_store %arg13[%swap3A_1740, %swap3A_1741], %swap3A_1744 {strides = array<i32>} : memref<128x128xf32, #tpu.memory_space<vmem>>, vector<1x16xf32>,
        %get3A_1745 = arith.index_cast %add3A_1667 : i32 to index
        %get3A_1746 = arith.constant 112 : index
        %get3A_1747 = tpu.vector_load %arg13[%get3A_1745, %get3A_1746] {strides = array<i32>} : memref<128x128xf32, #tpu.memory_space<vmem>>, vector<1x16xf32>,
        %get3A_1748 = vector.shape_cast %get3A_1747 : vector<1x16xf32> to vector<16xf32>
        %mul3A_1749 = vector.broadcast %squeeze3A_1663 : f32 to vector<16xf32>
        %mul3A_1750 = arith.mulf %get3A_1748, %mul3A_1749 : vector<16xf32>
        %swap3A_1751 = arith.index_cast %add3A_1667 : i32 to index
        %swap3A_1752 = arith.constant 112 : index
        %swap3A_1753 = tpu.vector_load %arg13[%swap3A_1751, %swap3A_1752] {strides = array<i32>} : memref<128x128xf32, #tpu.memory_space<vmem>>, vector<1x16xf32>,
        %swap3A_1754 = vector.shape_cast %swap3A_1753 : vector<1x16xf32> to vector<16xf32>
        %swap3A_1755 = vector.shape_cast %mul3A_1750 : vector<16xf32> to vector<1x16xf32>
        tpu.vector_store %arg13[%swap3A_1751, %swap3A_1752], %swap3A_1755 {strides = array<i32>} : memref<128x128xf32, #tpu.memory_space<vmem>>, vector<1x16xf32>,
        %scan3A_1756 = arith.constant 0 : i32
        scf.yield %scan3A_1756 : i32
      }
      %scan3A_96 = arith.constant 8 : i32
      %get3A = arith.constant 0 : index
      %get3A_97 = tpu.vector_load %arg9[%get3A] {strides = array<i32>} : memref<128xi32, #tpu.memory_space<vmem>>, vector<16xi32>,
      %get3A_98 = vector.shape_cast %get3A_97 : vector<16xi32> to vector<16xi32>
      %swap3A = arith.constant 0 : index
      %swap3A_99 = tpu.vector_load %arg15[%swap3A] {strides = array<i32>} : memref<128xi32, #tpu.memory_space<vmem>>, vector<16xi32>,
      %swap3A_100 = vector.shape_cast %swap3A_99 : vector<16xi32> to vector<16xi32>
      %swap3A_101 = vector.shape_cast %get3A_98 : vector<16xi32> to vector<16xi32>
      tpu.vector_store %arg15[%swap3A], %swap3A_101 {strides = array<i32>} : memref<128xi32, #tpu.memory_space<vmem>>, vector<16xi32>,
      %get3A_102 = arith.constant 16 : index
      %get3A_103 = tpu.vector_load %arg9[%get3A_102] {strides = array<i32>} : memref<128xi32, #tpu.memory_space<vmem>>, vector<16xi32>,
      %get3A_104 = vector.shape_cast %get3A_103 : vector<16xi32> to vector<16xi32>
      %swap3A_105 = arith.constant 16 : index
      %swap3A_106 = tpu.vector_load %arg15[%swap3A_105] {strides = array<i32>} : memref<128xi32, #tpu.memory_space<vmem>>, vector<16xi32>,
      %swap3A_107 = vector.shape_cast %swap3A_106 : vector<16xi32> to vector<16xi32>
      %swap3A_108 = vector.shape_cast %get3A_104 : vector<16xi32> to vector<16xi32>
      tpu.vector_store %arg15[%swap3A_105], %swap3A_108 {strides = array<i32>} : memref<128xi32, #tpu.memory_space<vmem>>, vector<16xi32>,
      %get3A_109 = arith.constant 32 : index
      %get3A_110 = tpu.vector_load %arg9[%get3A_109] {strides = array<i32>} : memref<128xi32, #tpu.memory_space<vmem>>, vector<16xi32>,
      %get3A_111 = vector.shape_cast %get3A_110 : vector<16xi32> to vector<16xi32>
      %swap3A_112 = arith.constant 32 : index
      %swap3A_113 = tpu.vector_load %arg15[%swap3A_112] {strides = array<i32>} : memref<128xi32, #tpu.memory_space<vmem>>, vector<16xi32>,
      %swap3A_114 = vector.shape_cast %swap3A_113 : vector<16xi32> to vector<16xi32>
      %swap3A_115 = vector.shape_cast %get3A_111 : vector<16xi32> to vector<16xi32>
      tpu.vector_store %arg15[%swap3A_112], %swap3A_115 {strides = array<i32>} : memref<128xi32, #tpu.memory_space<vmem>>, vector<16xi32>,
      %get3A_116 = arith.constant 48 : index
      %get3A_117 = tpu.vector_load %arg9[%get3A_116] {strides = array<i32>} : memref<128xi32, #tpu.memory_space<vmem>>, vector<16xi32>,
      %get3A_118 = vector.shape_cast %get3A_117 : vector<16xi32> to vector<16xi32>
      %swap3A_119 = arith.constant 48 : index
      %swap3A_120 = tpu.vector_load %arg15[%swap3A_119] {strides = array<i32>} : memref<128xi32, #tpu.memory_space<vmem>>, vector<16xi32>,
      %swap3A_121 = vector.shape_cast %swap3A_120 : vector<16xi32> to vector<16xi32>
      %swap3A_122 = vector.shape_cast %get3A_118 : vector<16xi32> to vector<16xi32>
      tpu.vector_store %arg15[%swap3A_119], %swap3A_122 {strides = array<i32>} : memref<128xi32, #tpu.memory_space<vmem>>, vector<16xi32>,
      %get3A_123 = arith.constant 64 : index
      %get3A_124 = tpu.vector_load %arg9[%get3A_123] {strides = array<i32>} : memref<128xi32, #tpu.memory_space<vmem>>, vector<16xi32>,
      %get3A_125 = vector.shape_cast %get3A_124 : vector<16xi32> to vector<16xi32>
      %swap3A_126 = arith.constant 64 : index
      %swap3A_127 = tpu.vector_load %arg15[%swap3A_126] {strides = array<i32>} : memref<128xi32, #tpu.memory_space<vmem>>, vector<16xi32>,
      %swap3A_128 = vector.shape_cast %swap3A_127 : vector<16xi32> to vector<16xi32>
      %swap3A_129 = vector.shape_cast %get3A_125 : vector<16xi32> to vector<16xi32>
      tpu.vector_store %arg15[%swap3A_126], %swap3A_129 {strides = array<i32>} : memref<128xi32, #tpu.memory_space<vmem>>, vector<16xi32>,
      %get3A_130 = arith.constant 80 : index
      %get3A_131 = tpu.vector_load %arg9[%get3A_130] {strides = array<i32>} : memref<128xi32, #tpu.memory_space<vmem>>, vector<16xi32>,
      %get3A_132 = vector.shape_cast %get3A_131 : vector<16xi32> to vector<16xi32>
      %swap3A_133 = arith.constant 80 : index
      %swap3A_134 = tpu.vector_load %arg15[%swap3A_133] {strides = array<i32>} : memref<128xi32, #tpu.memory_space<vmem>>, vector<16xi32>,
      %swap3A_135 = vector.shape_cast %swap3A_134 : vector<16xi32> to vector<16xi32>
      %swap3A_136 = vector.shape_cast %get3A_132 : vector<16xi32> to vector<16xi32>
      tpu.vector_store %arg15[%swap3A_133], %swap3A_136 {strides = array<i32>} : memref<128xi32, #tpu.memory_space<vmem>>, vector<16xi32>,
      %get3A_137 = arith.constant 96 : index
      %get3A_138 = tpu.vector_load %arg9[%get3A_137] {strides = array<i32>} : memref<128xi32, #tpu.memory_space<vmem>>, vector<16xi32>,
      %get3A_139 = vector.shape_cast %get3A_138 : vector<16xi32> to vector<16xi32>
      %swap3A_140 = arith.constant 96 : index
      %swap3A_141 = tpu.vector_load %arg15[%swap3A_140] {strides = array<i32>} : memref<128xi32, #tpu.memory_space<vmem>>, vector<16xi32>,
      %swap3A_142 = vector.shape_cast %swap3A_141 : vector<16xi32> to vector<16xi32>
      %swap3A_143 = vector.shape_cast %get3A_139 : vector<16xi32> to vector<16xi32>
      tpu.vector_store %arg15[%swap3A_140], %swap3A_143 {strides = array<i32>} : memref<128xi32, #tpu.memory_space<vmem>>, vector<16xi32>,
      %get3A_144 = arith.constant 112 : index
      %get3A_145 = tpu.vector_load %arg9[%get3A_144] {strides = array<i32>} : memref<128xi32, #tpu.memory_space<vmem>>, vector<16xi32>,
      %get3A_146 = vector.shape_cast %get3A_145 : vector<16xi32> to vector<16xi32>
      %swap3A_147 = arith.constant 112 : index
      %swap3A_148 = tpu.vector_load %arg15[%swap3A_147] {strides = array<i32>} : memref<128xi32, #tpu.memory_space<vmem>>, vector<16xi32>,
      %swap3A_149 = vector.shape_cast %swap3A_148 : vector<16xi32> to vector<16xi32>
      %swap3A_150 = vector.shape_cast %get3A_146 : vector<16xi32> to vector<16xi32>
      tpu.vector_store %arg15[%swap3A_147], %swap3A_150 {strides = array<i32>} : memref<128xi32, #tpu.memory_space<vmem>>, vector<16xi32>,
      %dma_start3A_151 = arith.constant 0 : i32
      %dma_start3A_152 = arith.constant 0 : i32
      %dma_start3A_153 = tpu.memref_slice %arg17[%dma_start3A_151, %dma_start3A_152] : memref<10240x128xf32, #tpu.memory_space<vmem_shared>> -> memref<10240x128xf32, #tpu.memory_space<vmem_shared>>
      tpu.enqueue_indirect_dma source(%arg13 : memref<128x128xf32, #tpu.memory_space<vmem>>) target(%dma_start3A_153 : memref<10240x128xf32, #tpu.memory_space<vmem_shared>>) offsets(%arg15 : memref<128xi32, #tpu.memory_space<vmem>>) semaphore(%arg22 : memref<!tpu.dma_semaphore, #tpu.memory_space<semaphore_mem>>) {add = true}
      %add3A_154 = arith.constant 2 : i32
      %add3A_155 = arith.addi %add3A_82, %add3A_154 : i32
      %lt3A_156 = arith.constant 80 : i32
      %lt3A_157 = arith.cmpi slt, %add3A_155, %lt3A_156 : i32
      %convert_element_type3A_158 = arith.extui %lt3A_157 : i1 to i32
      %cond3A_159 = arith.constant 0 : i32
      %cond3A_160 = arith.cmpi ne, %convert_element_type3A_158, %cond3A_159 : i32
      scf.if %cond3A_160 {
        %add3A_247 = arith.constant 2 : i32
        %add3A_248 = arith.addi %add3A_82, %add3A_247 : i32
        %mul3A_249 = arith.constant 32 : i32
        %mul3A_250 = arith.muli %add3A_248, %mul3A_249 : i32
        %add3A_251 = arith.addi %add3A, %mul3A_250 : i32
        %mul3A_252 = arith.constant 128 : i32
        %mul3A_253 = arith.muli %add3A_251, %mul3A_252 : i32
        %dma_start3A_254 = tpu.memref_slice %arg4[%mul3A_253] : memref<327680xi32, #tpu.memory_space<hbm>> -> memref<128xi32, #tpu.memory_space<hbm>>
        %dma_start3A_255 = tpu.memref_slice %arg4[%mul3A_253] : memref<327680xi32, #tpu.memory_space<hbm>> -> memref<128xi32, #tpu.memory_space<hbm>>
        tpu.enqueue_dma source(%dma_start3A_255 : memref<128xi32, #tpu.memory_space<hbm>>) target(%arg7 : memref<128xi32, #tpu.memory_space<vmem>>) target_semaphore(%arg18 : memref<!tpu.dma_semaphore, #tpu.memory_space<semaphore_mem>>)
        %dma_start3A_256 = tpu.memref_slice %arg3[%mul3A_253] : memref<327680xi32, #tpu.memory_space<hbm>> -> memref<128xi32, #tpu.memory_space<hbm>>
        %dma_start3A_257 = tpu.memref_slice %arg3[%mul3A_253] : memref<327680xi32, #tpu.memory_space<hbm>> -> memref<128xi32, #tpu.memory_space<hbm>>
        tpu.enqueue_dma source(%dma_start3A_257 : memref<128xi32, #tpu.memory_space<hbm>>) target(%arg9 : memref<128xi32, #tpu.memory_space<vmem>>) target_semaphore(%arg18 : memref<!tpu.dma_semaphore, #tpu.memory_space<semaphore_mem>>)
        %dma_start3A_258 = tpu.memref_slice %arg5[%mul3A_253] : memref<327680xf32, #tpu.memory_space<hbm>> -> memref<128xf32, #tpu.memory_space<hbm>>
        %dma_start3A_259 = tpu.memref_slice %arg5[%mul3A_253] : memref<327680xf32, #tpu.memory_space<hbm>> -> memref<128xf32, #tpu.memory_space<hbm>>
        tpu.enqueue_dma source(%dma_start3A_259 : memref<128xf32, #tpu.memory_space<hbm>>) target(%arg11 : memref<128xf32, #tpu.memory_space<vmem>>) target_semaphore(%arg18 : memref<!tpu.dma_semaphore, #tpu.memory_space<semaphore_mem>>)
      } else {
      }
      %add3A_161 = arith.constant 1 : i32
      %add3A_162 = arith.addi %mul3A_80, %add3A_161 : i32
      %add3A_163 = arith.constant 1 : i32
      %add3A_164 = arith.addi %add3A_162, %add3A_163 : i32
      %lt3A_165 = arith.constant 80 : i32
      %lt3A_166 = arith.cmpi slt, %add3A_164, %lt3A_165 : i32
      %convert_element_type3A_167 = arith.extui %lt3A_166 : i1 to i32
      %cond3A_168 = arith.constant 0 : i32
      %cond3A_169 = arith.cmpi ne, %convert_element_type3A_167, %cond3A_168 : i32
      scf.if %cond3A_169 {
        %ge3A = arith.constant 1 : i32
        %ge3A_247 = arith.cmpi sge, %add3A_162, %ge3A : i32
        %convert_element_type3A_248 = arith.extui %ge3A_247 : i1 to i32
        %cond3A_249 = arith.constant 0 : i32
        %cond3A_250 = arith.cmpi ne, %convert_element_type3A_248, %cond3A_249 : i32
        scf.if %cond3A_250 {
          %dma_wait3A_267 = arith.constant 0 : i32
          %dma_wait3A_268 = arith.constant 0 : i32
          %dma_wait3A_269 = tpu.memref_slice %arg17[%dma_wait3A_267, %dma_wait3A_268] : memref<10240x128xf32, #tpu.memory_space<vmem_shared>> -> memref<10240x128xf32, #tpu.memory_space<vmem_shared>>
          tpu.wait_indirect_dma semaphore(%arg22 : memref<!tpu.dma_semaphore, #tpu.memory_space<semaphore_mem>>) src(%arg13 : memref<128x128xf32, #tpu.memory_space<vmem>>) dst(%dma_wait3A_269 : memref<10240x128xf32, #tpu.memory_space<vmem_shared>>)
        } else {
        }
        %add3A_251 = arith.constant 1 : i32
        %add3A_252 = arith.addi %add3A_162, %add3A_251 : i32
        %mul3A_253 = arith.constant 32 : i32
        %mul3A_254 = arith.muli %add3A_252, %mul3A_253 : i32
        %add3A_255 = arith.addi %add3A, %mul3A_254 : i32
        %mul3A_256 = arith.constant 128 : i32
        %mul3A_257 = arith.muli %add3A_255, %mul3A_256 : i32
        %dma_wait3A_258 = tpu.memref_slice %arg4[%mul3A_257] : memref<327680xi32, #tpu.memory_space<hbm>> -> memref<128xi32, #tpu.memory_space<hbm>>
        %dma_wait3A_259 = tpu.memref_slice %arg4[%mul3A_257] : memref<327680xi32, #tpu.memory_space<hbm>> -> memref<128xi32, #tpu.memory_space<hbm>>
        tpu.wait_dma2 semaphore(%arg18 : memref<!tpu.dma_semaphore, #tpu.memory_space<semaphore_mem>>) src(%dma_wait3A_259 : memref<128xi32, #tpu.memory_space<hbm>>) dst(%arg7 : memref<128xi32, #tpu.memory_space<vmem>>)
        %dma_wait3A_260 = tpu.memref_slice %arg3[%mul3A_257] : memref<327680xi32, #tpu.memory_space<hbm>> -> memref<128xi32, #tpu.memory_space<hbm>>
        %dma_wait3A_261 = tpu.memref_slice %arg3[%mul3A_257] : memref<327680xi32, #tpu.memory_space<hbm>> -> memref<128xi32, #tpu.memory_space<hbm>>
        tpu.wait_dma2 semaphore(%arg18 : memref<!tpu.dma_semaphore, #tpu.memory_space<semaphore_mem>>) src(%dma_wait3A_261 : memref<128xi32, #tpu.memory_space<hbm>>) dst(%arg9 : memref<128xi32, #tpu.memory_space<vmem>>)
        %dma_wait3A_262 = tpu.memref_slice %arg5[%mul3A_257] : memref<327680xf32, #tpu.memory_space<hbm>> -> memref<128xf32, #tpu.memory_space<hbm>>
        %dma_wait3A_263 = tpu.memref_slice %arg5[%mul3A_257] : memref<327680xf32, #tpu.memory_space<hbm>> -> memref<128xf32, #tpu.memory_space<hbm>>
        tpu.wait_dma2 semaphore(%arg18 : memref<!tpu.dma_semaphore, #tpu.memory_space<semaphore_mem>>) src(%dma_wait3A_263 : memref<128xf32, #tpu.memory_space<hbm>>) dst(%arg11 : memref<128xf32, #tpu.memory_space<vmem>>)
        %dma_start3A_264 = arith.constant 0 : i32
        %dma_start3A_265 = arith.constant 0 : i32
        %dma_start3A_266 = tpu.memref_slice %arg2[%dma_start3A_264, %dma_start3A_265] : memref<10000x128xf32, #tpu.memory_space<hbm>> -> memref<10000x128xf32, #tpu.memory_space<hbm>>
        tpu.enqueue_indirect_dma source(%dma_start3A_266 : memref<10000x128xf32, #tpu.memory_space<hbm>>) target(%arg13 : memref<128x128xf32, #tpu.memory_space<vmem>>) offsets(%arg7 : memref<128xi32, #tpu.memory_space<vmem>>) semaphore(%arg20 : memref<!tpu.dma_semaphore, #tpu.memory_space<semaphore_mem>>)
      } else {
      }
      %dma_wait3A_170 = arith.constant 0 : i32
      %dma_wait3A_171 = arith.constant 0 : i32
      %dma_wait3A_172 = tpu.memref_slice %arg2[%dma_wait3A_170, %dma_wait3A_171] : memref<10000x128xf32, #tpu.memory_space<hbm>> -> memref<10000x128xf32, #tpu.memory_space<hbm>>
      tpu.wait_indirect_dma semaphore(%arg21 : memref<!tpu.dma_semaphore, #tpu.memory_space<semaphore_mem>>) src(%dma_wait3A_172 : memref<10000x128xf32, #tpu.memory_space<hbm>>) dst(%arg14 : memref<128x128xf32, #tpu.memory_space<vmem>>)
      %scan3A_173 = arith.constant 0 : i32
      %scan3A_174 = arith.constant 0 : i32
      %scan3A_175 = arith.constant 8 : i32
      %scan3A_176 = arith.addi %scan3A_174, %scan3A_175 : i32
      %scan3A_177 = arith.constant 1 : i32
      %scan3A_178 = scf.for %scan3A_247 = %scan3A_174 to %scan3A_176 step %scan3A_177 iter_args(%scan3A_248 = %scan3A_173) -> (i32)  : i32 {
        %mul3A_249 = arith.constant 16 : i32
        %mul3A_250 = arith.muli %scan3A_247, %mul3A_249 : i32
        %get3A_251 = arith.index_cast %mul3A_250 : i32 to index
        %get3A_252 = tpu.vector_load %arg12[%get3A_251] {strides = array<i32>} : memref<128xf32, #tpu.memory_space<vmem>>, vector<16xf32>,
        %get3A_253 = vector.shape_cast %get3A_252 : vector<16xf32> to vector<16xf32>
        %slice3A = vector.extract_strided_slice %get3A_253 {offsets = [0], sizes = [1], strides = [1]} : vector<16xf32> to vector<1xf32>
        %squeeze3A = vector.extract %slice3A[0] : f32 from vector<1xf32>
        %mul3A_254 = arith.constant 16 : i32
        %mul3A_255 = arith.muli %scan3A_247, %mul3A_254 : i32
        %add3A_256 = arith.constant 0 : i32
        %add3A_257 = arith.addi %mul3A_255, %add3A_256 : i32
        %get3A_258 = arith.index_cast %add3A_257 : i32 to index
        %get3A_259 = arith.constant 0 : index
        %get3A_260 = tpu.vector_load %arg14[%get3A_258, %get3A_259] {strides = array<i32>} : memref<128x128xf32, #tpu.memory_space<vmem>>, vector<1x16xf32>,
        %get3A_261 = vector.shape_cast %get3A_260 : vector<1x16xf32> to vector<16xf32>
        %mul3A_262 = vector.broadcast %squeeze3A : f32 to vector<16xf32>
        %mul3A_263 = arith.mulf %get3A_261, %mul3A_262 : vector<16xf32>
        %swap3A_264 = arith.index_cast %add3A_257 : i32 to index
        %swap3A_265 = arith.constant 0 : index
        %swap3A_266 = tpu.vector_load %arg14[%swap3A_264, %swap3A_265] {strides = array<i32>} : memref<128x128xf32, #tpu.memory_space<vmem>>, vector<1x16xf32>,
        %swap3A_267 = vector.shape_cast %swap3A_266 : vector<1x16xf32> to vector<16xf32>
        %swap3A_268 = vector.shape_cast %mul3A_263 : vector<16xf32> to vector<1x16xf32>
        tpu.vector_store %arg14[%swap3A_264, %swap3A_265], %swap3A_268 {strides = array<i32>} : memref<128x128xf32, #tpu.memory_space<vmem>>, vector<1x16xf32>,
        %get3A_269 = arith.index_cast %add3A_257 : i32 to index
        %get3A_270 = arith.constant 16 : index
        %get3A_271 = tpu.vector_load %arg14[%get3A_269, %get3A_270] {strides = array<i32>} : memref<128x128xf32, #tpu.memory_space<vmem>>, vector<1x16xf32>,
        %get3A_272 = vector.shape_cast %get3A_271 : vector<1x16xf32> to vector<16xf32>
        %mul3A_273 = vector.broadcast %squeeze3A : f32 to vector<16xf32>
        %mul3A_274 = arith.mulf %get3A_272, %mul3A_273 : vector<16xf32>
        %swap3A_275 = arith.index_cast %add3A_257 : i32 to index
        %swap3A_276 = arith.constant 16 : index
        %swap3A_277 = tpu.vector_load %arg14[%swap3A_275, %swap3A_276] {strides = array<i32>} : memref<128x128xf32, #tpu.memory_space<vmem>>, vector<1x16xf32>,
        %swap3A_278 = vector.shape_cast %swap3A_277 : vector<1x16xf32> to vector<16xf32>
        %swap3A_279 = vector.shape_cast %mul3A_274 : vector<16xf32> to vector<1x16xf32>
        tpu.vector_store %arg14[%swap3A_275, %swap3A_276], %swap3A_279 {strides = array<i32>} : memref<128x128xf32, #tpu.memory_space<vmem>>, vector<1x16xf32>,
        %get3A_280 = arith.index_cast %add3A_257 : i32 to index
        %get3A_281 = arith.constant 32 : index
        %get3A_282 = tpu.vector_load %arg14[%get3A_280, %get3A_281] {strides = array<i32>} : memref<128x128xf32, #tpu.memory_space<vmem>>, vector<1x16xf32>,
        %get3A_283 = vector.shape_cast %get3A_282 : vector<1x16xf32> to vector<16xf32>
        %mul3A_284 = vector.broadcast %squeeze3A : f32 to vector<16xf32>
        %mul3A_285 = arith.mulf %get3A_283, %mul3A_284 : vector<16xf32>
        %swap3A_286 = arith.index_cast %add3A_257 : i32 to index
        %swap3A_287 = arith.constant 32 : index
        %swap3A_288 = tpu.vector_load %arg14[%swap3A_286, %swap3A_287] {strides = array<i32>} : memref<128x128xf32, #tpu.memory_space<vmem>>, vector<1x16xf32>,
        %swap3A_289 = vector.shape_cast %swap3A_288 : vector<1x16xf32> to vector<16xf32>
        %swap3A_290 = vector.shape_cast %mul3A_285 : vector<16xf32> to vector<1x16xf32>
        tpu.vector_store %arg14[%swap3A_286, %swap3A_287], %swap3A_290 {strides = array<i32>} : memref<128x128xf32, #tpu.memory_space<vmem>>, vector<1x16xf32>,
        %get3A_291 = arith.index_cast %add3A_257 : i32 to index
        %get3A_292 = arith.constant 48 : index
        %get3A_293 = tpu.vector_load %arg14[%get3A_291, %get3A_292] {strides = array<i32>} : memref<128x128xf32, #tpu.memory_space<vmem>>, vector<1x16xf32>,
        %get3A_294 = vector.shape_cast %get3A_293 : vector<1x16xf32> to vector<16xf32>
        %mul3A_295 = vector.broadcast %squeeze3A : f32 to vector<16xf32>
        %mul3A_296 = arith.mulf %get3A_294, %mul3A_295 : vector<16xf32>
        %swap3A_297 = arith.index_cast %add3A_257 : i32 to index
        %swap3A_298 = arith.constant 48 : index
        %swap3A_299 = tpu.vector_load %arg14[%swap3A_297, %swap3A_298] {strides = array<i32>} : memref<128x128xf32, #tpu.memory_space<vmem>>, vector<1x16xf32>,
        %swap3A_300 = vector.shape_cast %swap3A_299 : vector<1x16xf32> to vector<16xf32>
        %swap3A_301 = vector.shape_cast %mul3A_296 : vector<16xf32> to vector<1x16xf32>
        tpu.vector_store %arg14[%swap3A_297, %swap3A_298], %swap3A_301 {strides = array<i32>} : memref<128x128xf32, #tpu.memory_space<vmem>>, vector<1x16xf32>,
        %get3A_302 = arith.index_cast %add3A_257 : i32 to index
        %get3A_303 = arith.constant 64 : index
        %get3A_304 = tpu.vector_load %arg14[%get3A_302, %get3A_303] {strides = array<i32>} : memref<128x128xf32, #tpu.memory_space<vmem>>, vector<1x16xf32>,
        %get3A_305 = vector.shape_cast %get3A_304 : vector<1x16xf32> to vector<16xf32>
        %mul3A_306 = vector.broadcast %squeeze3A : f32 to vector<16xf32>
        %mul3A_307 = arith.mulf %get3A_305, %mul3A_306 : vector<16xf32>
        %swap3A_308 = arith.index_cast %add3A_257 : i32 to index
        %swap3A_309 = arith.constant 64 : index
        %swap3A_310 = tpu.vector_load %arg14[%swap3A_308, %swap3A_309] {strides = array<i32>} : memref<128x128xf32, #tpu.memory_space<vmem>>, vector<1x16xf32>,
        %swap3A_311 = vector.shape_cast %swap3A_310 : vector<1x16xf32> to vector<16xf32>
        %swap3A_312 = vector.shape_cast %mul3A_307 : vector<16xf32> to vector<1x16xf32>
        tpu.vector_store %arg14[%swap3A_308, %swap3A_309], %swap3A_312 {strides = array<i32>} : memref<128x128xf32, #tpu.memory_space<vmem>>, vector<1x16xf32>,
        %get3A_313 = arith.index_cast %add3A_257 : i32 to index
        %get3A_314 = arith.constant 80 : index
        %get3A_315 = tpu.vector_load %arg14[%get3A_313, %get3A_314] {strides = array<i32>} : memref<128x128xf32, #tpu.memory_space<vmem>>, vector<1x16xf32>,
        %get3A_316 = vector.shape_cast %get3A_315 : vector<1x16xf32> to vector<16xf32>
        %mul3A_317 = vector.broadcast %squeeze3A : f32 to vector<16xf32>
        %mul3A_318 = arith.mulf %get3A_316, %mul3A_317 : vector<16xf32>
        %swap3A_319 = arith.index_cast %add3A_257 : i32 to index
        %swap3A_320 = arith.constant 80 : index
        %swap3A_321 = tpu.vector_load %arg14[%swap3A_319, %swap3A_320] {strides = array<i32>} : memref<128x128xf32, #tpu.memory_space<vmem>>, vector<1x16xf32>,
        %swap3A_322 = vector.shape_cast %swap3A_321 : vector<1x16xf32> to vector<16xf32>
        %swap3A_323 = vector.shape_cast %mul3A_318 : vector<16xf32> to vector<1x16xf32>
        tpu.vector_store %arg14[%swap3A_319, %swap3A_320], %swap3A_323 {strides = array<i32>} : memref<128x128xf32, #tpu.memory_space<vmem>>, vector<1x16xf32>,
        %get3A_324 = arith.index_cast %add3A_257 : i32 to index
        %get3A_325 = arith.constant 96 : index
        %get3A_326 = tpu.vector_load %arg14[%get3A_324, %get3A_325] {strides = array<i32>} : memref<128x128xf32, #tpu.memory_space<vmem>>, vector<1x16xf32>,
        %get3A_327 = vector.shape_cast %get3A_326 : vector<1x16xf32> to vector<16xf32>
        %mul3A_328 = vector.broadcast %squeeze3A : f32 to vector<16xf32>
        %mul3A_329 = arith.mulf %get3A_327, %mul3A_328 : vector<16xf32>
        %swap3A_330 = arith.index_cast %add3A_257 : i32 to index
        %swap3A_331 = arith.constant 96 : index
        %swap3A_332 = tpu.vector_load %arg14[%swap3A_330, %swap3A_331] {strides = array<i32>} : memref<128x128xf32, #tpu.memory_space<vmem>>, vector<1x16xf32>,
        %swap3A_333 = vector.shape_cast %swap3A_332 : vector<1x16xf32> to vector<16xf32>
        %swap3A_334 = vector.shape_cast %mul3A_329 : vector<16xf32> to vector<1x16xf32>
        tpu.vector_store %arg14[%swap3A_330, %swap3A_331], %swap3A_334 {strides = array<i32>} : memref<128x128xf32, #tpu.memory_space<vmem>>, vector<1x16xf32>,
        %get3A_335 = arith.index_cast %add3A_257 : i32 to index
        %get3A_336 = arith.constant 112 : index
        %get3A_337 = tpu.vector_load %arg14[%get3A_335, %get3A_336] {strides = array<i32>} : memref<128x128xf32, #tpu.memory_space<vmem>>, vector<1x16xf32>,
        %get3A_338 = vector.shape_cast %get3A_337 : vector<1x16xf32> to vector<16xf32>
        %mul3A_339 = vector.broadcast %squeeze3A : f32 to vector<16xf32>
        %mul3A_340 = arith.mulf %get3A_338, %mul3A_339 : vector<16xf32>
        %swap3A_341 = arith.index_cast %add3A_257 : i32 to index
        %swap3A_342 = arith.constant 112 : index
        %swap3A_343 = tpu.vector_load %arg14[%swap3A_341, %swap3A_342] {strides = array<i32>} : memref<128x128xf32, #tpu.memory_space<vmem>>, vector<1x16xf32>,
        %swap3A_344 = vector.shape_cast %swap3A_343 : vector<1x16xf32> to vector<16xf32>
        %swap3A_345 = vector.shape_cast %mul3A_340 : vector<16xf32> to vector<1x16xf32>
        tpu.vector_store %arg14[%swap3A_341, %swap3A_342], %swap3A_345 {strides = array<i32>} : memref<128x128xf32, #tpu.memory_space<vmem>>, vector<1x16xf32>,
        %slice3A_346 = vector.extract_strided_slice %get3A_253 {offsets = [1], sizes = [1], strides = [1]} : vector<16xf32> to vector<1xf32>
        %squeeze3A_347 = vector.extract %slice3A_346[0] : f32 from vector<1xf32>
        %mul3A_348 = arith.constant 16 : i32
        %mul3A_349 = arith.muli %scan3A_247, %mul3A_348 : i32
        %add3A_350 = arith.constant 1 : i32
        %add3A_351 = arith.addi %mul3A_349, %add3A_350 : i32
        %get3A_352 = arith.index_cast %add3A_351 : i32 to index
        %get3A_353 = arith.constant 0 : index
        %get3A_354 = tpu.vector_load %arg14[%get3A_352, %get3A_353] {strides = array<i32>} : memref<128x128xf32, #tpu.memory_space<vmem>>, vector<1x16xf32>,
        %get3A_355 = vector.shape_cast %get3A_354 : vector<1x16xf32> to vector<16xf32>
        %mul3A_356 = vector.broadcast %squeeze3A_347 : f32 to vector<16xf32>
        %mul3A_357 = arith.mulf %get3A_355, %mul3A_356 : vector<16xf32>
        %swap3A_358 = arith.index_cast %add3A_351 : i32 to index
        %swap3A_359 = arith.constant 0 : index
        %swap3A_360 = tpu.vector_load %arg14[%swap3A_358, %swap3A_359] {strides = array<i32>} : memref<128x128xf32, #tpu.memory_space<vmem>>, vector<1x16xf32>,
        %swap3A_361 = vector.shape_cast %swap3A_360 : vector<1x16xf32> to vector<16xf32>
        %swap3A_362 = vector.shape_cast %mul3A_357 : vector<16xf32> to vector<1x16xf32>
        tpu.vector_store %arg14[%swap3A_358, %swap3A_359], %swap3A_362 {strides = array<i32>} : memref<128x128xf32, #tpu.memory_space<vmem>>, vector<1x16xf32>,
        %get3A_363 = arith.index_cast %add3A_351 : i32 to index
        %get3A_364 = arith.constant 16 : index
        %get3A_365 = tpu.vector_load %arg14[%get3A_363, %get3A_364] {strides = array<i32>} : memref<128x128xf32, #tpu.memory_space<vmem>>, vector<1x16xf32>,
        %get3A_366 = vector.shape_cast %get3A_365 : vector<1x16xf32> to vector<16xf32>
        %mul3A_367 = vector.broadcast %squeeze3A_347 : f32 to vector<16xf32>
        %mul3A_368 = arith.mulf %get3A_366, %mul3A_367 : vector<16xf32>
        %swap3A_369 = arith.index_cast %add3A_351 : i32 to index
        %swap3A_370 = arith.constant 16 : index
        %swap3A_371 = tpu.vector_load %arg14[%swap3A_369, %swap3A_370] {strides = array<i32>} : memref<128x128xf32, #tpu.memory_space<vmem>>, vector<1x16xf32>,
        %swap3A_372 = vector.shape_cast %swap3A_371 : vector<1x16xf32> to vector<16xf32>
        %swap3A_373 = vector.shape_cast %mul3A_368 : vector<16xf32> to vector<1x16xf32>
        tpu.vector_store %arg14[%swap3A_369, %swap3A_370], %swap3A_373 {strides = array<i32>} : memref<128x128xf32, #tpu.memory_space<vmem>>, vector<1x16xf32>,
        %get3A_374 = arith.index_cast %add3A_351 : i32 to index
        %get3A_375 = arith.constant 32 : index
        %get3A_376 = tpu.vector_load %arg14[%get3A_374, %get3A_375] {strides = array<i32>} : memref<128x128xf32, #tpu.memory_space<vmem>>, vector<1x16xf32>,
        %get3A_377 = vector.shape_cast %get3A_376 : vector<1x16xf32> to vector<16xf32>
        %mul3A_378 = vector.broadcast %squeeze3A_347 : f32 to vector<16xf32>
        %mul3A_379 = arith.mulf %get3A_377, %mul3A_378 : vector<16xf32>
        %swap3A_380 = arith.index_cast %add3A_351 : i32 to index
        %swap3A_381 = arith.constant 32 : index
        %swap3A_382 = tpu.vector_load %arg14[%swap3A_380, %swap3A_381] {strides = array<i32>} : memref<128x128xf32, #tpu.memory_space<vmem>>, vector<1x16xf32>,
        %swap3A_383 = vector.shape_cast %swap3A_382 : vector<1x16xf32> to vector<16xf32>
        %swap3A_384 = vector.shape_cast %mul3A_379 : vector<16xf32> to vector<1x16xf32>
        tpu.vector_store %arg14[%swap3A_380, %swap3A_381], %swap3A_384 {strides = array<i32>} : memref<128x128xf32, #tpu.memory_space<vmem>>, vector<1x16xf32>,
        %get3A_385 = arith.index_cast %add3A_351 : i32 to index
        %get3A_386 = arith.constant 48 : index
        %get3A_387 = tpu.vector_load %arg14[%get3A_385, %get3A_386] {strides = array<i32>} : memref<128x128xf32, #tpu.memory_space<vmem>>, vector<1x16xf32>,
        %get3A_388 = vector.shape_cast %get3A_387 : vector<1x16xf32> to vector<16xf32>
        %mul3A_389 = vector.broadcast %squeeze3A_347 : f32 to vector<16xf32>
        %mul3A_390 = arith.mulf %get3A_388, %mul3A_389 : vector<16xf32>
        %swap3A_391 = arith.index_cast %add3A_351 : i32 to index
        %swap3A_392 = arith.constant 48 : index
        %swap3A_393 = tpu.vector_load %arg14[%swap3A_391, %swap3A_392] {strides = array<i32>} : memref<128x128xf32, #tpu.memory_space<vmem>>, vector<1x16xf32>,
        %swap3A_394 = vector.shape_cast %swap3A_393 : vector<1x16xf32> to vector<16xf32>
        %swap3A_395 = vector.shape_cast %mul3A_390 : vector<16xf32> to vector<1x16xf32>
        tpu.vector_store %arg14[%swap3A_391, %swap3A_392], %swap3A_395 {strides = array<i32>} : memref<128x128xf32, #tpu.memory_space<vmem>>, vector<1x16xf32>,
        %get3A_396 = arith.index_cast %add3A_351 : i32 to index
        %get3A_397 = arith.constant 64 : index
        %get3A_398 = tpu.vector_load %arg14[%get3A_396, %get3A_397] {strides = array<i32>} : memref<128x128xf32, #tpu.memory_space<vmem>>, vector<1x16xf32>,
        %get3A_399 = vector.shape_cast %get3A_398 : vector<1x16xf32> to vector<16xf32>
        %mul3A_400 = vector.broadcast %squeeze3A_347 : f32 to vector<16xf32>
        %mul3A_401 = arith.mulf %get3A_399, %mul3A_400 : vector<16xf32>
        %swap3A_402 = arith.index_cast %add3A_351 : i32 to index
        %swap3A_403 = arith.constant 64 : index
        %swap3A_404 = tpu.vector_load %arg14[%swap3A_402, %swap3A_403] {strides = array<i32>} : memref<128x128xf32, #tpu.memory_space<vmem>>, vector<1x16xf32>,
        %swap3A_405 = vector.shape_cast %swap3A_404 : vector<1x16xf32> to vector<16xf32>
        %swap3A_406 = vector.shape_cast %mul3A_401 : vector<16xf32> to vector<1x16xf32>
        tpu.vector_store %arg14[%swap3A_402, %swap3A_403], %swap3A_406 {strides = array<i32>} : memref<128x128xf32, #tpu.memory_space<vmem>>, vector<1x16xf32>,
        %get3A_407 = arith.index_cast %add3A_351 : i32 to index
        %get3A_408 = arith.constant 80 : index
        %get3A_409 = tpu.vector_load %arg14[%get3A_407, %get3A_408] {strides = array<i32>} : memref<128x128xf32, #tpu.memory_space<vmem>>, vector<1x16xf32>,
        %get3A_410 = vector.shape_cast %get3A_409 : vector<1x16xf32> to vector<16xf32>
        %mul3A_411 = vector.broadcast %squeeze3A_347 : f32 to vector<16xf32>
        %mul3A_412 = arith.mulf %get3A_410, %mul3A_411 : vector<16xf32>
        %swap3A_413 = arith.index_cast %add3A_351 : i32 to index
        %swap3A_414 = arith.constant 80 : index
        %swap3A_415 = tpu.vector_load %arg14[%swap3A_413, %swap3A_414] {strides = array<i32>} : memref<128x128xf32, #tpu.memory_space<vmem>>, vector<1x16xf32>,
        %swap3A_416 = vector.shape_cast %swap3A_415 : vector<1x16xf32> to vector<16xf32>
        %swap3A_417 = vector.shape_cast %mul3A_412 : vector<16xf32> to vector<1x16xf32>
        tpu.vector_store %arg14[%swap3A_413, %swap3A_414], %swap3A_417 {strides = array<i32>} : memref<128x128xf32, #tpu.memory_space<vmem>>, vector<1x16xf32>,
        %get3A_418 = arith.index_cast %add3A_351 : i32 to index
        %get3A_419 = arith.constant 96 : index
        %get3A_420 = tpu.vector_load %arg14[%get3A_418, %get3A_419] {strides = array<i32>} : memref<128x128xf32, #tpu.memory_space<vmem>>, vector<1x16xf32>,
        %get3A_421 = vector.shape_cast %get3A_420 : vector<1x16xf32> to vector<16xf32>
        %mul3A_422 = vector.broadcast %squeeze3A_347 : f32 to vector<16xf32>
        %mul3A_423 = arith.mulf %get3A_421, %mul3A_422 : vector<16xf32>
        %swap3A_424 = arith.index_cast %add3A_351 : i32 to index
        %swap3A_425 = arith.constant 96 : index
        %swap3A_426 = tpu.vector_load %arg14[%swap3A_424, %swap3A_425] {strides = array<i32>} : memref<128x128xf32, #tpu.memory_space<vmem>>, vector<1x16xf32>,
        %swap3A_427 = vector.shape_cast %swap3A_426 : vector<1x16xf32> to vector<16xf32>
        %swap3A_428 = vector.shape_cast %mul3A_423 : vector<16xf32> to vector<1x16xf32>
        tpu.vector_store %arg14[%swap3A_424, %swap3A_425], %swap3A_428 {strides = array<i32>} : memref<128x128xf32, #tpu.memory_space<vmem>>, vector<1x16xf32>,
        %get3A_429 = arith.index_cast %add3A_351 : i32 to index
        %get3A_430 = arith.constant 112 : index
        %get3A_431 = tpu.vector_load %arg14[%get3A_429, %get3A_430] {strides = array<i32>} : memref<128x128xf32, #tpu.memory_space<vmem>>, vector<1x16xf32>,
        %get3A_432 = vector.shape_cast %get3A_431 : vector<1x16xf32> to vector<16xf32>
        %mul3A_433 = vector.broadcast %squeeze3A_347 : f32 to vector<16xf32>
        %mul3A_434 = arith.mulf %get3A_432, %mul3A_433 : vector<16xf32>
        %swap3A_435 = arith.index_cast %add3A_351 : i32 to index
        %swap3A_436 = arith.constant 112 : index
        %swap3A_437 = tpu.vector_load %arg14[%swap3A_435, %swap3A_436] {strides = array<i32>} : memref<128x128xf32, #tpu.memory_space<vmem>>, vector<1x16xf32>,
        %swap3A_438 = vector.shape_cast %swap3A_437 : vector<1x16xf32> to vector<16xf32>
        %swap3A_439 = vector.shape_cast %mul3A_434 : vector<16xf32> to vector<1x16xf32>
        tpu.vector_store %arg14[%swap3A_435, %swap3A_436], %swap3A_439 {strides = array<i32>} : memref<128x128xf32, #tpu.memory_space<vmem>>, vector<1x16xf32>,
        %slice3A_440 = vector.extract_strided_slice %get3A_253 {offsets = [2], sizes = [1], strides = [1]} : vector<16xf32> to vector<1xf32>
        %squeeze3A_441 = vector.extract %slice3A_440[0] : f32 from vector<1xf32>
        %mul3A_442 = arith.constant 16 : i32
        %mul3A_443 = arith.muli %scan3A_247, %mul3A_442 : i32
        %add3A_444 = arith.constant 2 : i32
        %add3A_445 = arith.addi %mul3A_443, %add3A_444 : i32
        %get3A_446 = arith.index_cast %add3A_445 : i32 to index
        %get3A_447 = arith.constant 0 : index
        %get3A_448 = tpu.vector_load %arg14[%get3A_446, %get3A_447] {strides = array<i32>} : memref<128x128xf32, #tpu.memory_space<vmem>>, vector<1x16xf32>,
        %get3A_449 = vector.shape_cast %get3A_448 : vector<1x16xf32> to vector<16xf32>
        %mul3A_450 = vector.broadcast %squeeze3A_441 : f32 to vector<16xf32>
        %mul3A_451 = arith.mulf %get3A_449, %mul3A_450 : vector<16xf32>
        %swap3A_452 = arith.index_cast %add3A_445 : i32 to index
        %swap3A_453 = arith.constant 0 : index
        %swap3A_454 = tpu.vector_load %arg14[%swap3A_452, %swap3A_453] {strides = array<i32>} : memref<128x128xf32, #tpu.memory_space<vmem>>, vector<1x16xf32>,
        %swap3A_455 = vector.shape_cast %swap3A_454 : vector<1x16xf32> to vector<16xf32>
        %swap3A_456 = vector.shape_cast %mul3A_451 : vector<16xf32> to vector<1x16xf32>
        tpu.vector_store %arg14[%swap3A_452, %swap3A_453], %swap3A_456 {strides = array<i32>} : memref<128x128xf32, #tpu.memory_space<vmem>>, vector<1x16xf32>,
        %get3A_457 = arith.index_cast %add3A_445 : i32 to index
        %get3A_458 = arith.constant 16 : index
        %get3A_459 = tpu.vector_load %arg14[%get3A_457, %get3A_458] {strides = array<i32>} : memref<128x128xf32, #tpu.memory_space<vmem>>, vector<1x16xf32>,
        %get3A_460 = vector.shape_cast %get3A_459 : vector<1x16xf32> to vector<16xf32>
        %mul3A_461 = vector.broadcast %squeeze3A_441 : f32 to vector<16xf32>
        %mul3A_462 = arith.mulf %get3A_460, %mul3A_461 : vector<16xf32>
        %swap3A_463 = arith.index_cast %add3A_445 : i32 to index
        %swap3A_464 = arith.constant 16 : index
        %swap3A_465 = tpu.vector_load %arg14[%swap3A_463, %swap3A_464] {strides = array<i32>} : memref<128x128xf32, #tpu.memory_space<vmem>>, vector<1x16xf32>,
        %swap3A_466 = vector.shape_cast %swap3A_465 : vector<1x16xf32> to vector<16xf32>
        %swap3A_467 = vector.shape_cast %mul3A_462 : vector<16xf32> to vector<1x16xf32>
        tpu.vector_store %arg14[%swap3A_463, %swap3A_464], %swap3A_467 {strides = array<i32>} : memref<128x128xf32, #tpu.memory_space<vmem>>, vector<1x16xf32>,
        %get3A_468 = arith.index_cast %add3A_445 : i32 to index
        %get3A_469 = arith.constant 32 : index
        %get3A_470 = tpu.vector_load %arg14[%get3A_468, %get3A_469] {strides = array<i32>} : memref<128x128xf32, #tpu.memory_space<vmem>>, vector<1x16xf32>,
        %get3A_471 = vector.shape_cast %get3A_470 : vector<1x16xf32> to vector<16xf32>
        %mul3A_472 = vector.broadcast %squeeze3A_441 : f32 to vector<16xf32>
        %mul3A_473 = arith.mulf %get3A_471, %mul3A_472 : vector<16xf32>
        %swap3A_474 = arith.index_cast %add3A_445 : i32 to index
        %swap3A_475 = arith.constant 32 : index
        %swap3A_476 = tpu.vector_load %arg14[%swap3A_474, %swap3A_475] {strides = array<i32>} : memref<128x128xf32, #tpu.memory_space<vmem>>, vector<1x16xf32>,
        %swap3A_477 = vector.shape_cast %swap3A_476 : vector<1x16xf32> to vector<16xf32>
        %swap3A_478 = vector.shape_cast %mul3A_473 : vector<16xf32> to vector<1x16xf32>
        tpu.vector_store %arg14[%swap3A_474, %swap3A_475], %swap3A_478 {strides = array<i32>} : memref<128x128xf32, #tpu.memory_space<vmem>>, vector<1x16xf32>,
        %get3A_479 = arith.index_cast %add3A_445 : i32 to index
        %get3A_480 = arith.constant 48 : index
        %get3A_481 = tpu.vector_load %arg14[%get3A_479, %get3A_480] {strides = array<i32>} : memref<128x128xf32, #tpu.memory_space<vmem>>, vector<1x16xf32>,
        %get3A_482 = vector.shape_cast %get3A_481 : vector<1x16xf32> to vector<16xf32>
        %mul3A_483 = vector.broadcast %squeeze3A_441 : f32 to vector<16xf32>
        %mul3A_484 = arith.mulf %get3A_482, %mul3A_483 : vector<16xf32>
        %swap3A_485 = arith.index_cast %add3A_445 : i32 to index
        %swap3A_486 = arith.constant 48 : index
        %swap3A_487 = tpu.vector_load %arg14[%swap3A_485, %swap3A_486] {strides = array<i32>} : memref<128x128xf32, #tpu.memory_space<vmem>>, vector<1x16xf32>,
        %swap3A_488 = vector.shape_cast %swap3A_487 : vector<1x16xf32> to vector<16xf32>
        %swap3A_489 = vector.shape_cast %mul3A_484 : vector<16xf32> to vector<1x16xf32>
        tpu.vector_store %arg14[%swap3A_485, %swap3A_486], %swap3A_489 {strides = array<i32>} : memref<128x128xf32, #tpu.memory_space<vmem>>, vector<1x16xf32>,
        %get3A_490 = arith.index_cast %add3A_445 : i32 to index
        %get3A_491 = arith.constant 64 : index
        %get3A_492 = tpu.vector_load %arg14[%get3A_490, %get3A_491] {strides = array<i32>} : memref<128x128xf32, #tpu.memory_space<vmem>>, vector<1x16xf32>,
        %get3A_493 = vector.shape_cast %get3A_492 : vector<1x16xf32> to vector<16xf32>
        %mul3A_494 = vector.broadcast %squeeze3A_441 : f32 to vector<16xf32>
        %mul3A_495 = arith.mulf %get3A_493, %mul3A_494 : vector<16xf32>
        %swap3A_496 = arith.index_cast %add3A_445 : i32 to index
        %swap3A_497 = arith.constant 64 : index
        %swap3A_498 = tpu.vector_load %arg14[%swap3A_496, %swap3A_497] {strides = array<i32>} : memref<128x128xf32, #tpu.memory_space<vmem>>, vector<1x16xf32>,
        %swap3A_499 = vector.shape_cast %swap3A_498 : vector<1x16xf32> to vector<16xf32>
        %swap3A_500 = vector.shape_cast %mul3A_495 : vector<16xf32> to vector<1x16xf32>
        tpu.vector_store %arg14[%swap3A_496, %swap3A_497], %swap3A_500 {strides = array<i32>} : memref<128x128xf32, #tpu.memory_space<vmem>>, vector<1x16xf32>,
        %get3A_501 = arith.index_cast %add3A_445 : i32 to index
        %get3A_502 = arith.constant 80 : index
        %get3A_503 = tpu.vector_load %arg14[%get3A_501, %get3A_502] {strides = array<i32>} : memref<128x128xf32, #tpu.memory_space<vmem>>, vector<1x16xf32>,
        %get3A_504 = vector.shape_cast %get3A_503 : vector<1x16xf32> to vector<16xf32>
        %mul3A_505 = vector.broadcast %squeeze3A_441 : f32 to vector<16xf32>
        %mul3A_506 = arith.mulf %get3A_504, %mul3A_505 : vector<16xf32>
        %swap3A_507 = arith.index_cast %add3A_445 : i32 to index
        %swap3A_508 = arith.constant 80 : index
        %swap3A_509 = tpu.vector_load %arg14[%swap3A_507, %swap3A_508] {strides = array<i32>} : memref<128x128xf32, #tpu.memory_space<vmem>>, vector<1x16xf32>,
        %swap3A_510 = vector.shape_cast %swap3A_509 : vector<1x16xf32> to vector<16xf32>
        %swap3A_511 = vector.shape_cast %mul3A_506 : vector<16xf32> to vector<1x16xf32>
        tpu.vector_store %arg14[%swap3A_507, %swap3A_508], %swap3A_511 {strides = array<i32>} : memref<128x128xf32, #tpu.memory_space<vmem>>, vector<1x16xf32>,
        %get3A_512 = arith.index_cast %add3A_445 : i32 to index
        %get3A_513 = arith.constant 96 : index
        %get3A_514 = tpu.vector_load %arg14[%get3A_512, %get3A_513] {strides = array<i32>} : memref<128x128xf32, #tpu.memory_space<vmem>>, vector<1x16xf32>,
        %get3A_515 = vector.shape_cast %get3A_514 : vector<1x16xf32> to vector<16xf32>
        %mul3A_516 = vector.broadcast %squeeze3A_441 : f32 to vector<16xf32>
        %mul3A_517 = arith.mulf %get3A_515, %mul3A_516 : vector<16xf32>
        %swap3A_518 = arith.index_cast %add3A_445 : i32 to index
        %swap3A_519 = arith.constant 96 : index
        %swap3A_520 = tpu.vector_load %arg14[%swap3A_518, %swap3A_519] {strides = array<i32>} : memref<128x128xf32, #tpu.memory_space<vmem>>, vector<1x16xf32>,
        %swap3A_521 = vector.shape_cast %swap3A_520 : vector<1x16xf32> to vector<16xf32>
        %swap3A_522 = vector.shape_cast %mul3A_517 : vector<16xf32> to vector<1x16xf32>
        tpu.vector_store %arg14[%swap3A_518, %swap3A_519], %swap3A_522 {strides = array<i32>} : memref<128x128xf32, #tpu.memory_space<vmem>>, vector<1x16xf32>,
        %get3A_523 = arith.index_cast %add3A_445 : i32 to index
        %get3A_524 = arith.constant 112 : index
        %get3A_525 = tpu.vector_load %arg14[%get3A_523, %get3A_524] {strides = array<i32>} : memref<128x128xf32, #tpu.memory_space<vmem>>, vector<1x16xf32>,
        %get3A_526 = vector.shape_cast %get3A_525 : vector<1x16xf32> to vector<16xf32>
        %mul3A_527 = vector.broadcast %squeeze3A_441 : f32 to vector<16xf32>
        %mul3A_528 = arith.mulf %get3A_526, %mul3A_527 : vector<16xf32>
        %swap3A_529 = arith.index_cast %add3A_445 : i32 to index
        %swap3A_530 = arith.constant 112 : index
        %swap3A_531 = tpu.vector_load %arg14[%swap3A_529, %swap3A_530] {strides = array<i32>} : memref<128x128xf32, #tpu.memory_space<vmem>>, vector<1x16xf32>,
        %swap3A_532 = vector.shape_cast %swap3A_531 : vector<1x16xf32> to vector<16xf32>
        %swap3A_533 = vector.shape_cast %mul3A_528 : vector<16xf32> to vector<1x16xf32>
        tpu.vector_store %arg14[%swap3A_529, %swap3A_530], %swap3A_533 {strides = array<i32>} : memref<128x128xf32, #tpu.memory_space<vmem>>, vector<1x16xf32>,
        %slice3A_534 = vector.extract_strided_slice %get3A_253 {offsets = [3], sizes = [1], strides = [1]} : vector<16xf32> to vector<1xf32>
        %squeeze3A_535 = vector.extract %slice3A_534[0] : f32 from vector<1xf32>
        %mul3A_536 = arith.constant 16 : i32
        %mul3A_537 = arith.muli %scan3A_247, %mul3A_536 : i32
        %add3A_538 = arith.constant 3 : i32
        %add3A_539 = arith.addi %mul3A_537, %add3A_538 : i32
        %get3A_540 = arith.index_cast %add3A_539 : i32 to index
        %get3A_541 = arith.constant 0 : index
        %get3A_542 = tpu.vector_load %arg14[%get3A_540, %get3A_541] {strides = array<i32>} : memref<128x128xf32, #tpu.memory_space<vmem>>, vector<1x16xf32>,
        %get3A_543 = vector.shape_cast %get3A_542 : vector<1x16xf32> to vector<16xf32>
        %mul3A_544 = vector.broadcast %squeeze3A_535 : f32 to vector<16xf32>
        %mul3A_545 = arith.mulf %get3A_543, %mul3A_544 : vector<16xf32>
        %swap3A_546 = arith.index_cast %add3A_539 : i32 to index
        %swap3A_547 = arith.constant 0 : index
        %swap3A_548 = tpu.vector_load %arg14[%swap3A_546, %swap3A_547] {strides = array<i32>} : memref<128x128xf32, #tpu.memory_space<vmem>>, vector<1x16xf32>,
        %swap3A_549 = vector.shape_cast %swap3A_548 : vector<1x16xf32> to vector<16xf32>
        %swap3A_550 = vector.shape_cast %mul3A_545 : vector<16xf32> to vector<1x16xf32>
        tpu.vector_store %arg14[%swap3A_546, %swap3A_547], %swap3A_550 {strides = array<i32>} : memref<128x128xf32, #tpu.memory_space<vmem>>, vector<1x16xf32>,
        %get3A_551 = arith.index_cast %add3A_539 : i32 to index
        %get3A_552 = arith.constant 16 : index
        %get3A_553 = tpu.vector_load %arg14[%get3A_551, %get3A_552] {strides = array<i32>} : memref<128x128xf32, #tpu.memory_space<vmem>>, vector<1x16xf32>,
        %get3A_554 = vector.shape_cast %get3A_553 : vector<1x16xf32> to vector<16xf32>
        %mul3A_555 = vector.broadcast %squeeze3A_535 : f32 to vector<16xf32>
        %mul3A_556 = arith.mulf %get3A_554, %mul3A_555 : vector<16xf32>
        %swap3A_557 = arith.index_cast %add3A_539 : i32 to index
        %swap3A_558 = arith.constant 16 : index
        %swap3A_559 = tpu.vector_load %arg14[%swap3A_557, %swap3A_558] {strides = array<i32>} : memref<128x128xf32, #tpu.memory_space<vmem>>, vector<1x16xf32>,
        %swap3A_560 = vector.shape_cast %swap3A_559 : vector<1x16xf32> to vector<16xf32>
        %swap3A_561 = vector.shape_cast %mul3A_556 : vector<16xf32> to vector<1x16xf32>
        tpu.vector_store %arg14[%swap3A_557, %swap3A_558], %swap3A_561 {strides = array<i32>} : memref<128x128xf32, #tpu.memory_space<vmem>>, vector<1x16xf32>,
        %get3A_562 = arith.index_cast %add3A_539 : i32 to index
        %get3A_563 = arith.constant 32 : index
        %get3A_564 = tpu.vector_load %arg14[%get3A_562, %get3A_563] {strides = array<i32>} : memref<128x128xf32, #tpu.memory_space<vmem>>, vector<1x16xf32>,
        %get3A_565 = vector.shape_cast %get3A_564 : vector<1x16xf32> to vector<16xf32>
        %mul3A_566 = vector.broadcast %squeeze3A_535 : f32 to vector<16xf32>
        %mul3A_567 = arith.mulf %get3A_565, %mul3A_566 : vector<16xf32>
        %swap3A_568 = arith.index_cast %add3A_539 : i32 to index
        %swap3A_569 = arith.constant 32 : index
        %swap3A_570 = tpu.vector_load %arg14[%swap3A_568, %swap3A_569] {strides = array<i32>} : memref<128x128xf32, #tpu.memory_space<vmem>>, vector<1x16xf32>,
        %swap3A_571 = vector.shape_cast %swap3A_570 : vector<1x16xf32> to vector<16xf32>
        %swap3A_572 = vector.shape_cast %mul3A_567 : vector<16xf32> to vector<1x16xf32>
        tpu.vector_store %arg14[%swap3A_568, %swap3A_569], %swap3A_572 {strides = array<i32>} : memref<128x128xf32, #tpu.memory_space<vmem>>, vector<1x16xf32>,
        %get3A_573 = arith.index_cast %add3A_539 : i32 to index
        %get3A_574 = arith.constant 48 : index
        %get3A_575 = tpu.vector_load %arg14[%get3A_573, %get3A_574] {strides = array<i32>} : memref<128x128xf32, #tpu.memory_space<vmem>>, vector<1x16xf32>,
        %get3A_576 = vector.shape_cast %get3A_575 : vector<1x16xf32> to vector<16xf32>
        %mul3A_577 = vector.broadcast %squeeze3A_535 : f32 to vector<16xf32>
        %mul3A_578 = arith.mulf %get3A_576, %mul3A_577 : vector<16xf32>
        %swap3A_579 = arith.index_cast %add3A_539 : i32 to index
        %swap3A_580 = arith.constant 48 : index
        %swap3A_581 = tpu.vector_load %arg14[%swap3A_579, %swap3A_580] {strides = array<i32>} : memref<128x128xf32, #tpu.memory_space<vmem>>, vector<1x16xf32>,
        %swap3A_582 = vector.shape_cast %swap3A_581 : vector<1x16xf32> to vector<16xf32>
        %swap3A_583 = vector.shape_cast %mul3A_578 : vector<16xf32> to vector<1x16xf32>
        tpu.vector_store %arg14[%swap3A_579, %swap3A_580], %swap3A_583 {strides = array<i32>} : memref<128x128xf32, #tpu.memory_space<vmem>>, vector<1x16xf32>,
        %get3A_584 = arith.index_cast %add3A_539 : i32 to index
        %get3A_585 = arith.constant 64 : index
        %get3A_586 = tpu.vector_load %arg14[%get3A_584, %get3A_585] {strides = array<i32>} : memref<128x128xf32, #tpu.memory_space<vmem>>, vector<1x16xf32>,
        %get3A_587 = vector.shape_cast %get3A_586 : vector<1x16xf32> to vector<16xf32>
        %mul3A_588 = vector.broadcast %squeeze3A_535 : f32 to vector<16xf32>
        %mul3A_589 = arith.mulf %get3A_587, %mul3A_588 : vector<16xf32>
        %swap3A_590 = arith.index_cast %add3A_539 : i32 to index
        %swap3A_591 = arith.constant 64 : index
        %swap3A_592 = tpu.vector_load %arg14[%swap3A_590, %swap3A_591] {strides = array<i32>} : memref<128x128xf32, #tpu.memory_space<vmem>>, vector<1x16xf32>,
        %swap3A_593 = vector.shape_cast %swap3A_592 : vector<1x16xf32> to vector<16xf32>
        %swap3A_594 = vector.shape_cast %mul3A_589 : vector<16xf32> to vector<1x16xf32>
        tpu.vector_store %arg14[%swap3A_590, %swap3A_591], %swap3A_594 {strides = array<i32>} : memref<128x128xf32, #tpu.memory_space<vmem>>, vector<1x16xf32>,
        %get3A_595 = arith.index_cast %add3A_539 : i32 to index
        %get3A_596 = arith.constant 80 : index
        %get3A_597 = tpu.vector_load %arg14[%get3A_595, %get3A_596] {strides = array<i32>} : memref<128x128xf32, #tpu.memory_space<vmem>>, vector<1x16xf32>,
        %get3A_598 = vector.shape_cast %get3A_597 : vector<1x16xf32> to vector<16xf32>
        %mul3A_599 = vector.broadcast %squeeze3A_535 : f32 to vector<16xf32>
        %mul3A_600 = arith.mulf %get3A_598, %mul3A_599 : vector<16xf32>
        %swap3A_601 = arith.index_cast %add3A_539 : i32 to index
        %swap3A_602 = arith.constant 80 : index
        %swap3A_603 = tpu.vector_load %arg14[%swap3A_601, %swap3A_602] {strides = array<i32>} : memref<128x128xf32, #tpu.memory_space<vmem>>, vector<1x16xf32>,
        %swap3A_604 = vector.shape_cast %swap3A_603 : vector<1x16xf32> to vector<16xf32>
        %swap3A_605 = vector.shape_cast %mul3A_600 : vector<16xf32> to vector<1x16xf32>
        tpu.vector_store %arg14[%swap3A_601, %swap3A_602], %swap3A_605 {strides = array<i32>} : memref<128x128xf32, #tpu.memory_space<vmem>>, vector<1x16xf32>,
        %get3A_606 = arith.index_cast %add3A_539 : i32 to index
        %get3A_607 = arith.constant 96 : index
        %get3A_608 = tpu.vector_load %arg14[%get3A_606, %get3A_607] {strides = array<i32>} : memref<128x128xf32, #tpu.memory_space<vmem>>, vector<1x16xf32>,
        %get3A_609 = vector.shape_cast %get3A_608 : vector<1x16xf32> to vector<16xf32>
        %mul3A_610 = vector.broadcast %squeeze3A_535 : f32 to vector<16xf32>
        %mul3A_611 = arith.mulf %get3A_609, %mul3A_610 : vector<16xf32>
        %swap3A_612 = arith.index_cast %add3A_539 : i32 to index
        %swap3A_613 = arith.constant 96 : index
        %swap3A_614 = tpu.vector_load %arg14[%swap3A_612, %swap3A_613] {strides = array<i32>} : memref<128x128xf32, #tpu.memory_space<vmem>>, vector<1x16xf32>,
        %swap3A_615 = vector.shape_cast %swap3A_614 : vector<1x16xf32> to vector<16xf32>
        %swap3A_616 = vector.shape_cast %mul3A_611 : vector<16xf32> to vector<1x16xf32>
        tpu.vector_store %arg14[%swap3A_612, %swap3A_613], %swap3A_616 {strides = array<i32>} : memref<128x128xf32, #tpu.memory_space<vmem>>, vector<1x16xf32>,
        %get3A_617 = arith.index_cast %add3A_539 : i32 to index
        %get3A_618 = arith.constant 112 : index
        %get3A_619 = tpu.vector_load %arg14[%get3A_617, %get3A_618] {strides = array<i32>} : memref<128x128xf32, #tpu.memory_space<vmem>>, vector<1x16xf32>,
        %get3A_620 = vector.shape_cast %get3A_619 : vector<1x16xf32> to vector<16xf32>
        %mul3A_621 = vector.broadcast %squeeze3A_535 : f32 to vector<16xf32>
        %mul3A_622 = arith.mulf %get3A_620, %mul3A_621 : vector<16xf32>
        %swap3A_623 = arith.index_cast %add3A_539 : i32 to index
        %swap3A_624 = arith.constant 112 : index
        %swap3A_625 = tpu.vector_load %arg14[%swap3A_623, %swap3A_624] {strides = array<i32>} : memref<128x128xf32, #tpu.memory_space<vmem>>, vector<1x16xf32>,
        %swap3A_626 = vector.shape_cast %swap3A_625 : vector<1x16xf32> to vector<16xf32>
        %swap3A_627 = vector.shape_cast %mul3A_622 : vector<16xf32> to vector<1x16xf32>
        tpu.vector_store %arg14[%swap3A_623, %swap3A_624], %swap3A_627 {strides = array<i32>} : memref<128x128xf32, #tpu.memory_space<vmem>>, vector<1x16xf32>,
        %slice3A_628 = vector.extract_strided_slice %get3A_253 {offsets = [4], sizes = [1], strides = [1]} : vector<16xf32> to vector<1xf32>
        %squeeze3A_629 = vector.extract %slice3A_628[0] : f32 from vector<1xf32>
        %mul3A_630 = arith.constant 16 : i32
        %mul3A_631 = arith.muli %scan3A_247, %mul3A_630 : i32
        %add3A_632 = arith.constant 4 : i32
        %add3A_633 = arith.addi %mul3A_631, %add3A_632 : i32
        %get3A_634 = arith.index_cast %add3A_633 : i32 to index
        %get3A_635 = arith.constant 0 : index
        %get3A_636 = tpu.vector_load %arg14[%get3A_634, %get3A_635] {strides = array<i32>} : memref<128x128xf32, #tpu.memory_space<vmem>>, vector<1x16xf32>,
        %get3A_637 = vector.shape_cast %get3A_636 : vector<1x16xf32> to vector<16xf32>
        %mul3A_638 = vector.broadcast %squeeze3A_629 : f32 to vector<16xf32>
        %mul3A_639 = arith.mulf %get3A_637, %mul3A_638 : vector<16xf32>
        %swap3A_640 = arith.index_cast %add3A_633 : i32 to index
        %swap3A_641 = arith.constant 0 : index
        %swap3A_642 = tpu.vector_load %arg14[%swap3A_640, %swap3A_641] {strides = array<i32>} : memref<128x128xf32, #tpu.memory_space<vmem>>, vector<1x16xf32>,
        %swap3A_643 = vector.shape_cast %swap3A_642 : vector<1x16xf32> to vector<16xf32>
        %swap3A_644 = vector.shape_cast %mul3A_639 : vector<16xf32> to vector<1x16xf32>
        tpu.vector_store %arg14[%swap3A_640, %swap3A_641], %swap3A_644 {strides = array<i32>} : memref<128x128xf32, #tpu.memory_space<vmem>>, vector<1x16xf32>,
        %get3A_645 = arith.index_cast %add3A_633 : i32 to index
        %get3A_646 = arith.constant 16 : index
        %get3A_647 = tpu.vector_load %arg14[%get3A_645, %get3A_646] {strides = array<i32>} : memref<128x128xf32, #tpu.memory_space<vmem>>, vector<1x16xf32>,
        %get3A_648 = vector.shape_cast %get3A_647 : vector<1x16xf32> to vector<16xf32>
        %mul3A_649 = vector.broadcast %squeeze3A_629 : f32 to vector<16xf32>
        %mul3A_650 = arith.mulf %get3A_648, %mul3A_649 : vector<16xf32>
        %swap3A_651 = arith.index_cast %add3A_633 : i32 to index
        %swap3A_652 = arith.constant 16 : index
        %swap3A_653 = tpu.vector_load %arg14[%swap3A_651, %swap3A_652] {strides = array<i32>} : memref<128x128xf32, #tpu.memory_space<vmem>>, vector<1x16xf32>,
        %swap3A_654 = vector.shape_cast %swap3A_653 : vector<1x16xf32> to vector<16xf32>
        %swap3A_655 = vector.shape_cast %mul3A_650 : vector<16xf32> to vector<1x16xf32>
        tpu.vector_store %arg14[%swap3A_651, %swap3A_652], %swap3A_655 {strides = array<i32>} : memref<128x128xf32, #tpu.memory_space<vmem>>, vector<1x16xf32>,
        %get3A_656 = arith.index_cast %add3A_633 : i32 to index
        %get3A_657 = arith.constant 32 : index
        %get3A_658 = tpu.vector_load %arg14[%get3A_656, %get3A_657] {strides = array<i32>} : memref<128x128xf32, #tpu.memory_space<vmem>>, vector<1x16xf32>,
        %get3A_659 = vector.shape_cast %get3A_658 : vector<1x16xf32> to vector<16xf32>
        %mul3A_660 = vector.broadcast %squeeze3A_629 : f32 to vector<16xf32>
        %mul3A_661 = arith.mulf %get3A_659, %mul3A_660 : vector<16xf32>
        %swap3A_662 = arith.index_cast %add3A_633 : i32 to index
        %swap3A_663 = arith.constant 32 : index
        %swap3A_664 = tpu.vector_load %arg14[%swap3A_662, %swap3A_663] {strides = array<i32>} : memref<128x128xf32, #tpu.memory_space<vmem>>, vector<1x16xf32>,
        %swap3A_665 = vector.shape_cast %swap3A_664 : vector<1x16xf32> to vector<16xf32>
        %swap3A_666 = vector.shape_cast %mul3A_661 : vector<16xf32> to vector<1x16xf32>
        tpu.vector_store %arg14[%swap3A_662, %swap3A_663], %swap3A_666 {strides = array<i32>} : memref<128x128xf32, #tpu.memory_space<vmem>>, vector<1x16xf32>,
        %get3A_667 = arith.index_cast %add3A_633 : i32 to index
        %get3A_668 = arith.constant 48 : index
        %get3A_669 = tpu.vector_load %arg14[%get3A_667, %get3A_668] {strides = array<i32>} : memref<128x128xf32, #tpu.memory_space<vmem>>, vector<1x16xf32>,
        %get3A_670 = vector.shape_cast %get3A_669 : vector<1x16xf32> to vector<16xf32>
        %mul3A_671 = vector.broadcast %squeeze3A_629 : f32 to vector<16xf32>
        %mul3A_672 = arith.mulf %get3A_670, %mul3A_671 : vector<16xf32>
        %swap3A_673 = arith.index_cast %add3A_633 : i32 to index
        %swap3A_674 = arith.constant 48 : index
        %swap3A_675 = tpu.vector_load %arg14[%swap3A_673, %swap3A_674] {strides = array<i32>} : memref<128x128xf32, #tpu.memory_space<vmem>>, vector<1x16xf32>,
        %swap3A_676 = vector.shape_cast %swap3A_675 : vector<1x16xf32> to vector<16xf32>
        %swap3A_677 = vector.shape_cast %mul3A_672 : vector<16xf32> to vector<1x16xf32>
        tpu.vector_store %arg14[%swap3A_673, %swap3A_674], %swap3A_677 {strides = array<i32>} : memref<128x128xf32, #tpu.memory_space<vmem>>, vector<1x16xf32>,
        %get3A_678 = arith.index_cast %add3A_633 : i32 to index
        %get3A_679 = arith.constant 64 : index
        %get3A_680 = tpu.vector_load %arg14[%get3A_678, %get3A_679] {strides = array<i32>} : memref<128x128xf32, #tpu.memory_space<vmem>>, vector<1x16xf32>,
        %get3A_681 = vector.shape_cast %get3A_680 : vector<1x16xf32> to vector<16xf32>
        %mul3A_682 = vector.broadcast %squeeze3A_629 : f32 to vector<16xf32>
        %mul3A_683 = arith.mulf %get3A_681, %mul3A_682 : vector<16xf32>
        %swap3A_684 = arith.index_cast %add3A_633 : i32 to index
        %swap3A_685 = arith.constant 64 : index
        %swap3A_686 = tpu.vector_load %arg14[%swap3A_684, %swap3A_685] {strides = array<i32>} : memref<128x128xf32, #tpu.memory_space<vmem>>, vector<1x16xf32>,
        %swap3A_687 = vector.shape_cast %swap3A_686 : vector<1x16xf32> to vector<16xf32>
        %swap3A_688 = vector.shape_cast %mul3A_683 : vector<16xf32> to vector<1x16xf32>
        tpu.vector_store %arg14[%swap3A_684, %swap3A_685], %swap3A_688 {strides = array<i32>} : memref<128x128xf32, #tpu.memory_space<vmem>>, vector<1x16xf32>,
        %get3A_689 = arith.index_cast %add3A_633 : i32 to index
        %get3A_690 = arith.constant 80 : index
        %get3A_691 = tpu.vector_load %arg14[%get3A_689, %get3A_690] {strides = array<i32>} : memref<128x128xf32, #tpu.memory_space<vmem>>, vector<1x16xf32>,
        %get3A_692 = vector.shape_cast %get3A_691 : vector<1x16xf32> to vector<16xf32>
        %mul3A_693 = vector.broadcast %squeeze3A_629 : f32 to vector<16xf32>
        %mul3A_694 = arith.mulf %get3A_692, %mul3A_693 : vector<16xf32>
        %swap3A_695 = arith.index_cast %add3A_633 : i32 to index
        %swap3A_696 = arith.constant 80 : index
        %swap3A_697 = tpu.vector_load %arg14[%swap3A_695, %swap3A_696] {strides = array<i32>} : memref<128x128xf32, #tpu.memory_space<vmem>>, vector<1x16xf32>,
        %swap3A_698 = vector.shape_cast %swap3A_697 : vector<1x16xf32> to vector<16xf32>
        %swap3A_699 = vector.shape_cast %mul3A_694 : vector<16xf32> to vector<1x16xf32>
        tpu.vector_store %arg14[%swap3A_695, %swap3A_696], %swap3A_699 {strides = array<i32>} : memref<128x128xf32, #tpu.memory_space<vmem>>, vector<1x16xf32>,
        %get3A_700 = arith.index_cast %add3A_633 : i32 to index
        %get3A_701 = arith.constant 96 : index
        %get3A_702 = tpu.vector_load %arg14[%get3A_700, %get3A_701] {strides = array<i32>} : memref<128x128xf32, #tpu.memory_space<vmem>>, vector<1x16xf32>,
        %get3A_703 = vector.shape_cast %get3A_702 : vector<1x16xf32> to vector<16xf32>
        %mul3A_704 = vector.broadcast %squeeze3A_629 : f32 to vector<16xf32>
        %mul3A_705 = arith.mulf %get3A_703, %mul3A_704 : vector<16xf32>
        %swap3A_706 = arith.index_cast %add3A_633 : i32 to index
        %swap3A_707 = arith.constant 96 : index
        %swap3A_708 = tpu.vector_load %arg14[%swap3A_706, %swap3A_707] {strides = array<i32>} : memref<128x128xf32, #tpu.memory_space<vmem>>, vector<1x16xf32>,
        %swap3A_709 = vector.shape_cast %swap3A_708 : vector<1x16xf32> to vector<16xf32>
        %swap3A_710 = vector.shape_cast %mul3A_705 : vector<16xf32> to vector<1x16xf32>
        tpu.vector_store %arg14[%swap3A_706, %swap3A_707], %swap3A_710 {strides = array<i32>} : memref<128x128xf32, #tpu.memory_space<vmem>>, vector<1x16xf32>,
        %get3A_711 = arith.index_cast %add3A_633 : i32 to index
        %get3A_712 = arith.constant 112 : index
        %get3A_713 = tpu.vector_load %arg14[%get3A_711, %get3A_712] {strides = array<i32>} : memref<128x128xf32, #tpu.memory_space<vmem>>, vector<1x16xf32>,
        %get3A_714 = vector.shape_cast %get3A_713 : vector<1x16xf32> to vector<16xf32>
        %mul3A_715 = vector.broadcast %squeeze3A_629 : f32 to vector<16xf32>
        %mul3A_716 = arith.mulf %get3A_714, %mul3A_715 : vector<16xf32>
        %swap3A_717 = arith.index_cast %add3A_633 : i32 to index
        %swap3A_718 = arith.constant 112 : index
        %swap3A_719 = tpu.vector_load %arg14[%swap3A_717, %swap3A_718] {strides = array<i32>} : memref<128x128xf32, #tpu.memory_space<vmem>>, vector<1x16xf32>,
        %swap3A_720 = vector.shape_cast %swap3A_719 : vector<1x16xf32> to vector<16xf32>
        %swap3A_721 = vector.shape_cast %mul3A_716 : vector<16xf32> to vector<1x16xf32>
        tpu.vector_store %arg14[%swap3A_717, %swap3A_718], %swap3A_721 {strides = array<i32>} : memref<128x128xf32, #tpu.memory_space<vmem>>, vector<1x16xf32>,
        %slice3A_722 = vector.extract_strided_slice %get3A_253 {offsets = [5], sizes = [1], strides = [1]} : vector<16xf32> to vector<1xf32>
        %squeeze3A_723 = vector.extract %slice3A_722[0] : f32 from vector<1xf32>
        %mul3A_724 = arith.constant 16 : i32
        %mul3A_725 = arith.muli %scan3A_247, %mul3A_724 : i32
        %add3A_726 = arith.constant 5 : i32
        %add3A_727 = arith.addi %mul3A_725, %add3A_726 : i32
        %get3A_728 = arith.index_cast %add3A_727 : i32 to index
        %get3A_729 = arith.constant 0 : index
        %get3A_730 = tpu.vector_load %arg14[%get3A_728, %get3A_729] {strides = array<i32>} : memref<128x128xf32, #tpu.memory_space<vmem>>, vector<1x16xf32>,
        %get3A_731 = vector.shape_cast %get3A_730 : vector<1x16xf32> to vector<16xf32>
        %mul3A_732 = vector.broadcast %squeeze3A_723 : f32 to vector<16xf32>
        %mul3A_733 = arith.mulf %get3A_731, %mul3A_732 : vector<16xf32>
        %swap3A_734 = arith.index_cast %add3A_727 : i32 to index
        %swap3A_735 = arith.constant 0 : index
        %swap3A_736 = tpu.vector_load %arg14[%swap3A_734, %swap3A_735] {strides = array<i32>} : memref<128x128xf32, #tpu.memory_space<vmem>>, vector<1x16xf32>,
        %swap3A_737 = vector.shape_cast %swap3A_736 : vector<1x16xf32> to vector<16xf32>
        %swap3A_738 = vector.shape_cast %mul3A_733 : vector<16xf32> to vector<1x16xf32>
        tpu.vector_store %arg14[%swap3A_734, %swap3A_735], %swap3A_738 {strides = array<i32>} : memref<128x128xf32, #tpu.memory_space<vmem>>, vector<1x16xf32>,
        %get3A_739 = arith.index_cast %add3A_727 : i32 to index
        %get3A_740 = arith.constant 16 : index
        %get3A_741 = tpu.vector_load %arg14[%get3A_739, %get3A_740] {strides = array<i32>} : memref<128x128xf32, #tpu.memory_space<vmem>>, vector<1x16xf32>,
        %get3A_742 = vector.shape_cast %get3A_741 : vector<1x16xf32> to vector<16xf32>
        %mul3A_743 = vector.broadcast %squeeze3A_723 : f32 to vector<16xf32>
        %mul3A_744 = arith.mulf %get3A_742, %mul3A_743 : vector<16xf32>
        %swap3A_745 = arith.index_cast %add3A_727 : i32 to index
        %swap3A_746 = arith.constant 16 : index
        %swap3A_747 = tpu.vector_load %arg14[%swap3A_745, %swap3A_746] {strides = array<i32>} : memref<128x128xf32, #tpu.memory_space<vmem>>, vector<1x16xf32>,
        %swap3A_748 = vector.shape_cast %swap3A_747 : vector<1x16xf32> to vector<16xf32>
        %swap3A_749 = vector.shape_cast %mul3A_744 : vector<16xf32> to vector<1x16xf32>
        tpu.vector_store %arg14[%swap3A_745, %swap3A_746], %swap3A_749 {strides = array<i32>} : memref<128x128xf32, #tpu.memory_space<vmem>>, vector<1x16xf32>,
        %get3A_750 = arith.index_cast %add3A_727 : i32 to index
        %get3A_751 = arith.constant 32 : index
        %get3A_752 = tpu.vector_load %arg14[%get3A_750, %get3A_751] {strides = array<i32>} : memref<128x128xf32, #tpu.memory_space<vmem>>, vector<1x16xf32>,
        %get3A_753 = vector.shape_cast %get3A_752 : vector<1x16xf32> to vector<16xf32>
        %mul3A_754 = vector.broadcast %squeeze3A_723 : f32 to vector<16xf32>
        %mul3A_755 = arith.mulf %get3A_753, %mul3A_754 : vector<16xf32>
        %swap3A_756 = arith.index_cast %add3A_727 : i32 to index
        %swap3A_757 = arith.constant 32 : index
        %swap3A_758 = tpu.vector_load %arg14[%swap3A_756, %swap3A_757] {strides = array<i32>} : memref<128x128xf32, #tpu.memory_space<vmem>>, vector<1x16xf32>,
        %swap3A_759 = vector.shape_cast %swap3A_758 : vector<1x16xf32> to vector<16xf32>
        %swap3A_760 = vector.shape_cast %mul3A_755 : vector<16xf32> to vector<1x16xf32>
        tpu.vector_store %arg14[%swap3A_756, %swap3A_757], %swap3A_760 {strides = array<i32>} : memref<128x128xf32, #tpu.memory_space<vmem>>, vector<1x16xf32>,
        %get3A_761 = arith.index_cast %add3A_727 : i32 to index
        %get3A_762 = arith.constant 48 : index
        %get3A_763 = tpu.vector_load %arg14[%get3A_761, %get3A_762] {strides = array<i32>} : memref<128x128xf32, #tpu.memory_space<vmem>>, vector<1x16xf32>,
        %get3A_764 = vector.shape_cast %get3A_763 : vector<1x16xf32> to vector<16xf32>
        %mul3A_765 = vector.broadcast %squeeze3A_723 : f32 to vector<16xf32>
        %mul3A_766 = arith.mulf %get3A_764, %mul3A_765 : vector<16xf32>
        %swap3A_767 = arith.index_cast %add3A_727 : i32 to index
        %swap3A_768 = arith.constant 48 : index
        %swap3A_769 = tpu.vector_load %arg14[%swap3A_767, %swap3A_768] {strides = array<i32>} : memref<128x128xf32, #tpu.memory_space<vmem>>, vector<1x16xf32>,
        %swap3A_770 = vector.shape_cast %swap3A_769 : vector<1x16xf32> to vector<16xf32>
        %swap3A_771 = vector.shape_cast %mul3A_766 : vector<16xf32> to vector<1x16xf32>
        tpu.vector_store %arg14[%swap3A_767, %swap3A_768], %swap3A_771 {strides = array<i32>} : memref<128x128xf32, #tpu.memory_space<vmem>>, vector<1x16xf32>,
        %get3A_772 = arith.index_cast %add3A_727 : i32 to index
        %get3A_773 = arith.constant 64 : index
        %get3A_774 = tpu.vector_load %arg14[%get3A_772, %get3A_773] {strides = array<i32>} : memref<128x128xf32, #tpu.memory_space<vmem>>, vector<1x16xf32>,
        %get3A_775 = vector.shape_cast %get3A_774 : vector<1x16xf32> to vector<16xf32>
        %mul3A_776 = vector.broadcast %squeeze3A_723 : f32 to vector<16xf32>
        %mul3A_777 = arith.mulf %get3A_775, %mul3A_776 : vector<16xf32>
        %swap3A_778 = arith.index_cast %add3A_727 : i32 to index
        %swap3A_779 = arith.constant 64 : index
        %swap3A_780 = tpu.vector_load %arg14[%swap3A_778, %swap3A_779] {strides = array<i32>} : memref<128x128xf32, #tpu.memory_space<vmem>>, vector<1x16xf32>,
        %swap3A_781 = vector.shape_cast %swap3A_780 : vector<1x16xf32> to vector<16xf32>
        %swap3A_782 = vector.shape_cast %mul3A_777 : vector<16xf32> to vector<1x16xf32>
        tpu.vector_store %arg14[%swap3A_778, %swap3A_779], %swap3A_782 {strides = array<i32>} : memref<128x128xf32, #tpu.memory_space<vmem>>, vector<1x16xf32>,
        %get3A_783 = arith.index_cast %add3A_727 : i32 to index
        %get3A_784 = arith.constant 80 : index
        %get3A_785 = tpu.vector_load %arg14[%get3A_783, %get3A_784] {strides = array<i32>} : memref<128x128xf32, #tpu.memory_space<vmem>>, vector<1x16xf32>,
        %get3A_786 = vector.shape_cast %get3A_785 : vector<1x16xf32> to vector<16xf32>
        %mul3A_787 = vector.broadcast %squeeze3A_723 : f32 to vector<16xf32>
        %mul3A_788 = arith.mulf %get3A_786, %mul3A_787 : vector<16xf32>
        %swap3A_789 = arith.index_cast %add3A_727 : i32 to index
        %swap3A_790 = arith.constant 80 : index
        %swap3A_791 = tpu.vector_load %arg14[%swap3A_789, %swap3A_790] {strides = array<i32>} : memref<128x128xf32, #tpu.memory_space<vmem>>, vector<1x16xf32>,
        %swap3A_792 = vector.shape_cast %swap3A_791 : vector<1x16xf32> to vector<16xf32>
        %swap3A_793 = vector.shape_cast %mul3A_788 : vector<16xf32> to vector<1x16xf32>
        tpu.vector_store %arg14[%swap3A_789, %swap3A_790], %swap3A_793 {strides = array<i32>} : memref<128x128xf32, #tpu.memory_space<vmem>>, vector<1x16xf32>,
        %get3A_794 = arith.index_cast %add3A_727 : i32 to index
        %get3A_795 = arith.constant 96 : index
        %get3A_796 = tpu.vector_load %arg14[%get3A_794, %get3A_795] {strides = array<i32>} : memref<128x128xf32, #tpu.memory_space<vmem>>, vector<1x16xf32>,
        %get3A_797 = vector.shape_cast %get3A_796 : vector<1x16xf32> to vector<16xf32>
        %mul3A_798 = vector.broadcast %squeeze3A_723 : f32 to vector<16xf32>
        %mul3A_799 = arith.mulf %get3A_797, %mul3A_798 : vector<16xf32>
        %swap3A_800 = arith.index_cast %add3A_727 : i32 to index
        %swap3A_801 = arith.constant 96 : index
        %swap3A_802 = tpu.vector_load %arg14[%swap3A_800, %swap3A_801] {strides = array<i32>} : memref<128x128xf32, #tpu.memory_space<vmem>>, vector<1x16xf32>,
        %swap3A_803 = vector.shape_cast %swap3A_802 : vector<1x16xf32> to vector<16xf32>
        %swap3A_804 = vector.shape_cast %mul3A_799 : vector<16xf32> to vector<1x16xf32>
        tpu.vector_store %arg14[%swap3A_800, %swap3A_801], %swap3A_804 {strides = array<i32>} : memref<128x128xf32, #tpu.memory_space<vmem>>, vector<1x16xf32>,
        %get3A_805 = arith.index_cast %add3A_727 : i32 to index
        %get3A_806 = arith.constant 112 : index
        %get3A_807 = tpu.vector_load %arg14[%get3A_805, %get3A_806] {strides = array<i32>} : memref<128x128xf32, #tpu.memory_space<vmem>>, vector<1x16xf32>,
        %get3A_808 = vector.shape_cast %get3A_807 : vector<1x16xf32> to vector<16xf32>
        %mul3A_809 = vector.broadcast %squeeze3A_723 : f32 to vector<16xf32>
        %mul3A_810 = arith.mulf %get3A_808, %mul3A_809 : vector<16xf32>
        %swap3A_811 = arith.index_cast %add3A_727 : i32 to index
        %swap3A_812 = arith.constant 112 : index
        %swap3A_813 = tpu.vector_load %arg14[%swap3A_811, %swap3A_812] {strides = array<i32>} : memref<128x128xf32, #tpu.memory_space<vmem>>, vector<1x16xf32>,
        %swap3A_814 = vector.shape_cast %swap3A_813 : vector<1x16xf32> to vector<16xf32>
        %swap3A_815 = vector.shape_cast %mul3A_810 : vector<16xf32> to vector<1x16xf32>
        tpu.vector_store %arg14[%swap3A_811, %swap3A_812], %swap3A_815 {strides = array<i32>} : memref<128x128xf32, #tpu.memory_space<vmem>>, vector<1x16xf32>,
        %slice3A_816 = vector.extract_strided_slice %get3A_253 {offsets = [6], sizes = [1], strides = [1]} : vector<16xf32> to vector<1xf32>
        %squeeze3A_817 = vector.extract %slice3A_816[0] : f32 from vector<1xf32>
        %mul3A_818 = arith.constant 16 : i32
        %mul3A_819 = arith.muli %scan3A_247, %mul3A_818 : i32
        %add3A_820 = arith.constant 6 : i32
        %add3A_821 = arith.addi %mul3A_819, %add3A_820 : i32
        %get3A_822 = arith.index_cast %add3A_821 : i32 to index
        %get3A_823 = arith.constant 0 : index
        %get3A_824 = tpu.vector_load %arg14[%get3A_822, %get3A_823] {strides = array<i32>} : memref<128x128xf32, #tpu.memory_space<vmem>>, vector<1x16xf32>,
        %get3A_825 = vector.shape_cast %get3A_824 : vector<1x16xf32> to vector<16xf32>
        %mul3A_826 = vector.broadcast %squeeze3A_817 : f32 to vector<16xf32>
        %mul3A_827 = arith.mulf %get3A_825, %mul3A_826 : vector<16xf32>
        %swap3A_828 = arith.index_cast %add3A_821 : i32 to index
        %swap3A_829 = arith.constant 0 : index
        %swap3A_830 = tpu.vector_load %arg14[%swap3A_828, %swap3A_829] {strides = array<i32>} : memref<128x128xf32, #tpu.memory_space<vmem>>, vector<1x16xf32>,
        %swap3A_831 = vector.shape_cast %swap3A_830 : vector<1x16xf32> to vector<16xf32>
        %swap3A_832 = vector.shape_cast %mul3A_827 : vector<16xf32> to vector<1x16xf32>
        tpu.vector_store %arg14[%swap3A_828, %swap3A_829], %swap3A_832 {strides = array<i32>} : memref<128x128xf32, #tpu.memory_space<vmem>>, vector<1x16xf32>,
        %get3A_833 = arith.index_cast %add3A_821 : i32 to index
        %get3A_834 = arith.constant 16 : index
        %get3A_835 = tpu.vector_load %arg14[%get3A_833, %get3A_834] {strides = array<i32>} : memref<128x128xf32, #tpu.memory_space<vmem>>, vector<1x16xf32>,
        %get3A_836 = vector.shape_cast %get3A_835 : vector<1x16xf32> to vector<16xf32>
        %mul3A_837 = vector.broadcast %squeeze3A_817 : f32 to vector<16xf32>
        %mul3A_838 = arith.mulf %get3A_836, %mul3A_837 : vector<16xf32>
        %swap3A_839 = arith.index_cast %add3A_821 : i32 to index
        %swap3A_840 = arith.constant 16 : index
        %swap3A_841 = tpu.vector_load %arg14[%swap3A_839, %swap3A_840] {strides = array<i32>} : memref<128x128xf32, #tpu.memory_space<vmem>>, vector<1x16xf32>,
        %swap3A_842 = vector.shape_cast %swap3A_841 : vector<1x16xf32> to vector<16xf32>
        %swap3A_843 = vector.shape_cast %mul3A_838 : vector<16xf32> to vector<1x16xf32>
        tpu.vector_store %arg14[%swap3A_839, %swap3A_840], %swap3A_843 {strides = array<i32>} : memref<128x128xf32, #tpu.memory_space<vmem>>, vector<1x16xf32>,
        %get3A_844 = arith.index_cast %add3A_821 : i32 to index
        %get3A_845 = arith.constant 32 : index
        %get3A_846 = tpu.vector_load %arg14[%get3A_844, %get3A_845] {strides = array<i32>} : memref<128x128xf32, #tpu.memory_space<vmem>>, vector<1x16xf32>,
        %get3A_847 = vector.shape_cast %get3A_846 : vector<1x16xf32> to vector<16xf32>
        %mul3A_848 = vector.broadcast %squeeze3A_817 : f32 to vector<16xf32>
        %mul3A_849 = arith.mulf %get3A_847, %mul3A_848 : vector<16xf32>
        %swap3A_850 = arith.index_cast %add3A_821 : i32 to index
        %swap3A_851 = arith.constant 32 : index
        %swap3A_852 = tpu.vector_load %arg14[%swap3A_850, %swap3A_851] {strides = array<i32>} : memref<128x128xf32, #tpu.memory_space<vmem>>, vector<1x16xf32>,
        %swap3A_853 = vector.shape_cast %swap3A_852 : vector<1x16xf32> to vector<16xf32>
        %swap3A_854 = vector.shape_cast %mul3A_849 : vector<16xf32> to vector<1x16xf32>
        tpu.vector_store %arg14[%swap3A_850, %swap3A_851], %swap3A_854 {strides = array<i32>} : memref<128x128xf32, #tpu.memory_space<vmem>>, vector<1x16xf32>,
        %get3A_855 = arith.index_cast %add3A_821 : i32 to index
        %get3A_856 = arith.constant 48 : index
        %get3A_857 = tpu.vector_load %arg14[%get3A_855, %get3A_856] {strides = array<i32>} : memref<128x128xf32, #tpu.memory_space<vmem>>, vector<1x16xf32>,
        %get3A_858 = vector.shape_cast %get3A_857 : vector<1x16xf32> to vector<16xf32>
        %mul3A_859 = vector.broadcast %squeeze3A_817 : f32 to vector<16xf32>
        %mul3A_860 = arith.mulf %get3A_858, %mul3A_859 : vector<16xf32>
        %swap3A_861 = arith.index_cast %add3A_821 : i32 to index
        %swap3A_862 = arith.constant 48 : index
        %swap3A_863 = tpu.vector_load %arg14[%swap3A_861, %swap3A_862] {strides = array<i32>} : memref<128x128xf32, #tpu.memory_space<vmem>>, vector<1x16xf32>,
        %swap3A_864 = vector.shape_cast %swap3A_863 : vector<1x16xf32> to vector<16xf32>
        %swap3A_865 = vector.shape_cast %mul3A_860 : vector<16xf32> to vector<1x16xf32>
        tpu.vector_store %arg14[%swap3A_861, %swap3A_862], %swap3A_865 {strides = array<i32>} : memref<128x128xf32, #tpu.memory_space<vmem>>, vector<1x16xf32>,
        %get3A_866 = arith.index_cast %add3A_821 : i32 to index
        %get3A_867 = arith.constant 64 : index
        %get3A_868 = tpu.vector_load %arg14[%get3A_866, %get3A_867] {strides = array<i32>} : memref<128x128xf32, #tpu.memory_space<vmem>>, vector<1x16xf32>,
        %get3A_869 = vector.shape_cast %get3A_868 : vector<1x16xf32> to vector<16xf32>
        %mul3A_870 = vector.broadcast %squeeze3A_817 : f32 to vector<16xf32>
        %mul3A_871 = arith.mulf %get3A_869, %mul3A_870 : vector<16xf32>
        %swap3A_872 = arith.index_cast %add3A_821 : i32 to index
        %swap3A_873 = arith.constant 64 : index
        %swap3A_874 = tpu.vector_load %arg14[%swap3A_872, %swap3A_873] {strides = array<i32>} : memref<128x128xf32, #tpu.memory_space<vmem>>, vector<1x16xf32>,
        %swap3A_875 = vector.shape_cast %swap3A_874 : vector<1x16xf32> to vector<16xf32>
        %swap3A_876 = vector.shape_cast %mul3A_871 : vector<16xf32> to vector<1x16xf32>
        tpu.vector_store %arg14[%swap3A_872, %swap3A_873], %swap3A_876 {strides = array<i32>} : memref<128x128xf32, #tpu.memory_space<vmem>>, vector<1x16xf32>,
        %get3A_877 = arith.index_cast %add3A_821 : i32 to index
        %get3A_878 = arith.constant 80 : index
        %get3A_879 = tpu.vector_load %arg14[%get3A_877, %get3A_878] {strides = array<i32>} : memref<128x128xf32, #tpu.memory_space<vmem>>, vector<1x16xf32>,
        %get3A_880 = vector.shape_cast %get3A_879 : vector<1x16xf32> to vector<16xf32>
        %mul3A_881 = vector.broadcast %squeeze3A_817 : f32 to vector<16xf32>
        %mul3A_882 = arith.mulf %get3A_880, %mul3A_881 : vector<16xf32>
        %swap3A_883 = arith.index_cast %add3A_821 : i32 to index
        %swap3A_884 = arith.constant 80 : index
        %swap3A_885 = tpu.vector_load %arg14[%swap3A_883, %swap3A_884] {strides = array<i32>} : memref<128x128xf32, #tpu.memory_space<vmem>>, vector<1x16xf32>,
        %swap3A_886 = vector.shape_cast %swap3A_885 : vector<1x16xf32> to vector<16xf32>
        %swap3A_887 = vector.shape_cast %mul3A_882 : vector<16xf32> to vector<1x16xf32>
        tpu.vector_store %arg14[%swap3A_883, %swap3A_884], %swap3A_887 {strides = array<i32>} : memref<128x128xf32, #tpu.memory_space<vmem>>, vector<1x16xf32>,
        %get3A_888 = arith.index_cast %add3A_821 : i32 to index
        %get3A_889 = arith.constant 96 : index
        %get3A_890 = tpu.vector_load %arg14[%get3A_888, %get3A_889] {strides = array<i32>} : memref<128x128xf32, #tpu.memory_space<vmem>>, vector<1x16xf32>,
        %get3A_891 = vector.shape_cast %get3A_890 : vector<1x16xf32> to vector<16xf32>
        %mul3A_892 = vector.broadcast %squeeze3A_817 : f32 to vector<16xf32>
        %mul3A_893 = arith.mulf %get3A_891, %mul3A_892 : vector<16xf32>
        %swap3A_894 = arith.index_cast %add3A_821 : i32 to index
        %swap3A_895 = arith.constant 96 : index
        %swap3A_896 = tpu.vector_load %arg14[%swap3A_894, %swap3A_895] {strides = array<i32>} : memref<128x128xf32, #tpu.memory_space<vmem>>, vector<1x16xf32>,
        %swap3A_897 = vector.shape_cast %swap3A_896 : vector<1x16xf32> to vector<16xf32>
        %swap3A_898 = vector.shape_cast %mul3A_893 : vector<16xf32> to vector<1x16xf32>
        tpu.vector_store %arg14[%swap3A_894, %swap3A_895], %swap3A_898 {strides = array<i32>} : memref<128x128xf32, #tpu.memory_space<vmem>>, vector<1x16xf32>,
        %get3A_899 = arith.index_cast %add3A_821 : i32 to index
        %get3A_900 = arith.constant 112 : index
        %get3A_901 = tpu.vector_load %arg14[%get3A_899, %get3A_900] {strides = array<i32>} : memref<128x128xf32, #tpu.memory_space<vmem>>, vector<1x16xf32>,
        %get3A_902 = vector.shape_cast %get3A_901 : vector<1x16xf32> to vector<16xf32>
        %mul3A_903 = vector.broadcast %squeeze3A_817 : f32 to vector<16xf32>
        %mul3A_904 = arith.mulf %get3A_902, %mul3A_903 : vector<16xf32>
        %swap3A_905 = arith.index_cast %add3A_821 : i32 to index
        %swap3A_906 = arith.constant 112 : index
        %swap3A_907 = tpu.vector_load %arg14[%swap3A_905, %swap3A_906] {strides = array<i32>} : memref<128x128xf32, #tpu.memory_space<vmem>>, vector<1x16xf32>,
        %swap3A_908 = vector.shape_cast %swap3A_907 : vector<1x16xf32> to vector<16xf32>
        %swap3A_909 = vector.shape_cast %mul3A_904 : vector<16xf32> to vector<1x16xf32>
        tpu.vector_store %arg14[%swap3A_905, %swap3A_906], %swap3A_909 {strides = array<i32>} : memref<128x128xf32, #tpu.memory_space<vmem>>, vector<1x16xf32>,
        %slice3A_910 = vector.extract_strided_slice %get3A_253 {offsets = [7], sizes = [1], strides = [1]} : vector<16xf32> to vector<1xf32>
        %squeeze3A_911 = vector.extract %slice3A_910[0] : f32 from vector<1xf32>
        %mul3A_912 = arith.constant 16 : i32
        %mul3A_913 = arith.muli %scan3A_247, %mul3A_912 : i32
        %add3A_914 = arith.constant 7 : i32
        %add3A_915 = arith.addi %mul3A_913, %add3A_914 : i32
        %get3A_916 = arith.index_cast %add3A_915 : i32 to index
        %get3A_917 = arith.constant 0 : index
        %get3A_918 = tpu.vector_load %arg14[%get3A_916, %get3A_917] {strides = array<i32>} : memref<128x128xf32, #tpu.memory_space<vmem>>, vector<1x16xf32>,
        %get3A_919 = vector.shape_cast %get3A_918 : vector<1x16xf32> to vector<16xf32>
        %mul3A_920 = vector.broadcast %squeeze3A_911 : f32 to vector<16xf32>
        %mul3A_921 = arith.mulf %get3A_919, %mul3A_920 : vector<16xf32>
        %swap3A_922 = arith.index_cast %add3A_915 : i32 to index
        %swap3A_923 = arith.constant 0 : index
        %swap3A_924 = tpu.vector_load %arg14[%swap3A_922, %swap3A_923] {strides = array<i32>} : memref<128x128xf32, #tpu.memory_space<vmem>>, vector<1x16xf32>,
        %swap3A_925 = vector.shape_cast %swap3A_924 : vector<1x16xf32> to vector<16xf32>
        %swap3A_926 = vector.shape_cast %mul3A_921 : vector<16xf32> to vector<1x16xf32>
        tpu.vector_store %arg14[%swap3A_922, %swap3A_923], %swap3A_926 {strides = array<i32>} : memref<128x128xf32, #tpu.memory_space<vmem>>, vector<1x16xf32>,
        %get3A_927 = arith.index_cast %add3A_915 : i32 to index
        %get3A_928 = arith.constant 16 : index
        %get3A_929 = tpu.vector_load %arg14[%get3A_927, %get3A_928] {strides = array<i32>} : memref<128x128xf32, #tpu.memory_space<vmem>>, vector<1x16xf32>,
        %get3A_930 = vector.shape_cast %get3A_929 : vector<1x16xf32> to vector<16xf32>
        %mul3A_931 = vector.broadcast %squeeze3A_911 : f32 to vector<16xf32>
        %mul3A_932 = arith.mulf %get3A_930, %mul3A_931 : vector<16xf32>
        %swap3A_933 = arith.index_cast %add3A_915 : i32 to index
        %swap3A_934 = arith.constant 16 : index
        %swap3A_935 = tpu.vector_load %arg14[%swap3A_933, %swap3A_934] {strides = array<i32>} : memref<128x128xf32, #tpu.memory_space<vmem>>, vector<1x16xf32>,
        %swap3A_936 = vector.shape_cast %swap3A_935 : vector<1x16xf32> to vector<16xf32>
        %swap3A_937 = vector.shape_cast %mul3A_932 : vector<16xf32> to vector<1x16xf32>
        tpu.vector_store %arg14[%swap3A_933, %swap3A_934], %swap3A_937 {strides = array<i32>} : memref<128x128xf32, #tpu.memory_space<vmem>>, vector<1x16xf32>,
        %get3A_938 = arith.index_cast %add3A_915 : i32 to index
        %get3A_939 = arith.constant 32 : index
        %get3A_940 = tpu.vector_load %arg14[%get3A_938, %get3A_939] {strides = array<i32>} : memref<128x128xf32, #tpu.memory_space<vmem>>, vector<1x16xf32>,
        %get3A_941 = vector.shape_cast %get3A_940 : vector<1x16xf32> to vector<16xf32>
        %mul3A_942 = vector.broadcast %squeeze3A_911 : f32 to vector<16xf32>
        %mul3A_943 = arith.mulf %get3A_941, %mul3A_942 : vector<16xf32>
        %swap3A_944 = arith.index_cast %add3A_915 : i32 to index
        %swap3A_945 = arith.constant 32 : index
        %swap3A_946 = tpu.vector_load %arg14[%swap3A_944, %swap3A_945] {strides = array<i32>} : memref<128x128xf32, #tpu.memory_space<vmem>>, vector<1x16xf32>,
        %swap3A_947 = vector.shape_cast %swap3A_946 : vector<1x16xf32> to vector<16xf32>
        %swap3A_948 = vector.shape_cast %mul3A_943 : vector<16xf32> to vector<1x16xf32>
        tpu.vector_store %arg14[%swap3A_944, %swap3A_945], %swap3A_948 {strides = array<i32>} : memref<128x128xf32, #tpu.memory_space<vmem>>, vector<1x16xf32>,
        %get3A_949 = arith.index_cast %add3A_915 : i32 to index
        %get3A_950 = arith.constant 48 : index
        %get3A_951 = tpu.vector_load %arg14[%get3A_949, %get3A_950] {strides = array<i32>} : memref<128x128xf32, #tpu.memory_space<vmem>>, vector<1x16xf32>,
        %get3A_952 = vector.shape_cast %get3A_951 : vector<1x16xf32> to vector<16xf32>
        %mul3A_953 = vector.broadcast %squeeze3A_911 : f32 to vector<16xf32>
        %mul3A_954 = arith.mulf %get3A_952, %mul3A_953 : vector<16xf32>
        %swap3A_955 = arith.index_cast %add3A_915 : i32 to index
        %swap3A_956 = arith.constant 48 : index
        %swap3A_957 = tpu.vector_load %arg14[%swap3A_955, %swap3A_956] {strides = array<i32>} : memref<128x128xf32, #tpu.memory_space<vmem>>, vector<1x16xf32>,
        %swap3A_958 = vector.shape_cast %swap3A_957 : vector<1x16xf32> to vector<16xf32>
        %swap3A_959 = vector.shape_cast %mul3A_954 : vector<16xf32> to vector<1x16xf32>
        tpu.vector_store %arg14[%swap3A_955, %swap3A_956], %swap3A_959 {strides = array<i32>} : memref<128x128xf32, #tpu.memory_space<vmem>>, vector<1x16xf32>,
        %get3A_960 = arith.index_cast %add3A_915 : i32 to index
        %get3A_961 = arith.constant 64 : index
        %get3A_962 = tpu.vector_load %arg14[%get3A_960, %get3A_961] {strides = array<i32>} : memref<128x128xf32, #tpu.memory_space<vmem>>, vector<1x16xf32>,
        %get3A_963 = vector.shape_cast %get3A_962 : vector<1x16xf32> to vector<16xf32>
        %mul3A_964 = vector.broadcast %squeeze3A_911 : f32 to vector<16xf32>
        %mul3A_965 = arith.mulf %get3A_963, %mul3A_964 : vector<16xf32>
        %swap3A_966 = arith.index_cast %add3A_915 : i32 to index
        %swap3A_967 = arith.constant 64 : index
        %swap3A_968 = tpu.vector_load %arg14[%swap3A_966, %swap3A_967] {strides = array<i32>} : memref<128x128xf32, #tpu.memory_space<vmem>>, vector<1x16xf32>,
        %swap3A_969 = vector.shape_cast %swap3A_968 : vector<1x16xf32> to vector<16xf32>
        %swap3A_970 = vector.shape_cast %mul3A_965 : vector<16xf32> to vector<1x16xf32>
        tpu.vector_store %arg14[%swap3A_966, %swap3A_967], %swap3A_970 {strides = array<i32>} : memref<128x128xf32, #tpu.memory_space<vmem>>, vector<1x16xf32>,
        %get3A_971 = arith.index_cast %add3A_915 : i32 to index
        %get3A_972 = arith.constant 80 : index
        %get3A_973 = tpu.vector_load %arg14[%get3A_971, %get3A_972] {strides = array<i32>} : memref<128x128xf32, #tpu.memory_space<vmem>>, vector<1x16xf32>,
        %get3A_974 = vector.shape_cast %get3A_973 : vector<1x16xf32> to vector<16xf32>
        %mul3A_975 = vector.broadcast %squeeze3A_911 : f32 to vector<16xf32>
        %mul3A_976 = arith.mulf %get3A_974, %mul3A_975 : vector<16xf32>
        %swap3A_977 = arith.index_cast %add3A_915 : i32 to index
        %swap3A_978 = arith.constant 80 : index
        %swap3A_979 = tpu.vector_load %arg14[%swap3A_977, %swap3A_978] {strides = array<i32>} : memref<128x128xf32, #tpu.memory_space<vmem>>, vector<1x16xf32>,
        %swap3A_980 = vector.shape_cast %swap3A_979 : vector<1x16xf32> to vector<16xf32>
        %swap3A_981 = vector.shape_cast %mul3A_976 : vector<16xf32> to vector<1x16xf32>
        tpu.vector_store %arg14[%swap3A_977, %swap3A_978], %swap3A_981 {strides = array<i32>} : memref<128x128xf32, #tpu.memory_space<vmem>>, vector<1x16xf32>,
        %get3A_982 = arith.index_cast %add3A_915 : i32 to index
        %get3A_983 = arith.constant 96 : index
        %get3A_984 = tpu.vector_load %arg14[%get3A_982, %get3A_983] {strides = array<i32>} : memref<128x128xf32, #tpu.memory_space<vmem>>, vector<1x16xf32>,
        %get3A_985 = vector.shape_cast %get3A_984 : vector<1x16xf32> to vector<16xf32>
        %mul3A_986 = vector.broadcast %squeeze3A_911 : f32 to vector<16xf32>
        %mul3A_987 = arith.mulf %get3A_985, %mul3A_986 : vector<16xf32>
        %swap3A_988 = arith.index_cast %add3A_915 : i32 to index
        %swap3A_989 = arith.constant 96 : index
        %swap3A_990 = tpu.vector_load %arg14[%swap3A_988, %swap3A_989] {strides = array<i32>} : memref<128x128xf32, #tpu.memory_space<vmem>>, vector<1x16xf32>,
        %swap3A_991 = vector.shape_cast %swap3A_990 : vector<1x16xf32> to vector<16xf32>
        %swap3A_992 = vector.shape_cast %mul3A_987 : vector<16xf32> to vector<1x16xf32>
        tpu.vector_store %arg14[%swap3A_988, %swap3A_989], %swap3A_992 {strides = array<i32>} : memref<128x128xf32, #tpu.memory_space<vmem>>, vector<1x16xf32>,
        %get3A_993 = arith.index_cast %add3A_915 : i32 to index
        %get3A_994 = arith.constant 112 : index
        %get3A_995 = tpu.vector_load %arg14[%get3A_993, %get3A_994] {strides = array<i32>} : memref<128x128xf32, #tpu.memory_space<vmem>>, vector<1x16xf32>,
        %get3A_996 = vector.shape_cast %get3A_995 : vector<1x16xf32> to vector<16xf32>
        %mul3A_997 = vector.broadcast %squeeze3A_911 : f32 to vector<16xf32>
        %mul3A_998 = arith.mulf %get3A_996, %mul3A_997 : vector<16xf32>
        %swap3A_999 = arith.index_cast %add3A_915 : i32 to index
        %swap3A_1000 = arith.constant 112 : index
        %swap3A_1001 = tpu.vector_load %arg14[%swap3A_999, %swap3A_1000] {strides = array<i32>} : memref<128x128xf32, #tpu.memory_space<vmem>>, vector<1x16xf32>,
        %swap3A_1002 = vector.shape_cast %swap3A_1001 : vector<1x16xf32> to vector<16xf32>
        %swap3A_1003 = vector.shape_cast %mul3A_998 : vector<16xf32> to vector<1x16xf32>
        tpu.vector_store %arg14[%swap3A_999, %swap3A_1000], %swap3A_1003 {strides = array<i32>} : memref<128x128xf32, #tpu.memory_space<vmem>>, vector<1x16xf32>,
        %slice3A_1004 = vector.extract_strided_slice %get3A_253 {offsets = [8], sizes = [1], strides = [1]} : vector<16xf32> to vector<1xf32>
        %squeeze3A_1005 = vector.extract %slice3A_1004[0] : f32 from vector<1xf32>
        %mul3A_1006 = arith.constant 16 : i32
        %mul3A_1007 = arith.muli %scan3A_247, %mul3A_1006 : i32
        %add3A_1008 = arith.constant 8 : i32
        %add3A_1009 = arith.addi %mul3A_1007, %add3A_1008 : i32
        %get3A_1010 = arith.index_cast %add3A_1009 : i32 to index
        %get3A_1011 = arith.constant 0 : index
        %get3A_1012 = tpu.vector_load %arg14[%get3A_1010, %get3A_1011] {strides = array<i32>} : memref<128x128xf32, #tpu.memory_space<vmem>>, vector<1x16xf32>,
        %get3A_1013 = vector.shape_cast %get3A_1012 : vector<1x16xf32> to vector<16xf32>
        %mul3A_1014 = vector.broadcast %squeeze3A_1005 : f32 to vector<16xf32>
        %mul3A_1015 = arith.mulf %get3A_1013, %mul3A_1014 : vector<16xf32>
        %swap3A_1016 = arith.index_cast %add3A_1009 : i32 to index
        %swap3A_1017 = arith.constant 0 : index
        %swap3A_1018 = tpu.vector_load %arg14[%swap3A_1016, %swap3A_1017] {strides = array<i32>} : memref<128x128xf32, #tpu.memory_space<vmem>>, vector<1x16xf32>,
        %swap3A_1019 = vector.shape_cast %swap3A_1018 : vector<1x16xf32> to vector<16xf32>
        %swap3A_1020 = vector.shape_cast %mul3A_1015 : vector<16xf32> to vector<1x16xf32>
        tpu.vector_store %arg14[%swap3A_1016, %swap3A_1017], %swap3A_1020 {strides = array<i32>} : memref<128x128xf32, #tpu.memory_space<vmem>>, vector<1x16xf32>,
        %get3A_1021 = arith.index_cast %add3A_1009 : i32 to index
        %get3A_1022 = arith.constant 16 : index
        %get3A_1023 = tpu.vector_load %arg14[%get3A_1021, %get3A_1022] {strides = array<i32>} : memref<128x128xf32, #tpu.memory_space<vmem>>, vector<1x16xf32>,
        %get3A_1024 = vector.shape_cast %get3A_1023 : vector<1x16xf32> to vector<16xf32>
        %mul3A_1025 = vector.broadcast %squeeze3A_1005 : f32 to vector<16xf32>
        %mul3A_1026 = arith.mulf %get3A_1024, %mul3A_1025 : vector<16xf32>
        %swap3A_1027 = arith.index_cast %add3A_1009 : i32 to index
        %swap3A_1028 = arith.constant 16 : index
        %swap3A_1029 = tpu.vector_load %arg14[%swap3A_1027, %swap3A_1028] {strides = array<i32>} : memref<128x128xf32, #tpu.memory_space<vmem>>, vector<1x16xf32>,
        %swap3A_1030 = vector.shape_cast %swap3A_1029 : vector<1x16xf32> to vector<16xf32>
        %swap3A_1031 = vector.shape_cast %mul3A_1026 : vector<16xf32> to vector<1x16xf32>
        tpu.vector_store %arg14[%swap3A_1027, %swap3A_1028], %swap3A_1031 {strides = array<i32>} : memref<128x128xf32, #tpu.memory_space<vmem>>, vector<1x16xf32>,
        %get3A_1032 = arith.index_cast %add3A_1009 : i32 to index
        %get3A_1033 = arith.constant 32 : index
        %get3A_1034 = tpu.vector_load %arg14[%get3A_1032, %get3A_1033] {strides = array<i32>} : memref<128x128xf32, #tpu.memory_space<vmem>>, vector<1x16xf32>,
        %get3A_1035 = vector.shape_cast %get3A_1034 : vector<1x16xf32> to vector<16xf32>
        %mul3A_1036 = vector.broadcast %squeeze3A_1005 : f32 to vector<16xf32>
        %mul3A_1037 = arith.mulf %get3A_1035, %mul3A_1036 : vector<16xf32>
        %swap3A_1038 = arith.index_cast %add3A_1009 : i32 to index
        %swap3A_1039 = arith.constant 32 : index
        %swap3A_1040 = tpu.vector_load %arg14[%swap3A_1038, %swap3A_1039] {strides = array<i32>} : memref<128x128xf32, #tpu.memory_space<vmem>>, vector<1x16xf32>,
        %swap3A_1041 = vector.shape_cast %swap3A_1040 : vector<1x16xf32> to vector<16xf32>
        %swap3A_1042 = vector.shape_cast %mul3A_1037 : vector<16xf32> to vector<1x16xf32>
        tpu.vector_store %arg14[%swap3A_1038, %swap3A_1039], %swap3A_1042 {strides = array<i32>} : memref<128x128xf32, #tpu.memory_space<vmem>>, vector<1x16xf32>,
        %get3A_1043 = arith.index_cast %add3A_1009 : i32 to index
        %get3A_1044 = arith.constant 48 : index
        %get3A_1045 = tpu.vector_load %arg14[%get3A_1043, %get3A_1044] {strides = array<i32>} : memref<128x128xf32, #tpu.memory_space<vmem>>, vector<1x16xf32>,
        %get3A_1046 = vector.shape_cast %get3A_1045 : vector<1x16xf32> to vector<16xf32>
        %mul3A_1047 = vector.broadcast %squeeze3A_1005 : f32 to vector<16xf32>
        %mul3A_1048 = arith.mulf %get3A_1046, %mul3A_1047 : vector<16xf32>
        %swap3A_1049 = arith.index_cast %add3A_1009 : i32 to index
        %swap3A_1050 = arith.constant 48 : index
        %swap3A_1051 = tpu.vector_load %arg14[%swap3A_1049, %swap3A_1050] {strides = array<i32>} : memref<128x128xf32, #tpu.memory_space<vmem>>, vector<1x16xf32>,
        %swap3A_1052 = vector.shape_cast %swap3A_1051 : vector<1x16xf32> to vector<16xf32>
        %swap3A_1053 = vector.shape_cast %mul3A_1048 : vector<16xf32> to vector<1x16xf32>
        tpu.vector_store %arg14[%swap3A_1049, %swap3A_1050], %swap3A_1053 {strides = array<i32>} : memref<128x128xf32, #tpu.memory_space<vmem>>, vector<1x16xf32>,
        %get3A_1054 = arith.index_cast %add3A_1009 : i32 to index
        %get3A_1055 = arith.constant 64 : index
        %get3A_1056 = tpu.vector_load %arg14[%get3A_1054, %get3A_1055] {strides = array<i32>} : memref<128x128xf32, #tpu.memory_space<vmem>>, vector<1x16xf32>,
        %get3A_1057 = vector.shape_cast %get3A_1056 : vector<1x16xf32> to vector<16xf32>
        %mul3A_1058 = vector.broadcast %squeeze3A_1005 : f32 to vector<16xf32>
        %mul3A_1059 = arith.mulf %get3A_1057, %mul3A_1058 : vector<16xf32>
        %swap3A_1060 = arith.index_cast %add3A_1009 : i32 to index
        %swap3A_1061 = arith.constant 64 : index
        %swap3A_1062 = tpu.vector_load %arg14[%swap3A_1060, %swap3A_1061] {strides = array<i32>} : memref<128x128xf32, #tpu.memory_space<vmem>>, vector<1x16xf32>,
        %swap3A_1063 = vector.shape_cast %swap3A_1062 : vector<1x16xf32> to vector<16xf32>
        %swap3A_1064 = vector.shape_cast %mul3A_1059 : vector<16xf32> to vector<1x16xf32>
        tpu.vector_store %arg14[%swap3A_1060, %swap3A_1061], %swap3A_1064 {strides = array<i32>} : memref<128x128xf32, #tpu.memory_space<vmem>>, vector<1x16xf32>,
        %get3A_1065 = arith.index_cast %add3A_1009 : i32 to index
        %get3A_1066 = arith.constant 80 : index
        %get3A_1067 = tpu.vector_load %arg14[%get3A_1065, %get3A_1066] {strides = array<i32>} : memref<128x128xf32, #tpu.memory_space<vmem>>, vector<1x16xf32>,
        %get3A_1068 = vector.shape_cast %get3A_1067 : vector<1x16xf32> to vector<16xf32>
        %mul3A_1069 = vector.broadcast %squeeze3A_1005 : f32 to vector<16xf32>
        %mul3A_1070 = arith.mulf %get3A_1068, %mul3A_1069 : vector<16xf32>
        %swap3A_1071 = arith.index_cast %add3A_1009 : i32 to index
        %swap3A_1072 = arith.constant 80 : index
        %swap3A_1073 = tpu.vector_load %arg14[%swap3A_1071, %swap3A_1072] {strides = array<i32>} : memref<128x128xf32, #tpu.memory_space<vmem>>, vector<1x16xf32>,
        %swap3A_1074 = vector.shape_cast %swap3A_1073 : vector<1x16xf32> to vector<16xf32>
        %swap3A_1075 = vector.shape_cast %mul3A_1070 : vector<16xf32> to vector<1x16xf32>
        tpu.vector_store %arg14[%swap3A_1071, %swap3A_1072], %swap3A_1075 {strides = array<i32>} : memref<128x128xf32, #tpu.memory_space<vmem>>, vector<1x16xf32>,
        %get3A_1076 = arith.index_cast %add3A_1009 : i32 to index
        %get3A_1077 = arith.constant 96 : index
        %get3A_1078 = tpu.vector_load %arg14[%get3A_1076, %get3A_1077] {strides = array<i32>} : memref<128x128xf32, #tpu.memory_space<vmem>>, vector<1x16xf32>,
        %get3A_1079 = vector.shape_cast %get3A_1078 : vector<1x16xf32> to vector<16xf32>
        %mul3A_1080 = vector.broadcast %squeeze3A_1005 : f32 to vector<16xf32>
        %mul3A_1081 = arith.mulf %get3A_1079, %mul3A_1080 : vector<16xf32>
        %swap3A_1082 = arith.index_cast %add3A_1009 : i32 to index
        %swap3A_1083 = arith.constant 96 : index
        %swap3A_1084 = tpu.vector_load %arg14[%swap3A_1082, %swap3A_1083] {strides = array<i32>} : memref<128x128xf32, #tpu.memory_space<vmem>>, vector<1x16xf32>,
        %swap3A_1085 = vector.shape_cast %swap3A_1084 : vector<1x16xf32> to vector<16xf32>
        %swap3A_1086 = vector.shape_cast %mul3A_1081 : vector<16xf32> to vector<1x16xf32>
        tpu.vector_store %arg14[%swap3A_1082, %swap3A_1083], %swap3A_1086 {strides = array<i32>} : memref<128x128xf32, #tpu.memory_space<vmem>>, vector<1x16xf32>,
        %get3A_1087 = arith.index_cast %add3A_1009 : i32 to index
        %get3A_1088 = arith.constant 112 : index
        %get3A_1089 = tpu.vector_load %arg14[%get3A_1087, %get3A_1088] {strides = array<i32>} : memref<128x128xf32, #tpu.memory_space<vmem>>, vector<1x16xf32>,
        %get3A_1090 = vector.shape_cast %get3A_1089 : vector<1x16xf32> to vector<16xf32>
        %mul3A_1091 = vector.broadcast %squeeze3A_1005 : f32 to vector<16xf32>
        %mul3A_1092 = arith.mulf %get3A_1090, %mul3A_1091 : vector<16xf32>
        %swap3A_1093 = arith.index_cast %add3A_1009 : i32 to index
        %swap3A_1094 = arith.constant 112 : index
        %swap3A_1095 = tpu.vector_load %arg14[%swap3A_1093, %swap3A_1094] {strides = array<i32>} : memref<128x128xf32, #tpu.memory_space<vmem>>, vector<1x16xf32>,
        %swap3A_1096 = vector.shape_cast %swap3A_1095 : vector<1x16xf32> to vector<16xf32>
        %swap3A_1097 = vector.shape_cast %mul3A_1092 : vector<16xf32> to vector<1x16xf32>
        tpu.vector_store %arg14[%swap3A_1093, %swap3A_1094], %swap3A_1097 {strides = array<i32>} : memref<128x128xf32, #tpu.memory_space<vmem>>, vector<1x16xf32>,
        %slice3A_1098 = vector.extract_strided_slice %get3A_253 {offsets = [9], sizes = [1], strides = [1]} : vector<16xf32> to vector<1xf32>
        %squeeze3A_1099 = vector.extract %slice3A_1098[0] : f32 from vector<1xf32>
        %mul3A_1100 = arith.constant 16 : i32
        %mul3A_1101 = arith.muli %scan3A_247, %mul3A_1100 : i32
        %add3A_1102 = arith.constant 9 : i32
        %add3A_1103 = arith.addi %mul3A_1101, %add3A_1102 : i32
        %get3A_1104 = arith.index_cast %add3A_1103 : i32 to index
        %get3A_1105 = arith.constant 0 : index
        %get3A_1106 = tpu.vector_load %arg14[%get3A_1104, %get3A_1105] {strides = array<i32>} : memref<128x128xf32, #tpu.memory_space<vmem>>, vector<1x16xf32>,
        %get3A_1107 = vector.shape_cast %get3A_1106 : vector<1x16xf32> to vector<16xf32>
        %mul3A_1108 = vector.broadcast %squeeze3A_1099 : f32 to vector<16xf32>
        %mul3A_1109 = arith.mulf %get3A_1107, %mul3A_1108 : vector<16xf32>
        %swap3A_1110 = arith.index_cast %add3A_1103 : i32 to index
        %swap3A_1111 = arith.constant 0 : index
        %swap3A_1112 = tpu.vector_load %arg14[%swap3A_1110, %swap3A_1111] {strides = array<i32>} : memref<128x128xf32, #tpu.memory_space<vmem>>, vector<1x16xf32>,
        %swap3A_1113 = vector.shape_cast %swap3A_1112 : vector<1x16xf32> to vector<16xf32>
        %swap3A_1114 = vector.shape_cast %mul3A_1109 : vector<16xf32> to vector<1x16xf32>
        tpu.vector_store %arg14[%swap3A_1110, %swap3A_1111], %swap3A_1114 {strides = array<i32>} : memref<128x128xf32, #tpu.memory_space<vmem>>, vector<1x16xf32>,
        %get3A_1115 = arith.index_cast %add3A_1103 : i32 to index
        %get3A_1116 = arith.constant 16 : index
        %get3A_1117 = tpu.vector_load %arg14[%get3A_1115, %get3A_1116] {strides = array<i32>} : memref<128x128xf32, #tpu.memory_space<vmem>>, vector<1x16xf32>,
        %get3A_1118 = vector.shape_cast %get3A_1117 : vector<1x16xf32> to vector<16xf32>
        %mul3A_1119 = vector.broadcast %squeeze3A_1099 : f32 to vector<16xf32>
        %mul3A_1120 = arith.mulf %get3A_1118, %mul3A_1119 : vector<16xf32>
        %swap3A_1121 = arith.index_cast %add3A_1103 : i32 to index
        %swap3A_1122 = arith.constant 16 : index
        %swap3A_1123 = tpu.vector_load %arg14[%swap3A_1121, %swap3A_1122] {strides = array<i32>} : memref<128x128xf32, #tpu.memory_space<vmem>>, vector<1x16xf32>,
        %swap3A_1124 = vector.shape_cast %swap3A_1123 : vector<1x16xf32> to vector<16xf32>
        %swap3A_1125 = vector.shape_cast %mul3A_1120 : vector<16xf32> to vector<1x16xf32>
        tpu.vector_store %arg14[%swap3A_1121, %swap3A_1122], %swap3A_1125 {strides = array<i32>} : memref<128x128xf32, #tpu.memory_space<vmem>>, vector<1x16xf32>,
        %get3A_1126 = arith.index_cast %add3A_1103 : i32 to index
        %get3A_1127 = arith.constant 32 : index
        %get3A_1128 = tpu.vector_load %arg14[%get3A_1126, %get3A_1127] {strides = array<i32>} : memref<128x128xf32, #tpu.memory_space<vmem>>, vector<1x16xf32>,
        %get3A_1129 = vector.shape_cast %get3A_1128 : vector<1x16xf32> to vector<16xf32>
        %mul3A_1130 = vector.broadcast %squeeze3A_1099 : f32 to vector<16xf32>
        %mul3A_1131 = arith.mulf %get3A_1129, %mul3A_1130 : vector<16xf32>
        %swap3A_1132 = arith.index_cast %add3A_1103 : i32 to index
        %swap3A_1133 = arith.constant 32 : index
        %swap3A_1134 = tpu.vector_load %arg14[%swap3A_1132, %swap3A_1133] {strides = array<i32>} : memref<128x128xf32, #tpu.memory_space<vmem>>, vector<1x16xf32>,
        %swap3A_1135 = vector.shape_cast %swap3A_1134 : vector<1x16xf32> to vector<16xf32>
        %swap3A_1136 = vector.shape_cast %mul3A_1131 : vector<16xf32> to vector<1x16xf32>
        tpu.vector_store %arg14[%swap3A_1132, %swap3A_1133], %swap3A_1136 {strides = array<i32>} : memref<128x128xf32, #tpu.memory_space<vmem>>, vector<1x16xf32>,
        %get3A_1137 = arith.index_cast %add3A_1103 : i32 to index
        %get3A_1138 = arith.constant 48 : index
        %get3A_1139 = tpu.vector_load %arg14[%get3A_1137, %get3A_1138] {strides = array<i32>} : memref<128x128xf32, #tpu.memory_space<vmem>>, vector<1x16xf32>,
        %get3A_1140 = vector.shape_cast %get3A_1139 : vector<1x16xf32> to vector<16xf32>
        %mul3A_1141 = vector.broadcast %squeeze3A_1099 : f32 to vector<16xf32>
        %mul3A_1142 = arith.mulf %get3A_1140, %mul3A_1141 : vector<16xf32>
        %swap3A_1143 = arith.index_cast %add3A_1103 : i32 to index
        %swap3A_1144 = arith.constant 48 : index
        %swap3A_1145 = tpu.vector_load %arg14[%swap3A_1143, %swap3A_1144] {strides = array<i32>} : memref<128x128xf32, #tpu.memory_space<vmem>>, vector<1x16xf32>,
        %swap3A_1146 = vector.shape_cast %swap3A_1145 : vector<1x16xf32> to vector<16xf32>
        %swap3A_1147 = vector.shape_cast %mul3A_1142 : vector<16xf32> to vector<1x16xf32>
        tpu.vector_store %arg14[%swap3A_1143, %swap3A_1144], %swap3A_1147 {strides = array<i32>} : memref<128x128xf32, #tpu.memory_space<vmem>>, vector<1x16xf32>,
        %get3A_1148 = arith.index_cast %add3A_1103 : i32 to index
        %get3A_1149 = arith.constant 64 : index
        %get3A_1150 = tpu.vector_load %arg14[%get3A_1148, %get3A_1149] {strides = array<i32>} : memref<128x128xf32, #tpu.memory_space<vmem>>, vector<1x16xf32>,
        %get3A_1151 = vector.shape_cast %get3A_1150 : vector<1x16xf32> to vector<16xf32>
        %mul3A_1152 = vector.broadcast %squeeze3A_1099 : f32 to vector<16xf32>
        %mul3A_1153 = arith.mulf %get3A_1151, %mul3A_1152 : vector<16xf32>
        %swap3A_1154 = arith.index_cast %add3A_1103 : i32 to index
        %swap3A_1155 = arith.constant 64 : index
        %swap3A_1156 = tpu.vector_load %arg14[%swap3A_1154, %swap3A_1155] {strides = array<i32>} : memref<128x128xf32, #tpu.memory_space<vmem>>, vector<1x16xf32>,
        %swap3A_1157 = vector.shape_cast %swap3A_1156 : vector<1x16xf32> to vector<16xf32>
        %swap3A_1158 = vector.shape_cast %mul3A_1153 : vector<16xf32> to vector<1x16xf32>
        tpu.vector_store %arg14[%swap3A_1154, %swap3A_1155], %swap3A_1158 {strides = array<i32>} : memref<128x128xf32, #tpu.memory_space<vmem>>, vector<1x16xf32>,
        %get3A_1159 = arith.index_cast %add3A_1103 : i32 to index
        %get3A_1160 = arith.constant 80 : index
        %get3A_1161 = tpu.vector_load %arg14[%get3A_1159, %get3A_1160] {strides = array<i32>} : memref<128x128xf32, #tpu.memory_space<vmem>>, vector<1x16xf32>,
        %get3A_1162 = vector.shape_cast %get3A_1161 : vector<1x16xf32> to vector<16xf32>
        %mul3A_1163 = vector.broadcast %squeeze3A_1099 : f32 to vector<16xf32>
        %mul3A_1164 = arith.mulf %get3A_1162, %mul3A_1163 : vector<16xf32>
        %swap3A_1165 = arith.index_cast %add3A_1103 : i32 to index
        %swap3A_1166 = arith.constant 80 : index
        %swap3A_1167 = tpu.vector_load %arg14[%swap3A_1165, %swap3A_1166] {strides = array<i32>} : memref<128x128xf32, #tpu.memory_space<vmem>>, vector<1x16xf32>,
        %swap3A_1168 = vector.shape_cast %swap3A_1167 : vector<1x16xf32> to vector<16xf32>
        %swap3A_1169 = vector.shape_cast %mul3A_1164 : vector<16xf32> to vector<1x16xf32>
        tpu.vector_store %arg14[%swap3A_1165, %swap3A_1166], %swap3A_1169 {strides = array<i32>} : memref<128x128xf32, #tpu.memory_space<vmem>>, vector<1x16xf32>,
        %get3A_1170 = arith.index_cast %add3A_1103 : i32 to index
        %get3A_1171 = arith.constant 96 : index
        %get3A_1172 = tpu.vector_load %arg14[%get3A_1170, %get3A_1171] {strides = array<i32>} : memref<128x128xf32, #tpu.memory_space<vmem>>, vector<1x16xf32>,
        %get3A_1173 = vector.shape_cast %get3A_1172 : vector<1x16xf32> to vector<16xf32>
        %mul3A_1174 = vector.broadcast %squeeze3A_1099 : f32 to vector<16xf32>
        %mul3A_1175 = arith.mulf %get3A_1173, %mul3A_1174 : vector<16xf32>
        %swap3A_1176 = arith.index_cast %add3A_1103 : i32 to index
        %swap3A_1177 = arith.constant 96 : index
        %swap3A_1178 = tpu.vector_load %arg14[%swap3A_1176, %swap3A_1177] {strides = array<i32>} : memref<128x128xf32, #tpu.memory_space<vmem>>, vector<1x16xf32>,
        %swap3A_1179 = vector.shape_cast %swap3A_1178 : vector<1x16xf32> to vector<16xf32>
        %swap3A_1180 = vector.shape_cast %mul3A_1175 : vector<16xf32> to vector<1x16xf32>
        tpu.vector_store %arg14[%swap3A_1176, %swap3A_1177], %swap3A_1180 {strides = array<i32>} : memref<128x128xf32, #tpu.memory_space<vmem>>, vector<1x16xf32>,
        %get3A_1181 = arith.index_cast %add3A_1103 : i32 to index
        %get3A_1182 = arith.constant 112 : index
        %get3A_1183 = tpu.vector_load %arg14[%get3A_1181, %get3A_1182] {strides = array<i32>} : memref<128x128xf32, #tpu.memory_space<vmem>>, vector<1x16xf32>,
        %get3A_1184 = vector.shape_cast %get3A_1183 : vector<1x16xf32> to vector<16xf32>
        %mul3A_1185 = vector.broadcast %squeeze3A_1099 : f32 to vector<16xf32>
        %mul3A_1186 = arith.mulf %get3A_1184, %mul3A_1185 : vector<16xf32>
        %swap3A_1187 = arith.index_cast %add3A_1103 : i32 to index
        %swap3A_1188 = arith.constant 112 : index
        %swap3A_1189 = tpu.vector_load %arg14[%swap3A_1187, %swap3A_1188] {strides = array<i32>} : memref<128x128xf32, #tpu.memory_space<vmem>>, vector<1x16xf32>,
        %swap3A_1190 = vector.shape_cast %swap3A_1189 : vector<1x16xf32> to vector<16xf32>
        %swap3A_1191 = vector.shape_cast %mul3A_1186 : vector<16xf32> to vector<1x16xf32>
        tpu.vector_store %arg14[%swap3A_1187, %swap3A_1188], %swap3A_1191 {strides = array<i32>} : memref<128x128xf32, #tpu.memory_space<vmem>>, vector<1x16xf32>,
        %slice3A_1192 = vector.extract_strided_slice %get3A_253 {offsets = [10], sizes = [1], strides = [1]} : vector<16xf32> to vector<1xf32>
        %squeeze3A_1193 = vector.extract %slice3A_1192[0] : f32 from vector<1xf32>
        %mul3A_1194 = arith.constant 16 : i32
        %mul3A_1195 = arith.muli %scan3A_247, %mul3A_1194 : i32
        %add3A_1196 = arith.constant 10 : i32
        %add3A_1197 = arith.addi %mul3A_1195, %add3A_1196 : i32
        %get3A_1198 = arith.index_cast %add3A_1197 : i32 to index
        %get3A_1199 = arith.constant 0 : index
        %get3A_1200 = tpu.vector_load %arg14[%get3A_1198, %get3A_1199] {strides = array<i32>} : memref<128x128xf32, #tpu.memory_space<vmem>>, vector<1x16xf32>,
        %get3A_1201 = vector.shape_cast %get3A_1200 : vector<1x16xf32> to vector<16xf32>
        %mul3A_1202 = vector.broadcast %squeeze3A_1193 : f32 to vector<16xf32>
        %mul3A_1203 = arith.mulf %get3A_1201, %mul3A_1202 : vector<16xf32>
        %swap3A_1204 = arith.index_cast %add3A_1197 : i32 to index
        %swap3A_1205 = arith.constant 0 : index
        %swap3A_1206 = tpu.vector_load %arg14[%swap3A_1204, %swap3A_1205] {strides = array<i32>} : memref<128x128xf32, #tpu.memory_space<vmem>>, vector<1x16xf32>,
        %swap3A_1207 = vector.shape_cast %swap3A_1206 : vector<1x16xf32> to vector<16xf32>
        %swap3A_1208 = vector.shape_cast %mul3A_1203 : vector<16xf32> to vector<1x16xf32>
        tpu.vector_store %arg14[%swap3A_1204, %swap3A_1205], %swap3A_1208 {strides = array<i32>} : memref<128x128xf32, #tpu.memory_space<vmem>>, vector<1x16xf32>,
        %get3A_1209 = arith.index_cast %add3A_1197 : i32 to index
        %get3A_1210 = arith.constant 16 : index
        %get3A_1211 = tpu.vector_load %arg14[%get3A_1209, %get3A_1210] {strides = array<i32>} : memref<128x128xf32, #tpu.memory_space<vmem>>, vector<1x16xf32>,
        %get3A_1212 = vector.shape_cast %get3A_1211 : vector<1x16xf32> to vector<16xf32>
        %mul3A_1213 = vector.broadcast %squeeze3A_1193 : f32 to vector<16xf32>
        %mul3A_1214 = arith.mulf %get3A_1212, %mul3A_1213 : vector<16xf32>
        %swap3A_1215 = arith.index_cast %add3A_1197 : i32 to index
        %swap3A_1216 = arith.constant 16 : index
        %swap3A_1217 = tpu.vector_load %arg14[%swap3A_1215, %swap3A_1216] {strides = array<i32>} : memref<128x128xf32, #tpu.memory_space<vmem>>, vector<1x16xf32>,
        %swap3A_1218 = vector.shape_cast %swap3A_1217 : vector<1x16xf32> to vector<16xf32>
        %swap3A_1219 = vector.shape_cast %mul3A_1214 : vector<16xf32> to vector<1x16xf32>
        tpu.vector_store %arg14[%swap3A_1215, %swap3A_1216], %swap3A_1219 {strides = array<i32>} : memref<128x128xf32, #tpu.memory_space<vmem>>, vector<1x16xf32>,
        %get3A_1220 = arith.index_cast %add3A_1197 : i32 to index
        %get3A_1221 = arith.constant 32 : index
        %get3A_1222 = tpu.vector_load %arg14[%get3A_1220, %get3A_1221] {strides = array<i32>} : memref<128x128xf32, #tpu.memory_space<vmem>>, vector<1x16xf32>,
        %get3A_1223 = vector.shape_cast %get3A_1222 : vector<1x16xf32> to vector<16xf32>
        %mul3A_1224 = vector.broadcast %squeeze3A_1193 : f32 to vector<16xf32>
        %mul3A_1225 = arith.mulf %get3A_1223, %mul3A_1224 : vector<16xf32>
        %swap3A_1226 = arith.index_cast %add3A_1197 : i32 to index
        %swap3A_1227 = arith.constant 32 : index
        %swap3A_1228 = tpu.vector_load %arg14[%swap3A_1226, %swap3A_1227] {strides = array<i32>} : memref<128x128xf32, #tpu.memory_space<vmem>>, vector<1x16xf32>,
        %swap3A_1229 = vector.shape_cast %swap3A_1228 : vector<1x16xf32> to vector<16xf32>
        %swap3A_1230 = vector.shape_cast %mul3A_1225 : vector<16xf32> to vector<1x16xf32>
        tpu.vector_store %arg14[%swap3A_1226, %swap3A_1227], %swap3A_1230 {strides = array<i32>} : memref<128x128xf32, #tpu.memory_space<vmem>>, vector<1x16xf32>,
        %get3A_1231 = arith.index_cast %add3A_1197 : i32 to index
        %get3A_1232 = arith.constant 48 : index
        %get3A_1233 = tpu.vector_load %arg14[%get3A_1231, %get3A_1232] {strides = array<i32>} : memref<128x128xf32, #tpu.memory_space<vmem>>, vector<1x16xf32>,
        %get3A_1234 = vector.shape_cast %get3A_1233 : vector<1x16xf32> to vector<16xf32>
        %mul3A_1235 = vector.broadcast %squeeze3A_1193 : f32 to vector<16xf32>
        %mul3A_1236 = arith.mulf %get3A_1234, %mul3A_1235 : vector<16xf32>
        %swap3A_1237 = arith.index_cast %add3A_1197 : i32 to index
        %swap3A_1238 = arith.constant 48 : index
        %swap3A_1239 = tpu.vector_load %arg14[%swap3A_1237, %swap3A_1238] {strides = array<i32>} : memref<128x128xf32, #tpu.memory_space<vmem>>, vector<1x16xf32>,
        %swap3A_1240 = vector.shape_cast %swap3A_1239 : vector<1x16xf32> to vector<16xf32>
        %swap3A_1241 = vector.shape_cast %mul3A_1236 : vector<16xf32> to vector<1x16xf32>
        tpu.vector_store %arg14[%swap3A_1237, %swap3A_1238], %swap3A_1241 {strides = array<i32>} : memref<128x128xf32, #tpu.memory_space<vmem>>, vector<1x16xf32>,
        %get3A_1242 = arith.index_cast %add3A_1197 : i32 to index
        %get3A_1243 = arith.constant 64 : index
        %get3A_1244 = tpu.vector_load %arg14[%get3A_1242, %get3A_1243] {strides = array<i32>} : memref<128x128xf32, #tpu.memory_space<vmem>>, vector<1x16xf32>,
        %get3A_1245 = vector.shape_cast %get3A_1244 : vector<1x16xf32> to vector<16xf32>
        %mul3A_1246 = vector.broadcast %squeeze3A_1193 : f32 to vector<16xf32>
        %mul3A_1247 = arith.mulf %get3A_1245, %mul3A_1246 : vector<16xf32>
        %swap3A_1248 = arith.index_cast %add3A_1197 : i32 to index
        %swap3A_1249 = arith.constant 64 : index
        %swap3A_1250 = tpu.vector_load %arg14[%swap3A_1248, %swap3A_1249] {strides = array<i32>} : memref<128x128xf32, #tpu.memory_space<vmem>>, vector<1x16xf32>,
        %swap3A_1251 = vector.shape_cast %swap3A_1250 : vector<1x16xf32> to vector<16xf32>
        %swap3A_1252 = vector.shape_cast %mul3A_1247 : vector<16xf32> to vector<1x16xf32>
        tpu.vector_store %arg14[%swap3A_1248, %swap3A_1249], %swap3A_1252 {strides = array<i32>} : memref<128x128xf32, #tpu.memory_space<vmem>>, vector<1x16xf32>,
        %get3A_1253 = arith.index_cast %add3A_1197 : i32 to index
        %get3A_1254 = arith.constant 80 : index
        %get3A_1255 = tpu.vector_load %arg14[%get3A_1253, %get3A_1254] {strides = array<i32>} : memref<128x128xf32, #tpu.memory_space<vmem>>, vector<1x16xf32>,
        %get3A_1256 = vector.shape_cast %get3A_1255 : vector<1x16xf32> to vector<16xf32>
        %mul3A_1257 = vector.broadcast %squeeze3A_1193 : f32 to vector<16xf32>
        %mul3A_1258 = arith.mulf %get3A_1256, %mul3A_1257 : vector<16xf32>
        %swap3A_1259 = arith.index_cast %add3A_1197 : i32 to index
        %swap3A_1260 = arith.constant 80 : index
        %swap3A_1261 = tpu.vector_load %arg14[%swap3A_1259, %swap3A_1260] {strides = array<i32>} : memref<128x128xf32, #tpu.memory_space<vmem>>, vector<1x16xf32>,
        %swap3A_1262 = vector.shape_cast %swap3A_1261 : vector<1x16xf32> to vector<16xf32>
        %swap3A_1263 = vector.shape_cast %mul3A_1258 : vector<16xf32> to vector<1x16xf32>
        tpu.vector_store %arg14[%swap3A_1259, %swap3A_1260], %swap3A_1263 {strides = array<i32>} : memref<128x128xf32, #tpu.memory_space<vmem>>, vector<1x16xf32>,
        %get3A_1264 = arith.index_cast %add3A_1197 : i32 to index
        %get3A_1265 = arith.constant 96 : index
        %get3A_1266 = tpu.vector_load %arg14[%get3A_1264, %get3A_1265] {strides = array<i32>} : memref<128x128xf32, #tpu.memory_space<vmem>>, vector<1x16xf32>,
        %get3A_1267 = vector.shape_cast %get3A_1266 : vector<1x16xf32> to vector<16xf32>
        %mul3A_1268 = vector.broadcast %squeeze3A_1193 : f32 to vector<16xf32>
        %mul3A_1269 = arith.mulf %get3A_1267, %mul3A_1268 : vector<16xf32>
        %swap3A_1270 = arith.index_cast %add3A_1197 : i32 to index
        %swap3A_1271 = arith.constant 96 : index
        %swap3A_1272 = tpu.vector_load %arg14[%swap3A_1270, %swap3A_1271] {strides = array<i32>} : memref<128x128xf32, #tpu.memory_space<vmem>>, vector<1x16xf32>,
        %swap3A_1273 = vector.shape_cast %swap3A_1272 : vector<1x16xf32> to vector<16xf32>
        %swap3A_1274 = vector.shape_cast %mul3A_1269 : vector<16xf32> to vector<1x16xf32>
        tpu.vector_store %arg14[%swap3A_1270, %swap3A_1271], %swap3A_1274 {strides = array<i32>} : memref<128x128xf32, #tpu.memory_space<vmem>>, vector<1x16xf32>,
        %get3A_1275 = arith.index_cast %add3A_1197 : i32 to index
        %get3A_1276 = arith.constant 112 : index
        %get3A_1277 = tpu.vector_load %arg14[%get3A_1275, %get3A_1276] {strides = array<i32>} : memref<128x128xf32, #tpu.memory_space<vmem>>, vector<1x16xf32>,
        %get3A_1278 = vector.shape_cast %get3A_1277 : vector<1x16xf32> to vector<16xf32>
        %mul3A_1279 = vector.broadcast %squeeze3A_1193 : f32 to vector<16xf32>
        %mul3A_1280 = arith.mulf %get3A_1278, %mul3A_1279 : vector<16xf32>
        %swap3A_1281 = arith.index_cast %add3A_1197 : i32 to index
        %swap3A_1282 = arith.constant 112 : index
        %swap3A_1283 = tpu.vector_load %arg14[%swap3A_1281, %swap3A_1282] {strides = array<i32>} : memref<128x128xf32, #tpu.memory_space<vmem>>, vector<1x16xf32>,
        %swap3A_1284 = vector.shape_cast %swap3A_1283 : vector<1x16xf32> to vector<16xf32>
        %swap3A_1285 = vector.shape_cast %mul3A_1280 : vector<16xf32> to vector<1x16xf32>
        tpu.vector_store %arg14[%swap3A_1281, %swap3A_1282], %swap3A_1285 {strides = array<i32>} : memref<128x128xf32, #tpu.memory_space<vmem>>, vector<1x16xf32>,
        %slice3A_1286 = vector.extract_strided_slice %get3A_253 {offsets = [11], sizes = [1], strides = [1]} : vector<16xf32> to vector<1xf32>
        %squeeze3A_1287 = vector.extract %slice3A_1286[0] : f32 from vector<1xf32>
        %mul3A_1288 = arith.constant 16 : i32
        %mul3A_1289 = arith.muli %scan3A_247, %mul3A_1288 : i32
        %add3A_1290 = arith.constant 11 : i32
        %add3A_1291 = arith.addi %mul3A_1289, %add3A_1290 : i32
        %get3A_1292 = arith.index_cast %add3A_1291 : i32 to index
        %get3A_1293 = arith.constant 0 : index
        %get3A_1294 = tpu.vector_load %arg14[%get3A_1292, %get3A_1293] {strides = array<i32>} : memref<128x128xf32, #tpu.memory_space<vmem>>, vector<1x16xf32>,
        %get3A_1295 = vector.shape_cast %get3A_1294 : vector<1x16xf32> to vector<16xf32>
        %mul3A_1296 = vector.broadcast %squeeze3A_1287 : f32 to vector<16xf32>
        %mul3A_1297 = arith.mulf %get3A_1295, %mul3A_1296 : vector<16xf32>
        %swap3A_1298 = arith.index_cast %add3A_1291 : i32 to index
        %swap3A_1299 = arith.constant 0 : index
        %swap3A_1300 = tpu.vector_load %arg14[%swap3A_1298, %swap3A_1299] {strides = array<i32>} : memref<128x128xf32, #tpu.memory_space<vmem>>, vector<1x16xf32>,
        %swap3A_1301 = vector.shape_cast %swap3A_1300 : vector<1x16xf32> to vector<16xf32>
        %swap3A_1302 = vector.shape_cast %mul3A_1297 : vector<16xf32> to vector<1x16xf32>
        tpu.vector_store %arg14[%swap3A_1298, %swap3A_1299], %swap3A_1302 {strides = array<i32>} : memref<128x128xf32, #tpu.memory_space<vmem>>, vector<1x16xf32>,
        %get3A_1303 = arith.index_cast %add3A_1291 : i32 to index
        %get3A_1304 = arith.constant 16 : index
        %get3A_1305 = tpu.vector_load %arg14[%get3A_1303, %get3A_1304] {strides = array<i32>} : memref<128x128xf32, #tpu.memory_space<vmem>>, vector<1x16xf32>,
        %get3A_1306 = vector.shape_cast %get3A_1305 : vector<1x16xf32> to vector<16xf32>
        %mul3A_1307 = vector.broadcast %squeeze3A_1287 : f32 to vector<16xf32>
        %mul3A_1308 = arith.mulf %get3A_1306, %mul3A_1307 : vector<16xf32>
        %swap3A_1309 = arith.index_cast %add3A_1291 : i32 to index
        %swap3A_1310 = arith.constant 16 : index
        %swap3A_1311 = tpu.vector_load %arg14[%swap3A_1309, %swap3A_1310] {strides = array<i32>} : memref<128x128xf32, #tpu.memory_space<vmem>>, vector<1x16xf32>,
        %swap3A_1312 = vector.shape_cast %swap3A_1311 : vector<1x16xf32> to vector<16xf32>
        %swap3A_1313 = vector.shape_cast %mul3A_1308 : vector<16xf32> to vector<1x16xf32>
        tpu.vector_store %arg14[%swap3A_1309, %swap3A_1310], %swap3A_1313 {strides = array<i32>} : memref<128x128xf32, #tpu.memory_space<vmem>>, vector<1x16xf32>,
        %get3A_1314 = arith.index_cast %add3A_1291 : i32 to index
        %get3A_1315 = arith.constant 32 : index
        %get3A_1316 = tpu.vector_load %arg14[%get3A_1314, %get3A_1315] {strides = array<i32>} : memref<128x128xf32, #tpu.memory_space<vmem>>, vector<1x16xf32>,
        %get3A_1317 = vector.shape_cast %get3A_1316 : vector<1x16xf32> to vector<16xf32>
        %mul3A_1318 = vector.broadcast %squeeze3A_1287 : f32 to vector<16xf32>
        %mul3A_1319 = arith.mulf %get3A_1317, %mul3A_1318 : vector<16xf32>
        %swap3A_1320 = arith.index_cast %add3A_1291 : i32 to index
        %swap3A_1321 = arith.constant 32 : index
        %swap3A_1322 = tpu.vector_load %arg14[%swap3A_1320, %swap3A_1321] {strides = array<i32>} : memref<128x128xf32, #tpu.memory_space<vmem>>, vector<1x16xf32>,
        %swap3A_1323 = vector.shape_cast %swap3A_1322 : vector<1x16xf32> to vector<16xf32>
        %swap3A_1324 = vector.shape_cast %mul3A_1319 : vector<16xf32> to vector<1x16xf32>
        tpu.vector_store %arg14[%swap3A_1320, %swap3A_1321], %swap3A_1324 {strides = array<i32>} : memref<128x128xf32, #tpu.memory_space<vmem>>, vector<1x16xf32>,
        %get3A_1325 = arith.index_cast %add3A_1291 : i32 to index
        %get3A_1326 = arith.constant 48 : index
        %get3A_1327 = tpu.vector_load %arg14[%get3A_1325, %get3A_1326] {strides = array<i32>} : memref<128x128xf32, #tpu.memory_space<vmem>>, vector<1x16xf32>,
        %get3A_1328 = vector.shape_cast %get3A_1327 : vector<1x16xf32> to vector<16xf32>
        %mul3A_1329 = vector.broadcast %squeeze3A_1287 : f32 to vector<16xf32>
        %mul3A_1330 = arith.mulf %get3A_1328, %mul3A_1329 : vector<16xf32>
        %swap3A_1331 = arith.index_cast %add3A_1291 : i32 to index
        %swap3A_1332 = arith.constant 48 : index
        %swap3A_1333 = tpu.vector_load %arg14[%swap3A_1331, %swap3A_1332] {strides = array<i32>} : memref<128x128xf32, #tpu.memory_space<vmem>>, vector<1x16xf32>,
        %swap3A_1334 = vector.shape_cast %swap3A_1333 : vector<1x16xf32> to vector<16xf32>
        %swap3A_1335 = vector.shape_cast %mul3A_1330 : vector<16xf32> to vector<1x16xf32>
        tpu.vector_store %arg14[%swap3A_1331, %swap3A_1332], %swap3A_1335 {strides = array<i32>} : memref<128x128xf32, #tpu.memory_space<vmem>>, vector<1x16xf32>,
        %get3A_1336 = arith.index_cast %add3A_1291 : i32 to index
        %get3A_1337 = arith.constant 64 : index
        %get3A_1338 = tpu.vector_load %arg14[%get3A_1336, %get3A_1337] {strides = array<i32>} : memref<128x128xf32, #tpu.memory_space<vmem>>, vector<1x16xf32>,
        %get3A_1339 = vector.shape_cast %get3A_1338 : vector<1x16xf32> to vector<16xf32>
        %mul3A_1340 = vector.broadcast %squeeze3A_1287 : f32 to vector<16xf32>
        %mul3A_1341 = arith.mulf %get3A_1339, %mul3A_1340 : vector<16xf32>
        %swap3A_1342 = arith.index_cast %add3A_1291 : i32 to index
        %swap3A_1343 = arith.constant 64 : index
        %swap3A_1344 = tpu.vector_load %arg14[%swap3A_1342, %swap3A_1343] {strides = array<i32>} : memref<128x128xf32, #tpu.memory_space<vmem>>, vector<1x16xf32>,
        %swap3A_1345 = vector.shape_cast %swap3A_1344 : vector<1x16xf32> to vector<16xf32>
        %swap3A_1346 = vector.shape_cast %mul3A_1341 : vector<16xf32> to vector<1x16xf32>
        tpu.vector_store %arg14[%swap3A_1342, %swap3A_1343], %swap3A_1346 {strides = array<i32>} : memref<128x128xf32, #tpu.memory_space<vmem>>, vector<1x16xf32>,
        %get3A_1347 = arith.index_cast %add3A_1291 : i32 to index
        %get3A_1348 = arith.constant 80 : index
        %get3A_1349 = tpu.vector_load %arg14[%get3A_1347, %get3A_1348] {strides = array<i32>} : memref<128x128xf32, #tpu.memory_space<vmem>>, vector<1x16xf32>,
        %get3A_1350 = vector.shape_cast %get3A_1349 : vector<1x16xf32> to vector<16xf32>
        %mul3A_1351 = vector.broadcast %squeeze3A_1287 : f32 to vector<16xf32>
        %mul3A_1352 = arith.mulf %get3A_1350, %mul3A_1351 : vector<16xf32>
        %swap3A_1353 = arith.index_cast %add3A_1291 : i32 to index
        %swap3A_1354 = arith.constant 80 : index
        %swap3A_1355 = tpu.vector_load %arg14[%swap3A_1353, %swap3A_1354] {strides = array<i32>} : memref<128x128xf32, #tpu.memory_space<vmem>>, vector<1x16xf32>,
        %swap3A_1356 = vector.shape_cast %swap3A_1355 : vector<1x16xf32> to vector<16xf32>
        %swap3A_1357 = vector.shape_cast %mul3A_1352 : vector<16xf32> to vector<1x16xf32>
        tpu.vector_store %arg14[%swap3A_1353, %swap3A_1354], %swap3A_1357 {strides = array<i32>} : memref<128x128xf32, #tpu.memory_space<vmem>>, vector<1x16xf32>,
        %get3A_1358 = arith.index_cast %add3A_1291 : i32 to index
        %get3A_1359 = arith.constant 96 : index
        %get3A_1360 = tpu.vector_load %arg14[%get3A_1358, %get3A_1359] {strides = array<i32>} : memref<128x128xf32, #tpu.memory_space<vmem>>, vector<1x16xf32>,
        %get3A_1361 = vector.shape_cast %get3A_1360 : vector<1x16xf32> to vector<16xf32>
        %mul3A_1362 = vector.broadcast %squeeze3A_1287 : f32 to vector<16xf32>
        %mul3A_1363 = arith.mulf %get3A_1361, %mul3A_1362 : vector<16xf32>
        %swap3A_1364 = arith.index_cast %add3A_1291 : i32 to index
        %swap3A_1365 = arith.constant 96 : index
        %swap3A_1366 = tpu.vector_load %arg14[%swap3A_1364, %swap3A_1365] {strides = array<i32>} : memref<128x128xf32, #tpu.memory_space<vmem>>, vector<1x16xf32>,
        %swap3A_1367 = vector.shape_cast %swap3A_1366 : vector<1x16xf32> to vector<16xf32>
        %swap3A_1368 = vector.shape_cast %mul3A_1363 : vector<16xf32> to vector<1x16xf32>
        tpu.vector_store %arg14[%swap3A_1364, %swap3A_1365], %swap3A_1368 {strides = array<i32>} : memref<128x128xf32, #tpu.memory_space<vmem>>, vector<1x16xf32>,
        %get3A_1369 = arith.index_cast %add3A_1291 : i32 to index
        %get3A_1370 = arith.constant 112 : index
        %get3A_1371 = tpu.vector_load %arg14[%get3A_1369, %get3A_1370] {strides = array<i32>} : memref<128x128xf32, #tpu.memory_space<vmem>>, vector<1x16xf32>,
        %get3A_1372 = vector.shape_cast %get3A_1371 : vector<1x16xf32> to vector<16xf32>
        %mul3A_1373 = vector.broadcast %squeeze3A_1287 : f32 to vector<16xf32>
        %mul3A_1374 = arith.mulf %get3A_1372, %mul3A_1373 : vector<16xf32>
        %swap3A_1375 = arith.index_cast %add3A_1291 : i32 to index
        %swap3A_1376 = arith.constant 112 : index
        %swap3A_1377 = tpu.vector_load %arg14[%swap3A_1375, %swap3A_1376] {strides = array<i32>} : memref<128x128xf32, #tpu.memory_space<vmem>>, vector<1x16xf32>,
        %swap3A_1378 = vector.shape_cast %swap3A_1377 : vector<1x16xf32> to vector<16xf32>
        %swap3A_1379 = vector.shape_cast %mul3A_1374 : vector<16xf32> to vector<1x16xf32>
        tpu.vector_store %arg14[%swap3A_1375, %swap3A_1376], %swap3A_1379 {strides = array<i32>} : memref<128x128xf32, #tpu.memory_space<vmem>>, vector<1x16xf32>,
        %slice3A_1380 = vector.extract_strided_slice %get3A_253 {offsets = [12], sizes = [1], strides = [1]} : vector<16xf32> to vector<1xf32>
        %squeeze3A_1381 = vector.extract %slice3A_1380[0] : f32 from vector<1xf32>
        %mul3A_1382 = arith.constant 16 : i32
        %mul3A_1383 = arith.muli %scan3A_247, %mul3A_1382 : i32
        %add3A_1384 = arith.constant 12 : i32
        %add3A_1385 = arith.addi %mul3A_1383, %add3A_1384 : i32
        %get3A_1386 = arith.index_cast %add3A_1385 : i32 to index
        %get3A_1387 = arith.constant 0 : index
        %get3A_1388 = tpu.vector_load %arg14[%get3A_1386, %get3A_1387] {strides = array<i32>} : memref<128x128xf32, #tpu.memory_space<vmem>>, vector<1x16xf32>,
        %get3A_1389 = vector.shape_cast %get3A_1388 : vector<1x16xf32> to vector<16xf32>
        %mul3A_1390 = vector.broadcast %squeeze3A_1381 : f32 to vector<16xf32>
        %mul3A_1391 = arith.mulf %get3A_1389, %mul3A_1390 : vector<16xf32>
        %swap3A_1392 = arith.index_cast %add3A_1385 : i32 to index
        %swap3A_1393 = arith.constant 0 : index
        %swap3A_1394 = tpu.vector_load %arg14[%swap3A_1392, %swap3A_1393] {strides = array<i32>} : memref<128x128xf32, #tpu.memory_space<vmem>>, vector<1x16xf32>,
        %swap3A_1395 = vector.shape_cast %swap3A_1394 : vector<1x16xf32> to vector<16xf32>
        %swap3A_1396 = vector.shape_cast %mul3A_1391 : vector<16xf32> to vector<1x16xf32>
        tpu.vector_store %arg14[%swap3A_1392, %swap3A_1393], %swap3A_1396 {strides = array<i32>} : memref<128x128xf32, #tpu.memory_space<vmem>>, vector<1x16xf32>,
        %get3A_1397 = arith.index_cast %add3A_1385 : i32 to index
        %get3A_1398 = arith.constant 16 : index
        %get3A_1399 = tpu.vector_load %arg14[%get3A_1397, %get3A_1398] {strides = array<i32>} : memref<128x128xf32, #tpu.memory_space<vmem>>, vector<1x16xf32>,
        %get3A_1400 = vector.shape_cast %get3A_1399 : vector<1x16xf32> to vector<16xf32>
        %mul3A_1401 = vector.broadcast %squeeze3A_1381 : f32 to vector<16xf32>
        %mul3A_1402 = arith.mulf %get3A_1400, %mul3A_1401 : vector<16xf32>
        %swap3A_1403 = arith.index_cast %add3A_1385 : i32 to index
        %swap3A_1404 = arith.constant 16 : index
        %swap3A_1405 = tpu.vector_load %arg14[%swap3A_1403, %swap3A_1404] {strides = array<i32>} : memref<128x128xf32, #tpu.memory_space<vmem>>, vector<1x16xf32>,
        %swap3A_1406 = vector.shape_cast %swap3A_1405 : vector<1x16xf32> to vector<16xf32>
        %swap3A_1407 = vector.shape_cast %mul3A_1402 : vector<16xf32> to vector<1x16xf32>
        tpu.vector_store %arg14[%swap3A_1403, %swap3A_1404], %swap3A_1407 {strides = array<i32>} : memref<128x128xf32, #tpu.memory_space<vmem>>, vector<1x16xf32>,
        %get3A_1408 = arith.index_cast %add3A_1385 : i32 to index
        %get3A_1409 = arith.constant 32 : index
        %get3A_1410 = tpu.vector_load %arg14[%get3A_1408, %get3A_1409] {strides = array<i32>} : memref<128x128xf32, #tpu.memory_space<vmem>>, vector<1x16xf32>,
        %get3A_1411 = vector.shape_cast %get3A_1410 : vector<1x16xf32> to vector<16xf32>
        %mul3A_1412 = vector.broadcast %squeeze3A_1381 : f32 to vector<16xf32>
        %mul3A_1413 = arith.mulf %get3A_1411, %mul3A_1412 : vector<16xf32>
        %swap3A_1414 = arith.index_cast %add3A_1385 : i32 to index
        %swap3A_1415 = arith.constant 32 : index
        %swap3A_1416 = tpu.vector_load %arg14[%swap3A_1414, %swap3A_1415] {strides = array<i32>} : memref<128x128xf32, #tpu.memory_space<vmem>>, vector<1x16xf32>,
        %swap3A_1417 = vector.shape_cast %swap3A_1416 : vector<1x16xf32> to vector<16xf32>
        %swap3A_1418 = vector.shape_cast %mul3A_1413 : vector<16xf32> to vector<1x16xf32>
        tpu.vector_store %arg14[%swap3A_1414, %swap3A_1415], %swap3A_1418 {strides = array<i32>} : memref<128x128xf32, #tpu.memory_space<vmem>>, vector<1x16xf32>,
        %get3A_1419 = arith.index_cast %add3A_1385 : i32 to index
        %get3A_1420 = arith.constant 48 : index
        %get3A_1421 = tpu.vector_load %arg14[%get3A_1419, %get3A_1420] {strides = array<i32>} : memref<128x128xf32, #tpu.memory_space<vmem>>, vector<1x16xf32>,
        %get3A_1422 = vector.shape_cast %get3A_1421 : vector<1x16xf32> to vector<16xf32>
        %mul3A_1423 = vector.broadcast %squeeze3A_1381 : f32 to vector<16xf32>
        %mul3A_1424 = arith.mulf %get3A_1422, %mul3A_1423 : vector<16xf32>
        %swap3A_1425 = arith.index_cast %add3A_1385 : i32 to index
        %swap3A_1426 = arith.constant 48 : index
        %swap3A_1427 = tpu.vector_load %arg14[%swap3A_1425, %swap3A_1426] {strides = array<i32>} : memref<128x128xf32, #tpu.memory_space<vmem>>, vector<1x16xf32>,
        %swap3A_1428 = vector.shape_cast %swap3A_1427 : vector<1x16xf32> to vector<16xf32>
        %swap3A_1429 = vector.shape_cast %mul3A_1424 : vector<16xf32> to vector<1x16xf32>
        tpu.vector_store %arg14[%swap3A_1425, %swap3A_1426], %swap3A_1429 {strides = array<i32>} : memref<128x128xf32, #tpu.memory_space<vmem>>, vector<1x16xf32>,
        %get3A_1430 = arith.index_cast %add3A_1385 : i32 to index
        %get3A_1431 = arith.constant 64 : index
        %get3A_1432 = tpu.vector_load %arg14[%get3A_1430, %get3A_1431] {strides = array<i32>} : memref<128x128xf32, #tpu.memory_space<vmem>>, vector<1x16xf32>,
        %get3A_1433 = vector.shape_cast %get3A_1432 : vector<1x16xf32> to vector<16xf32>
        %mul3A_1434 = vector.broadcast %squeeze3A_1381 : f32 to vector<16xf32>
        %mul3A_1435 = arith.mulf %get3A_1433, %mul3A_1434 : vector<16xf32>
        %swap3A_1436 = arith.index_cast %add3A_1385 : i32 to index
        %swap3A_1437 = arith.constant 64 : index
        %swap3A_1438 = tpu.vector_load %arg14[%swap3A_1436, %swap3A_1437] {strides = array<i32>} : memref<128x128xf32, #tpu.memory_space<vmem>>, vector<1x16xf32>,
        %swap3A_1439 = vector.shape_cast %swap3A_1438 : vector<1x16xf32> to vector<16xf32>
        %swap3A_1440 = vector.shape_cast %mul3A_1435 : vector<16xf32> to vector<1x16xf32>
        tpu.vector_store %arg14[%swap3A_1436, %swap3A_1437], %swap3A_1440 {strides = array<i32>} : memref<128x128xf32, #tpu.memory_space<vmem>>, vector<1x16xf32>,
        %get3A_1441 = arith.index_cast %add3A_1385 : i32 to index
        %get3A_1442 = arith.constant 80 : index
        %get3A_1443 = tpu.vector_load %arg14[%get3A_1441, %get3A_1442] {strides = array<i32>} : memref<128x128xf32, #tpu.memory_space<vmem>>, vector<1x16xf32>,
        %get3A_1444 = vector.shape_cast %get3A_1443 : vector<1x16xf32> to vector<16xf32>
        %mul3A_1445 = vector.broadcast %squeeze3A_1381 : f32 to vector<16xf32>
        %mul3A_1446 = arith.mulf %get3A_1444, %mul3A_1445 : vector<16xf32>
        %swap3A_1447 = arith.index_cast %add3A_1385 : i32 to index
        %swap3A_1448 = arith.constant 80 : index
        %swap3A_1449 = tpu.vector_load %arg14[%swap3A_1447, %swap3A_1448] {strides = array<i32>} : memref<128x128xf32, #tpu.memory_space<vmem>>, vector<1x16xf32>,
        %swap3A_1450 = vector.shape_cast %swap3A_1449 : vector<1x16xf32> to vector<16xf32>
        %swap3A_1451 = vector.shape_cast %mul3A_1446 : vector<16xf32> to vector<1x16xf32>
        tpu.vector_store %arg14[%swap3A_1447, %swap3A_1448], %swap3A_1451 {strides = array<i32>} : memref<128x128xf32, #tpu.memory_space<vmem>>, vector<1x16xf32>,
        %get3A_1452 = arith.index_cast %add3A_1385 : i32 to index
        %get3A_1453 = arith.constant 96 : index
        %get3A_1454 = tpu.vector_load %arg14[%get3A_1452, %get3A_1453] {strides = array<i32>} : memref<128x128xf32, #tpu.memory_space<vmem>>, vector<1x16xf32>,
        %get3A_1455 = vector.shape_cast %get3A_1454 : vector<1x16xf32> to vector<16xf32>
        %mul3A_1456 = vector.broadcast %squeeze3A_1381 : f32 to vector<16xf32>
        %mul3A_1457 = arith.mulf %get3A_1455, %mul3A_1456 : vector<16xf32>
        %swap3A_1458 = arith.index_cast %add3A_1385 : i32 to index
        %swap3A_1459 = arith.constant 96 : index
        %swap3A_1460 = tpu.vector_load %arg14[%swap3A_1458, %swap3A_1459] {strides = array<i32>} : memref<128x128xf32, #tpu.memory_space<vmem>>, vector<1x16xf32>,
        %swap3A_1461 = vector.shape_cast %swap3A_1460 : vector<1x16xf32> to vector<16xf32>
        %swap3A_1462 = vector.shape_cast %mul3A_1457 : vector<16xf32> to vector<1x16xf32>
        tpu.vector_store %arg14[%swap3A_1458, %swap3A_1459], %swap3A_1462 {strides = array<i32>} : memref<128x128xf32, #tpu.memory_space<vmem>>, vector<1x16xf32>,
        %get3A_1463 = arith.index_cast %add3A_1385 : i32 to index
        %get3A_1464 = arith.constant 112 : index
        %get3A_1465 = tpu.vector_load %arg14[%get3A_1463, %get3A_1464] {strides = array<i32>} : memref<128x128xf32, #tpu.memory_space<vmem>>, vector<1x16xf32>,
        %get3A_1466 = vector.shape_cast %get3A_1465 : vector<1x16xf32> to vector<16xf32>
        %mul3A_1467 = vector.broadcast %squeeze3A_1381 : f32 to vector<16xf32>
        %mul3A_1468 = arith.mulf %get3A_1466, %mul3A_1467 : vector<16xf32>
        %swap3A_1469 = arith.index_cast %add3A_1385 : i32 to index
        %swap3A_1470 = arith.constant 112 : index
        %swap3A_1471 = tpu.vector_load %arg14[%swap3A_1469, %swap3A_1470] {strides = array<i32>} : memref<128x128xf32, #tpu.memory_space<vmem>>, vector<1x16xf32>,
        %swap3A_1472 = vector.shape_cast %swap3A_1471 : vector<1x16xf32> to vector<16xf32>
        %swap3A_1473 = vector.shape_cast %mul3A_1468 : vector<16xf32> to vector<1x16xf32>
        tpu.vector_store %arg14[%swap3A_1469, %swap3A_1470], %swap3A_1473 {strides = array<i32>} : memref<128x128xf32, #tpu.memory_space<vmem>>, vector<1x16xf32>,
        %slice3A_1474 = vector.extract_strided_slice %get3A_253 {offsets = [13], sizes = [1], strides = [1]} : vector<16xf32> to vector<1xf32>
        %squeeze3A_1475 = vector.extract %slice3A_1474[0] : f32 from vector<1xf32>
        %mul3A_1476 = arith.constant 16 : i32
        %mul3A_1477 = arith.muli %scan3A_247, %mul3A_1476 : i32
        %add3A_1478 = arith.constant 13 : i32
        %add3A_1479 = arith.addi %mul3A_1477, %add3A_1478 : i32
        %get3A_1480 = arith.index_cast %add3A_1479 : i32 to index
        %get3A_1481 = arith.constant 0 : index
        %get3A_1482 = tpu.vector_load %arg14[%get3A_1480, %get3A_1481] {strides = array<i32>} : memref<128x128xf32, #tpu.memory_space<vmem>>, vector<1x16xf32>,
        %get3A_1483 = vector.shape_cast %get3A_1482 : vector<1x16xf32> to vector<16xf32>
        %mul3A_1484 = vector.broadcast %squeeze3A_1475 : f32 to vector<16xf32>
        %mul3A_1485 = arith.mulf %get3A_1483, %mul3A_1484 : vector<16xf32>
        %swap3A_1486 = arith.index_cast %add3A_1479 : i32 to index
        %swap3A_1487 = arith.constant 0 : index
        %swap3A_1488 = tpu.vector_load %arg14[%swap3A_1486, %swap3A_1487] {strides = array<i32>} : memref<128x128xf32, #tpu.memory_space<vmem>>, vector<1x16xf32>,
        %swap3A_1489 = vector.shape_cast %swap3A_1488 : vector<1x16xf32> to vector<16xf32>
        %swap3A_1490 = vector.shape_cast %mul3A_1485 : vector<16xf32> to vector<1x16xf32>
        tpu.vector_store %arg14[%swap3A_1486, %swap3A_1487], %swap3A_1490 {strides = array<i32>} : memref<128x128xf32, #tpu.memory_space<vmem>>, vector<1x16xf32>,
        %get3A_1491 = arith.index_cast %add3A_1479 : i32 to index
        %get3A_1492 = arith.constant 16 : index
        %get3A_1493 = tpu.vector_load %arg14[%get3A_1491, %get3A_1492] {strides = array<i32>} : memref<128x128xf32, #tpu.memory_space<vmem>>, vector<1x16xf32>,
        %get3A_1494 = vector.shape_cast %get3A_1493 : vector<1x16xf32> to vector<16xf32>
        %mul3A_1495 = vector.broadcast %squeeze3A_1475 : f32 to vector<16xf32>
        %mul3A_1496 = arith.mulf %get3A_1494, %mul3A_1495 : vector<16xf32>
        %swap3A_1497 = arith.index_cast %add3A_1479 : i32 to index
        %swap3A_1498 = arith.constant 16 : index
        %swap3A_1499 = tpu.vector_load %arg14[%swap3A_1497, %swap3A_1498] {strides = array<i32>} : memref<128x128xf32, #tpu.memory_space<vmem>>, vector<1x16xf32>,
        %swap3A_1500 = vector.shape_cast %swap3A_1499 : vector<1x16xf32> to vector<16xf32>
        %swap3A_1501 = vector.shape_cast %mul3A_1496 : vector<16xf32> to vector<1x16xf32>
        tpu.vector_store %arg14[%swap3A_1497, %swap3A_1498], %swap3A_1501 {strides = array<i32>} : memref<128x128xf32, #tpu.memory_space<vmem>>, vector<1x16xf32>,
        %get3A_1502 = arith.index_cast %add3A_1479 : i32 to index
        %get3A_1503 = arith.constant 32 : index
        %get3A_1504 = tpu.vector_load %arg14[%get3A_1502, %get3A_1503] {strides = array<i32>} : memref<128x128xf32, #tpu.memory_space<vmem>>, vector<1x16xf32>,
        %get3A_1505 = vector.shape_cast %get3A_1504 : vector<1x16xf32> to vector<16xf32>
        %mul3A_1506 = vector.broadcast %squeeze3A_1475 : f32 to vector<16xf32>
        %mul3A_1507 = arith.mulf %get3A_1505, %mul3A_1506 : vector<16xf32>
        %swap3A_1508 = arith.index_cast %add3A_1479 : i32 to index
        %swap3A_1509 = arith.constant 32 : index
        %swap3A_1510 = tpu.vector_load %arg14[%swap3A_1508, %swap3A_1509] {strides = array<i32>} : memref<128x128xf32, #tpu.memory_space<vmem>>, vector<1x16xf32>,
        %swap3A_1511 = vector.shape_cast %swap3A_1510 : vector<1x16xf32> to vector<16xf32>
        %swap3A_1512 = vector.shape_cast %mul3A_1507 : vector<16xf32> to vector<1x16xf32>
        tpu.vector_store %arg14[%swap3A_1508, %swap3A_1509], %swap3A_1512 {strides = array<i32>} : memref<128x128xf32, #tpu.memory_space<vmem>>, vector<1x16xf32>,
        %get3A_1513 = arith.index_cast %add3A_1479 : i32 to index
        %get3A_1514 = arith.constant 48 : index
        %get3A_1515 = tpu.vector_load %arg14[%get3A_1513, %get3A_1514] {strides = array<i32>} : memref<128x128xf32, #tpu.memory_space<vmem>>, vector<1x16xf32>,
        %get3A_1516 = vector.shape_cast %get3A_1515 : vector<1x16xf32> to vector<16xf32>
        %mul3A_1517 = vector.broadcast %squeeze3A_1475 : f32 to vector<16xf32>
        %mul3A_1518 = arith.mulf %get3A_1516, %mul3A_1517 : vector<16xf32>
        %swap3A_1519 = arith.index_cast %add3A_1479 : i32 to index
        %swap3A_1520 = arith.constant 48 : index
        %swap3A_1521 = tpu.vector_load %arg14[%swap3A_1519, %swap3A_1520] {strides = array<i32>} : memref<128x128xf32, #tpu.memory_space<vmem>>, vector<1x16xf32>,
        %swap3A_1522 = vector.shape_cast %swap3A_1521 : vector<1x16xf32> to vector<16xf32>
        %swap3A_1523 = vector.shape_cast %mul3A_1518 : vector<16xf32> to vector<1x16xf32>
        tpu.vector_store %arg14[%swap3A_1519, %swap3A_1520], %swap3A_1523 {strides = array<i32>} : memref<128x128xf32, #tpu.memory_space<vmem>>, vector<1x16xf32>,
        %get3A_1524 = arith.index_cast %add3A_1479 : i32 to index
        %get3A_1525 = arith.constant 64 : index
        %get3A_1526 = tpu.vector_load %arg14[%get3A_1524, %get3A_1525] {strides = array<i32>} : memref<128x128xf32, #tpu.memory_space<vmem>>, vector<1x16xf32>,
        %get3A_1527 = vector.shape_cast %get3A_1526 : vector<1x16xf32> to vector<16xf32>
        %mul3A_1528 = vector.broadcast %squeeze3A_1475 : f32 to vector<16xf32>
        %mul3A_1529 = arith.mulf %get3A_1527, %mul3A_1528 : vector<16xf32>
        %swap3A_1530 = arith.index_cast %add3A_1479 : i32 to index
        %swap3A_1531 = arith.constant 64 : index
        %swap3A_1532 = tpu.vector_load %arg14[%swap3A_1530, %swap3A_1531] {strides = array<i32>} : memref<128x128xf32, #tpu.memory_space<vmem>>, vector<1x16xf32>,
        %swap3A_1533 = vector.shape_cast %swap3A_1532 : vector<1x16xf32> to vector<16xf32>
        %swap3A_1534 = vector.shape_cast %mul3A_1529 : vector<16xf32> to vector<1x16xf32>
        tpu.vector_store %arg14[%swap3A_1530, %swap3A_1531], %swap3A_1534 {strides = array<i32>} : memref<128x128xf32, #tpu.memory_space<vmem>>, vector<1x16xf32>,
        %get3A_1535 = arith.index_cast %add3A_1479 : i32 to index
        %get3A_1536 = arith.constant 80 : index
        %get3A_1537 = tpu.vector_load %arg14[%get3A_1535, %get3A_1536] {strides = array<i32>} : memref<128x128xf32, #tpu.memory_space<vmem>>, vector<1x16xf32>,
        %get3A_1538 = vector.shape_cast %get3A_1537 : vector<1x16xf32> to vector<16xf32>
        %mul3A_1539 = vector.broadcast %squeeze3A_1475 : f32 to vector<16xf32>
        %mul3A_1540 = arith.mulf %get3A_1538, %mul3A_1539 : vector<16xf32>
        %swap3A_1541 = arith.index_cast %add3A_1479 : i32 to index
        %swap3A_1542 = arith.constant 80 : index
        %swap3A_1543 = tpu.vector_load %arg14[%swap3A_1541, %swap3A_1542] {strides = array<i32>} : memref<128x128xf32, #tpu.memory_space<vmem>>, vector<1x16xf32>,
        %swap3A_1544 = vector.shape_cast %swap3A_1543 : vector<1x16xf32> to vector<16xf32>
        %swap3A_1545 = vector.shape_cast %mul3A_1540 : vector<16xf32> to vector<1x16xf32>
        tpu.vector_store %arg14[%swap3A_1541, %swap3A_1542], %swap3A_1545 {strides = array<i32>} : memref<128x128xf32, #tpu.memory_space<vmem>>, vector<1x16xf32>,
        %get3A_1546 = arith.index_cast %add3A_1479 : i32 to index
        %get3A_1547 = arith.constant 96 : index
        %get3A_1548 = tpu.vector_load %arg14[%get3A_1546, %get3A_1547] {strides = array<i32>} : memref<128x128xf32, #tpu.memory_space<vmem>>, vector<1x16xf32>,
        %get3A_1549 = vector.shape_cast %get3A_1548 : vector<1x16xf32> to vector<16xf32>
        %mul3A_1550 = vector.broadcast %squeeze3A_1475 : f32 to vector<16xf32>
        %mul3A_1551 = arith.mulf %get3A_1549, %mul3A_1550 : vector<16xf32>
        %swap3A_1552 = arith.index_cast %add3A_1479 : i32 to index
        %swap3A_1553 = arith.constant 96 : index
        %swap3A_1554 = tpu.vector_load %arg14[%swap3A_1552, %swap3A_1553] {strides = array<i32>} : memref<128x128xf32, #tpu.memory_space<vmem>>, vector<1x16xf32>,
        %swap3A_1555 = vector.shape_cast %swap3A_1554 : vector<1x16xf32> to vector<16xf32>
        %swap3A_1556 = vector.shape_cast %mul3A_1551 : vector<16xf32> to vector<1x16xf32>
        tpu.vector_store %arg14[%swap3A_1552, %swap3A_1553], %swap3A_1556 {strides = array<i32>} : memref<128x128xf32, #tpu.memory_space<vmem>>, vector<1x16xf32>,
        %get3A_1557 = arith.index_cast %add3A_1479 : i32 to index
        %get3A_1558 = arith.constant 112 : index
        %get3A_1559 = tpu.vector_load %arg14[%get3A_1557, %get3A_1558] {strides = array<i32>} : memref<128x128xf32, #tpu.memory_space<vmem>>, vector<1x16xf32>,
        %get3A_1560 = vector.shape_cast %get3A_1559 : vector<1x16xf32> to vector<16xf32>
        %mul3A_1561 = vector.broadcast %squeeze3A_1475 : f32 to vector<16xf32>
        %mul3A_1562 = arith.mulf %get3A_1560, %mul3A_1561 : vector<16xf32>
        %swap3A_1563 = arith.index_cast %add3A_1479 : i32 to index
        %swap3A_1564 = arith.constant 112 : index
        %swap3A_1565 = tpu.vector_load %arg14[%swap3A_1563, %swap3A_1564] {strides = array<i32>} : memref<128x128xf32, #tpu.memory_space<vmem>>, vector<1x16xf32>,
        %swap3A_1566 = vector.shape_cast %swap3A_1565 : vector<1x16xf32> to vector<16xf32>
        %swap3A_1567 = vector.shape_cast %mul3A_1562 : vector<16xf32> to vector<1x16xf32>
        tpu.vector_store %arg14[%swap3A_1563, %swap3A_1564], %swap3A_1567 {strides = array<i32>} : memref<128x128xf32, #tpu.memory_space<vmem>>, vector<1x16xf32>,
        %slice3A_1568 = vector.extract_strided_slice %get3A_253 {offsets = [14], sizes = [1], strides = [1]} : vector<16xf32> to vector<1xf32>
        %squeeze3A_1569 = vector.extract %slice3A_1568[0] : f32 from vector<1xf32>
        %mul3A_1570 = arith.constant 16 : i32
        %mul3A_1571 = arith.muli %scan3A_247, %mul3A_1570 : i32
        %add3A_1572 = arith.constant 14 : i32
        %add3A_1573 = arith.addi %mul3A_1571, %add3A_1572 : i32
        %get3A_1574 = arith.index_cast %add3A_1573 : i32 to index
        %get3A_1575 = arith.constant 0 : index
        %get3A_1576 = tpu.vector_load %arg14[%get3A_1574, %get3A_1575] {strides = array<i32>} : memref<128x128xf32, #tpu.memory_space<vmem>>, vector<1x16xf32>,
        %get3A_1577 = vector.shape_cast %get3A_1576 : vector<1x16xf32> to vector<16xf32>
        %mul3A_1578 = vector.broadcast %squeeze3A_1569 : f32 to vector<16xf32>
        %mul3A_1579 = arith.mulf %get3A_1577, %mul3A_1578 : vector<16xf32>
        %swap3A_1580 = arith.index_cast %add3A_1573 : i32 to index
        %swap3A_1581 = arith.constant 0 : index
        %swap3A_1582 = tpu.vector_load %arg14[%swap3A_1580, %swap3A_1581] {strides = array<i32>} : memref<128x128xf32, #tpu.memory_space<vmem>>, vector<1x16xf32>,
        %swap3A_1583 = vector.shape_cast %swap3A_1582 : vector<1x16xf32> to vector<16xf32>
        %swap3A_1584 = vector.shape_cast %mul3A_1579 : vector<16xf32> to vector<1x16xf32>
        tpu.vector_store %arg14[%swap3A_1580, %swap3A_1581], %swap3A_1584 {strides = array<i32>} : memref<128x128xf32, #tpu.memory_space<vmem>>, vector<1x16xf32>,
        %get3A_1585 = arith.index_cast %add3A_1573 : i32 to index
        %get3A_1586 = arith.constant 16 : index
        %get3A_1587 = tpu.vector_load %arg14[%get3A_1585, %get3A_1586] {strides = array<i32>} : memref<128x128xf32, #tpu.memory_space<vmem>>, vector<1x16xf32>,
        %get3A_1588 = vector.shape_cast %get3A_1587 : vector<1x16xf32> to vector<16xf32>
        %mul3A_1589 = vector.broadcast %squeeze3A_1569 : f32 to vector<16xf32>
        %mul3A_1590 = arith.mulf %get3A_1588, %mul3A_1589 : vector<16xf32>
        %swap3A_1591 = arith.index_cast %add3A_1573 : i32 to index
        %swap3A_1592 = arith.constant 16 : index
        %swap3A_1593 = tpu.vector_load %arg14[%swap3A_1591, %swap3A_1592] {strides = array<i32>} : memref<128x128xf32, #tpu.memory_space<vmem>>, vector<1x16xf32>,
        %swap3A_1594 = vector.shape_cast %swap3A_1593 : vector<1x16xf32> to vector<16xf32>
        %swap3A_1595 = vector.shape_cast %mul3A_1590 : vector<16xf32> to vector<1x16xf32>
        tpu.vector_store %arg14[%swap3A_1591, %swap3A_1592], %swap3A_1595 {strides = array<i32>} : memref<128x128xf32, #tpu.memory_space<vmem>>, vector<1x16xf32>,
        %get3A_1596 = arith.index_cast %add3A_1573 : i32 to index
        %get3A_1597 = arith.constant 32 : index
        %get3A_1598 = tpu.vector_load %arg14[%get3A_1596, %get3A_1597] {strides = array<i32>} : memref<128x128xf32, #tpu.memory_space<vmem>>, vector<1x16xf32>,
        %get3A_1599 = vector.shape_cast %get3A_1598 : vector<1x16xf32> to vector<16xf32>
        %mul3A_1600 = vector.broadcast %squeeze3A_1569 : f32 to vector<16xf32>
        %mul3A_1601 = arith.mulf %get3A_1599, %mul3A_1600 : vector<16xf32>
        %swap3A_1602 = arith.index_cast %add3A_1573 : i32 to index
        %swap3A_1603 = arith.constant 32 : index
        %swap3A_1604 = tpu.vector_load %arg14[%swap3A_1602, %swap3A_1603] {strides = array<i32>} : memref<128x128xf32, #tpu.memory_space<vmem>>, vector<1x16xf32>,
        %swap3A_1605 = vector.shape_cast %swap3A_1604 : vector<1x16xf32> to vector<16xf32>
        %swap3A_1606 = vector.shape_cast %mul3A_1601 : vector<16xf32> to vector<1x16xf32>
        tpu.vector_store %arg14[%swap3A_1602, %swap3A_1603], %swap3A_1606 {strides = array<i32>} : memref<128x128xf32, #tpu.memory_space<vmem>>, vector<1x16xf32>,
        %get3A_1607 = arith.index_cast %add3A_1573 : i32 to index
        %get3A_1608 = arith.constant 48 : index
        %get3A_1609 = tpu.vector_load %arg14[%get3A_1607, %get3A_1608] {strides = array<i32>} : memref<128x128xf32, #tpu.memory_space<vmem>>, vector<1x16xf32>,
        %get3A_1610 = vector.shape_cast %get3A_1609 : vector<1x16xf32> to vector<16xf32>
        %mul3A_1611 = vector.broadcast %squeeze3A_1569 : f32 to vector<16xf32>
        %mul3A_1612 = arith.mulf %get3A_1610, %mul3A_1611 : vector<16xf32>
        %swap3A_1613 = arith.index_cast %add3A_1573 : i32 to index
        %swap3A_1614 = arith.constant 48 : index
        %swap3A_1615 = tpu.vector_load %arg14[%swap3A_1613, %swap3A_1614] {strides = array<i32>} : memref<128x128xf32, #tpu.memory_space<vmem>>, vector<1x16xf32>,
        %swap3A_1616 = vector.shape_cast %swap3A_1615 : vector<1x16xf32> to vector<16xf32>
        %swap3A_1617 = vector.shape_cast %mul3A_1612 : vector<16xf32> to vector<1x16xf32>
        tpu.vector_store %arg14[%swap3A_1613, %swap3A_1614], %swap3A_1617 {strides = array<i32>} : memref<128x128xf32, #tpu.memory_space<vmem>>, vector<1x16xf32>,
        %get3A_1618 = arith.index_cast %add3A_1573 : i32 to index
        %get3A_1619 = arith.constant 64 : index
        %get3A_1620 = tpu.vector_load %arg14[%get3A_1618, %get3A_1619] {strides = array<i32>} : memref<128x128xf32, #tpu.memory_space<vmem>>, vector<1x16xf32>,
        %get3A_1621 = vector.shape_cast %get3A_1620 : vector<1x16xf32> to vector<16xf32>
        %mul3A_1622 = vector.broadcast %squeeze3A_1569 : f32 to vector<16xf32>
        %mul3A_1623 = arith.mulf %get3A_1621, %mul3A_1622 : vector<16xf32>
        %swap3A_1624 = arith.index_cast %add3A_1573 : i32 to index
        %swap3A_1625 = arith.constant 64 : index
        %swap3A_1626 = tpu.vector_load %arg14[%swap3A_1624, %swap3A_1625] {strides = array<i32>} : memref<128x128xf32, #tpu.memory_space<vmem>>, vector<1x16xf32>,
        %swap3A_1627 = vector.shape_cast %swap3A_1626 : vector<1x16xf32> to vector<16xf32>
        %swap3A_1628 = vector.shape_cast %mul3A_1623 : vector<16xf32> to vector<1x16xf32>
        tpu.vector_store %arg14[%swap3A_1624, %swap3A_1625], %swap3A_1628 {strides = array<i32>} : memref<128x128xf32, #tpu.memory_space<vmem>>, vector<1x16xf32>,
        %get3A_1629 = arith.index_cast %add3A_1573 : i32 to index
        %get3A_1630 = arith.constant 80 : index
        %get3A_1631 = tpu.vector_load %arg14[%get3A_1629, %get3A_1630] {strides = array<i32>} : memref<128x128xf32, #tpu.memory_space<vmem>>, vector<1x16xf32>,
        %get3A_1632 = vector.shape_cast %get3A_1631 : vector<1x16xf32> to vector<16xf32>
        %mul3A_1633 = vector.broadcast %squeeze3A_1569 : f32 to vector<16xf32>
        %mul3A_1634 = arith.mulf %get3A_1632, %mul3A_1633 : vector<16xf32>
        %swap3A_1635 = arith.index_cast %add3A_1573 : i32 to index
        %swap3A_1636 = arith.constant 80 : index
        %swap3A_1637 = tpu.vector_load %arg14[%swap3A_1635, %swap3A_1636] {strides = array<i32>} : memref<128x128xf32, #tpu.memory_space<vmem>>, vector<1x16xf32>,
        %swap3A_1638 = vector.shape_cast %swap3A_1637 : vector<1x16xf32> to vector<16xf32>
        %swap3A_1639 = vector.shape_cast %mul3A_1634 : vector<16xf32> to vector<1x16xf32>
        tpu.vector_store %arg14[%swap3A_1635, %swap3A_1636], %swap3A_1639 {strides = array<i32>} : memref<128x128xf32, #tpu.memory_space<vmem>>, vector<1x16xf32>,
        %get3A_1640 = arith.index_cast %add3A_1573 : i32 to index
        %get3A_1641 = arith.constant 96 : index
        %get3A_1642 = tpu.vector_load %arg14[%get3A_1640, %get3A_1641] {strides = array<i32>} : memref<128x128xf32, #tpu.memory_space<vmem>>, vector<1x16xf32>,
        %get3A_1643 = vector.shape_cast %get3A_1642 : vector<1x16xf32> to vector<16xf32>
        %mul3A_1644 = vector.broadcast %squeeze3A_1569 : f32 to vector<16xf32>
        %mul3A_1645 = arith.mulf %get3A_1643, %mul3A_1644 : vector<16xf32>
        %swap3A_1646 = arith.index_cast %add3A_1573 : i32 to index
        %swap3A_1647 = arith.constant 96 : index
        %swap3A_1648 = tpu.vector_load %arg14[%swap3A_1646, %swap3A_1647] {strides = array<i32>} : memref<128x128xf32, #tpu.memory_space<vmem>>, vector<1x16xf32>,
        %swap3A_1649 = vector.shape_cast %swap3A_1648 : vector<1x16xf32> to vector<16xf32>
        %swap3A_1650 = vector.shape_cast %mul3A_1645 : vector<16xf32> to vector<1x16xf32>
        tpu.vector_store %arg14[%swap3A_1646, %swap3A_1647], %swap3A_1650 {strides = array<i32>} : memref<128x128xf32, #tpu.memory_space<vmem>>, vector<1x16xf32>,
        %get3A_1651 = arith.index_cast %add3A_1573 : i32 to index
        %get3A_1652 = arith.constant 112 : index
        %get3A_1653 = tpu.vector_load %arg14[%get3A_1651, %get3A_1652] {strides = array<i32>} : memref<128x128xf32, #tpu.memory_space<vmem>>, vector<1x16xf32>,
        %get3A_1654 = vector.shape_cast %get3A_1653 : vector<1x16xf32> to vector<16xf32>
        %mul3A_1655 = vector.broadcast %squeeze3A_1569 : f32 to vector<16xf32>
        %mul3A_1656 = arith.mulf %get3A_1654, %mul3A_1655 : vector<16xf32>
        %swap3A_1657 = arith.index_cast %add3A_1573 : i32 to index
        %swap3A_1658 = arith.constant 112 : index
        %swap3A_1659 = tpu.vector_load %arg14[%swap3A_1657, %swap3A_1658] {strides = array<i32>} : memref<128x128xf32, #tpu.memory_space<vmem>>, vector<1x16xf32>,
        %swap3A_1660 = vector.shape_cast %swap3A_1659 : vector<1x16xf32> to vector<16xf32>
        %swap3A_1661 = vector.shape_cast %mul3A_1656 : vector<16xf32> to vector<1x16xf32>
        tpu.vector_store %arg14[%swap3A_1657, %swap3A_1658], %swap3A_1661 {strides = array<i32>} : memref<128x128xf32, #tpu.memory_space<vmem>>, vector<1x16xf32>,
        %slice3A_1662 = vector.extract_strided_slice %get3A_253 {offsets = [15], sizes = [1], strides = [1]} : vector<16xf32> to vector<1xf32>
        %squeeze3A_1663 = vector.extract %slice3A_1662[0] : f32 from vector<1xf32>
        %mul3A_1664 = arith.constant 16 : i32
        %mul3A_1665 = arith.muli %scan3A_247, %mul3A_1664 : i32
        %add3A_1666 = arith.constant 15 : i32
        %add3A_1667 = arith.addi %mul3A_1665, %add3A_1666 : i32
        %get3A_1668 = arith.index_cast %add3A_1667 : i32 to index
        %get3A_1669 = arith.constant 0 : index
        %get3A_1670 = tpu.vector_load %arg14[%get3A_1668, %get3A_1669] {strides = array<i32>} : memref<128x128xf32, #tpu.memory_space<vmem>>, vector<1x16xf32>,
        %get3A_1671 = vector.shape_cast %get3A_1670 : vector<1x16xf32> to vector<16xf32>
        %mul3A_1672 = vector.broadcast %squeeze3A_1663 : f32 to vector<16xf32>
        %mul3A_1673 = arith.mulf %get3A_1671, %mul3A_1672 : vector<16xf32>
        %swap3A_1674 = arith.index_cast %add3A_1667 : i32 to index
        %swap3A_1675 = arith.constant 0 : index
        %swap3A_1676 = tpu.vector_load %arg14[%swap3A_1674, %swap3A_1675] {strides = array<i32>} : memref<128x128xf32, #tpu.memory_space<vmem>>, vector<1x16xf32>,
        %swap3A_1677 = vector.shape_cast %swap3A_1676 : vector<1x16xf32> to vector<16xf32>
        %swap3A_1678 = vector.shape_cast %mul3A_1673 : vector<16xf32> to vector<1x16xf32>
        tpu.vector_store %arg14[%swap3A_1674, %swap3A_1675], %swap3A_1678 {strides = array<i32>} : memref<128x128xf32, #tpu.memory_space<vmem>>, vector<1x16xf32>,
        %get3A_1679 = arith.index_cast %add3A_1667 : i32 to index
        %get3A_1680 = arith.constant 16 : index
        %get3A_1681 = tpu.vector_load %arg14[%get3A_1679, %get3A_1680] {strides = array<i32>} : memref<128x128xf32, #tpu.memory_space<vmem>>, vector<1x16xf32>,
        %get3A_1682 = vector.shape_cast %get3A_1681 : vector<1x16xf32> to vector<16xf32>
        %mul3A_1683 = vector.broadcast %squeeze3A_1663 : f32 to vector<16xf32>
        %mul3A_1684 = arith.mulf %get3A_1682, %mul3A_1683 : vector<16xf32>
        %swap3A_1685 = arith.index_cast %add3A_1667 : i32 to index
        %swap3A_1686 = arith.constant 16 : index
        %swap3A_1687 = tpu.vector_load %arg14[%swap3A_1685, %swap3A_1686] {strides = array<i32>} : memref<128x128xf32, #tpu.memory_space<vmem>>, vector<1x16xf32>,
        %swap3A_1688 = vector.shape_cast %swap3A_1687 : vector<1x16xf32> to vector<16xf32>
        %swap3A_1689 = vector.shape_cast %mul3A_1684 : vector<16xf32> to vector<1x16xf32>
        tpu.vector_store %arg14[%swap3A_1685, %swap3A_1686], %swap3A_1689 {strides = array<i32>} : memref<128x128xf32, #tpu.memory_space<vmem>>, vector<1x16xf32>,
        %get3A_1690 = arith.index_cast %add3A_1667 : i32 to index
        %get3A_1691 = arith.constant 32 : index
        %get3A_1692 = tpu.vector_load %arg14[%get3A_1690, %get3A_1691] {strides = array<i32>} : memref<128x128xf32, #tpu.memory_space<vmem>>, vector<1x16xf32>,
        %get3A_1693 = vector.shape_cast %get3A_1692 : vector<1x16xf32> to vector<16xf32>
        %mul3A_1694 = vector.broadcast %squeeze3A_1663 : f32 to vector<16xf32>
        %mul3A_1695 = arith.mulf %get3A_1693, %mul3A_1694 : vector<16xf32>
        %swap3A_1696 = arith.index_cast %add3A_1667 : i32 to index
        %swap3A_1697 = arith.constant 32 : index
        %swap3A_1698 = tpu.vector_load %arg14[%swap3A_1696, %swap3A_1697] {strides = array<i32>} : memref<128x128xf32, #tpu.memory_space<vmem>>, vector<1x16xf32>,
        %swap3A_1699 = vector.shape_cast %swap3A_1698 : vector<1x16xf32> to vector<16xf32>
        %swap3A_1700 = vector.shape_cast %mul3A_1695 : vector<16xf32> to vector<1x16xf32>
        tpu.vector_store %arg14[%swap3A_1696, %swap3A_1697], %swap3A_1700 {strides = array<i32>} : memref<128x128xf32, #tpu.memory_space<vmem>>, vector<1x16xf32>,
        %get3A_1701 = arith.index_cast %add3A_1667 : i32 to index
        %get3A_1702 = arith.constant 48 : index
        %get3A_1703 = tpu.vector_load %arg14[%get3A_1701, %get3A_1702] {strides = array<i32>} : memref<128x128xf32, #tpu.memory_space<vmem>>, vector<1x16xf32>,
        %get3A_1704 = vector.shape_cast %get3A_1703 : vector<1x16xf32> to vector<16xf32>
        %mul3A_1705 = vector.broadcast %squeeze3A_1663 : f32 to vector<16xf32>
        %mul3A_1706 = arith.mulf %get3A_1704, %mul3A_1705 : vector<16xf32>
        %swap3A_1707 = arith.index_cast %add3A_1667 : i32 to index
        %swap3A_1708 = arith.constant 48 : index
        %swap3A_1709 = tpu.vector_load %arg14[%swap3A_1707, %swap3A_1708] {strides = array<i32>} : memref<128x128xf32, #tpu.memory_space<vmem>>, vector<1x16xf32>,
        %swap3A_1710 = vector.shape_cast %swap3A_1709 : vector<1x16xf32> to vector<16xf32>
        %swap3A_1711 = vector.shape_cast %mul3A_1706 : vector<16xf32> to vector<1x16xf32>
        tpu.vector_store %arg14[%swap3A_1707, %swap3A_1708], %swap3A_1711 {strides = array<i32>} : memref<128x128xf32, #tpu.memory_space<vmem>>, vector<1x16xf32>,
        %get3A_1712 = arith.index_cast %add3A_1667 : i32 to index
        %get3A_1713 = arith.constant 64 : index
        %get3A_1714 = tpu.vector_load %arg14[%get3A_1712, %get3A_1713] {strides = array<i32>} : memref<128x128xf32, #tpu.memory_space<vmem>>, vector<1x16xf32>,
        %get3A_1715 = vector.shape_cast %get3A_1714 : vector<1x16xf32> to vector<16xf32>
        %mul3A_1716 = vector.broadcast %squeeze3A_1663 : f32 to vector<16xf32>
        %mul3A_1717 = arith.mulf %get3A_1715, %mul3A_1716 : vector<16xf32>
        %swap3A_1718 = arith.index_cast %add3A_1667 : i32 to index
        %swap3A_1719 = arith.constant 64 : index
        %swap3A_1720 = tpu.vector_load %arg14[%swap3A_1718, %swap3A_1719] {strides = array<i32>} : memref<128x128xf32, #tpu.memory_space<vmem>>, vector<1x16xf32>,
        %swap3A_1721 = vector.shape_cast %swap3A_1720 : vector<1x16xf32> to vector<16xf32>
        %swap3A_1722 = vector.shape_cast %mul3A_1717 : vector<16xf32> to vector<1x16xf32>
        tpu.vector_store %arg14[%swap3A_1718, %swap3A_1719], %swap3A_1722 {strides = array<i32>} : memref<128x128xf32, #tpu.memory_space<vmem>>, vector<1x16xf32>,
        %get3A_1723 = arith.index_cast %add3A_1667 : i32 to index
        %get3A_1724 = arith.constant 80 : index
        %get3A_1725 = tpu.vector_load %arg14[%get3A_1723, %get3A_1724] {strides = array<i32>} : memref<128x128xf32, #tpu.memory_space<vmem>>, vector<1x16xf32>,
        %get3A_1726 = vector.shape_cast %get3A_1725 : vector<1x16xf32> to vector<16xf32>
        %mul3A_1727 = vector.broadcast %squeeze3A_1663 : f32 to vector<16xf32>
        %mul3A_1728 = arith.mulf %get3A_1726, %mul3A_1727 : vector<16xf32>
        %swap3A_1729 = arith.index_cast %add3A_1667 : i32 to index
        %swap3A_1730 = arith.constant 80 : index
        %swap3A_1731 = tpu.vector_load %arg14[%swap3A_1729, %swap3A_1730] {strides = array<i32>} : memref<128x128xf32, #tpu.memory_space<vmem>>, vector<1x16xf32>,
        %swap3A_1732 = vector.shape_cast %swap3A_1731 : vector<1x16xf32> to vector<16xf32>
        %swap3A_1733 = vector.shape_cast %mul3A_1728 : vector<16xf32> to vector<1x16xf32>
        tpu.vector_store %arg14[%swap3A_1729, %swap3A_1730], %swap3A_1733 {strides = array<i32>} : memref<128x128xf32, #tpu.memory_space<vmem>>, vector<1x16xf32>,
        %get3A_1734 = arith.index_cast %add3A_1667 : i32 to index
        %get3A_1735 = arith.constant 96 : index
        %get3A_1736 = tpu.vector_load %arg14[%get3A_1734, %get3A_1735] {strides = array<i32>} : memref<128x128xf32, #tpu.memory_space<vmem>>, vector<1x16xf32>,
        %get3A_1737 = vector.shape_cast %get3A_1736 : vector<1x16xf32> to vector<16xf32>
        %mul3A_1738 = vector.broadcast %squeeze3A_1663 : f32 to vector<16xf32>
        %mul3A_1739 = arith.mulf %get3A_1737, %mul3A_1738 : vector<16xf32>
        %swap3A_1740 = arith.index_cast %add3A_1667 : i32 to index
        %swap3A_1741 = arith.constant 96 : index
        %swap3A_1742 = tpu.vector_load %arg14[%swap3A_1740, %swap3A_1741] {strides = array<i32>} : memref<128x128xf32, #tpu.memory_space<vmem>>, vector<1x16xf32>,
        %swap3A_1743 = vector.shape_cast %swap3A_1742 : vector<1x16xf32> to vector<16xf32>
        %swap3A_1744 = vector.shape_cast %mul3A_1739 : vector<16xf32> to vector<1x16xf32>
        tpu.vector_store %arg14[%swap3A_1740, %swap3A_1741], %swap3A_1744 {strides = array<i32>} : memref<128x128xf32, #tpu.memory_space<vmem>>, vector<1x16xf32>,
        %get3A_1745 = arith.index_cast %add3A_1667 : i32 to index
        %get3A_1746 = arith.constant 112 : index
        %get3A_1747 = tpu.vector_load %arg14[%get3A_1745, %get3A_1746] {strides = array<i32>} : memref<128x128xf32, #tpu.memory_space<vmem>>, vector<1x16xf32>,
        %get3A_1748 = vector.shape_cast %get3A_1747 : vector<1x16xf32> to vector<16xf32>
        %mul3A_1749 = vector.broadcast %squeeze3A_1663 : f32 to vector<16xf32>
        %mul3A_1750 = arith.mulf %get3A_1748, %mul3A_1749 : vector<16xf32>
        %swap3A_1751 = arith.index_cast %add3A_1667 : i32 to index
        %swap3A_1752 = arith.constant 112 : index
        %swap3A_1753 = tpu.vector_load %arg14[%swap3A_1751, %swap3A_1752] {strides = array<i32>} : memref<128x128xf32, #tpu.memory_space<vmem>>, vector<1x16xf32>,
        %swap3A_1754 = vector.shape_cast %swap3A_1753 : vector<1x16xf32> to vector<16xf32>
        %swap3A_1755 = vector.shape_cast %mul3A_1750 : vector<16xf32> to vector<1x16xf32>
        tpu.vector_store %arg14[%swap3A_1751, %swap3A_1752], %swap3A_1755 {strides = array<i32>} : memref<128x128xf32, #tpu.memory_space<vmem>>, vector<1x16xf32>,
        %scan3A_1756 = arith.constant 0 : i32
        scf.yield %scan3A_1756 : i32
      }
      %scan3A_179 = arith.constant 8 : i32
      %get3A_180 = arith.constant 0 : index
      %get3A_181 = tpu.vector_load %arg10[%get3A_180] {strides = array<i32>} : memref<128xi32, #tpu.memory_space<vmem>>, vector<16xi32>,
      %get3A_182 = vector.shape_cast %get3A_181 : vector<16xi32> to vector<16xi32>
      %swap3A_183 = arith.constant 0 : index
      %swap3A_184 = tpu.vector_load %arg16[%swap3A_183] {strides = array<i32>} : memref<128xi32, #tpu.memory_space<vmem>>, vector<16xi32>,
      %swap3A_185 = vector.shape_cast %swap3A_184 : vector<16xi32> to vector<16xi32>
      %swap3A_186 = vector.shape_cast %get3A_182 : vector<16xi32> to vector<16xi32>
      tpu.vector_store %arg16[%swap3A_183], %swap3A_186 {strides = array<i32>} : memref<128xi32, #tpu.memory_space<vmem>>, vector<16xi32>,
      %get3A_187 = arith.constant 16 : index
      %get3A_188 = tpu.vector_load %arg10[%get3A_187] {strides = array<i32>} : memref<128xi32, #tpu.memory_space<vmem>>, vector<16xi32>,
      %get3A_189 = vector.shape_cast %get3A_188 : vector<16xi32> to vector<16xi32>
      %swap3A_190 = arith.constant 16 : index
      %swap3A_191 = tpu.vector_load %arg16[%swap3A_190] {strides = array<i32>} : memref<128xi32, #tpu.memory_space<vmem>>, vector<16xi32>,
      %swap3A_192 = vector.shape_cast %swap3A_191 : vector<16xi32> to vector<16xi32>
      %swap3A_193 = vector.shape_cast %get3A_189 : vector<16xi32> to vector<16xi32>
      tpu.vector_store %arg16[%swap3A_190], %swap3A_193 {strides = array<i32>} : memref<128xi32, #tpu.memory_space<vmem>>, vector<16xi32>,
      %get3A_194 = arith.constant 32 : index
      %get3A_195 = tpu.vector_load %arg10[%get3A_194] {strides = array<i32>} : memref<128xi32, #tpu.memory_space<vmem>>, vector<16xi32>,
      %get3A_196 = vector.shape_cast %get3A_195 : vector<16xi32> to vector<16xi32>
      %swap3A_197 = arith.constant 32 : index
      %swap3A_198 = tpu.vector_load %arg16[%swap3A_197] {strides = array<i32>} : memref<128xi32, #tpu.memory_space<vmem>>, vector<16xi32>,
      %swap3A_199 = vector.shape_cast %swap3A_198 : vector<16xi32> to vector<16xi32>
      %swap3A_200 = vector.shape_cast %get3A_196 : vector<16xi32> to vector<16xi32>
      tpu.vector_store %arg16[%swap3A_197], %swap3A_200 {strides = array<i32>} : memref<128xi32, #tpu.memory_space<vmem>>, vector<16xi32>,
      %get3A_201 = arith.constant 48 : index
      %get3A_202 = tpu.vector_load %arg10[%get3A_201] {strides = array<i32>} : memref<128xi32, #tpu.memory_space<vmem>>, vector<16xi32>,
      %get3A_203 = vector.shape_cast %get3A_202 : vector<16xi32> to vector<16xi32>
      %swap3A_204 = arith.constant 48 : index
      %swap3A_205 = tpu.vector_load %arg16[%swap3A_204] {strides = array<i32>} : memref<128xi32, #tpu.memory_space<vmem>>, vector<16xi32>,
      %swap3A_206 = vector.shape_cast %swap3A_205 : vector<16xi32> to vector<16xi32>
      %swap3A_207 = vector.shape_cast %get3A_203 : vector<16xi32> to vector<16xi32>
      tpu.vector_store %arg16[%swap3A_204], %swap3A_207 {strides = array<i32>} : memref<128xi32, #tpu.memory_space<vmem>>, vector<16xi32>,
      %get3A_208 = arith.constant 64 : index
      %get3A_209 = tpu.vector_load %arg10[%get3A_208] {strides = array<i32>} : memref<128xi32, #tpu.memory_space<vmem>>, vector<16xi32>,
      %get3A_210 = vector.shape_cast %get3A_209 : vector<16xi32> to vector<16xi32>
      %swap3A_211 = arith.constant 64 : index
      %swap3A_212 = tpu.vector_load %arg16[%swap3A_211] {strides = array<i32>} : memref<128xi32, #tpu.memory_space<vmem>>, vector<16xi32>,
      %swap3A_213 = vector.shape_cast %swap3A_212 : vector<16xi32> to vector<16xi32>
      %swap3A_214 = vector.shape_cast %get3A_210 : vector<16xi32> to vector<16xi32>
      tpu.vector_store %arg16[%swap3A_211], %swap3A_214 {strides = array<i32>} : memref<128xi32, #tpu.memory_space<vmem>>, vector<16xi32>,
      %get3A_215 = arith.constant 80 : index
      %get3A_216 = tpu.vector_load %arg10[%get3A_215] {strides = array<i32>} : memref<128xi32, #tpu.memory_space<vmem>>, vector<16xi32>,
      %get3A_217 = vector.shape_cast %get3A_216 : vector<16xi32> to vector<16xi32>
      %swap3A_218 = arith.constant 80 : index
      %swap3A_219 = tpu.vector_load %arg16[%swap3A_218] {strides = array<i32>} : memref<128xi32, #tpu.memory_space<vmem>>, vector<16xi32>,
      %swap3A_220 = vector.shape_cast %swap3A_219 : vector<16xi32> to vector<16xi32>
      %swap3A_221 = vector.shape_cast %get3A_217 : vector<16xi32> to vector<16xi32>
      tpu.vector_store %arg16[%swap3A_218], %swap3A_221 {strides = array<i32>} : memref<128xi32, #tpu.memory_space<vmem>>, vector<16xi32>,
      %get3A_222 = arith.constant 96 : index
      %get3A_223 = tpu.vector_load %arg10[%get3A_222] {strides = array<i32>} : memref<128xi32, #tpu.memory_space<vmem>>, vector<16xi32>,
      %get3A_224 = vector.shape_cast %get3A_223 : vector<16xi32> to vector<16xi32>
      %swap3A_225 = arith.constant 96 : index
      %swap3A_226 = tpu.vector_load %arg16[%swap3A_225] {strides = array<i32>} : memref<128xi32, #tpu.memory_space<vmem>>, vector<16xi32>,
      %swap3A_227 = vector.shape_cast %swap3A_226 : vector<16xi32> to vector<16xi32>
      %swap3A_228 = vector.shape_cast %get3A_224 : vector<16xi32> to vector<16xi32>
      tpu.vector_store %arg16[%swap3A_225], %swap3A_228 {strides = array<i32>} : memref<128xi32, #tpu.memory_space<vmem>>, vector<16xi32>,
      %get3A_229 = arith.constant 112 : index
      %get3A_230 = tpu.vector_load %arg10[%get3A_229] {strides = array<i32>} : memref<128xi32, #tpu.memory_space<vmem>>, vector<16xi32>,
      %get3A_231 = vector.shape_cast %get3A_230 : vector<16xi32> to vector<16xi32>
      %swap3A_232 = arith.constant 112 : index
      %swap3A_233 = tpu.vector_load %arg16[%swap3A_232] {strides = array<i32>} : memref<128xi32, #tpu.memory_space<vmem>>, vector<16xi32>,
      %swap3A_234 = vector.shape_cast %swap3A_233 : vector<16xi32> to vector<16xi32>
      %swap3A_235 = vector.shape_cast %get3A_231 : vector<16xi32> to vector<16xi32>
      tpu.vector_store %arg16[%swap3A_232], %swap3A_235 {strides = array<i32>} : memref<128xi32, #tpu.memory_space<vmem>>, vector<16xi32>,
      %dma_start3A_236 = arith.constant 0 : i32
      %dma_start3A_237 = arith.constant 0 : i32
      %dma_start3A_238 = tpu.memref_slice %arg17[%dma_start3A_236, %dma_start3A_237] : memref<10240x128xf32, #tpu.memory_space<vmem_shared>> -> memref<10240x128xf32, #tpu.memory_space<vmem_shared>>
      tpu.enqueue_indirect_dma source(%arg14 : memref<128x128xf32, #tpu.memory_space<vmem>>) target(%dma_start3A_238 : memref<10240x128xf32, #tpu.memory_space<vmem_shared>>) offsets(%arg16 : memref<128xi32, #tpu.memory_space<vmem>>) semaphore(%arg23 : memref<!tpu.dma_semaphore, #tpu.memory_space<semaphore_mem>>) {add = true}
      %add3A_239 = arith.constant 2 : i32
      %add3A_240 = arith.addi %add3A_162, %add3A_239 : i32
      %lt3A_241 = arith.constant 80 : i32
      %lt3A_242 = arith.cmpi slt, %add3A_240, %lt3A_241 : i32
      %convert_element_type3A_243 = arith.extui %lt3A_242 : i1 to i32
      %cond3A_244 = arith.constant 0 : i32
      %cond3A_245 = arith.cmpi ne, %convert_element_type3A_243, %cond3A_244 : i32
      scf.if %cond3A_245 {
        %add3A_247 = arith.constant 2 : i32
        %add3A_248 = arith.addi %add3A_162, %add3A_247 : i32
        %mul3A_249 = arith.constant 32 : i32
        %mul3A_250 = arith.muli %add3A_248, %mul3A_249 : i32
        %add3A_251 = arith.addi %add3A, %mul3A_250 : i32
        %mul3A_252 = arith.constant 128 : i32
        %mul3A_253 = arith.muli %add3A_251, %mul3A_252 : i32
        %dma_start3A_254 = tpu.memref_slice %arg4[%mul3A_253] : memref<327680xi32, #tpu.memory_space<hbm>> -> memref<128xi32, #tpu.memory_space<hbm>>
        %dma_start3A_255 = tpu.memref_slice %arg4[%mul3A_253] : memref<327680xi32, #tpu.memory_space<hbm>> -> memref<128xi32, #tpu.memory_space<hbm>>
        tpu.enqueue_dma source(%dma_start3A_255 : memref<128xi32, #tpu.memory_space<hbm>>) target(%arg8 : memref<128xi32, #tpu.memory_space<vmem>>) target_semaphore(%arg19 : memref<!tpu.dma_semaphore, #tpu.memory_space<semaphore_mem>>)
        %dma_start3A_256 = tpu.memref_slice %arg3[%mul3A_253] : memref<327680xi32, #tpu.memory_space<hbm>> -> memref<128xi32, #tpu.memory_space<hbm>>
        %dma_start3A_257 = tpu.memref_slice %arg3[%mul3A_253] : memref<327680xi32, #tpu.memory_space<hbm>> -> memref<128xi32, #tpu.memory_space<hbm>>
        tpu.enqueue_dma source(%dma_start3A_257 : memref<128xi32, #tpu.memory_space<hbm>>) target(%arg10 : memref<128xi32, #tpu.memory_space<vmem>>) target_semaphore(%arg19 : memref<!tpu.dma_semaphore, #tpu.memory_space<semaphore_mem>>)
        %dma_start3A_258 = tpu.memref_slice %arg5[%mul3A_253] : memref<327680xf32, #tpu.memory_space<hbm>> -> memref<128xf32, #tpu.memory_space<hbm>>
        %dma_start3A_259 = tpu.memref_slice %arg5[%mul3A_253] : memref<327680xf32, #tpu.memory_space<hbm>> -> memref<128xf32, #tpu.memory_space<hbm>>
        tpu.enqueue_dma source(%dma_start3A_259 : memref<128xf32, #tpu.memory_space<hbm>>) target(%arg12 : memref<128xf32, #tpu.memory_space<vmem>>) target_semaphore(%arg19 : memref<!tpu.dma_semaphore, #tpu.memory_space<semaphore_mem>>)
      } else {
      }
      %scan3A_246 = arith.constant 0 : i32
      scf.yield %scan3A_246 : i32
    }
    %scan3A_50 = arith.constant 40 : i32
    %dma_wait3A = arith.constant 0 : i32
    %dma_wait3A_51 = arith.constant 0 : i32
    %dma_wait3A_52 = tpu.memref_slice %arg17[%dma_wait3A, %dma_wait3A_51] : memref<10240x128xf32, #tpu.memory_space<vmem_shared>> -> memref<10240x128xf32, #tpu.memory_space<vmem_shared>>
    tpu.wait_indirect_dma semaphore(%arg22 : memref<!tpu.dma_semaphore, #tpu.memory_space<semaphore_mem>>) src(%arg13 : memref<128x128xf32, #tpu.memory_space<vmem>>) dst(%dma_wait3A_52 : memref<10240x128xf32, #tpu.memory_space<vmem_shared>>)
    %dma_wait3A_53 = arith.constant 0 : i32
    %dma_wait3A_54 = arith.constant 0 : i32
    %dma_wait3A_55 = tpu.memref_slice %arg17[%dma_wait3A_53, %dma_wait3A_54] : memref<10240x128xf32, #tpu.memory_space<vmem_shared>> -> memref<10240x128xf32, #tpu.memory_space<vmem_shared>>
    tpu.wait_indirect_dma semaphore(%arg23 : memref<!tpu.dma_semaphore, #tpu.memory_space<semaphore_mem>>) src(%arg14 : memref<128x128xf32, #tpu.memory_space<vmem>>) dst(%dma_wait3A_55 : memref<10240x128xf32, #tpu.memory_space<vmem_shared>>)
    %barrier3A_56 = arith.constant 0 : index
    tpu.barrier barrier_id(%barrier3A_56)
    %mul3A_57 = arith.constant 128 : i32
    %mul3A_58 = arith.muli %arg1, %mul3A_57 : i32
    %add3A_59 = arith.constant 0 : i32
    %add3A_60 = arith.addi %add3A_59, %mul3A_58 : i32
    "tpu.region"() ({
      %run_scoped3A = tpu.sem_alloc : memref<!tpu.dma_semaphore, #tpu.memory_space<semaphore_mem>>
      %dma_start3A_77 = arith.constant 0 : i32
      %dma_start3A_78 = tpu.memref_slice %arg6[%arg0, %add3A_60, %dma_start3A_77] : memref<2x10240x128xf32, #tpu.memory_space<hbm>> -> memref<1x128x128xf32, #tpu.memory_space<hbm>>
      %dma_start3A_79 = tpu.memref_squeeze %dma_start3A_78 : memref<1x128x128xf32, #tpu.memory_space<hbm>> -> memref<128x128xf32, #tpu.memory_space<hbm>>
      %dma_start3A_80 = arith.constant 0 : i32
      %dma_start3A_81 = tpu.memref_slice %arg17[%add3A_60, %dma_start3A_80] : memref<10240x128xf32, #tpu.memory_space<vmem_shared>> -> memref<128x128xf32, #tpu.memory_space<vmem_shared>>
      tpu.enqueue_dma source(%dma_start3A_81 : memref<128x128xf32, #tpu.memory_space<vmem_shared>>) target(%dma_start3A_79 : memref<128x128xf32, #tpu.memory_space<hbm>>) target_semaphore(%run_scoped3A : memref<!tpu.dma_semaphore, #tpu.memory_space<semaphore_mem>>)
      %dma_wait3A_82 = arith.constant 0 : i32
      %dma_wait3A_83 = tpu.memref_slice %arg6[%arg0, %add3A_60, %dma_wait3A_82] : memref<2x10240x128xf32, #tpu.memory_space<hbm>> -> memref<1x128x128xf32, #tpu.memory_space<hbm>>
      %dma_wait3A_84 = tpu.memref_squeeze %dma_wait3A_83 : memref<1x128x128xf32, #tpu.memory_space<hbm>> -> memref<128x128xf32, #tpu.memory_space<hbm>>
      %dma_wait3A_85 = arith.constant 0 : i32
      %dma_wait3A_86 = tpu.memref_slice %arg17[%add3A_60, %dma_wait3A_85] : memref<10240x128xf32, #tpu.memory_space<vmem_shared>> -> memref<128x128xf32, #tpu.memory_space<vmem_shared>>
      tpu.wait_dma2 semaphore(%run_scoped3A : memref<!tpu.dma_semaphore, #tpu.memory_space<semaphore_mem>>) src(%dma_wait3A_86 : memref<128x128xf32, #tpu.memory_space<vmem_shared>>) dst(%dma_wait3A_84 : memref<128x128xf32, #tpu.memory_space<hbm>>)
      tpu.yield
    }) : () -> ()
    %mul3A_61 = arith.constant 128 : i32
    %mul3A_62 = arith.muli %arg1, %mul3A_61 : i32
    %add3A_63 = arith.constant 2048 : i32
    %add3A_64 = arith.addi %add3A_63, %mul3A_62 : i32
    "tpu.region"() ({
      %run_scoped3A = tpu.sem_alloc : memref<!tpu.dma_semaphore, #tpu.memory_space<semaphore_mem>>
      %dma_start3A_77 = arith.constant 0 : i32
      %dma_start3A_78 = tpu.memref_slice %arg6[%arg0, %add3A_64, %dma_start3A_77] : memref<2x10240x128xf32, #tpu.memory_space<hbm>> -> memref<1x128x128xf32, #tpu.memory_space<hbm>>
      %dma_start3A_79 = tpu.memref_squeeze %dma_start3A_78 : memref<1x128x128xf32, #tpu.memory_space<hbm>> -> memref<128x128xf32, #tpu.memory_space<hbm>>
      %dma_start3A_80 = arith.constant 0 : i32
      %dma_start3A_81 = tpu.memref_slice %arg17[%add3A_64, %dma_start3A_80] : memref<10240x128xf32, #tpu.memory_space<vmem_shared>> -> memref<128x128xf32, #tpu.memory_space<vmem_shared>>
      tpu.enqueue_dma source(%dma_start3A_81 : memref<128x128xf32, #tpu.memory_space<vmem_shared>>) target(%dma_start3A_79 : memref<128x128xf32, #tpu.memory_space<hbm>>) target_semaphore(%run_scoped3A : memref<!tpu.dma_semaphore, #tpu.memory_space<semaphore_mem>>)
      %dma_wait3A_82 = arith.constant 0 : i32
      %dma_wait3A_83 = tpu.memref_slice %arg6[%arg0, %add3A_64, %dma_wait3A_82] : memref<2x10240x128xf32, #tpu.memory_space<hbm>> -> memref<1x128x128xf32, #tpu.memory_space<hbm>>
      %dma_wait3A_84 = tpu.memref_squeeze %dma_wait3A_83 : memref<1x128x128xf32, #tpu.memory_space<hbm>> -> memref<128x128xf32, #tpu.memory_space<hbm>>
      %dma_wait3A_85 = arith.constant 0 : i32
      %dma_wait3A_86 = tpu.memref_slice %arg17[%add3A_64, %dma_wait3A_85] : memref<10240x128xf32, #tpu.memory_space<vmem_shared>> -> memref<128x128xf32, #tpu.memory_space<vmem_shared>>
      tpu.wait_dma2 semaphore(%run_scoped3A : memref<!tpu.dma_semaphore, #tpu.memory_space<semaphore_mem>>) src(%dma_wait3A_86 : memref<128x128xf32, #tpu.memory_space<vmem_shared>>) dst(%dma_wait3A_84 : memref<128x128xf32, #tpu.memory_space<hbm>>)
      tpu.yield
    }) : () -> ()
    %mul3A_65 = arith.constant 128 : i32
    %mul3A_66 = arith.muli %arg1, %mul3A_65 : i32
    %add3A_67 = arith.constant 4096 : i32
    %add3A_68 = arith.addi %add3A_67, %mul3A_66 : i32
    "tpu.region"() ({
      %run_scoped3A = tpu.sem_alloc : memref<!tpu.dma_semaphore, #tpu.memory_space<semaphore_mem>>
      %dma_start3A_77 = arith.constant 0 : i32
      %dma_start3A_78 = tpu.memref_slice %arg6[%arg0, %add3A_68, %dma_start3A_77] : memref<2x10240x128xf32, #tpu.memory_space<hbm>> -> memref<1x128x128xf32, #tpu.memory_space<hbm>>
      %dma_start3A_79 = tpu.memref_squeeze %dma_start3A_78 : memref<1x128x128xf32, #tpu.memory_space<hbm>> -> memref<128x128xf32, #tpu.memory_space<hbm>>
      %dma_start3A_80 = arith.constant 0 : i32
      %dma_start3A_81 = tpu.memref_slice %arg17[%add3A_68, %dma_start3A_80] : memref<10240x128xf32, #tpu.memory_space<vmem_shared>> -> memref<128x128xf32, #tpu.memory_space<vmem_shared>>
      tpu.enqueue_dma source(%dma_start3A_81 : memref<128x128xf32, #tpu.memory_space<vmem_shared>>) target(%dma_start3A_79 : memref<128x128xf32, #tpu.memory_space<hbm>>) target_semaphore(%run_scoped3A : memref<!tpu.dma_semaphore, #tpu.memory_space<semaphore_mem>>)
      %dma_wait3A_82 = arith.constant 0 : i32
      %dma_wait3A_83 = tpu.memref_slice %arg6[%arg0, %add3A_68, %dma_wait3A_82] : memref<2x10240x128xf32, #tpu.memory_space<hbm>> -> memref<1x128x128xf32, #tpu.memory_space<hbm>>
      %dma_wait3A_84 = tpu.memref_squeeze %dma_wait3A_83 : memref<1x128x128xf32, #tpu.memory_space<hbm>> -> memref<128x128xf32, #tpu.memory_space<hbm>>
      %dma_wait3A_85 = arith.constant 0 : i32
      %dma_wait3A_86 = tpu.memref_slice %arg17[%add3A_68, %dma_wait3A_85] : memref<10240x128xf32, #tpu.memory_space<vmem_shared>> -> memref<128x128xf32, #tpu.memory_space<vmem_shared>>
      tpu.wait_dma2 semaphore(%run_scoped3A : memref<!tpu.dma_semaphore, #tpu.memory_space<semaphore_mem>>) src(%dma_wait3A_86 : memref<128x128xf32, #tpu.memory_space<vmem_shared>>) dst(%dma_wait3A_84 : memref<128x128xf32, #tpu.memory_space<hbm>>)
      tpu.yield
    }) : () -> ()
    %mul3A_69 = arith.constant 128 : i32
    %mul3A_70 = arith.muli %arg1, %mul3A_69 : i32
    %add3A_71 = arith.constant 6144 : i32
    %add3A_72 = arith.addi %add3A_71, %mul3A_70 : i32
    "tpu.region"() ({
      %run_scoped3A = tpu.sem_alloc : memref<!tpu.dma_semaphore, #tpu.memory_space<semaphore_mem>>
      %dma_start3A_77 = arith.constant 0 : i32
      %dma_start3A_78 = tpu.memref_slice %arg6[%arg0, %add3A_72, %dma_start3A_77] : memref<2x10240x128xf32, #tpu.memory_space<hbm>> -> memref<1x128x128xf32, #tpu.memory_space<hbm>>
      %dma_start3A_79 = tpu.memref_squeeze %dma_start3A_78 : memref<1x128x128xf32, #tpu.memory_space<hbm>> -> memref<128x128xf32, #tpu.memory_space<hbm>>
      %dma_start3A_80 = arith.constant 0 : i32
      %dma_start3A_81 = tpu.memref_slice %arg17[%add3A_72, %dma_start3A_80] : memref<10240x128xf32, #tpu.memory_space<vmem_shared>> -> memref<128x128xf32, #tpu.memory_space<vmem_shared>>
      tpu.enqueue_dma source(%dma_start3A_81 : memref<128x128xf32, #tpu.memory_space<vmem_shared>>) target(%dma_start3A_79 : memref<128x128xf32, #tpu.memory_space<hbm>>) target_semaphore(%run_scoped3A : memref<!tpu.dma_semaphore, #tpu.memory_space<semaphore_mem>>)
      %dma_wait3A_82 = arith.constant 0 : i32
      %dma_wait3A_83 = tpu.memref_slice %arg6[%arg0, %add3A_72, %dma_wait3A_82] : memref<2x10240x128xf32, #tpu.memory_space<hbm>> -> memref<1x128x128xf32, #tpu.memory_space<hbm>>
      %dma_wait3A_84 = tpu.memref_squeeze %dma_wait3A_83 : memref<1x128x128xf32, #tpu.memory_space<hbm>> -> memref<128x128xf32, #tpu.memory_space<hbm>>
      %dma_wait3A_85 = arith.constant 0 : i32
      %dma_wait3A_86 = tpu.memref_slice %arg17[%add3A_72, %dma_wait3A_85] : memref<10240x128xf32, #tpu.memory_space<vmem_shared>> -> memref<128x128xf32, #tpu.memory_space<vmem_shared>>
      tpu.wait_dma2 semaphore(%run_scoped3A : memref<!tpu.dma_semaphore, #tpu.memory_space<semaphore_mem>>) src(%dma_wait3A_86 : memref<128x128xf32, #tpu.memory_space<vmem_shared>>) dst(%dma_wait3A_84 : memref<128x128xf32, #tpu.memory_space<hbm>>)
      tpu.yield
    }) : () -> ()
    %mul3A_73 = arith.constant 128 : i32
    %mul3A_74 = arith.muli %arg1, %mul3A_73 : i32
    %add3A_75 = arith.constant 8192 : i32
    %add3A_76 = arith.addi %add3A_75, %mul3A_74 : i32
    "tpu.region"() ({
      %run_scoped3A = tpu.sem_alloc : memref<!tpu.dma_semaphore, #tpu.memory_space<semaphore_mem>>
      %dma_start3A_77 = arith.constant 0 : i32
      %dma_start3A_78 = tpu.memref_slice %arg6[%arg0, %add3A_76, %dma_start3A_77] : memref<2x10240x128xf32, #tpu.memory_space<hbm>> -> memref<1x128x128xf32, #tpu.memory_space<hbm>>
      %dma_start3A_79 = tpu.memref_squeeze %dma_start3A_78 : memref<1x128x128xf32, #tpu.memory_space<hbm>> -> memref<128x128xf32, #tpu.memory_space<hbm>>
      %dma_start3A_80 = arith.constant 0 : i32
      %dma_start3A_81 = tpu.memref_slice %arg17[%add3A_76, %dma_start3A_80] : memref<10240x128xf32, #tpu.memory_space<vmem_shared>> -> memref<128x128xf32, #tpu.memory_space<vmem_shared>>
      tpu.enqueue_dma source(%dma_start3A_81 : memref<128x128xf32, #tpu.memory_space<vmem_shared>>) target(%dma_start3A_79 : memref<128x128xf32, #tpu.memory_space<hbm>>) target_semaphore(%run_scoped3A : memref<!tpu.dma_semaphore, #tpu.memory_space<semaphore_mem>>)
      %dma_wait3A_82 = arith.constant 0 : i32
      %dma_wait3A_83 = tpu.memref_slice %arg6[%arg0, %add3A_76, %dma_wait3A_82] : memref<2x10240x128xf32, #tpu.memory_space<hbm>> -> memref<1x128x128xf32, #tpu.memory_space<hbm>>
      %dma_wait3A_84 = tpu.memref_squeeze %dma_wait3A_83 : memref<1x128x128xf32, #tpu.memory_space<hbm>> -> memref<128x128xf32, #tpu.memory_space<hbm>>
      %dma_wait3A_85 = arith.constant 0 : i32
      %dma_wait3A_86 = tpu.memref_slice %arg17[%add3A_76, %dma_wait3A_85] : memref<10240x128xf32, #tpu.memory_space<vmem_shared>> -> memref<128x128xf32, #tpu.memory_space<vmem_shared>>
      tpu.wait_dma2 semaphore(%run_scoped3A : memref<!tpu.dma_semaphore, #tpu.memory_space<semaphore_mem>>) src(%dma_wait3A_86 : memref<128x128xf32, #tpu.memory_space<vmem_shared>>) dst(%dma_wait3A_84 : memref<128x128xf32, #tpu.memory_space<hbm>>)
      tpu.yield
    }) : () -> ()
    return
  }
}

module attributes {stable_mosaic.version = 14 : i64} {
  func.func @_mm_body(%arg0: i32, %arg1: memref<1000x128xf32, #tpu.memory_space<vmem>>, %arg2: memref<1000x128xf32, #tpu.memory_space<vmem>>, %arg3: memref<128x128xf32, #tpu.memory_space<vmem>>, %arg4: memref<1000x128xf32, #tpu.memory_space<vmem>>) attributes {dimension_semantics = [#tpu.dimension_semantics<arbitrary>], iteration_bounds = array<i64: 10>, scalar_prefetch = 0 : i64, scratch_operands = 0 : i64, tpu.core_type = #tpu.core_type<tc>, window_params = [{transform_indices = @transform_0, window_bounds = array<i64: 1000, 128>}, {transform_indices = @transform_1, window_bounds = array<i64: 1000, 128>}, {pipeline_mode = #tpu.pipeline_mode<synchronous>, transform_indices = @transform_2, window_bounds = array<i64: 128, 128>}, {transform_indices = @transform_3, window_bounds = array<i64: 1000, 128>}]} {
    %get3A = arith.constant 0 : index
    %get3A_0 = arith.constant 0 : index
    %get3A_1 = vector.load %arg1[%get3A, %get3A_0] : memref<1000x128xf32, #tpu.memory_space<vmem>>, vector<1000x128xf32>
    %get3A_2 = arith.constant 0 : index
    %get3A_3 = arith.constant 0 : index
    %get3A_4 = vector.load %arg2[%get3A_2, %get3A_3] : memref<1000x128xf32, #tpu.memory_space<vmem>>, vector<1000x128xf32>
    %mul3A = arith.constant 0.00999999977 : f32
    %mul3A_5 = vector.broadcast %mul3A : f32 to vector<1000x128xf32>
    %mul3A_6 = arith.mulf %mul3A_5, %get3A_4 : vector<1000x128xf32>
    %add3A = arith.addf %get3A_1, %mul3A_6 : vector<1000x128xf32>
    %get3A_7 = arith.constant 0 : index
    %get3A_8 = arith.constant 0 : index
    %get3A_9 = vector.load %arg3[%get3A_7, %get3A_8] : memref<128x128xf32, #tpu.memory_space<vmem>>, vector<128x128xf32>
    %dot_general3A = arith.constant dense<0.000000e+00> : vector<1000x128xf32>
    %dot_general3A_10 = tpu.matmul %add3A, %get3A_9, %dot_general3A {dimension_numbers = #tpu.dot_dimension_numbers<[1], [0], [0], [1], [0, 0, 1, 1], [], []>, transpose_lhs_hint = false} : vector<1000x128xf32>, vector<128x128xf32>, vector<1000x128xf32> -> vector<1000x128xf32>
    %swap3A = arith.constant 0 : index
    %swap3A_11 = arith.constant 0 : index
    %swap3A_12 = vector.load %arg4[%swap3A, %swap3A_11] : memref<1000x128xf32, #tpu.memory_space<vmem>>, vector<1000x128xf32>
    tpu.vector_store %arg4[%swap3A, %swap3A_11], %dot_general3A_10 {strides = array<i32>} : memref<1000x128xf32, #tpu.memory_space<vmem>>, vector<1000x128xf32>,
    return
  }
  func.func @transform_0(%arg0: i32) -> (i32, i32) {
    %c0_i32 = arith.constant 0 : i32
    %c0_i32_0 = arith.constant 0 : i32
    return %arg0, %c0_i32 : i32, i32
  }
  func.func @transform_1(%arg0: i32) -> (i32, i32) {
    %c0_i32 = arith.constant 0 : i32
    %c0_i32_0 = arith.constant 0 : i32
    return %arg0, %c0_i32 : i32, i32
  }
  func.func @transform_2(%arg0: i32) -> (i32, i32) {
    %c0_i32 = arith.constant 0 : i32
    %c0_i32_0 = arith.constant 0 : i32
    %c0_i32_1 = arith.constant 0 : i32
    return %c0_i32, %c0_i32_0 : i32, i32
  }
  func.func @transform_3(%arg0: i32) -> (i32, i32) {
    %c0_i32 = arith.constant 0 : i32
    %c0_i32_0 = arith.constant 0 : i32
    return %arg0, %c0_i32 : i32, i32
  }
}

module attributes {stable_mosaic.version = 14 : i64} {
  func.func @_fin_body(%arg0: i32, %arg1: memref<2x1000x128xf32, #tpu.memory_space<vmem>>, %arg2: memref<1000x128xf32, #tpu.memory_space<vmem>>) attributes {dimension_semantics = [#tpu.dimension_semantics<arbitrary>], iteration_bounds = array<i64: 10>, scalar_prefetch = 0 : i64, scratch_operands = 0 : i64, tpu.core_type = #tpu.core_type<tc>, window_params = [{transform_indices = @transform_0, window_bounds = array<i64: 2, 1000, 128>}, {transform_indices = @transform_1, window_bounds = array<i64: 1000, 128>}]} {
    %get3A = arith.constant 0 : index
    %get3A_0 = arith.constant 0 : index
    %get3A_1 = arith.constant 0 : index
    %get3A_2 = vector.load %arg1[%get3A, %get3A_0, %get3A_1] : memref<2x1000x128xf32, #tpu.memory_space<vmem>>, vector<1x1000x128xf32>
    %get3A_3 = vector.shape_cast %get3A_2 : vector<1x1000x128xf32> to vector<1000x128xf32>
    %get3A_4 = arith.constant 1 : index
    %get3A_5 = arith.constant 0 : index
    %get3A_6 = arith.constant 0 : index
    %get3A_7 = vector.load %arg1[%get3A_4, %get3A_5, %get3A_6] : memref<2x1000x128xf32, #tpu.memory_space<vmem>>, vector<1x1000x128xf32>
    %get3A_8 = vector.shape_cast %get3A_7 : vector<1x1000x128xf32> to vector<1000x128xf32>
    %add3A = arith.addf %get3A_3, %get3A_8 : vector<1000x128xf32>
    %gt3A = arith.constant 0.000000e+00 : f32
    %gt3A_9 = vector.broadcast %gt3A : f32 to vector<1000x128xf32>
    %gt3A_10 = arith.cmpf ogt, %add3A, %gt3A_9 : vector<1000x128xf32>
    %exp3A = math.exp %add3A : vector<1000x128xf32>
    %sub3A = arith.constant 1.000000e+00 : f32
    %sub3A_11 = vector.broadcast %sub3A : f32 to vector<1000x128xf32>
    %sub3A_12 = arith.subf %exp3A, %sub3A_11 : vector<1000x128xf32>
    %select_n3A = arith.select %gt3A_10, %add3A, %sub3A_12 : vector<1000x128xi1>, vector<1000x128xf32>
    %swap3A = arith.constant 0 : index
    %swap3A_13 = arith.constant 0 : index
    %swap3A_14 = vector.load %arg2[%swap3A, %swap3A_13] : memref<1000x128xf32, #tpu.memory_space<vmem>>, vector<1000x128xf32>
    tpu.vector_store %arg2[%swap3A, %swap3A_13], %select_n3A {strides = array<i32>} : memref<1000x128xf32, #tpu.memory_space<vmem>>, vector<1000x128xf32>,
    return
  }
  func.func @transform_0(%arg0: i32) -> (i32, i32, i32) {
    %c0_i32 = arith.constant 0 : i32
    %c0_i32_0 = arith.constant 0 : i32
    %c0_i32_1 = arith.constant 0 : i32
    return %c0_i32, %arg0, %c0_i32_0 : i32, i32, i32
  }
  func.func @transform_1(%arg0: i32) -> (i32, i32) {
    %c0_i32 = arith.constant 0 : i32
    %c0_i32_0 = arith.constant 0 : i32
    return %arg0, %c0_i32 : i32, i32
  }
}

</mosaic_0001>

<sc_bundles>
// kernel: kernel.5.cloned.1.call-start
scs
__scs_entry_jumppad:
0x0: {  	(pc) =	sbr.rel $0x88, $3  }
0x1: {  	(tag) =	ssettag $0x0;
	lr =	simm.s32 $0x1  }
0x2: {  	[smem:$0x3F9D] =	sst lr;
	_ =	strace $0xD0000000  }
0x3: {  	_ = 	snop  }
0x4: {  	_ = 	snop  }
0x5: {  	_ = 	snop  }
0x6: {  	_ = 	snop  }
0x7: {  	_ = 	snop  }
__scs_overlays_trampoline_lowered:
0x8: {  	[smem:$0x3FAC] =	sst s0  }
0x9: {  	[smem:$0x3FAD] =	sst s1  }
0xa: {  	[smem:$0x3FAE] =	sst s2  }
0xb: {  	[smem:$0x3FAF] =	sst s3  }
0xc: {  	[smem:$0x3FB0] =	sst s4  }
0xd: {  	[smem:$0x3FB1] =	sst s5  }
0xe: {  	[smem:$0x3FB2] =	sst s6  }
0xf: {  	[smem:$0x3FB3] =	sst s7  }
0x10: {  	[smem:$0x3FB4] =	sst s8  }
0x11: {  	[smem:$0x3FB5] =	sst s9;
	s0 =	simm.s32 @!p0 $0x0  }
0x12: {  	s1 =	sld [smem:$0x3F9B];
	s0 =	simm.s32 @p0 $0x1  }
0x13: {  	[smem:$0x3FB6] =	sst s0;
	s0 =	simm.s32 @!p1 $0x0  }
0x14: {  	s2 =	sld [smem:$0x3F9A];
	s0 =	simm.s32 @p1 $0x1  }
0x15: {  	[smem:$0x3FB7] =	sst s0;
	s0 =	simm.s32 @!p2 $0x0  }
0x16: {  	s3 =	sld [smem:$0x3FDB];
	s0 =	simm.s32 @p2 $0x1  }
0x17: {  	s4 =	simm.s32 $0x1BF5;
	[smem:$0x3FB9] =	sst s0  }
0x18: {  	s0 =	sld [smem:$0x3F9C];
	_ =	swait.ge [sflag:s4], $0x0  }
0x19: {  	s7 =	sld [smem:$0x3F9D]  }
0x1a: {  	s8 =	sadd.s32 $0xFFFFE003, lr  }
0x1b: {  	s9 =	sadd.s32 $0xFFFFFEF7, lr;
	s5 =	simm.s32 $0xFFFFFFFF;
	p2 =	slt.u32 s8, $0xFFFFF086  }
0x1c: {  	p1 =	slt.u32 s9, $0xF7A;
	s5 =	simm.s32 @!p2 $0x0  }
0x1d: {  	s5 =	simm.s32 @p1 $0x1;
	p0 =	seq.s32 s7, s2  }
0x1e: {  	s7 =	smul.u32 @!p0 $0xF7A, s2;
	p2 =	seq.s32 @!p0 s5, $0x0  }
0x1f: {  	s9 =	smul.u32 $0xF7A, s1;
	s8 =	simm.s32 @!p0 $0x1BF5;
	p2 =	por !p2, p0  }
0x20: {  	[sflag:s8] =	ssyncset.s32 @!p0 $0xFFFFF086;
	s6 =	sadd.s32 @!p0 s3, s7;
	s7 =	simm.s32 @!p0 $0x108  }
0x21: {  	s3 =	sadd.s32 s3, s9;
	s6 =	sadd.s32 @!p0 $0x88, s6;
	s7 =	simm.s32 @p2 $0x1082  }
0x22: {  	[simem:s7], [sflag:s8] =	dma.local @!p0 [hbm:s6], $0xF7A  }
0x23: {  	s9 =	sor.u32 $0xD0000000, s2;
	s6 =	simm.s32 $0x108;
	_ =	swait.ge @!p0 [sflag:s8], $0x0  }
0x24: {  	s3 =	sadd.s32 $0x88, s3;
	s6 =	simm.s32 @!p1 $0x1082;
	[sflag:s4] =	ssyncset.s32 $0xFFFFF086  }
0x25: {  	[simem:s6], [sflag:s4] =	dma.local [hbm:s3], $0xF7A  }
0x26: {  	[smem:$0x3F9D] =	sst s1;
	(tag) =	ssettag s2;
	_ =	strace s9  }
0x27: {  	s1 =	sld [smem:$0x3FAD]  }
0x28: {  	s2 =	sld [smem:$0x3FAE]  }
0x29: {  	s4 =	sld [smem:$0x3FB0]  }
0x2a: {  	p0 =	seq.s32 s5, $0x0;
	s5 =	sld [smem:$0x3FB1]  }
0x2b: {  	s6 =	sld [smem:$0x3FB2]  }
0x2c: {  	s7 =	sld [smem:$0x3FB3]  }
0x2d: {  	s3 =	simm.s32 $0x108;
	s8 =	sld [smem:$0x3FB4]  }
0x2e: {  	s3 =	simm.s32 @!p0 $0x1082;
	s9 =	sld [smem:$0x3FB5]  }
0x2f: {  	lr =	sadd.s32 s0, s3;
	s0 =	sld [smem:$0x3FAC]  }
0x30: {  	s3 =	sld [smem:$0x3FAF]  }
0x31: {  	[smem:$0x3FB8] =	sst s10  }
0x32: {  	s10 =	sld [smem:$0x3FB6];
	_ =	sdelay $0x3  }
0x33: {  	p0 =	seq.s32 s10, $0x1;
	s10 =	sld [smem:$0x3FB8];
	_ =	sdelay $0x3  }
0x34: {  	[smem:$0x3FB8] =	sst s10  }
0x35: {  	s10 =	sld [smem:$0x3FB7];
	_ =	sdelay $0x3  }
0x36: {  	p1 =	seq.s32 s10, $0x1;
	s10 =	sld [smem:$0x3FB8];
	_ =	sdelay $0x3  }
0x37: {  	[smem:$0x3FB8] =	sst s10  }
0x38: {  	s10 =	sld [smem:$0x3FB9]  }
0x39: {  	_ = 	snop;
	(pc) =	sbr.ind lr, $3  }
0x3a: {  	_ = 	snop  }
0x3b: {  	_ = 	snop  }
0x3c: {  	p2 =	seq.s32 s10, $0x1;
	s10 =	sld [smem:$0x3FB8]  }
0x3d: {  	_ =	shalt  }
0x3e: {  	_ =	shalt  }
0x3f: {  	_ =	shalt  }
0x40: {  	_ =	shalt  }
0x41: {  	_ =	shalt  }
0x42: {  	_ =	shalt  }
0x43: {  	_ =	shalt  }
0x44: {  	_ =	shalt  }
0x45: {  	_ =	shalt  }
0x46: {  	_ =	shalt  }
0x47: {  	_ =	shalt  }
0x48: {  	_ =	shalt  }
0x49: {  	_ =	shalt  }
0x4a: {  	_ =	shalt  }
0x4b: {  	_ =	shalt  }
0x4c: {  	_ =	shalt  }
0x4d: {  	_ =	shalt  }
0x4e: {  	_ =	shalt  }
0x4f: {  	_ =	shalt  }
0x50: {  	_ =	shalt  }
0x51: {  	_ =	shalt  }
0x52: {  	_ =	shalt  }
0x53: {  	_ =	shalt  }
0x54: {  	_ =	shalt  }
0x55: {  	_ =	shalt  }
0x56: {  	_ =	shalt  }
0x57: {  	_ =	shalt  }
0x58: {  	_ =	shalt  }
0x59: {  	_ =	shalt  }
0x5a: {  	_ =	shalt  }
0x5b: {  	_ =	shalt  }
0x5c: {  	_ =	shalt  }
0x5d: {  	_ =	shalt  }
0x5e: {  	_ =	shalt  }
0x5f: {  	_ =	shalt  }
0x60: {  	_ =	shalt  }
0x61: {  	_ =	shalt  }
0x62: {  	_ =	shalt  }
0x63: {  	_ =	shalt  }
0x64: {  	_ =	shalt  }
0x65: {  	_ =	shalt  }
0x66: {  	_ =	shalt  }
0x67: {  	_ =	shalt  }
0x68: {  	_ =	shalt  }
0x69: {  	_ =	shalt  }
0x6a: {  	_ =	shalt  }
0x6b: {  	_ =	shalt  }
0x6c: {  	_ =	shalt  }
0x6d: {  	_ =	shalt  }
0x6e: {  	_ =	shalt  }
0x6f: {  	_ =	shalt  }
0x70: {  	_ =	shalt  }
0x71: {  	_ =	shalt  }
0x72: {  	_ =	shalt  }
0x73: {  	_ =	shalt  }
0x74: {  	_ =	shalt  }
0x75: {  	_ =	shalt  }
0x76: {  	_ =	shalt  }
0x77: {  	_ =	shalt  }
0x78: {  	_ =	shalt  }
0x79: {  	_ =	shalt  }
0x7a: {  	_ =	shalt  }
0x7b: {  	_ =	shalt  }
0x7c: {  	_ =	shalt  }
0x7d: {  	_ =	shalt  }
0x7e: {  	_ =	shalt  }
0x7f: {  	_ =	shalt  }
0x80: {  	_ =	shalt  }
0x81: {  	_ =	shalt  }
0x82: {  	_ =	shalt  }
0x83: {  	_ =	shalt  }
0x84: {  	_ =	shalt  }
0x85: {  	_ =	shalt  }
0x86: {  	_ =	shalt  }
0x87: {  	_ =	shalt  }
.Lfunc_end0:
.L_simem_size_0:
called_computation_lowered:
.L_overlay_start_0:
0x88: {  	s2 =	sld [smem:$0x3FD9]  }
0x89: {  	s3 =	sld [smem:$0x3FFE];
	_ =	sdelay $0x1  }
0x8a: {  	s1 =	srdreg.scid  }
0x8b: {  	s0 =	sand.u32 $0x1, s1  }
0x8c: {  	s17 =	sshll.u32 s0, $0xA;
	s2 =	sadd.s32 s3, s2  }
0x8d: {  	s2 =	sadd.s32 s2, s17  }
0x8e: {  	[smem:$0x3FC4] =	sst s2  }
0x8f: {  	_ = 	snop  }
0x90: {  	s2 =	sld [smem:$0x3FD0];
	(tm) =	ssettm $0x1  }
0x91: {  	s18 =	sld [smem:$0x3FFB];
	_ =	sdelay $0x3  }
0x92: {  	_ =	strace s18  }
0x93: {  	s3 =	sld [smem:$0x3FFC];
	_ =	sdelay $0x3  }
0x94: {  	_ =	strace s3  }
0x95: {  	s3 =	sld [smem:$0x3FFD];
	_ =	sdelay $0x3  }
0x96: {  	_ =	strace s3  }
0x97: {  	_ =	strace $0x8FFFFFFF  }
0x98: {  	s19 =	sld [smem:$0x3FDB];
	_ =	sdelay $0x1  }
0x99: {  	s4 =	simm.s32 $_scs_section_size  }
0x9a: {  	s5 =	simm.s32 $_size__tile_overlayer_lowered;
	s6 =	simm.s32 $_tile_overlayer_lowered  }
0x9b: {  	s22 =	simm.s32 $0x1BFF;
	s21 =	sshll.u32 s6, $0x1;
	s3 =	sadd.s32 s4, s19  }
0x9c: {  	s7 =	simm.s32 $0x0;
	s20 =	sshll.u32 s5, $0x1;
	s5 =	sadd.s32 s21, s3  }
0x9d: {  	[timem:s7], [sflag:s22] =	dma.local [hbm:s5], s20  }
0x9e: {  	_ =	swait.ge [sflag:s22], s20  }
0x9f: {  	s4 =	ssub.s32 $0x0, s20;
	[sflag:s22] =	ssyncset.done $0x0  }
0xa0: {  	[sflag:s22] =	ssyncadd.s32 s4;
	_ =	sdelay $0x1  }
0xa1: {  	s23 =	simm.s32 $0x1B8B  }
0xa2: {  	_ =	swait.ge [sflag:s23], $0x1  }
0xa3: {  	[sflag:s23] =	ssyncset.done $0x0  }
0xa4: {  	s25 =	simm.s32 $0x1B8E;
	s24 =	sld [smem:$0x3FFE];
	[sflag:s23] =	ssyncadd.s32 $0xFFFFFFFF  }
0xa5: {  	s26 =	simm.s32 $execute0_lowered;
	[smem:$0x3FD2] =	sst s25  }
0xa6: {  	s5 =	sshll.u32 s26, $0x1;
	_ =	strace $0x80000046;
	[dreg:$0x1] =	wrdreg $0xFFFFFFFF  }
0xa7: {  	s28 =	simm.s32 $_size_execute0_lowered;
	s3 =	sadd.s32 s3, s5;
	[dreg:$0x0] =	wrdreg $0x0  }
0xa8: {  	s5 =	sshll.u32 s28, $0x1;
	[dreg:$0x2] =	wrdreg s3  }
0xa9: {  	[dreg:$0x3] =	wrdreg s5  }
0xaa: {  	[dreg:$0x4] =	wrdreg $0xC0  }
0xab: {  	_ =	task [dreg:s7], $0x5FFFF  }
0xac: {  	[dreg:$0x1] =	wrdreg $0xFFFFFFFF  }
0xad: {  	[dreg:$0x0] =	wrdreg $0x60  }
0xae: {  	[dreg:$0x2] =	wrdreg s2  }
0xaf: {  	[dreg:$0x3] =	wrdreg s24  }
0xb0: {  	[dreg:$0x4] =	wrdreg $0x84000  }
0xb1: {  	[dreg:$0x5] =	wrdreg $0x9  }
0xb2: {  	_ =	task.clear_ibuf [dreg:s7], $0x6FFFF;
	_ =	strace $0x90000046  }
0xb3: {  	s29 =	simm.s32 $0x9;
	_ =	strace $0x80000048  }
0xb4: {  	_ =	swait.ge [sflag:s29], $0x1  }
0xb5: {  	[sflag:s29] =	ssyncadd.s32 $0xFFFFFFFF  }
0xb6: {  	_ =	strace $0x90000048  }
0xb7: {  	_ =	sfence  }
0xb8: {  	s30 =	sld [smem:$0x0];
	_ =	sdelay $0x2  }
0xb9: {  	s31 =	sshll.u32 s1, $0xD;
	s1 =	sshrl.u32 s1, $0x2  }
0xba: {  	s3 =	sand.u32 $0x4000, s31;
	s1 =	sadd.s32 s1, s30  }
0xbb: {  	s0 =	sor.u32 s3, s0;
	s1 =	sshll.u32 s1, $0x11  }
0xbc: {  	s0 =	sor.u32 s1, s0  }
0xbd: {  	s0 =	sadd.s32 $0x8F2B, s0  }
0xbe: {  	[sflag:s0] =	ssyncadd.remote.s32 $0x1  }
0xbf: {  	_ =	sfence.sel $0xFFFF  }
0xc0: {  	[dreg:$0x0] =	wrdreg $0xFFFFFFFF;
	(pc) =	sbr.abs _section_cstart, $3  }
0xc1: {  	[dreg:$0x1] =	wrdreg $0xFFFFFFFF  }
0xc2: {  	_ =	task.clear_ibuf [dreg:s7], $0x2FFFF;
	_ =	strace $0x9FFFFFFF  }
0xc3: {  	(tm) =	ssettm $0x7FFFFFFF  }
tec
execute0_lowered:
.L_overlay_start_1:
0x0: {  	(tag) =	ssettag $0x1  }
0x1: {  	s1 =	rddreg [dreg:$0x0]  }
0x2: {  	s0 =	rddreg [dreg:$0x1]  }
0x3: {  	s2 =	rddreg [dreg:$0x2];
	s3 =	simm.s32 $0x0;
	s4 =	srdreg.scid  }
0x4: {  	s12 =	stileid.u32;
	s28 =	simm.s32 $0x300;
	s29 =	simm.s32 $0x7  }
0x5: {  	s30 =	simm.s32 $0x180;
	s31 =	simm.s32 $0x280;
	[smem:$0x7FF] =	sst s3  }
0x6: {  	s4 =	sand.u32 $0x1, s4;
	s5 =	sadd.s32 $0xB000, s0;
	s6 =	sadd.s32 $0x15000, s0  }
0x7: {  	s7 =	sadd.s32 $0x1000, s0;
	s0 =	sadd.s32 $0x1F000, s0;
	s14 =	sshll.u32 s12, $0xE  }
0x8: {  	s12 =	sshll.u32 s12, $0x5;
	_ =	strace $0x80000047;
	s8 =	ssub.s32 $0x2, s4  }
0x9: {  	s15 =	sor.u32 $0x40000, s14;
	s16 =	sor.u32 $0x80000, s14;
	s17 =	sor.u32 $0xC0000, s14  }
0xa: {  	s18 =	sshll.u32 s4, $0x4;
	s19 =	sor.u32 $0x100000, s14;
	s4 =	smul.u32 $0x140000, s4  }
0xb: {  	s9 =	sshrl.u32 s8, $0x1;
	s10 =	sadd.s32 s16, s2;
	s11 =	sadd.s32 s17, s2  }
0xc: {  	s18 =	sor.u32 s18, s12;
	s12 =	sadd.s32 s19, s2;
	s13 =	ssub.s32 s8, s9  }
0xd: {  	s8 =	sadd.s32 s14, s2;
	s9 =	sadd.s32 s15, s2;
	s20 =	sadd.s32 s6, s18  }
0xe: {  	s23 =	sadd.s32 s5, s18;
	s24 =	sadd.s32 s7, s18;
	s14 =	sor.u32 s14, s4  }
0xf: {  	s15 =	sadd.s32 s4, s15;
	s25 =	sor.u32 $0x200, s18;
	[dreg:$0x4] =	wrdreg s20  }
0x10: {  	s16 =	sadd.s32 s4, s16;
	s17 =	sadd.s32 s4, s17;
	[dreg:$0x5] =	wrdreg s23  }
0x11: {  	s4 =	sadd.s32 s4, s19;
	[dreg:$0x6] =	wrdreg s24;
	s14 =	sshrl.u32 s14, $0x3  }
0x12: {  	s15 =	sshrl.u32 s15, $0x3;
	s26 =	sadd.s32 s6, s25;
	s21 =	sshrl.u32 s16, $0x3  }
0x13: {  	s22 =	sshrl.u32 s17, $0x3;
	s4 =	sshrl.u32 s4, $0x3;
	s24 =	sadd.s32 s5, s25  }
0x14: {  	s25 =	sadd.s32 s7, s25;
	s16 =	simm.s32 $0x4;
	[dreg:$0x7] =	wrdreg s26  }
0x15: {  	s17 =	simm.s32 $0x8380;
	s20 =	simm.s32 $0x0;
	[dreg:$0xd] =	wrdreg s24  }
0x16: {  	s14 =	sadd.s32 s0, s14;
	s19 =	sadd.s32 s0, s15;
	[dreg:$0xe] =	wrdreg s25  }
0x17: {  	s23 =	sadd.s32 s0, s22;
	s24 =	sor.u32 $0x400, s18;
	[dreg:$0x8] =	wrdreg s14  }
.Ltmp0:
0x18: {  	s25 =	sor.u32 $0x600, s18;
	[dreg:$0x9] =	wrdreg s19;
	(pc) =	sbr.rel .LBB2_1-.Ltmp0, $4  }
0x19: {  	s26 =	smax.u32 s13, $0x1;
	s13 =	simm.s32 $0x4300;
	[dreg:$0xb] =	wrdreg s23  }
0x1a: {  	s15 =	simm.s32 $0x8300;
	s14 =	sadd.s32 s0, s21;
	[dreg:$0xf] =	wrdreg s26  }
0x1b: {  	s0 =	sadd.s32 s0, s4;
	s4 =	simm.s32 $0x2;
	[dreg:$0xa] =	wrdreg s14  }
0x1c: {  	v0 =	vimm.f32 $0.0e+00;
	[dreg:$0xc] =	wrdreg s0;
	s0 =	simm.s32 $0x80;
	s14 =	simm.s32 $0x3  }
.LBB2_10:
0x1d: {  	s18 =	simm.s32 $0x5  }
0x1e: {  	_ =	swait.ge [sflag:s18], $0x4000  }
0x1f: {  	[sflag:s18] =	ssyncset.done $0x0  }
0x20: {  	s21 =	simm.s32 $0x6;
	[sflag:s18] =	ssyncadd.s32 $0xFFFFC000  }
0x21: {  	_ =	swait.ge [sflag:s21], $0x4000  }
0x22: {  	[sflag:s21] =	ssyncset.done $0x0  }
0x23: {  	s22 =	stileid.u32;
	[sflag:s21] =	ssyncadd.s32 $0xFFFFC000  }
0x24: {  	s18 =	sshll.u32 s22, $0x6;
	[bflag:$0x0] =	sbarrier.arrive $0xFFFF  }
0x25: {  	s19 =	sshrl.u32 s8, $0x3;
	s18 =	sor.u32 $0x1C07, s18;
	s21 =	rddreg [dreg:$0x8]  }
0x26: {  	[hbm:s21], [sflag:s18] =	dma.local [spmem:s19], $0x800  }
0x27: {  	_ =	swait.ge [sflag:s29], $0x800  }
0x28: {  	[sflag:s29] =	ssyncset.done $0x0  }
0x29: {  	s23 =	sshrl.u32 s9, $0x3;
	s26 =	rddreg [dreg:$0x9];
	[sflag:s29] =	ssyncadd.s32 $0xFFFFF800  }
0x2a: {  	[hbm:s26], [sflag:s18] =	dma.local [spmem:s23], $0x800  }
0x2b: {  	_ =	swait.ge [sflag:s29], $0x800  }
0x2c: {  	[sflag:s29] =	ssyncset.done $0x0  }
0x2d: {  	s21 =	sshrl.u32 s10, $0x3;
	s22 =	rddreg [dreg:$0xa];
	[sflag:s29] =	ssyncadd.s32 $0xFFFFF800  }
0x2e: {  	[hbm:s22], [sflag:s18] =	dma.local [spmem:s21], $0x800  }
0x2f: {  	_ =	swait.ge [sflag:s29], $0x800  }
0x30: {  	[sflag:s29] =	ssyncset.done $0x0  }
0x31: {  	s23 =	sshrl.u32 s11, $0x3;
	s26 =	rddreg [dreg:$0xb];
	[sflag:s29] =	ssyncadd.s32 $0xFFFFF800  }
0x32: {  	[hbm:s26], [sflag:s18] =	dma.local [spmem:s23], $0x800  }
0x33: {  	_ =	swait.ge [sflag:s29], $0x800  }
0x34: {  	[sflag:s29] =	ssyncset.done $0x0  }
0x35: {  	s22 =	sshrl.u32 s12, $0x3;
	s23 =	rddreg [dreg:$0xc];
	[sflag:s29] =	ssyncadd.s32 $0xFFFFF800  }
0x36: {  	[hbm:s23], [sflag:s18] =	dma.local [spmem:s22], $0x800  }
0x37: {  	_ =	swait.ge [sflag:s29], $0x800  }
0x38: {  	s20 =	sadd.s32 $0x1, s20;
	s26 =	rddreg [dreg:$0xf]  }
0x39: {  	p0 =	sne.s32 s20, s26  }
.Ltmp1:
0x3a: {  	_ = 	snop;
	(pc) =	sbr.rel @!p0 .LBB2_11-.Ltmp1, $3  }
0x3b: {  	_ =	sdelay $0x1  }
0x3c: {  	[sflag:s29] =	ssyncset.done $0x0  }
0x3d: {  	[sflag:s29] =	ssyncadd.s32 $0xFFFFF800  }
.LBB2_1:
0x3e: {  	s21 =	simm.s32 $0x0;
	s22 =	simm.s32 $0x200  }
.LBB2_2:
0x3f: {  	p0 =	sne.s32 s22, $0xFE00;
	[tilespmem:s21+$0x370] =	vst v0  }
0x40: {  	[tilespmem:s21+$0x300] =	vst v0  }
0x41: {  	[tilespmem:s21+$0x310] =	vst v0  }
.Ltmp2:
0x42: {  	[tilespmem:s21+$0x320] =	vst v0;
	(pc) =	sbr.rel @p0 .LBB2_2-.Ltmp2, $4  }
0x43: {  	[tilespmem:s21+$0x330] =	vst v0  }
0x44: {  	[tilespmem:s21+$0x340] =	vst v0  }
0x45: {  	[tilespmem:s21+$0x350] =	vst v0  }
0x46: {  	[tilespmem:s21+$0x360] =	vst v0;
	s21 =	sshra.s32 s22, $0x2;
	s22 =	sadd.s32 $0x200, s22  }
0x47: {  	[tilespmem:s21+$0x370] =	vst v0  }
0x48: {  	[tilespmem:s21+$0x300] =	vst v0  }
0x49: {  	[tilespmem:s21+$0x310] =	vst v0  }
0x4a: {  	[tilespmem:s21+$0x320] =	vst v0  }
0x4b: {  	[tilespmem:s21+$0x330] =	vst v0  }
0x4c: {  	[tilespmem:s21+$0x340] =	vst v0  }
0x4d: {  	[tilespmem:s21+$0x350] =	vst v0  }
0x4e: {  	[tilespmem:s21+$0x360] =	vst v0  }
0x4f: {  	[spmem:s8] =	stream.linear.scatter [tilespmem:s28], [sflag:$0x7], $0x4000, $0x38;
	[tilespmem:$0x1C400] =	vst v63  }
0x50: {  	_ =	swait.ge [sflag:s29], $0x4000  }
0x51: {  	[sflag:s29] =	ssyncset.done $0x0  }
0x52: {  	[sflag:s29] =	ssyncadd.s32 $0xFFFFC000  }
0x53: {  	[spmem:s9] =	stream.linear.scatter [tilespmem:s28], [sflag:$0x7], $0x4000, $0x38;
	[tilespmem:$0x1C400] =	vst v63  }
0x54: {  	_ =	swait.ge [sflag:s29], $0x4000  }
0x55: {  	[sflag:s29] =	ssyncset.done $0x0  }
0x56: {  	[sflag:s29] =	ssyncadd.s32 $0xFFFFC000  }
0x57: {  	[spmem:s10] =	stream.linear.scatter [tilespmem:s28], [sflag:$0x7], $0x4000, $0x38;
	[tilespmem:$0x1C400] =	vst v63  }
0x58: {  	_ =	swait.ge [sflag:s29], $0x4000  }
0x59: {  	[sflag:s29] =	ssyncset.done $0x0  }
0x5a: {  	[sflag:s29] =	ssyncadd.s32 $0xFFFFC000  }
0x5b: {  	[spmem:s11] =	stream.linear.scatter [tilespmem:s28], [sflag:$0x7], $0x4000, $0x38;
	[tilespmem:$0x1C400] =	vst v63  }
0x5c: {  	_ =	swait.ge [sflag:s29], $0x4000  }
0x5d: {  	[sflag:s29] =	ssyncset.done $0x0  }
0x5e: {  	[sflag:s29] =	ssyncadd.s32 $0xFFFFC000  }
0x5f: {  	[spmem:s12] =	stream.linear.scatter [tilespmem:s28], [sflag:$0x7], $0x4000, $0x38;
	[tilespmem:$0x1C400] =	vst v63  }
0x60: {  	_ =	swait.ge [sflag:s29], $0x4000  }
0x61: {  	[sflag:s29] =	ssyncset.done $0x0  }
0x62: {  	[sflag:s29] =	ssyncadd.s32 $0xFFFFC000  }
0x63: {  	[bflag:$0x0] =	sbarrier.arrive $0xFFFF  }
0x64: {  	s21 =	simm.s32 $0x0;
	s18 =	rddreg [dreg:$0x4]  }
0x65: {  	[tilespmem:s21], [sflag:$0x7] =	stream.linear.gather [hbm4b:s18+s21], $0x80, $0x38;
	[tilespmem:$0x1C400] =	vst v63  }
0x66: {  	_ =	swait.ge [sflag:s29], $0x80  }
0x67: {  	[sflag:s29] =	ssyncset.done $0x0  }
0x68: {  	s19 =	simm.s32 $0x100;
	s22 =	rddreg [dreg:$0x5];
	[sflag:s29] =	ssyncadd.s32 $0xFFFFFF80  }
0x69: {  	[tilespmem:s19], [sflag:$0x7] =	stream.linear.gather [hbm4b:s22+s21], $0x80, $0x38;
	[tilespmem:$0x1C400] =	vst v63  }
0x6a: {  	_ =	swait.ge [sflag:s29], $0x80  }
0x6b: {  	[sflag:s29] =	ssyncset.done $0x0  }
0x6c: {  	s26 =	simm.s32 $0x200;
	s23 =	rddreg [dreg:$0x6];
	[sflag:s29] =	ssyncadd.s32 $0xFFFFFF80  }
0x6d: {  	[tilespmem:s26], [sflag:$0x7] =	stream.linear.gather [hbm4b:s23+s21], $0x80, $0x38;
	[tilespmem:$0x1C400] =	vst v63  }
0x6e: {  	_ =	swait.ge [sflag:s29], $0x80  }
0x6f: {  	[sflag:s29] =	ssyncset.done $0x0  }
0x70: {  	[sflag:s29] =	ssyncadd.s32 $0xFFFFFF80  }
0x71: {  	[tilespmem:s28], [sflag:$0x3] =	stream.indirect.gather [hbm4b:s1+s0], $0x80, s21, s0, $0xb8;
	[tilespmem:$0x1C400] =	vst v63  }
0x72: {  	s22 =	rddreg [dreg:$0x7]  }
0x73: {  	[tilespmem:s0], [sflag:$0x2] =	stream.linear.gather [hbm4b:s22+s21], $0x80, $0x38;
	[tilespmem:$0x1C400] =	vst v63  }
0x74: {  	s23 =	rddreg [dreg:$0xd]  }
0x75: {  	[tilespmem:s30], [sflag:$0x2] =	stream.linear.gather [hbm4b:s23+s21], $0x80, $0x38;
	[tilespmem:$0x1C400] =	vst v63  }
0x76: {  	s26 =	rddreg [dreg:$0xe]  }
0x77: {  	[tilespmem:s31], [sflag:$0x2] =	stream.linear.gather [hbm4b:s26+s21], $0x80, $0x38;
	[tilespmem:$0x1C400] =	vst v63  }
.LBB2_4:
0x78: {  	p0 =	seq.s32 s21, $0x0  }
0x79: {  	s22 =	simm.s32 @!p0 $0x6  }
0x7a: {  	_ =	swait.ge @!p0 [sflag:s22], $0x4000  }
0x7b: {  	[sflag:s22] =	ssyncset.done @!p0 $0x0  }
0x7c: {  	[sflag:s22] =	ssyncadd.s32 @!p0 $0xFFFFC000  }
0x7d: {  	_ =	swait.ge [sflag:s4], $0x80  }
0x7e: {  	[sflag:s4] =	ssyncset.done $0x0  }
0x7f: {  	[sflag:s4] =	ssyncadd.s32 $0xFFFFFF80  }
0x80: {  	_ =	swait.ge [sflag:s4], $0x80  }
0x81: {  	[sflag:s4] =	ssyncset.done $0x0  }
0x82: {  	[sflag:s4] =	ssyncadd.s32 $0xFFFFFF80  }
0x83: {  	_ =	swait.ge [sflag:s4], $0x80  }
0x84: {  	[sflag:s4] =	ssyncset.done $0x0  }
0x85: {  	[sflag:s4] =	ssyncadd.s32 $0xFFFFFF80  }
0x86: {  	[tilespmem:s13], [sflag:$0x4] =	stream.indirect.gather [hbm4b:s1+s0], $0x80, s0, s0, $0xb8;
	[tilespmem:$0x1C400] =	vst v63  }
0x87: {  	_ =	swait.ge [sflag:s14], $0x4000  }
0x88: {  	s26 =	simm.s32 $0x0;
	[sflag:s14] =	ssyncset.done $0x0  }
0x89: {  	s22 =	sand.u32 $0x3FFFFFF0, s26;
	[sflag:s14] =	ssyncadd.s32 $0xFFFFC000  }
0x8a: {  	s23 =	simm.s32 $0x0;
	v1 =	vld [tilespmem:s22+$0x200]  }
0x8b: {  	s23 =	sand.u32 $0x3FFFF800, s23  }
0x8c: {  	v3 =	vld [tilespmem:s23+$0x320]  }
0x8d: {  	v4 =	vld [tilespmem:s23+$0x330]  }
0x8e: {  	v10 =	vld [tilespmem:s23+$0x360]  }
0x8f: {  	v11 =	vld [tilespmem:s23+$0x370];
	v2 =	vbroadcast v1, $0x0  }
0x90: {  	v12 =	vld [tilespmem:s23+$0x380]  }
0x91: {  	v13 =	vld [tilespmem:s23+$0x390];
	v3 =	vmul.f32 v3, v2  }
0x92: {  	v14 =	vld [tilespmem:s23+$0x3A0];
	v4 =	vmul.f32 v4, v2  }
0x93: {  	v9 =	vld [tilespmem:s23+$0x3B0];
	v23 =	vbroadcast v1, $0x1;
	v22 =	vmul.f32 v10, v2;
	[tilespmem:s23+$0x320] =	vst v3  }
0x94: {  	v7 =	vld [tilespmem:s23+$0x3C0];
	v11 =	vmul.f32 v11, v2;
	[tilespmem:s23+$0x330] =	vst v4  }
0x95: {  	v8 =	vld [tilespmem:s23+$0x3D0];
	v12 =	vmul.f32 v12, v23;
	[tilespmem:s23+$0x360] =	vst v22  }
0x96: {  	v25 =	vld [tilespmem:s23+$0x3F0];
	v13 =	vmul.f32 v13, v23;
	[tilespmem:s23+$0x370] =	vst v11  }
0x97: {  	v26 =	vld [tilespmem:s23+$0x400];
	v14 =	vmul.f32 v14, v23;
	[tilespmem:s23+$0x380] =	vst v12  }
0x98: {  	v27 =	vld [tilespmem:s23+$0x410];
	v9 =	vmul.f32 v9, v23;
	[tilespmem:s23+$0x390] =	vst v13  }
0x99: {  	v6 =	vld [tilespmem:s23+$0x870];
	v7 =	vmul.f32 v7, v23;
	[tilespmem:s23+$0x3A0] =	vst v14  }
0x9a: {  	v24 =	vld [tilespmem:s23+$0x3E0];
	v15 =	vbroadcast v1, $0x2;
	v8 =	vmul.f32 v8, v23;
	[tilespmem:s23+$0x3B0] =	vst v9  }
0x9b: {  	v28 =	vld [tilespmem:s23+$0x420];
	v10 =	vmul.f32 v25, v23;
	[tilespmem:s23+$0x3C0] =	vst v7  }
0x9c: {  	v29 =	vld [tilespmem:s23+$0x430];
	v5 =	vbroadcast v1, $0xA;
	v32 =	vmul.f32 v26, v15;
	[tilespmem:s23+$0x3D0] =	vst v8  }
0x9d: {  	v30 =	vld [tilespmem:s23+$0x440];
	v34 =	vmul.f32 v27, v15;
	[tilespmem:s23+$0x3F0] =	vst v10  }
0x9e: {  	v33 =	vld [tilespmem:s23+$0x460];
	v3 =	vmul.f32 v6, v5;
	[tilespmem:s23+$0x400] =	vst v32  }
0x9f: {  	v35 =	vld [tilespmem:s23+$0x470];
	v11 =	vmul.f32 v24, v23;
	[tilespmem:s23+$0x410] =	vst v34  }
0xa0: {  	v36 =	vld [tilespmem:s23+$0x480];
	v9 =	vmul.f32 v28, v15;
	[tilespmem:s23+$0x870] =	vst v3  }
0xa1: {  	v31 =	vld [tilespmem:s23+$0x450];
	v7 =	vmul.f32 v29, v15;
	[tilespmem:s23+$0x3E0] =	vst v11  }
0xa2: {  	v37 =	vld [tilespmem:s23+$0x490];
	v8 =	vmul.f32 v30, v15;
	[tilespmem:s23+$0x420] =	vst v9  }
0xa3: {  	v38 =	vld [tilespmem:s23+$0x4A0];
	v41 =	vbroadcast v1, $0x3;
	v10 =	vmul.f32 v33, v15;
	[tilespmem:s23+$0x430] =	vst v7  }
0xa4: {  	v39 =	vld [tilespmem:s23+$0x4B0];
	v12 =	vmul.f32 v35, v15;
	[tilespmem:s23+$0x440] =	vst v8  }
0xa5: {  	v42 =	vld [tilespmem:s23+$0x4D0];
	v13 =	vmul.f32 v36, v41;
	[tilespmem:s23+$0x460] =	vst v10  }
0xa6: {  	v43 =	vld [tilespmem:s23+$0x4E0];
	v11 =	vmul.f32 v31, v15;
	[tilespmem:s23+$0x470] =	vst v12  }
0xa7: {  	v44 =	vld [tilespmem:s23+$0x4F0];
	v9 =	vmul.f32 v37, v41;
	[tilespmem:s23+$0x480] =	vst v13  }
0xa8: {  	v40 =	vld [tilespmem:s23+$0x4C0];
	v7 =	vmul.f32 v38, v41;
	[tilespmem:s23+$0x450] =	vst v11  }
0xa9: {  	v45 =	vld [tilespmem:s23+$0x500];
	v8 =	vmul.f32 v39, v41;
	[tilespmem:s23+$0x490] =	vst v9  }
0xaa: {  	v46 =	vld [tilespmem:s23+$0x510];
	v10 =	vmul.f32 v42, v41;
	[tilespmem:s23+$0x4A0] =	vst v7  }
0xab: {  	v47 =	vld [tilespmem:s23+$0x520];
	v12 =	vmul.f32 v43, v41;
	[tilespmem:s23+$0x4B0] =	vst v8  }
0xac: {  	v49 =	vld [tilespmem:s23+$0x540];
	v50 =	vbroadcast v1, $0x4;
	v13 =	vmul.f32 v44, v41;
	[tilespmem:s23+$0x4D0] =	vst v10  }
0xad: {  	v51 =	vld [tilespmem:s23+$0x550];
	v11 =	vmul.f32 v40, v41;
	[tilespmem:s23+$0x4E0] =	vst v12  }
0xae: {  	v52 =	vld [tilespmem:s23+$0x560];
	v9 =	vmul.f32 v45, v50;
	[tilespmem:s23+$0x4F0] =	vst v13  }
0xaf: {  	v48 =	vld [tilespmem:s23+$0x530];
	v7 =	vmul.f32 v46, v50;
	[tilespmem:s23+$0x4C0] =	vst v11  }
0xb0: {  	v53 =	vld [tilespmem:s23+$0x570];
	v8 =	vmul.f32 v47, v50;
	[tilespmem:s23+$0x500] =	vst v9  }
0xb1: {  	v54 =	vld [tilespmem:s23+$0x580];
	v10 =	vmul.f32 v49, v50;
	[tilespmem:s23+$0x510] =	vst v7  }
0xb2: {  	v55 =	vld [tilespmem:s23+$0x590];
	v12 =	vmul.f32 v51, v50;
	[tilespmem:s23+$0x520] =	vst v8  }
0xb3: {  	v57 =	vld [tilespmem:s23+$0x5B0];
	v13 =	vmul.f32 v52, v50;
	[tilespmem:s23+$0x540] =	vst v10  }
0xb4: {  	v58 =	vld [tilespmem:s23+$0x5C0];
	v59 =	vbroadcast v1, $0x5;
	v11 =	vmul.f32 v48, v50;
	[tilespmem:s23+$0x550] =	vst v12  }
0xb5: {  	v60 =	vld [tilespmem:s23+$0x5D0];
	v9 =	vmul.f32 v53, v50;
	[tilespmem:s23+$0x560] =	vst v13  }
0xb6: {  	v56 =	vld [tilespmem:s23+$0x5A0];
	v7 =	vmul.f32 v54, v59;
	[tilespmem:s23+$0x530] =	vst v11  }
0xb7: {  	v61 =	vld [tilespmem:s23+$0x5E0];
	v8 =	vmul.f32 v55, v59;
	[tilespmem:s23+$0x570] =	vst v9  }
0xb8: {  	v62 =	vld [tilespmem:s23+$0x5F0];
	v10 =	vmul.f32 v57, v59;
	[tilespmem:s23+$0x580] =	vst v7  }
0xb9: {  	v63 =	vld [tilespmem:s23+$0x600];
	v12 =	vmul.f32 v58, v59;
	[tilespmem:s23+$0x590] =	vst v8  }
0xba: {  	v19 =	vld [tilespmem:s23+$0x620];
	v13 =	vmul.f32 v60, v59;
	[tilespmem:s23+$0x5B0] =	vst v10  }
0xbb: {  	v20 =	vld [tilespmem:s23+$0x630];
	v11 =	vmul.f32 v56, v59;
	[tilespmem:s23+$0x5C0] =	vst v12  }
0xbc: {  	v21 =	vld [tilespmem:s23+$0x640];
	v22 =	vbroadcast v1, $0x6;
	v9 =	vmul.f32 v61, v59;
	[tilespmem:s23+$0x5D0] =	vst v13  }
0xbd: {  	v18 =	vld [tilespmem:s23+$0x610];
	v7 =	vmul.f32 v62, v59;
	[tilespmem:s23+$0x5A0] =	vst v11  }
0xbe: {  	v23 =	vld [tilespmem:s23+$0x650];
	v8 =	vmul.f32 v63, v22;
	[tilespmem:s23+$0x5E0] =	vst v9  }
0xbf: {  	v24 =	vld [tilespmem:s23+$0x660];
	v10 =	vmul.f32 v19, v22;
	[tilespmem:s23+$0x5F0] =	vst v7  }
0xc0: {  	v25 =	vld [tilespmem:s23+$0x670];
	v12 =	vmul.f32 v20, v22;
	[tilespmem:s23+$0x600] =	vst v8  }
0xc1: {  	v27 =	vld [tilespmem:s23+$0x690];
	v13 =	vmul.f32 v21, v22;
	[tilespmem:s23+$0x620] =	vst v10  }
0xc2: {  	v28 =	vld [tilespmem:s23+$0x6A0];
	v11 =	vmul.f32 v18, v22;
	[tilespmem:s23+$0x630] =	vst v12  }
0xc3: {  	v29 =	vld [tilespmem:s23+$0x6B0];
	v9 =	vmul.f32 v23, v22;
	[tilespmem:s23+$0x640] =	vst v13  }
0xc4: {  	v31 =	vbroadcast v1, $0x7;
	v53 =	vld [tilespmem:s23+$0x800];
	v7 =	vmul.f32 v24, v22;
	[tilespmem:s23+$0x610] =	vst v11  }
0xc5: {  	v57 =	vld [tilespmem:s23+$0x840];
	v8 =	vmul.f32 v25, v22;
	[tilespmem:s23+$0x650] =	vst v9  }
0xc6: {  	v58 =	vld [tilespmem:s23+$0x850];
	v10 =	vmul.f32 v27, v31;
	[tilespmem:s23+$0x660] =	vst v7  }
0xc7: {  	v26 =	vld [tilespmem:s23+$0x680];
	v12 =	vmul.f32 v28, v31;
	[tilespmem:s23+$0x670] =	vst v8  }
0xc8: {  	v30 =	vld [tilespmem:s23+$0x6C0];
	v13 =	vmul.f32 v29, v31;
	[tilespmem:s23+$0x690] =	vst v10  }
0xc9: {  	v32 =	vld [tilespmem:s23+$0x6D0];
	v59 =	vmul.f32 v53, v5;
	[tilespmem:s23+$0x6A0] =	vst v12  }
0xca: {  	v33 =	vld [tilespmem:s23+$0x6E0];
	v18 =	vmul.f32 v57, v5;
	[tilespmem:s23+$0x6B0] =	vst v13  }
0xcb: {  	v35 =	vld [tilespmem:s23+$0x700];
	v20 =	vmul.f32 v58, v5;
	[tilespmem:s23+$0x800] =	vst v59  }
0xcc: {  	v36 =	vld [tilespmem:s23+$0x710];
	v11 =	vmul.f32 v26, v31;
	[tilespmem:s23+$0x840] =	vst v18  }
0xcd: {  	v37 =	vld [tilespmem:s23+$0x720];
	v9 =	vmul.f32 v30, v31;
	[tilespmem:s23+$0x850] =	vst v20  }
0xce: {  	v4 =	vld [tilespmem:s23+$0x880];
	v40 =	vbroadcast v1, $0x8;
	v7 =	vmul.f32 v32, v31;
	[tilespmem:s23+$0x680] =	vst v11  }
0xcf: {  	v6 =	vld [tilespmem:s23+$0x890];
	v8 =	vmul.f32 v33, v31;
	[tilespmem:s23+$0x6C0] =	vst v9  }
0xd0: {  	v3 =	vld [tilespmem:s23+$0xAD0];
	v10 =	vmul.f32 v35, v40;
	[tilespmem:s23+$0x6D0] =	vst v7  }
0xd1: {  	v61 =	vld [tilespmem:s23+$0x300];
	v23 =	vbroadcast v1, $0xB;
	v12 =	vmul.f32 v36, v40;
	[tilespmem:s23+$0x6E0] =	vst v8  }
0xd2: {  	v34 =	vld [tilespmem:s23+$0x6F0];
	v13 =	vmul.f32 v37, v40;
	[tilespmem:s23+$0x700] =	vst v10  }
0xd3: {  	v38 =	vld [tilespmem:s23+$0x730];
	v27 =	vbroadcast v1, $0xF;
	v4 =	vmul.f32 v4, v23;
	[tilespmem:s23+$0x710] =	vst v12  }
0xd4: {  	v39 =	vld [tilespmem:s23+$0x740];
	v6 =	vmul.f32 v6, v23;
	[tilespmem:s23+$0x720] =	vst v13  }
0xd5: {  	v41 =	vld [tilespmem:s23+$0x750];
	v3 =	vmul.f32 v3, v27;
	[tilespmem:s23+$0x880] =	vst v4  }
0xd6: {  	v43 =	vld [tilespmem:s23+$0x770];
	v24 =	vmul.f32 v2, v61;
	[tilespmem:s23+$0x890] =	vst v6  }
0xd7: {  	v44 =	vld [tilespmem:s23+$0x780];
	v11 =	vmul.f32 v34, v31;
	[tilespmem:s23+$0xAD0] =	vst v3  }
0xd8: {  	v45 =	vld [tilespmem:s23+$0x790];
	v9 =	vmul.f32 v38, v40;
	[tilespmem:s23+$0x300] =	vst v24  }
0xd9: {  	v63 =	vld [tilespmem:s23+$0x340];
	v7 =	vmul.f32 v39, v40;
	[tilespmem:s23+$0x6F0] =	vst v11  }
0xda: {  	v49 =	vbroadcast v1, $0x9;
	v29 =	vld [tilespmem:s23+$0x8F0];
	v8 =	vmul.f32 v41, v40;
	[tilespmem:s23+$0x730] =	vst v9  }
0xdb: {  	v42 =	vld [tilespmem:s23+$0x760];
	v10 =	vmul.f32 v43, v40;
	[tilespmem:s23+$0x740] =	vst v7  }
0xdc: {  	v46 =	vld [tilespmem:s23+$0x7A0];
	v12 =	vmul.f32 v44, v49;
	[tilespmem:s23+$0x750] =	vst v8  }
0xdd: {  	v47 =	vld [tilespmem:s23+$0x7B0];
	v13 =	vmul.f32 v45, v49;
	[tilespmem:s23+$0x770] =	vst v10  }
0xde: {  	v48 =	vld [tilespmem:s23+$0x7C0];
	v3 =	vmul.f32 v63, v2;
	[tilespmem:s23+$0x780] =	vst v12  }
0xdf: {  	v51 =	vld [tilespmem:s23+$0x7E0];
	v6 =	vmul.f32 v29, v23;
	[tilespmem:s23+$0x790] =	vst v13  }
0xe0: {  	v52 =	vld [tilespmem:s23+$0x7F0];
	v11 =	vmul.f32 v42, v40;
	[tilespmem:s23+$0x340] =	vst v3  }
0xe1: {  	v28 =	vld [tilespmem:s23+$0x8E0];
	v9 =	vmul.f32 v46, v49;
	[tilespmem:s23+$0x8F0] =	vst v6  }
0xe2: {  	v26 =	vld [tilespmem:s23+$0x8D0];
	v7 =	vmul.f32 v47, v49;
	[tilespmem:s23+$0x760] =	vst v11  }
0xe3: {  	v30 =	vld [tilespmem:s23+$0x900];
	v8 =	vmul.f32 v48, v49;
	[tilespmem:s23+$0x7A0] =	vst v9  }
0xe4: {  	v50 =	vld [tilespmem:s23+$0x7D0];
	v10 =	vmul.f32 v51, v49;
	[tilespmem:s23+$0x7B0] =	vst v7  }
0xe5: {  	v54 =	vld [tilespmem:s23+$0x810];
	v12 =	vmul.f32 v52, v49;
	[tilespmem:s23+$0x7C0] =	vst v8  }
0xe6: {  	v55 =	vld [tilespmem:s23+$0x820];
	v35 =	vbroadcast v1, $0xC;
	v40 =	vmul.f32 v28, v23;
	[tilespmem:s23+$0x7E0] =	vst v10  }
0xe7: {  	v56 =	vld [tilespmem:s23+$0x830];
	v32 =	vmul.f32 v26, v23;
	[tilespmem:s23+$0x7F0] =	vst v12  }
0xe8: {  	v60 =	vld [tilespmem:s23+$0x860];
	v15 =	vmul.f32 v30, v35;
	[tilespmem:s23+$0x8E0] =	vst v40  }
0xe9: {  	v62 =	vld [tilespmem:s23+$0x310];
	v11 =	vmul.f32 v50, v49;
	[tilespmem:s23+$0x8D0] =	vst v32  }
0xea: {  	v19 =	vld [tilespmem:s23+$0x350];
	v9 =	vmul.f32 v54, v5;
	[tilespmem:s23+$0x900] =	vst v15  }
0xeb: {  	v33 =	vld [tilespmem:s23+$0x930];
	v7 =	vmul.f32 v55, v5;
	[tilespmem:s23+$0x7D0] =	vst v11  }
0xec: {  	v61 =	vld [tilespmem:s23+$0xAF0];
	v8 =	vmul.f32 v56, v5;
	[tilespmem:s23+$0x810] =	vst v9  }
0xed: {  	v38 =	vld [tilespmem:s23+$0x970];
	v5 =	vmul.f32 v60, v5;
	[tilespmem:s23+$0x820] =	vst v7  }
0xee: {  	v21 =	vld [tilespmem:s23+$0x8A0];
	v12 =	vmul.f32 v62, v2;
	[tilespmem:s23+$0x830] =	vst v8  }
0xef: {  	v22 =	vld [tilespmem:s23+$0x8B0];
	v2 =	vmul.f32 v19, v2;
	[tilespmem:s23+$0x860] =	vst v5  }
0xf0: {  	v25 =	vld [tilespmem:s23+$0x8C0];
	v62 =	vmul.f32 v33, v35;
	[tilespmem:s23+$0x310] =	vst v12  }
0xf1: {  	v31 =	vld [tilespmem:s23+$0x910];
	v63 =	vmul.f32 v61, v27;
	[tilespmem:s23+$0x350] =	vst v2  }
0xf2: {  	v34 =	vld [tilespmem:s23+$0x940];
	v15 =	vmul.f32 v38, v35;
	[tilespmem:s23+$0x930] =	vst v62  }
0xf3: {  	v41 =	vld [tilespmem:s23+$0x9A0];
	v7 =	vmul.f32 v21, v23;
	[tilespmem:s23+$0xAF0] =	vst v63  }
0xf4: {  	v46 =	vld [tilespmem:s23+$0x9E0];
	v8 =	vmul.f32 v22, v23;
	[tilespmem:s23+$0x970] =	vst v15  }
0xf5: {  	v36 =	vld [tilespmem:s23+$0x950];
	v5 =	vmul.f32 v25, v23;
	[tilespmem:s23+$0x8A0] =	vst v7  }
0xf6: {  	v44 =	vbroadcast v1, $0xD;
	v9 =	vmul.f32 v31, v35;
	v2 =	vld [tilespmem:s23+$0x990];
	[tilespmem:s23+$0x8B0] =	vst v8  }
0xf7: {  	v37 =	vld [tilespmem:s23+$0x960];
	v12 =	vmul.f32 v34, v35;
	[tilespmem:s23+$0x8C0] =	vst v5  }
0xf8: {  	v39 =	vld [tilespmem:s23+$0x980];
	v11 =	vmul.f32 v41, v44;
	[tilespmem:s23+$0x910] =	vst v9  }
0xf9: {  	v42 =	vld [tilespmem:s23+$0x9B0];
	v51 =	vmul.f32 v46, v44;
	[tilespmem:s23+$0x940] =	vst v12  }
0xfa: {  	v48 =	vld [tilespmem:s23+$0xA10];
	v8 =	vmul.f32 v36, v35;
	[tilespmem:s23+$0x9A0] =	vst v11  }
0xfb: {  	v49 =	vld [tilespmem:s23+$0xA20];
	[tilespmem:s23+$0x9E0] =	vst v51;
	v2 =	vmul.f32 v2, v44  }
0xfc: {  	v50 =	vld [tilespmem:s23+$0xA30];
	v5 =	vmul.f32 v37, v35;
	[tilespmem:s23+$0x950] =	vst v8  }
0xfd: {  	v1 =	vbroadcast v1, $0xE;
	v9 =	vmul.f32 v39, v44;
	[tilespmem:s23+$0x990] =	vst v2;
	v2 =	vld [tilespmem:s23+$0xA00]  }
0xfe: {  	v60 =	vld [tilespmem:s23+$0xAE0];
	v12 =	vmul.f32 v42, v44;
	[tilespmem:s23+$0x960] =	vst v5  }
0xff: {  	v45 =	vld [tilespmem:s23+$0x9D0];
	v11 =	vmul.f32 v48, v1;
	[tilespmem:s23+$0x980] =	vst v9  }
0x100: {  	v47 =	vld [tilespmem:s23+$0x9F0];
	v10 =	vmul.f32 v49, v1;
	[tilespmem:s23+$0x9B0] =	vst v12  }
0x101: {  	v43 =	vld [tilespmem:s23+$0x9C0];
	v6 =	vmul.f32 v50, v1;
	[tilespmem:s23+$0xA10] =	vst v11  }
0x102: {  	v55 =	vld [tilespmem:s23+$0xA80];
	[tilespmem:s23+$0xA20] =	vst v10;
	v2 =	vmul.f32 v2, v1  }
0x103: {  	v57 =	vld [tilespmem:s23+$0xAA0];
	v4 =	vmul.f32 v60, v27;
	[tilespmem:s23+$0xA30] =	vst v6  }
0x104: {  	v5 =	vmul.f32 v45, v44;
	[tilespmem:s23+$0xA00] =	vst v2;
	v2 =	vld [tilespmem:s23+$0xA70]  }
0x105: {  	v52 =	vld [tilespmem:s23+$0xA40];
	v9 =	vmul.f32 v47, v44;
	[tilespmem:s23+$0xAE0] =	vst v4  }
0x106: {  	v56 =	vld [tilespmem:s23+$0xA90];
	v8 =	vmul.f32 v43, v44;
	[tilespmem:s23+$0x9D0] =	vst v5  }
0x107: {  	v54 =	vld [tilespmem:s23+$0xA60];
	v11 =	vmul.f32 v55, v27;
	[tilespmem:s23+$0x9F0] =	vst v9  }
0x108: {  	v58 =	vld [tilespmem:s23+$0xAB0];
	v6 =	vmul.f32 v57, v27;
	[tilespmem:s23+$0x9C0] =	vst v8  }
0x109: {  	v53 =	vld [tilespmem:s23+$0xA50];
	[tilespmem:s23+$0xA80] =	vst v11;
	v2 =	vmul.f32 v2, v1  }
0x10a: {  	v59 =	vld [tilespmem:s23+$0xAC0];
	v5 =	vmul.f32 v52, v1;
	[tilespmem:s23+$0xAA0] =	vst v6  }
0x10b: {  	[tilespmem:s23+$0xA70] =	vst v2;
	v2 =	vmul.f32 v56, v27  }
0x10c: {  	v3 =	vld [tilespmem:s23+$0x920];
	v9 =	vmul.f32 v54, v1;
	[tilespmem:s23+$0xA40] =	vst v5  }
0x10d: {  	[tilespmem:s23+$0xA90] =	vst v2;
	v2 =	vmul.f32 v58, v27  }
0x10e: {  	[tilespmem:s23+$0xA60] =	vst v9;
	v1 =	vmul.f32 v53, v1  }
0x10f: {  	[tilespmem:s23+$0xAB0] =	vst v2;
	v2 =	vmul.f32 v59, v27  }
0x110: {  	[tilespmem:s23+$0xA50] =	vst v1  }
0x111: {  	s26 =	simm.s32 $0x1;
	s22 =	sshll.u32 s21, $0xA;
	[tilespmem:s23+$0xAC0] =	vst v2;
	v2 =	vmul.f32 v3, v35  }
.LBB2_5:
0x112: {  	s18 =	sshll.u32 s26, $0x4  }
0x113: {  	p0 =	sne.s32 s26, $0x7;
	[tilespmem:s23+$0x920] =	vst v2;
	s23 =	smov.u32 s26;
	s26 =	sadd.s32 $0x1, s26  }
0x114: {  	s18 =	sand.u32 $0x3FFFFFF0, s18  }
0x115: {  	v1 =	vld [tilespmem:s18+$0x200];
	s18 =	sshll.u32 s23, $0xB  }
0x116: {  	s23 =	sand.u32 $0x3FFFF800, s18  }
0x117: {  	v8 =	vld [tilespmem:s23+$0x3C0]  }
0x118: {  	v9 =	vld [tilespmem:s23+$0x3D0]  }
0x119: {  	v10 =	vld [tilespmem:s23+$0x3B0]  }
0x11a: {  	v2 =	vbroadcast v1, $0x0;
	v3 =	vld [tilespmem:s23+$0x320];
	v7 =	vbroadcast v1, $0x4  }
0x11b: {  	v5 =	vld [tilespmem:s23+$0x330]  }
0x11c: {  	v6 =	vld [tilespmem:s23+$0x870]  }
0x11d: {  	v11 =	vld [tilespmem:s23+$0x360]  }
0x11e: {  	v12 =	vld [tilespmem:s23+$0x370]  }
0x11f: {  	v4 =	vbroadcast v1, $0xA;
	v3 =	vmul.f32 v3, v2;
	v13 =	vld [tilespmem:s23+$0x380]  }
0x120: {  	v5 =	vmul.f32 v5, v2;
	v14 =	vld [tilespmem:s23+$0x390]  }
0x121: {  	[tilespmem:s23+$0x320] =	vst v3;
	v15 =	vld [tilespmem:s23+$0x3A0];
	v3 =	vmul.f32 v6, v4  }
0x122: {  	[tilespmem:s23+$0x330] =	vst v5;
	v6 =	vmul.f32 v11, v2;
	v11 =	vbroadcast v1, $0x1;
	v5 =	vld [tilespmem:s23+$0x880]  }
0x123: {  	v12 =	vmul.f32 v12, v2;
	[tilespmem:s23+$0x870] =	vst v3;
	v3 =	vld [tilespmem:s23+$0xAD0]  }
0x124: {  	[tilespmem:s23+$0x360] =	vst v6;
	v13 =	vmul.f32 v13, v11;
	v6 =	vld [tilespmem:s23+$0x890]  }
0x125: {  	[tilespmem:s23+$0x370] =	vst v12;
	v12 =	vmul.f32 v14, v11;
	v14 =	vld [tilespmem:s23+$0x3E0]  }
0x126: {  	[tilespmem:s23+$0x380] =	vst v13;
	v13 =	vmul.f32 v15, v11;
	v15 =	vld [tilespmem:s23+$0x3F0]  }
0x127: {  	v10 =	vmul.f32 v10, v11;
	[tilespmem:s23+$0x390] =	vst v12;
	v12 =	vld [tilespmem:s23+$0x400]  }
0x128: {  	v8 =	vmul.f32 v8, v11;
	[tilespmem:s23+$0x3A0] =	vst v13;
	v13 =	vld [tilespmem:s23+$0x410]  }
0x129: {  	v9 =	vmul.f32 v9, v11;
	[tilespmem:s23+$0x3B0] =	vst v10;
	v10 =	vld [tilespmem:s23+$0x420]  }
0x12a: {  	[tilespmem:s23+$0x3C0] =	vst v8;
	v8 =	vmul.f32 v14, v11;
	v14 =	vbroadcast v1, $0x2;
	v16 =	vld [tilespmem:s23+$0x430]  }
0x12b: {  	[tilespmem:s23+$0x3D0] =	vst v9;
	v9 =	vmul.f32 v15, v11;
	v11 =	vld [tilespmem:s23+$0x440]  }
0x12c: {  	[tilespmem:s23+$0x3E0] =	vst v8;
	v8 =	vmul.f32 v12, v14;
	v12 =	vld [tilespmem:s23+$0x450]  }
0x12d: {  	[tilespmem:s23+$0x3F0] =	vst v9;
	v9 =	vmul.f32 v13, v14;
	v13 =	vld [tilespmem:s23+$0x460]  }
0x12e: {  	[tilespmem:s23+$0x400] =	vst v8;
	v8 =	vmul.f32 v10, v14;
	v10 =	vld [tilespmem:s23+$0x470]  }
0x12f: {  	[tilespmem:s23+$0x410] =	vst v9;
	v9 =	vmul.f32 v16, v14;
	v15 =	vld [tilespmem:s23+$0x480]  }
0x130: {  	[tilespmem:s23+$0x420] =	vst v8;
	v8 =	vmul.f32 v11, v14;
	v11 =	vld [tilespmem:s23+$0x490]  }
0x131: {  	[tilespmem:s23+$0x430] =	vst v9;
	v9 =	vmul.f32 v12, v14;
	v12 =	vld [tilespmem:s23+$0x4A0]  }
0x132: {  	[tilespmem:s23+$0x440] =	vst v8;
	v8 =	vmul.f32 v13, v14;
	v13 =	vbroadcast v1, $0x3;
	v16 =	vld [tilespmem:s23+$0x4B0]  }
0x133: {  	[tilespmem:s23+$0x450] =	vst v9;
	v9 =	vmul.f32 v10, v14;
	v10 =	vld [tilespmem:s23+$0x4C0]  }
0x134: {  	[tilespmem:s23+$0x460] =	vst v8;
	v8 =	vmul.f32 v15, v13;
	v14 =	vld [tilespmem:s23+$0x4D0]  }
0x135: {  	[tilespmem:s23+$0x470] =	vst v9;
	v9 =	vmul.f32 v11, v13;
	v11 =	vld [tilespmem:s23+$0x4E0]  }
0x136: {  	[tilespmem:s23+$0x480] =	vst v8;
	v8 =	vmul.f32 v12, v13;
	v12 =	vld [tilespmem:s23+$0x4F0]  }
0x137: {  	[tilespmem:s23+$0x490] =	vst v9;
	v9 =	vmul.f32 v16, v13;
	v15 =	vld [tilespmem:s23+$0x500]  }
0x138: {  	[tilespmem:s23+$0x4A0] =	vst v8;
	v8 =	vmul.f32 v10, v13;
	v10 =	vld [tilespmem:s23+$0x510]  }
0x139: {  	[tilespmem:s23+$0x4B0] =	vst v9;
	v9 =	vmul.f32 v14, v13;
	v14 =	vld [tilespmem:s23+$0x520]  }
0x13a: {  	[tilespmem:s23+$0x4C0] =	vst v8;
	v8 =	vmul.f32 v11, v13;
	v11 =	vld [tilespmem:s23+$0x530]  }
0x13b: {  	[tilespmem:s23+$0x4D0] =	vst v9;
	v9 =	vmul.f32 v12, v13;
	v12 =	vld [tilespmem:s23+$0x540]  }
0x13c: {  	[tilespmem:s23+$0x4E0] =	vst v8;
	v8 =	vmul.f32 v15, v7;
	v13 =	vld [tilespmem:s23+$0x550]  }
0x13d: {  	[tilespmem:s23+$0x4F0] =	vst v9;
	v9 =	vmul.f32 v10, v7;
	v10 =	vld [tilespmem:s23+$0x560]  }
0x13e: {  	[tilespmem:s23+$0x500] =	vst v8;
	v8 =	vmul.f32 v14, v7;
	v14 =	vld [tilespmem:s23+$0x570]  }
0x13f: {  	[tilespmem:s23+$0x510] =	vst v9;
	v9 =	vmul.f32 v11, v7;
	v11 =	vld [tilespmem:s23+$0x580]  }
0x140: {  	[tilespmem:s23+$0x520] =	vst v8;
	v8 =	vmul.f32 v12, v7;
	v12 =	vld [tilespmem:s23+$0x590]  }
0x141: {  	[tilespmem:s23+$0x530] =	vst v9;
	v9 =	vmul.f32 v13, v7;
	v13 =	vld [tilespmem:s23+$0x5A0]  }
0x142: {  	[tilespmem:s23+$0x540] =	vst v8;
	v8 =	vmul.f32 v10, v7;
	v10 =	vbroadcast v1, $0x5;
	v15 =	vld [tilespmem:s23+$0x5B0]  }
0x143: {  	[tilespmem:s23+$0x550] =	vst v9;
	v7 =	vmul.f32 v14, v7;
	v9 =	vld [tilespmem:s23+$0x5C0]  }
0x144: {  	[tilespmem:s23+$0x560] =	vst v8;
	v8 =	vmul.f32 v11, v10;
	v11 =	vld [tilespmem:s23+$0x5D0]  }
0x145: {  	[tilespmem:s23+$0x570] =	vst v7;
	v7 =	vmul.f32 v12, v10;
	v12 =	vld [tilespmem:s23+$0x5E0]  }
0x146: {  	[tilespmem:s23+$0x580] =	vst v8;
	v8 =	vmul.f32 v13, v10;
	v13 =	vld [tilespmem:s23+$0x5F0]  }
0x147: {  	[tilespmem:s23+$0x590] =	vst v7;
	v7 =	vmul.f32 v15, v10;
	v14 =	vld [tilespmem:s23+$0x600]  }
0x148: {  	[tilespmem:s23+$0x5A0] =	vst v8;
	v8 =	vmul.f32 v9, v10;
	v9 =	vld [tilespmem:s23+$0x610]  }
0x149: {  	[tilespmem:s23+$0x5B0] =	vst v7;
	v7 =	vmul.f32 v11, v10;
	v11 =	vld [tilespmem:s23+$0x620]  }
0x14a: {  	[tilespmem:s23+$0x5C0] =	vst v8;
	v8 =	vmul.f32 v12, v10;
	v12 =	vbroadcast v1, $0x6;
	v15 =	vld [tilespmem:s23+$0x630]  }
0x14b: {  	[tilespmem:s23+$0x5D0] =	vst v7;
	v7 =	vmul.f32 v13, v10;
	v10 =	vld [tilespmem:s23+$0x640]  }
0x14c: {  	[tilespmem:s23+$0x5E0] =	vst v8;
	v8 =	vmul.f32 v14, v12;
	v13 =	vld [tilespmem:s23+$0x650]  }
0x14d: {  	[tilespmem:s23+$0x5F0] =	vst v7;
	v7 =	vmul.f32 v9, v12;
	v9 =	vld [tilespmem:s23+$0x660]  }
0x14e: {  	[tilespmem:s23+$0x600] =	vst v8;
	v8 =	vmul.f32 v11, v12;
	v11 =	vld [tilespmem:s23+$0x670]  }
0x14f: {  	[tilespmem:s23+$0x610] =	vst v7;
	v7 =	vmul.f32 v15, v12;
	v14 =	vld [tilespmem:s23+$0x680]  }
0x150: {  	[tilespmem:s23+$0x620] =	vst v8;
	v8 =	vmul.f32 v10, v12;
	v10 =	vld [tilespmem:s23+$0x690]  }
0x151: {  	[tilespmem:s23+$0x630] =	vst v7;
	v7 =	vmul.f32 v13, v12;
	v13 =	vld [tilespmem:s23+$0x6A0]  }
0x152: {  	[tilespmem:s23+$0x640] =	vst v8;
	v8 =	vmul.f32 v9, v12;
	v9 =	vbroadcast v1, $0x7;
	v15 =	vld [tilespmem:s23+$0x6B0]  }
0x153: {  	[tilespmem:s23+$0x650] =	vst v7;
	v7 =	vmul.f32 v11, v12;
	v11 =	vld [tilespmem:s23+$0x6C0]  }
0x154: {  	[tilespmem:s23+$0x660] =	vst v8;
	v8 =	vmul.f32 v14, v9;
	v12 =	vld [tilespmem:s23+$0x6D0]  }
0x155: {  	[tilespmem:s23+$0x670] =	vst v7;
	v7 =	vmul.f32 v10, v9;
	v10 =	vld [tilespmem:s23+$0x6E0]  }
0x156: {  	[tilespmem:s23+$0x680] =	vst v8;
	v8 =	vmul.f32 v13, v9;
	v13 =	vld [tilespmem:s23+$0x6F0]  }
0x157: {  	[tilespmem:s23+$0x690] =	vst v7;
	v7 =	vmul.f32 v15, v9;
	v14 =	vld [tilespmem:s23+$0x700]  }
0x158: {  	[tilespmem:s23+$0x6A0] =	vst v8;
	v8 =	vmul.f32 v11, v9;
	v11 =	vld [tilespmem:s23+$0x710]  }
0x159: {  	[tilespmem:s23+$0x6B0] =	vst v7;
	v7 =	vmul.f32 v12, v9;
	v12 =	vld [tilespmem:s23+$0x720]  }
0x15a: {  	[tilespmem:s23+$0x6C0] =	vst v8;
	v8 =	vmul.f32 v10, v9;
	v10 =	vbroadcast v1, $0x8;
	v15 =	vld [tilespmem:s23+$0x730]  }
0x15b: {  	[tilespmem:s23+$0x6D0] =	vst v7;
	v7 =	vmul.f32 v13, v9;
	v9 =	vld [tilespmem:s23+$0x740]  }
0x15c: {  	[tilespmem:s23+$0x6E0] =	vst v8;
	v8 =	vmul.f32 v14, v10;
	v13 =	vld [tilespmem:s23+$0x750]  }
0x15d: {  	[tilespmem:s23+$0x6F0] =	vst v7;
	v7 =	vmul.f32 v11, v10;
	v11 =	vld [tilespmem:s23+$0x760]  }
0x15e: {  	[tilespmem:s23+$0x700] =	vst v8;
	v8 =	vmul.f32 v12, v10;
	v12 =	vld [tilespmem:s23+$0x770]  }
0x15f: {  	[tilespmem:s23+$0x710] =	vst v7;
	v7 =	vmul.f32 v15, v10;
	v14 =	vld [tilespmem:s23+$0x780]  }
0x160: {  	[tilespmem:s23+$0x720] =	vst v8;
	v8 =	vmul.f32 v9, v10;
	v9 =	vld [tilespmem:s23+$0x790]  }
0x161: {  	[tilespmem:s23+$0x730] =	vst v7;
	v7 =	vmul.f32 v13, v10;
	v13 =	vld [tilespmem:s23+$0x7A0]  }
0x162: {  	[tilespmem:s23+$0x740] =	vst v8;
	v8 =	vmul.f32 v11, v10;
	v11 =	vbroadcast v1, $0x9;
	v15 =	vld [tilespmem:s23+$0x7B0]  }
0x163: {  	[tilespmem:s23+$0x750] =	vst v7;
	v7 =	vmul.f32 v12, v10;
	v10 =	vld [tilespmem:s23+$0x7C0]  }
0x164: {  	[tilespmem:s23+$0x760] =	vst v8;
	v8 =	vmul.f32 v14, v11;
	v12 =	vld [tilespmem:s23+$0x7D0]  }
0x165: {  	[tilespmem:s23+$0x770] =	vst v7;
	v7 =	vmul.f32 v9, v11;
	v9 =	vld [tilespmem:s23+$0x7E0]  }
0x166: {  	[tilespmem:s23+$0x780] =	vst v8;
	v8 =	vmul.f32 v13, v11;
	v13 =	vld [tilespmem:s23+$0x7F0]  }
0x167: {  	[tilespmem:s23+$0x790] =	vst v7;
	v7 =	vmul.f32 v15, v11;
	v14 =	vld [tilespmem:s23+$0x800]  }
0x168: {  	[tilespmem:s23+$0x7A0] =	vst v8;
	v8 =	vmul.f32 v10, v11;
	v10 =	vld [tilespmem:s23+$0x810]  }
0x169: {  	[tilespmem:s23+$0x7B0] =	vst v7;
	v7 =	vmul.f32 v12, v11;
	v12 =	vld [tilespmem:s23+$0x820]  }
0x16a: {  	[tilespmem:s23+$0x7C0] =	vst v8;
	v8 =	vmul.f32 v9, v11;
	v9 =	vld [tilespmem:s23+$0x830]  }
0x16b: {  	[tilespmem:s23+$0x7D0] =	vst v7;
	v7 =	vmul.f32 v13, v11;
	v11 =	vld [tilespmem:s23+$0x840]  }
0x16c: {  	[tilespmem:s23+$0x7E0] =	vst v8;
	v8 =	vmul.f32 v14, v4;
	v13 =	vld [tilespmem:s23+$0x850]  }
0x16d: {  	[tilespmem:s23+$0x7F0] =	vst v7;
	v7 =	vmul.f32 v10, v4;
	v10 =	vld [tilespmem:s23+$0x860]  }
0x16e: {  	v14 =	vld [tilespmem:s23+$0x300];
	[tilespmem:s23+$0x800] =	vst v8;
	v8 =	vmul.f32 v12, v4  }
0x16f: {  	v12 =	vld [tilespmem:s23+$0x310];
	[tilespmem:s23+$0x810] =	vst v7;
	v7 =	vmul.f32 v9, v4  }
0x170: {  	v9 =	vld [tilespmem:s23+$0x340];
	[tilespmem:s23+$0x820] =	vst v8;
	v8 =	vmul.f32 v11, v4  }
0x171: {  	v11 =	vld [tilespmem:s23+$0x350];
	[tilespmem:s23+$0x830] =	vst v7;
	v7 =	vmul.f32 v13, v4  }
0x172: {  	[tilespmem:s23+$0x840] =	vst v8;
	v8 =	vmul.f32 v10, v4;
	v10 =	vbroadcast v1, $0xB;
	v13 =	vld [tilespmem:s23+$0x8A0]  }
0x173: {  	v4 =	vbroadcast v1, $0xF;
	v14 =	vmul.f32 v2, v14;
	[tilespmem:s23+$0x850] =	vst v7;
	v7 =	vld [tilespmem:s23+$0x8B0]  }
0x174: {  	v12 =	vmul.f32 v12, v2;
	[tilespmem:s23+$0x860] =	vst v8;
	v5 =	vmul.f32 v5, v10;
	v8 =	vld [tilespmem:s23+$0x8C0]  }
0x175: {  	v6 =	vmul.f32 v6, v10;
	[tilespmem:s23+$0x300] =	vst v14;
	v9 =	vmul.f32 v9, v2;
	v14 =	vld [tilespmem:s23+$0x8D0]  }
0x176: {  	v3 =	vmul.f32 v3, v4;
	v11 =	vmul.f32 v11, v2;
	[tilespmem:s23+$0x880] =	vst v5;
	v2 =	vld [tilespmem:s23+$0x8E0]  }
0x177: {  	[tilespmem:s23+$0x890] =	vst v6;
	v5 =	vmul.f32 v13, v10;
	v6 =	vld [tilespmem:s23+$0x8F0]  }
0x178: {  	v7 =	vmul.f32 v7, v10;
	v13 =	vld [tilespmem:s23+$0x900];
	[tilespmem:s23+$0xAD0] =	vst v3  }
0x179: {  	[tilespmem:s23+$0x310] =	vst v12;
	v3 =	vmul.f32 v8, v10;
	v8 =	vld [tilespmem:s23+$0x910]  }
0x17a: {  	[tilespmem:s23+$0x340] =	vst v9;
	v9 =	vmul.f32 v14, v10;
	v12 =	vld [tilespmem:s23+$0x920]  }
0x17b: {  	v14 =	vbroadcast v1, $0xC;
	[tilespmem:s23+$0x8A0] =	vst v5;
	v5 =	vmul.f32 v2, v10;
	v15 =	vld [tilespmem:s23+$0x930]  }
0x17c: {  	[tilespmem:s23+$0x8D0] =	vst v9;
	v6 =	vmul.f32 v6, v10;
	v9 =	vld [tilespmem:s23+$0x940]  }
0x17d: {  	[tilespmem:s23+$0x8B0] =	vst v7;
	v2 =	vmul.f32 v13, v14;
	v7 =	vld [tilespmem:s23+$0x950]  }
0x17e: {  	[tilespmem:s23+$0x8C0] =	vst v3;
	v3 =	vmul.f32 v8, v14;
	v8 =	vld [tilespmem:s23+$0x960]  }
0x17f: {  	[tilespmem:s23+$0x900] =	vst v2;
	v2 =	vmul.f32 v12, v14;
	v10 =	vld [tilespmem:s23+$0x970]  }
0x180: {  	[tilespmem:s23+$0x910] =	vst v3;
	v3 =	vld [tilespmem:s23+$0x980]  }
0x181: {  	[tilespmem:s23+$0x350] =	vst v11;
	v9 =	vmul.f32 v9, v14;
	v11 =	vld [tilespmem:s23+$0x990]  }
0x182: {  	[tilespmem:s23+$0x8E0] =	vst v5;
	v5 =	vmul.f32 v7, v14;
	v7 =	vld [tilespmem:s23+$0x9A0]  }
0x183: {  	[tilespmem:s23+$0x940] =	vst v9;
	v8 =	vmul.f32 v8, v14;
	v9 =	vbroadcast v1, $0xD;
	v12 =	vld [tilespmem:s23+$0x9B0]  }
0x184: {  	[tilespmem:s23+$0x950] =	vst v5;
	v5 =	vmul.f32 v10, v14;
	v10 =	vld [tilespmem:s23+$0x9C0]  }
0x185: {  	[tilespmem:s23+$0x960] =	vst v8;
	v3 =	vmul.f32 v3, v9;
	v8 =	vld [tilespmem:s23+$0x9D0]  }
0x186: {  	[tilespmem:s23+$0x970] =	vst v5;
	v5 =	vmul.f32 v11, v9;
	v11 =	vld [tilespmem:s23+$0x9E0]  }
0x187: {  	[tilespmem:s23+$0x980] =	vst v3;
	v3 =	vmul.f32 v7, v9;
	v7 =	vld [tilespmem:s23+$0x9F0]  }
0x188: {  	[tilespmem:s23+$0x990] =	vst v5;
	v5 =	vmul.f32 v12, v9;
	v12 =	vld [tilespmem:s23+$0xA00]  }
0x189: {  	[tilespmem:s23+$0x9A0] =	vst v3;
	v3 =	vmul.f32 v10, v9;
	v10 =	vld [tilespmem:s23+$0xA10]  }
0x18a: {  	[tilespmem:s23+$0x9B0] =	vst v5;
	v5 =	vmul.f32 v8, v9;
	v8 =	vld [tilespmem:s23+$0xA20]  }
0x18b: {  	v1 =	vbroadcast v1, $0xE;
	[tilespmem:s23+$0x8F0] =	vst v6;
	v6 =	vmul.f32 v11, v9;
	v11 =	vld [tilespmem:s23+$0xA30]  }
0x18c: {  	[tilespmem:s23+$0x9D0] =	vst v5;
	v5 =	vmul.f32 v7, v9;
	v7 =	vld [tilespmem:s23+$0xA40]  }
0x18d: {  	[tilespmem:s23+$0x9E0] =	vst v6;
	v6 =	vmul.f32 v12, v1;
	v9 =	vld [tilespmem:s23+$0xA50]  }
0x18e: {  	[tilespmem:s23+$0x9F0] =	vst v5;
	v5 =	vmul.f32 v10, v1;
	v10 =	vld [tilespmem:s23+$0xA60]  }
0x18f: {  	[tilespmem:s23+$0xA00] =	vst v6;
	v6 =	vmul.f32 v8, v1;
	v8 =	vld [tilespmem:s23+$0xA70]  }
0x190: {  	[tilespmem:s23+$0xA10] =	vst v5;
	v5 =	vmul.f32 v11, v1;
	v11 =	vld [tilespmem:s23+$0xA80]  }
0x191: {  	[tilespmem:s23+$0xA20] =	vst v6;
	v6 =	vmul.f32 v7, v1;
	v7 =	vld [tilespmem:s23+$0xA90]  }
0x192: {  	[tilespmem:s23+$0xA30] =	vst v5;
	v5 =	vmul.f32 v9, v1;
	v9 =	vld [tilespmem:s23+$0xAA0]  }
0x193: {  	[tilespmem:s23+$0xA40] =	vst v6;
	v6 =	vmul.f32 v10, v1;
	v10 =	vld [tilespmem:s23+$0xAB0]  }
0x194: {  	[tilespmem:s23+$0x9C0] =	vst v3;
	v1 =	vmul.f32 v8, v1;
	v3 =	vld [tilespmem:s23+$0xAC0]  }
0x195: {  	[tilespmem:s23+$0xA60] =	vst v6;
	v6 =	vmul.f32 v11, v4;
	v8 =	vld [tilespmem:s23+$0xAE0]  }
0x196: {  	[tilespmem:s23+$0xA70] =	vst v1;
	v1 =	vmul.f32 v7, v4;
	v7 =	vld [tilespmem:s23+$0xAF0]  }
0x197: {  	[tilespmem:s23+$0xA80] =	vst v6;
	v6 =	vmul.f32 v9, v4  }
0x198: {  	[tilespmem:s23+$0xA90] =	vst v1;
	v1 =	vmul.f32 v10, v4  }
0x199: {  	v9 =	vmul.f32 v15, v14;
	[tilespmem:s23+$0xAA0] =	vst v6  }
0x19a: {  	[tilespmem:s23+$0xAB0] =	vst v1;
	v1 =	vmul.f32 v3, v4  }
.Ltmp3:
0x19b: {  	[tilespmem:s23+$0x930] =	vst v9;
	v3 =	vmul.f32 v7, v4;
	(pc) =	sbr.rel @p0 .LBB2_5-.Ltmp3, $4  }
0x19c: {  	[tilespmem:s23+$0xAC0] =	vst v1  }
0x19d: {  	v1 =	vmul.f32 v8, v4;
	[tilespmem:s23+$0xAF0] =	vst v3  }
0x19e: {  	[tilespmem:s23+$0xA50] =	vst v5  }
0x19f: {  	[tilespmem:s23+$0xAE0] =	vst v1  }
0x1a0: {  	[tilespmem:s23+$0x920] =	vst v2  }
0x1a1: {  	v1 =	vld [tilespmem:$0x100]  }
0x1a2: {  	v2 =	vld [tilespmem:$0x110]  }
0x1a3: {  	v3 =	vld [tilespmem:$0x120]  }
0x1a4: {  	v4 =	vld [tilespmem:$0x130]  }
0x1a5: {  	v5 =	vld [tilespmem:$0x140]  }
0x1a6: {  	[tilespmem:$0x8300] =	vst v1;
	v1 =	vld [tilespmem:$0x150]  }
0x1a7: {  	[tilespmem:$0x8310] =	vst v2;
	v2 =	vld [tilespmem:$0x160]  }
0x1a8: {  	[tilespmem:$0x8320] =	vst v3;
	v3 =	vld [tilespmem:$0x170]  }
0x1a9: {  	[tilespmem:$0x8330] =	vst v4  }
0x1aa: {  	[tilespmem:$0x8340] =	vst v5  }
0x1ab: {  	[tilespmem:$0x8350] =	vst v1  }
0x1ac: {  	p0 =	seq.s32 s21, $0x27;
	[tilespmem:$0x8360] =	vst v2  }
0x1ad: {  	s18 =	sadd.s32 @!p0 s24, s22;
	[tilespmem:$0x8370] =	vst v3  }
0x1ae: {  	[spmem:s2] =	stream.indirect.scatter.add.f32 [tilespmem:s28], [sflag:$0x5], $0x80, s15, s0, $0xb8;
	[tilespmem:$0x1C400] =	vst v63  }
0x1af: {  	s26 =	simm.s32 @!p0 $0x0;
	s23 =	sadd.s32 @!p0 s6, s18  }
0x1b0: {  	[tilespmem:s26], [sflag:$0x1] =	stream.linear.gather @!p0 [hbm4b:s23+s26], $0x80, $0x38;
	[tilespmem:$0x1C400] =	vst v63  }
0x1b1: {  	s19 =	simm.s32 @!p0 $0x100;
	s23 =	sadd.s32 @!p0 s5, s18  }
0x1b2: {  	[tilespmem:s19], [sflag:$0x1] =	stream.linear.gather @!p0 [hbm4b:s23+s26], $0x80, $0x38;
	[tilespmem:$0x1C400] =	vst v63  }
0x1b3: {  	s18 =	sadd.s32 @!p0 s7, s18;
	s19 =	simm.s32 @!p0 $0x200  }
0x1b4: {  	[tilespmem:s19], [sflag:$0x1] =	stream.linear.gather @!p0 [hbm4b:s18+s26], $0x80, $0x38;
	[tilespmem:$0x1C400] =	vst v63  }
0x1b5: {  	s18 =	simm.s32 @!p0 $0x5  }
0x1b6: {  	_ =	swait.ge @!p0 [sflag:s18], $0x4000  }
0x1b7: {  	[sflag:s18] =	ssyncset.done @!p0 $0x0  }
0x1b8: {  	[sflag:s18] =	ssyncadd.s32 @!p0 $0xFFFFC000;
	s18 =	simm.s32 @!p0 $0x1  }
0x1b9: {  	_ =	swait.ge @!p0 [sflag:s18], $0x80  }
0x1ba: {  	[sflag:s18] =	ssyncset.done @!p0 $0x0  }
0x1bb: {  	[sflag:s18] =	ssyncadd.s32 @!p0 $0xFFFFFF80  }
0x1bc: {  	_ =	swait.ge @!p0 [sflag:s18], $0x80  }
0x1bd: {  	[sflag:s18] =	ssyncset.done @!p0 $0x0  }
0x1be: {  	[sflag:s18] =	ssyncadd.s32 @!p0 $0xFFFFFF80  }
0x1bf: {  	_ =	swait.ge @!p0 [sflag:s18], $0x80  }
0x1c0: {  	[sflag:s18] =	ssyncset.done @!p0 $0x0  }
0x1c1: {  	s19 =	simm.s32 @!p0 $0x300;
	[sflag:s18] =	ssyncadd.s32 @!p0 $0xFFFFFF80;
	s18 =	simm.s32 @!p0 $0x80  }
0x1c2: {  	[tilespmem:s19], [sflag:$0x3] =	stream.indirect.gather @!p0 [hbm4b:s1+s18], $0x80, s26, s18, $0xb8;
	[tilespmem:$0x1C400] =	vst v63  }
0x1c3: {  	_ =	swait.ge [sflag:s16], $0x4000  }
0x1c4: {  	s23 =	simm.s32 $0x0;
	[sflag:s16] =	ssyncset.done $0x0  }
0x1c5: {  	s18 =	sand.u32 $0x3FFFFFF0, s23;
	[sflag:s16] =	ssyncadd.s32 $0xFFFFC000  }
0x1c6: {  	s26 =	simm.s32 $0x0;
	v1 =	vld [tilespmem:s18+$0x280]  }
0x1c7: {  	s23 =	sand.u32 $0x3FFFF800, s26  }
0x1c8: {  	v3 =	vld [tilespmem:s23+$0x4320]  }
0x1c9: {  	v21 =	vld [tilespmem:s23+$0x4330]  }
0x1ca: {  	v10 =	vld [tilespmem:s23+$0x4360]  }
0x1cb: {  	v11 =	vld [tilespmem:s23+$0x4370];
	v2 =	vbroadcast v1, $0x0  }
0x1cc: {  	v12 =	vld [tilespmem:s23+$0x4380]  }
0x1cd: {  	v13 =	vld [tilespmem:s23+$0x4390];
	v3 =	vmul.f32 v3, v2  }
0x1ce: {  	v14 =	vld [tilespmem:s23+$0x43A0];
	v4 =	vmul.f32 v21, v2  }
0x1cf: {  	v9 =	vld [tilespmem:s23+$0x43B0];
	v23 =	vbroadcast v1, $0x1;
	v22 =	vmul.f32 v10, v2;
	[tilespmem:s23+$0x4320] =	vst v3  }
0x1d0: {  	v7 =	vld [tilespmem:s23+$0x43C0];
	v11 =	vmul.f32 v11, v2;
	[tilespmem:s23+$0x4330] =	vst v4  }
0x1d1: {  	v8 =	vld [tilespmem:s23+$0x43D0];
	v12 =	vmul.f32 v12, v23;
	[tilespmem:s23+$0x4360] =	vst v22  }
0x1d2: {  	v25 =	vld [tilespmem:s23+$0x43F0];
	v13 =	vmul.f32 v13, v23;
	[tilespmem:s23+$0x4370] =	vst v11  }
0x1d3: {  	v26 =	vld [tilespmem:s23+$0x4400];
	v14 =	vmul.f32 v14, v23;
	[tilespmem:s23+$0x4380] =	vst v12  }
0x1d4: {  	v27 =	vld [tilespmem:s23+$0x4410];
	v9 =	vmul.f32 v9, v23;
	[tilespmem:s23+$0x4390] =	vst v13  }
0x1d5: {  	v6 =	vld [tilespmem:s23+$0x4870];
	v7 =	vmul.f32 v7, v23;
	[tilespmem:s23+$0x43A0] =	vst v14  }
0x1d6: {  	v24 =	vld [tilespmem:s23+$0x43E0];
	v15 =	vbroadcast v1, $0x2;
	v8 =	vmul.f32 v8, v23;
	[tilespmem:s23+$0x43B0] =	vst v9  }
0x1d7: {  	v28 =	vld [tilespmem:s23+$0x4420];
	v10 =	vmul.f32 v25, v23;
	[tilespmem:s23+$0x43C0] =	vst v7  }
0x1d8: {  	v29 =	vld [tilespmem:s23+$0x4430];
	v5 =	vbroadcast v1, $0xA;
	v32 =	vmul.f32 v26, v15;
	[tilespmem:s23+$0x43D0] =	vst v8  }
0x1d9: {  	v30 =	vld [tilespmem:s23+$0x4440];
	v34 =	vmul.f32 v27, v15;
	[tilespmem:s23+$0x43F0] =	vst v10  }
0x1da: {  	v33 =	vld [tilespmem:s23+$0x4460];
	v3 =	vmul.f32 v6, v5;
	[tilespmem:s23+$0x4400] =	vst v32  }
0x1db: {  	v35 =	vld [tilespmem:s23+$0x4470];
	v11 =	vmul.f32 v24, v23;
	[tilespmem:s23+$0x4410] =	vst v34  }
0x1dc: {  	v36 =	vld [tilespmem:s23+$0x4480];
	v9 =	vmul.f32 v28, v15;
	[tilespmem:s23+$0x4870] =	vst v3  }
0x1dd: {  	v31 =	vld [tilespmem:s23+$0x4450];
	v7 =	vmul.f32 v29, v15;
	[tilespmem:s23+$0x43E0] =	vst v11  }
0x1de: {  	v37 =	vld [tilespmem:s23+$0x4490];
	v8 =	vmul.f32 v30, v15;
	[tilespmem:s23+$0x4420] =	vst v9  }
0x1df: {  	v38 =	vld [tilespmem:s23+$0x44A0];
	v41 =	vbroadcast v1, $0x3;
	v10 =	vmul.f32 v33, v15;
	[tilespmem:s23+$0x4430] =	vst v7  }
0x1e0: {  	v39 =	vld [tilespmem:s23+$0x44B0];
	v12 =	vmul.f32 v35, v15;
	[tilespmem:s23+$0x4440] =	vst v8  }
0x1e1: {  	v42 =	vld [tilespmem:s23+$0x44D0];
	v13 =	vmul.f32 v36, v41;
	[tilespmem:s23+$0x4460] =	vst v10  }
0x1e2: {  	v43 =	vld [tilespmem:s23+$0x44E0];
	v11 =	vmul.f32 v31, v15;
	[tilespmem:s23+$0x4470] =	vst v12  }
0x1e3: {  	v44 =	vld [tilespmem:s23+$0x44F0];
	v9 =	vmul.f32 v37, v41;
	[tilespmem:s23+$0x4480] =	vst v13  }
0x1e4: {  	v40 =	vld [tilespmem:s23+$0x44C0];
	v7 =	vmul.f32 v38, v41;
	[tilespmem:s23+$0x4450] =	vst v11  }
0x1e5: {  	v45 =	vld [tilespmem:s23+$0x4500];
	v8 =	vmul.f32 v39, v41;
	[tilespmem:s23+$0x4490] =	vst v9  }
0x1e6: {  	v46 =	vld [tilespmem:s23+$0x4510];
	v10 =	vmul.f32 v42, v41;
	[tilespmem:s23+$0x44A0] =	vst v7  }
0x1e7: {  	v47 =	vld [tilespmem:s23+$0x4520];
	v12 =	vmul.f32 v43, v41;
	[tilespmem:s23+$0x44B0] =	vst v8  }
0x1e8: {  	v49 =	vld [tilespmem:s23+$0x4540];
	v50 =	vbroadcast v1, $0x4;
	v13 =	vmul.f32 v44, v41;
	[tilespmem:s23+$0x44D0] =	vst v10  }
0x1e9: {  	v51 =	vld [tilespmem:s23+$0x4550];
	v11 =	vmul.f32 v40, v41;
	[tilespmem:s23+$0x44E0] =	vst v12  }
0x1ea: {  	v52 =	vld [tilespmem:s23+$0x4560];
	v9 =	vmul.f32 v45, v50;
	[tilespmem:s23+$0x44F0] =	vst v13  }
0x1eb: {  	v48 =	vld [tilespmem:s23+$0x4530];
	v7 =	vmul.f32 v46, v50;
	[tilespmem:s23+$0x44C0] =	vst v11  }
0x1ec: {  	v53 =	vld [tilespmem:s23+$0x4570];
	v8 =	vmul.f32 v47, v50;
	[tilespmem:s23+$0x4500] =	vst v9  }
0x1ed: {  	v54 =	vld [tilespmem:s23+$0x4580];
	v10 =	vmul.f32 v49, v50;
	[tilespmem:s23+$0x4510] =	vst v7  }
0x1ee: {  	v55 =	vld [tilespmem:s23+$0x4590];
	v12 =	vmul.f32 v51, v50;
	[tilespmem:s23+$0x4520] =	vst v8  }
0x1ef: {  	v57 =	vld [tilespmem:s23+$0x45B0];
	v13 =	vmul.f32 v52, v50;
	[tilespmem:s23+$0x4540] =	vst v10  }
0x1f0: {  	v58 =	vld [tilespmem:s23+$0x45C0];
	v59 =	vbroadcast v1, $0x5;
	v11 =	vmul.f32 v48, v50;
	[tilespmem:s23+$0x4550] =	vst v12  }
0x1f1: {  	v60 =	vld [tilespmem:s23+$0x45D0];
	v9 =	vmul.f32 v53, v50;
	[tilespmem:s23+$0x4560] =	vst v13  }
0x1f2: {  	v56 =	vld [tilespmem:s23+$0x45A0];
	v7 =	vmul.f32 v54, v59;
	[tilespmem:s23+$0x4530] =	vst v11  }
0x1f3: {  	v61 =	vld [tilespmem:s23+$0x45E0];
	v8 =	vmul.f32 v55, v59;
	[tilespmem:s23+$0x4570] =	vst v9  }
0x1f4: {  	v62 =	vld [tilespmem:s23+$0x45F0];
	v10 =	vmul.f32 v57, v59;
	[tilespmem:s23+$0x4580] =	vst v7  }
0x1f5: {  	v63 =	vld [tilespmem:s23+$0x4600];
	v12 =	vmul.f32 v58, v59;
	[tilespmem:s23+$0x4590] =	vst v8  }
0x1f6: {  	v19 =	vld [tilespmem:s23+$0x4620];
	v13 =	vmul.f32 v60, v59;
	[tilespmem:s23+$0x45B0] =	vst v10  }
0x1f7: {  	v20 =	vld [tilespmem:s23+$0x4630];
	v11 =	vmul.f32 v56, v59;
	[tilespmem:s23+$0x45C0] =	vst v12  }
0x1f8: {  	v21 =	vld [tilespmem:s23+$0x4640];
	v22 =	vbroadcast v1, $0x6;
	v9 =	vmul.f32 v61, v59;
	[tilespmem:s23+$0x45D0] =	vst v13  }
0x1f9: {  	v18 =	vld [tilespmem:s23+$0x4610];
	v7 =	vmul.f32 v62, v59;
	[tilespmem:s23+$0x45A0] =	vst v11  }
0x1fa: {  	v23 =	vld [tilespmem:s23+$0x4650];
	v8 =	vmul.f32 v63, v22;
	[tilespmem:s23+$0x45E0] =	vst v9  }
0x1fb: {  	v24 =	vld [tilespmem:s23+$0x4660];
	v10 =	vmul.f32 v19, v22;
	[tilespmem:s23+$0x45F0] =	vst v7  }
0x1fc: {  	v25 =	vld [tilespmem:s23+$0x4670];
	v12 =	vmul.f32 v20, v22;
	[tilespmem:s23+$0x4600] =	vst v8  }
0x1fd: {  	v27 =	vld [tilespmem:s23+$0x4690];
	v13 =	vmul.f32 v21, v22;
	[tilespmem:s23+$0x4620] =	vst v10  }
0x1fe: {  	v28 =	vld [tilespmem:s23+$0x46A0];
	v11 =	vmul.f32 v18, v22;
	[tilespmem:s23+$0x4630] =	vst v12  }
0x1ff: {  	v29 =	vld [tilespmem:s23+$0x46B0];
	v9 =	vmul.f32 v23, v22;
	[tilespmem:s23+$0x4640] =	vst v13  }
0x200: {  	v31 =	vbroadcast v1, $0x7;
	v53 =	vld [tilespmem:s23+$0x4800];
	v7 =	vmul.f32 v24, v22;
	[tilespmem:s23+$0x4610] =	vst v11  }
0x201: {  	v57 =	vld [tilespmem:s23+$0x4840];
	v8 =	vmul.f32 v25, v22;
	[tilespmem:s23+$0x4650] =	vst v9  }
0x202: {  	v58 =	vld [tilespmem:s23+$0x4850];
	v10 =	vmul.f32 v27, v31;
	[tilespmem:s23+$0x4660] =	vst v7  }
0x203: {  	v26 =	vld [tilespmem:s23+$0x4680];
	v12 =	vmul.f32 v28, v31;
	[tilespmem:s23+$0x4670] =	vst v8  }
0x204: {  	v30 =	vld [tilespmem:s23+$0x46C0];
	v13 =	vmul.f32 v29, v31;
	[tilespmem:s23+$0x4690] =	vst v10  }
0x205: {  	v32 =	vld [tilespmem:s23+$0x46D0];
	v59 =	vmul.f32 v53, v5;
	[tilespmem:s23+$0x46A0] =	vst v12  }
0x206: {  	v33 =	vld [tilespmem:s23+$0x46E0];
	v18 =	vmul.f32 v57, v5;
	[tilespmem:s23+$0x46B0] =	vst v13  }
0x207: {  	v35 =	vld [tilespmem:s23+$0x4700];
	v20 =	vmul.f32 v58, v5;
	[tilespmem:s23+$0x4800] =	vst v59  }
0x208: {  	v36 =	vld [tilespmem:s23+$0x4710];
	v11 =	vmul.f32 v26, v31;
	[tilespmem:s23+$0x4840] =	vst v18  }
0x209: {  	v37 =	vld [tilespmem:s23+$0x4720];
	v9 =	vmul.f32 v30, v31;
	[tilespmem:s23+$0x4850] =	vst v20  }
0x20a: {  	v4 =	vld [tilespmem:s23+$0x4880];
	v40 =	vbroadcast v1, $0x8;
	v7 =	vmul.f32 v32, v31;
	[tilespmem:s23+$0x4680] =	vst v11  }
0x20b: {  	v6 =	vld [tilespmem:s23+$0x4890];
	v8 =	vmul.f32 v33, v31;
	[tilespmem:s23+$0x46C0] =	vst v9  }
0x20c: {  	v3 =	vld [tilespmem:s23+$0x4AD0];
	v10 =	vmul.f32 v35, v40;
	[tilespmem:s23+$0x46D0] =	vst v7  }
0x20d: {  	v61 =	vld [tilespmem:s23+$0x4300];
	v23 =	vbroadcast v1, $0xB;
	v12 =	vmul.f32 v36, v40;
	[tilespmem:s23+$0x46E0] =	vst v8  }
0x20e: {  	v34 =	vld [tilespmem:s23+$0x46F0];
	v13 =	vmul.f32 v37, v40;
	[tilespmem:s23+$0x4700] =	vst v10  }
0x20f: {  	v38 =	vld [tilespmem:s23+$0x4730];
	v27 =	vbroadcast v1, $0xF;
	v4 =	vmul.f32 v4, v23;
	[tilespmem:s23+$0x4710] =	vst v12  }
0x210: {  	v39 =	vld [tilespmem:s23+$0x4740];
	v6 =	vmul.f32 v6, v23;
	[tilespmem:s23+$0x4720] =	vst v13  }
0x211: {  	v41 =	vld [tilespmem:s23+$0x4750];
	v3 =	vmul.f32 v3, v27;
	[tilespmem:s23+$0x4880] =	vst v4  }
0x212: {  	v43 =	vld [tilespmem:s23+$0x4770];
	v24 =	vmul.f32 v2, v61;
	[tilespmem:s23+$0x4890] =	vst v6  }
0x213: {  	v44 =	vld [tilespmem:s23+$0x4780];
	v11 =	vmul.f32 v34, v31;
	[tilespmem:s23+$0x4AD0] =	vst v3  }
0x214: {  	v45 =	vld [tilespmem:s23+$0x4790];
	v9 =	vmul.f32 v38, v40;
	[tilespmem:s23+$0x4300] =	vst v24  }
0x215: {  	v63 =	vld [tilespmem:s23+$0x4340];
	v7 =	vmul.f32 v39, v40;
	[tilespmem:s23+$0x46F0] =	vst v11  }
0x216: {  	v49 =	vbroadcast v1, $0x9;
	v29 =	vld [tilespmem:s23+$0x48F0];
	v8 =	vmul.f32 v41, v40;
	[tilespmem:s23+$0x4730] =	vst v9  }
0x217: {  	v42 =	vld [tilespmem:s23+$0x4760];
	v10 =	vmul.f32 v43, v40;
	[tilespmem:s23+$0x4740] =	vst v7  }
0x218: {  	v46 =	vld [tilespmem:s23+$0x47A0];
	v12 =	vmul.f32 v44, v49;
	[tilespmem:s23+$0x4750] =	vst v8  }
0x219: {  	v47 =	vld [tilespmem:s23+$0x47B0];
	v13 =	vmul.f32 v45, v49;
	[tilespmem:s23+$0x4770] =	vst v10  }
0x21a: {  	v48 =	vld [tilespmem:s23+$0x47C0];
	v3 =	vmul.f32 v63, v2;
	[tilespmem:s23+$0x4780] =	vst v12  }
0x21b: {  	v51 =	vld [tilespmem:s23+$0x47E0];
	v6 =	vmul.f32 v29, v23;
	[tilespmem:s23+$0x4790] =	vst v13  }
0x21c: {  	v52 =	vld [tilespmem:s23+$0x47F0];
	v11 =	vmul.f32 v42, v40;
	[tilespmem:s23+$0x4340] =	vst v3  }
0x21d: {  	v28 =	vld [tilespmem:s23+$0x48E0];
	v9 =	vmul.f32 v46, v49;
	[tilespmem:s23+$0x48F0] =	vst v6  }
0x21e: {  	v26 =	vld [tilespmem:s23+$0x48D0];
	v7 =	vmul.f32 v47, v49;
	[tilespmem:s23+$0x4760] =	vst v11  }
0x21f: {  	v30 =	vld [tilespmem:s23+$0x4900];
	v8 =	vmul.f32 v48, v49;
	[tilespmem:s23+$0x47A0] =	vst v9  }
0x220: {  	v50 =	vld [tilespmem:s23+$0x47D0];
	v10 =	vmul.f32 v51, v49;
	[tilespmem:s23+$0x47B0] =	vst v7  }
0x221: {  	v54 =	vld [tilespmem:s23+$0x4810];
	v12 =	vmul.f32 v52, v49;
	[tilespmem:s23+$0x47C0] =	vst v8  }
0x222: {  	v55 =	vld [tilespmem:s23+$0x4820];
	v35 =	vbroadcast v1, $0xC;
	v40 =	vmul.f32 v28, v23;
	[tilespmem:s23+$0x47E0] =	vst v10  }
0x223: {  	v56 =	vld [tilespmem:s23+$0x4830];
	v32 =	vmul.f32 v26, v23;
	[tilespmem:s23+$0x47F0] =	vst v12  }
0x224: {  	v60 =	vld [tilespmem:s23+$0x4860];
	v15 =	vmul.f32 v30, v35;
	[tilespmem:s23+$0x48E0] =	vst v40  }
0x225: {  	v62 =	vld [tilespmem:s23+$0x4310];
	v11 =	vmul.f32 v50, v49;
	[tilespmem:s23+$0x48D0] =	vst v32  }
0x226: {  	v19 =	vld [tilespmem:s23+$0x4350];
	v9 =	vmul.f32 v54, v5;
	[tilespmem:s23+$0x4900] =	vst v15  }
0x227: {  	v33 =	vld [tilespmem:s23+$0x4930];
	v7 =	vmul.f32 v55, v5;
	[tilespmem:s23+$0x47D0] =	vst v11  }
0x228: {  	v61 =	vld [tilespmem:s23+$0x4AF0];
	v8 =	vmul.f32 v56, v5;
	[tilespmem:s23+$0x4810] =	vst v9  }
0x229: {  	v38 =	vld [tilespmem:s23+$0x4970];
	v5 =	vmul.f32 v60, v5;
	[tilespmem:s23+$0x4820] =	vst v7  }
0x22a: {  	v21 =	vld [tilespmem:s23+$0x48A0];
	v12 =	vmul.f32 v62, v2;
	[tilespmem:s23+$0x4830] =	vst v8  }
0x22b: {  	v22 =	vld [tilespmem:s23+$0x48B0];
	v2 =	vmul.f32 v19, v2;
	[tilespmem:s23+$0x4860] =	vst v5  }
0x22c: {  	v25 =	vld [tilespmem:s23+$0x48C0];
	v62 =	vmul.f32 v33, v35;
	[tilespmem:s23+$0x4310] =	vst v12  }
0x22d: {  	v31 =	vld [tilespmem:s23+$0x4910];
	v63 =	vmul.f32 v61, v27;
	[tilespmem:s23+$0x4350] =	vst v2  }
0x22e: {  	v34 =	vld [tilespmem:s23+$0x4940];
	v15 =	vmul.f32 v38, v35;
	[tilespmem:s23+$0x4930] =	vst v62  }
0x22f: {  	v41 =	vld [tilespmem:s23+$0x49A0];
	v7 =	vmul.f32 v21, v23;
	[tilespmem:s23+$0x4AF0] =	vst v63  }
0x230: {  	v46 =	vld [tilespmem:s23+$0x49E0];
	v8 =	vmul.f32 v22, v23;
	[tilespmem:s23+$0x4970] =	vst v15  }
0x231: {  	v36 =	vld [tilespmem:s23+$0x4950];
	v5 =	vmul.f32 v25, v23;
	[tilespmem:s23+$0x48A0] =	vst v7  }
0x232: {  	v44 =	vbroadcast v1, $0xD;
	v9 =	vmul.f32 v31, v35;
	v2 =	vld [tilespmem:s23+$0x4990];
	[tilespmem:s23+$0x48B0] =	vst v8  }
0x233: {  	v37 =	vld [tilespmem:s23+$0x4960];
	v12 =	vmul.f32 v34, v35;
	[tilespmem:s23+$0x48C0] =	vst v5  }
0x234: {  	v39 =	vld [tilespmem:s23+$0x4980];
	v11 =	vmul.f32 v41, v44;
	[tilespmem:s23+$0x4910] =	vst v9  }
0x235: {  	v42 =	vld [tilespmem:s23+$0x49B0];
	v51 =	vmul.f32 v46, v44;
	[tilespmem:s23+$0x4940] =	vst v12  }
0x236: {  	v48 =	vld [tilespmem:s23+$0x4A10];
	v8 =	vmul.f32 v36, v35;
	[tilespmem:s23+$0x49A0] =	vst v11  }
0x237: {  	v49 =	vld [tilespmem:s23+$0x4A20];
	[tilespmem:s23+$0x49E0] =	vst v51;
	v2 =	vmul.f32 v2, v44  }
0x238: {  	v50 =	vld [tilespmem:s23+$0x4A30];
	v5 =	vmul.f32 v37, v35;
	[tilespmem:s23+$0x4950] =	vst v8  }
0x239: {  	v1 =	vbroadcast v1, $0xE;
	v9 =	vmul.f32 v39, v44;
	[tilespmem:s23+$0x4990] =	vst v2;
	v2 =	vld [tilespmem:s23+$0x4A00]  }
0x23a: {  	v60 =	vld [tilespmem:s23+$0x4AE0];
	v12 =	vmul.f32 v42, v44;
	[tilespmem:s23+$0x4960] =	vst v5  }
0x23b: {  	v45 =	vld [tilespmem:s23+$0x49D0];
	v11 =	vmul.f32 v48, v1;
	[tilespmem:s23+$0x4980] =	vst v9  }
0x23c: {  	v47 =	vld [tilespmem:s23+$0x49F0];
	v10 =	vmul.f32 v49, v1;
	[tilespmem:s23+$0x49B0] =	vst v12  }
0x23d: {  	v43 =	vld [tilespmem:s23+$0x49C0];
	v6 =	vmul.f32 v50, v1;
	[tilespmem:s23+$0x4A10] =	vst v11  }
0x23e: {  	v55 =	vld [tilespmem:s23+$0x4A80];
	[tilespmem:s23+$0x4A20] =	vst v10;
	v2 =	vmul.f32 v2, v1  }
0x23f: {  	v57 =	vld [tilespmem:s23+$0x4AA0];
	v4 =	vmul.f32 v60, v27;
	[tilespmem:s23+$0x4A30] =	vst v6  }
0x240: {  	v5 =	vmul.f32 v45, v44;
	[tilespmem:s23+$0x4A00] =	vst v2;
	v2 =	vld [tilespmem:s23+$0x4A70]  }
0x241: {  	v52 =	vld [tilespmem:s23+$0x4A40];
	v9 =	vmul.f32 v47, v44;
	[tilespmem:s23+$0x4AE0] =	vst v4  }
0x242: {  	v56 =	vld [tilespmem:s23+$0x4A90];
	v8 =	vmul.f32 v43, v44;
	[tilespmem:s23+$0x49D0] =	vst v5  }
0x243: {  	v54 =	vld [tilespmem:s23+$0x4A60];
	v11 =	vmul.f32 v55, v27;
	[tilespmem:s23+$0x49F0] =	vst v9  }
0x244: {  	v58 =	vld [tilespmem:s23+$0x4AB0];
	v6 =	vmul.f32 v57, v27;
	[tilespmem:s23+$0x49C0] =	vst v8  }
0x245: {  	v53 =	vld [tilespmem:s23+$0x4A50];
	[tilespmem:s23+$0x4A80] =	vst v11;
	v2 =	vmul.f32 v2, v1  }
0x246: {  	v59 =	vld [tilespmem:s23+$0x4AC0];
	v5 =	vmul.f32 v52, v1;
	[tilespmem:s23+$0x4AA0] =	vst v6  }
0x247: {  	[tilespmem:s23+$0x4A70] =	vst v2;
	v2 =	vmul.f32 v56, v27  }
0x248: {  	v3 =	vld [tilespmem:s23+$0x4920];
	v9 =	vmul.f32 v54, v1;
	[tilespmem:s23+$0x4A40] =	vst v5  }
0x249: {  	[tilespmem:s23+$0x4A90] =	vst v2;
	v2 =	vmul.f32 v58, v27  }
0x24a: {  	[tilespmem:s23+$0x4A60] =	vst v9;
	v1 =	vmul.f32 v53, v1  }
0x24b: {  	[tilespmem:s23+$0x4AB0] =	vst v2;
	v2 =	vmul.f32 v59, v27  }
0x24c: {  	[tilespmem:s23+$0x4A50] =	vst v1  }
0x24d: {  	s26 =	simm.s32 $0x1;
	[tilespmem:s23+$0x4AC0] =	vst v2;
	v2 =	vmul.f32 v3, v35  }
.LBB2_7:
0x24e: {  	s18 =	sshll.u32 s26, $0x4  }
0x24f: {  	p1 =	sne.s32 s26, $0x7;
	[tilespmem:s23+$0x4920] =	vst v2;
	s19 =	smov.u32 s26;
	s26 =	sadd.s32 $0x1, s26  }
0x250: {  	s18 =	sand.u32 $0x3FFFFFF0, s18  }
0x251: {  	v1 =	vld [tilespmem:s18+$0x280];
	s18 =	sshll.u32 s19, $0xB  }
0x252: {  	s23 =	sand.u32 $0x3FFFF800, s18  }
0x253: {  	v8 =	vld [tilespmem:s23+$0x43C0]  }
0x254: {  	v9 =	vld [tilespmem:s23+$0x43D0]  }
0x255: {  	v10 =	vld [tilespmem:s23+$0x43B0]  }
0x256: {  	v2 =	vbroadcast v1, $0x0;
	v3 =	vld [tilespmem:s23+$0x4320];
	v7 =	vbroadcast v1, $0x4  }
0x257: {  	v5 =	vld [tilespmem:s23+$0x4330]  }
0x258: {  	v6 =	vld [tilespmem:s23+$0x4870]  }
0x259: {  	v11 =	vld [tilespmem:s23+$0x4360]  }
0x25a: {  	v12 =	vld [tilespmem:s23+$0x4370]  }
0x25b: {  	v4 =	vbroadcast v1, $0xA;
	v3 =	vmul.f32 v3, v2;
	v13 =	vld [tilespmem:s23+$0x4380]  }
0x25c: {  	v5 =	vmul.f32 v5, v2;
	v14 =	vld [tilespmem:s23+$0x4390]  }
0x25d: {  	[tilespmem:s23+$0x4320] =	vst v3;
	v15 =	vld [tilespmem:s23+$0x43A0];
	v3 =	vmul.f32 v6, v4  }
0x25e: {  	[tilespmem:s23+$0x4330] =	vst v5;
	v6 =	vmul.f32 v11, v2;
	v11 =	vbroadcast v1, $0x1;
	v5 =	vld [tilespmem:s23+$0x4880]  }
0x25f: {  	v12 =	vmul.f32 v12, v2;
	[tilespmem:s23+$0x4870] =	vst v3;
	v3 =	vld [tilespmem:s23+$0x4AD0]  }
0x260: {  	[tilespmem:s23+$0x4360] =	vst v6;
	v13 =	vmul.f32 v13, v11;
	v6 =	vld [tilespmem:s23+$0x4890]  }
0x261: {  	[tilespmem:s23+$0x4370] =	vst v12;
	v12 =	vmul.f32 v14, v11;
	v14 =	vld [tilespmem:s23+$0x43E0]  }
0x262: {  	[tilespmem:s23+$0x4380] =	vst v13;
	v13 =	vmul.f32 v15, v11;
	v15 =	vld [tilespmem:s23+$0x43F0]  }
0x263: {  	v10 =	vmul.f32 v10, v11;
	[tilespmem:s23+$0x4390] =	vst v12;
	v12 =	vld [tilespmem:s23+$0x4400]  }
0x264: {  	v8 =	vmul.f32 v8, v11;
	[tilespmem:s23+$0x43A0] =	vst v13;
	v13 =	vld [tilespmem:s23+$0x4410]  }
0x265: {  	v9 =	vmul.f32 v9, v11;
	[tilespmem:s23+$0x43B0] =	vst v10;
	v10 =	vld [tilespmem:s23+$0x4420]  }
0x266: {  	[tilespmem:s23+$0x43C0] =	vst v8;
	v8 =	vmul.f32 v14, v11;
	v14 =	vbroadcast v1, $0x2;
	v16 =	vld [tilespmem:s23+$0x4430]  }
0x267: {  	[tilespmem:s23+$0x43D0] =	vst v9;
	v9 =	vmul.f32 v15, v11;
	v11 =	vld [tilespmem:s23+$0x4440]  }
0x268: {  	[tilespmem:s23+$0x43E0] =	vst v8;
	v8 =	vmul.f32 v12, v14;
	v12 =	vld [tilespmem:s23+$0x4450]  }
0x269: {  	[tilespmem:s23+$0x43F0] =	vst v9;
	v9 =	vmul.f32 v13, v14;
	v13 =	vld [tilespmem:s23+$0x4460]  }
0x26a: {  	[tilespmem:s23+$0x4400] =	vst v8;
	v8 =	vmul.f32 v10, v14;
	v10 =	vld [tilespmem:s23+$0x4470]  }
0x26b: {  	[tilespmem:s23+$0x4410] =	vst v9;
	v9 =	vmul.f32 v16, v14;
	v15 =	vld [tilespmem:s23+$0x4480]  }
0x26c: {  	[tilespmem:s23+$0x4420] =	vst v8;
	v8 =	vmul.f32 v11, v14;
	v11 =	vld [tilespmem:s23+$0x4490]  }
0x26d: {  	[tilespmem:s23+$0x4430] =	vst v9;
	v9 =	vmul.f32 v12, v14;
	v12 =	vld [tilespmem:s23+$0x44A0]  }
0x26e: {  	[tilespmem:s23+$0x4440] =	vst v8;
	v8 =	vmul.f32 v13, v14;
	v13 =	vbroadcast v1, $0x3;
	v16 =	vld [tilespmem:s23+$0x44B0]  }
0x26f: {  	[tilespmem:s23+$0x4450] =	vst v9;
	v9 =	vmul.f32 v10, v14;
	v10 =	vld [tilespmem:s23+$0x44C0]  }
0x270: {  	[tilespmem:s23+$0x4460] =	vst v8;
	v8 =	vmul.f32 v15, v13;
	v14 =	vld [tilespmem:s23+$0x44D0]  }
0x271: {  	[tilespmem:s23+$0x4470] =	vst v9;
	v9 =	vmul.f32 v11, v13;
	v11 =	vld [tilespmem:s23+$0x44E0]  }
0x272: {  	[tilespmem:s23+$0x4480] =	vst v8;
	v8 =	vmul.f32 v12, v13;
	v12 =	vld [tilespmem:s23+$0x44F0]  }
0x273: {  	[tilespmem:s23+$0x4490] =	vst v9;
	v9 =	vmul.f32 v16, v13;
	v15 =	vld [tilespmem:s23+$0x4500]  }
0x274: {  	[tilespmem:s23+$0x44A0] =	vst v8;
	v8 =	vmul.f32 v10, v13;
	v10 =	vld [tilespmem:s23+$0x4510]  }
0x275: {  	[tilespmem:s23+$0x44B0] =	vst v9;
	v9 =	vmul.f32 v14, v13;
	v14 =	vld [tilespmem:s23+$0x4520]  }
0x276: {  	[tilespmem:s23+$0x44C0] =	vst v8;
	v8 =	vmul.f32 v11, v13;
	v11 =	vld [tilespmem:s23+$0x4530]  }
0x277: {  	[tilespmem:s23+$0x44D0] =	vst v9;
	v9 =	vmul.f32 v12, v13;
	v12 =	vld [tilespmem:s23+$0x4540]  }
0x278: {  	[tilespmem:s23+$0x44E0] =	vst v8;
	v8 =	vmul.f32 v15, v7;
	v13 =	vld [tilespmem:s23+$0x4550]  }
0x279: {  	[tilespmem:s23+$0x44F0] =	vst v9;
	v9 =	vmul.f32 v10, v7;
	v10 =	vld [tilespmem:s23+$0x4560]  }
0x27a: {  	[tilespmem:s23+$0x4500] =	vst v8;
	v8 =	vmul.f32 v14, v7;
	v14 =	vld [tilespmem:s23+$0x4570]  }
0x27b: {  	[tilespmem:s23+$0x4510] =	vst v9;
	v9 =	vmul.f32 v11, v7;
	v11 =	vld [tilespmem:s23+$0x4580]  }
0x27c: {  	[tilespmem:s23+$0x4520] =	vst v8;
	v8 =	vmul.f32 v12, v7;
	v12 =	vld [tilespmem:s23+$0x4590]  }
0x27d: {  	[tilespmem:s23+$0x4530] =	vst v9;
	v9 =	vmul.f32 v13, v7;
	v13 =	vld [tilespmem:s23+$0x45A0]  }
0x27e: {  	[tilespmem:s23+$0x4540] =	vst v8;
	v8 =	vmul.f32 v10, v7;
	v10 =	vbroadcast v1, $0x5;
	v15 =	vld [tilespmem:s23+$0x45B0]  }
0x27f: {  	[tilespmem:s23+$0x4550] =	vst v9;
	v7 =	vmul.f32 v14, v7;
	v9 =	vld [tilespmem:s23+$0x45C0]  }
0x280: {  	[tilespmem:s23+$0x4560] =	vst v8;
	v8 =	vmul.f32 v11, v10;
	v11 =	vld [tilespmem:s23+$0x45D0]  }
0x281: {  	[tilespmem:s23+$0x4570] =	vst v7;
	v7 =	vmul.f32 v12, v10;
	v12 =	vld [tilespmem:s23+$0x45E0]  }
0x282: {  	[tilespmem:s23+$0x4580] =	vst v8;
	v8 =	vmul.f32 v13, v10;
	v13 =	vld [tilespmem:s23+$0x45F0]  }
0x283: {  	[tilespmem:s23+$0x4590] =	vst v7;
	v7 =	vmul.f32 v15, v10;
	v14 =	vld [tilespmem:s23+$0x4600]  }
0x284: {  	[tilespmem:s23+$0x45A0] =	vst v8;
	v8 =	vmul.f32 v9, v10;
	v9 =	vld [tilespmem:s23+$0x4610]  }
0x285: {  	[tilespmem:s23+$0x45B0] =	vst v7;
	v7 =	vmul.f32 v11, v10;
	v11 =	vld [tilespmem:s23+$0x4620]  }
0x286: {  	[tilespmem:s23+$0x45C0] =	vst v8;
	v8 =	vmul.f32 v12, v10;
	v12 =	vbroadcast v1, $0x6;
	v15 =	vld [tilespmem:s23+$0x4630]  }
0x287: {  	[tilespmem:s23+$0x45D0] =	vst v7;
	v7 =	vmul.f32 v13, v10;
	v10 =	vld [tilespmem:s23+$0x4640]  }
0x288: {  	[tilespmem:s23+$0x45E0] =	vst v8;
	v8 =	vmul.f32 v14, v12;
	v13 =	vld [tilespmem:s23+$0x4650]  }
0x289: {  	[tilespmem:s23+$0x45F0] =	vst v7;
	v7 =	vmul.f32 v9, v12;
	v9 =	vld [tilespmem:s23+$0x4660]  }
0x28a: {  	[tilespmem:s23+$0x4600] =	vst v8;
	v8 =	vmul.f32 v11, v12;
	v11 =	vld [tilespmem:s23+$0x4670]  }
0x28b: {  	[tilespmem:s23+$0x4610] =	vst v7;
	v7 =	vmul.f32 v15, v12;
	v14 =	vld [tilespmem:s23+$0x4680]  }
0x28c: {  	[tilespmem:s23+$0x4620] =	vst v8;
	v8 =	vmul.f32 v10, v12;
	v10 =	vld [tilespmem:s23+$0x4690]  }
0x28d: {  	[tilespmem:s23+$0x4630] =	vst v7;
	v7 =	vmul.f32 v13, v12;
	v13 =	vld [tilespmem:s23+$0x46A0]  }
0x28e: {  	[tilespmem:s23+$0x4640] =	vst v8;
	v8 =	vmul.f32 v9, v12;
	v9 =	vbroadcast v1, $0x7;
	v15 =	vld [tilespmem:s23+$0x46B0]  }
0x28f: {  	[tilespmem:s23+$0x4650] =	vst v7;
	v7 =	vmul.f32 v11, v12;
	v11 =	vld [tilespmem:s23+$0x46C0]  }
0x290: {  	[tilespmem:s23+$0x4660] =	vst v8;
	v8 =	vmul.f32 v14, v9;
	v12 =	vld [tilespmem:s23+$0x46D0]  }
0x291: {  	[tilespmem:s23+$0x4670] =	vst v7;
	v7 =	vmul.f32 v10, v9;
	v10 =	vld [tilespmem:s23+$0x46E0]  }
0x292: {  	[tilespmem:s23+$0x4680] =	vst v8;
	v8 =	vmul.f32 v13, v9;
	v13 =	vld [tilespmem:s23+$0x46F0]  }
0x293: {  	[tilespmem:s23+$0x4690] =	vst v7;
	v7 =	vmul.f32 v15, v9;
	v14 =	vld [tilespmem:s23+$0x4700]  }
0x294: {  	[tilespmem:s23+$0x46A0] =	vst v8;
	v8 =	vmul.f32 v11, v9;
	v11 =	vld [tilespmem:s23+$0x4710]  }
0x295: {  	[tilespmem:s23+$0x46B0] =	vst v7;
	v7 =	vmul.f32 v12, v9;
	v12 =	vld [tilespmem:s23+$0x4720]  }
0x296: {  	[tilespmem:s23+$0x46C0] =	vst v8;
	v8 =	vmul.f32 v10, v9;
	v10 =	vbroadcast v1, $0x8;
	v15 =	vld [tilespmem:s23+$0x4730]  }
0x297: {  	[tilespmem:s23+$0x46D0] =	vst v7;
	v7 =	vmul.f32 v13, v9;
	v9 =	vld [tilespmem:s23+$0x4740]  }
0x298: {  	[tilespmem:s23+$0x46E0] =	vst v8;
	v8 =	vmul.f32 v14, v10;
	v13 =	vld [tilespmem:s23+$0x4750]  }
0x299: {  	[tilespmem:s23+$0x46F0] =	vst v7;
	v7 =	vmul.f32 v11, v10;
	v11 =	vld [tilespmem:s23+$0x4760]  }
0x29a: {  	[tilespmem:s23+$0x4700] =	vst v8;
	v8 =	vmul.f32 v12, v10;
	v12 =	vld [tilespmem:s23+$0x4770]  }
0x29b: {  	[tilespmem:s23+$0x4710] =	vst v7;
	v7 =	vmul.f32 v15, v10;
	v14 =	vld [tilespmem:s23+$0x4780]  }
0x29c: {  	[tilespmem:s23+$0x4720] =	vst v8;
	v8 =	vmul.f32 v9, v10;
	v9 =	vld [tilespmem:s23+$0x4790]  }
0x29d: {  	[tilespmem:s23+$0x4730] =	vst v7;
	v7 =	vmul.f32 v13, v10;
	v13 =	vld [tilespmem:s23+$0x47A0]  }
0x29e: {  	[tilespmem:s23+$0x4740] =	vst v8;
	v8 =	vmul.f32 v11, v10;
	v11 =	vbroadcast v1, $0x9;
	v15 =	vld [tilespmem:s23+$0x47B0]  }
0x29f: {  	[tilespmem:s23+$0x4750] =	vst v7;
	v7 =	vmul.f32 v12, v10;
	v10 =	vld [tilespmem:s23+$0x47C0]  }
0x2a0: {  	[tilespmem:s23+$0x4760] =	vst v8;
	v8 =	vmul.f32 v14, v11;
	v12 =	vld [tilespmem:s23+$0x47D0]  }
0x2a1: {  	[tilespmem:s23+$0x4770] =	vst v7;
	v7 =	vmul.f32 v9, v11;
	v9 =	vld [tilespmem:s23+$0x47E0]  }
0x2a2: {  	[tilespmem:s23+$0x4780] =	vst v8;
	v8 =	vmul.f32 v13, v11;
	v13 =	vld [tilespmem:s23+$0x47F0]  }
0x2a3: {  	[tilespmem:s23+$0x4790] =	vst v7;
	v7 =	vmul.f32 v15, v11;
	v14 =	vld [tilespmem:s23+$0x4800]  }
0x2a4: {  	[tilespmem:s23+$0x47A0] =	vst v8;
	v8 =	vmul.f32 v10, v11;
	v10 =	vld [tilespmem:s23+$0x4810]  }
0x2a5: {  	[tilespmem:s23+$0x47B0] =	vst v7;
	v7 =	vmul.f32 v12, v11;
	v12 =	vld [tilespmem:s23+$0x4820]  }
0x2a6: {  	[tilespmem:s23+$0x47C0] =	vst v8;
	v8 =	vmul.f32 v9, v11;
	v9 =	vld [tilespmem:s23+$0x4830]  }
0x2a7: {  	[tilespmem:s23+$0x47D0] =	vst v7;
	v7 =	vmul.f32 v13, v11;
	v11 =	vld [tilespmem:s23+$0x4840]  }
0x2a8: {  	[tilespmem:s23+$0x47E0] =	vst v8;
	v8 =	vmul.f32 v14, v4;
	v13 =	vld [tilespmem:s23+$0x4850]  }
0x2a9: {  	[tilespmem:s23+$0x47F0] =	vst v7;
	v7 =	vmul.f32 v10, v4;
	v10 =	vld [tilespmem:s23+$0x4860]  }
0x2aa: {  	v14 =	vld [tilespmem:s23+$0x4300];
	[tilespmem:s23+$0x4800] =	vst v8;
	v8 =	vmul.f32 v12, v4  }
0x2ab: {  	v12 =	vld [tilespmem:s23+$0x4310];
	[tilespmem:s23+$0x4810] =	vst v7;
	v7 =	vmul.f32 v9, v4  }
0x2ac: {  	v9 =	vld [tilespmem:s23+$0x4340];
	[tilespmem:s23+$0x4820] =	vst v8;
	v8 =	vmul.f32 v11, v4  }
0x2ad: {  	v11 =	vld [tilespmem:s23+$0x4350];
	[tilespmem:s23+$0x4830] =	vst v7;
	v7 =	vmul.f32 v13, v4  }
0x2ae: {  	[tilespmem:s23+$0x4840] =	vst v8;
	v8 =	vmul.f32 v10, v4;
	v10 =	vbroadcast v1, $0xB;
	v13 =	vld [tilespmem:s23+$0x48A0]  }
0x2af: {  	v4 =	vbroadcast v1, $0xF;
	v14 =	vmul.f32 v2, v14;
	[tilespmem:s23+$0x4850] =	vst v7;
	v7 =	vld [tilespmem:s23+$0x48B0]  }
0x2b0: {  	v12 =	vmul.f32 v12, v2;
	[tilespmem:s23+$0x4860] =	vst v8;
	v5 =	vmul.f32 v5, v10;
	v8 =	vld [tilespmem:s23+$0x48C0]  }
0x2b1: {  	v6 =	vmul.f32 v6, v10;
	[tilespmem:s23+$0x4300] =	vst v14;
	v9 =	vmul.f32 v9, v2;
	v14 =	vld [tilespmem:s23+$0x48D0]  }
0x2b2: {  	v3 =	vmul.f32 v3, v4;
	v11 =	vmul.f32 v11, v2;
	[tilespmem:s23+$0x4880] =	vst v5;
	v2 =	vld [tilespmem:s23+$0x48E0]  }
0x2b3: {  	[tilespmem:s23+$0x4890] =	vst v6;
	v5 =	vmul.f32 v13, v10;
	v6 =	vld [tilespmem:s23+$0x48F0]  }
0x2b4: {  	v7 =	vmul.f32 v7, v10;
	v13 =	vld [tilespmem:s23+$0x4900];
	[tilespmem:s23+$0x4AD0] =	vst v3  }
0x2b5: {  	[tilespmem:s23+$0x4310] =	vst v12;
	v3 =	vmul.f32 v8, v10;
	v8 =	vld [tilespmem:s23+$0x4910]  }
0x2b6: {  	[tilespmem:s23+$0x4340] =	vst v9;
	v9 =	vmul.f32 v14, v10;
	v12 =	vld [tilespmem:s23+$0x4920]  }
0x2b7: {  	v14 =	vbroadcast v1, $0xC;
	[tilespmem:s23+$0x48A0] =	vst v5;
	v5 =	vmul.f32 v2, v10;
	v15 =	vld [tilespmem:s23+$0x4930]  }
0x2b8: {  	[tilespmem:s23+$0x48D0] =	vst v9;
	v6 =	vmul.f32 v6, v10;
	v9 =	vld [tilespmem:s23+$0x4940]  }
0x2b9: {  	[tilespmem:s23+$0x48B0] =	vst v7;
	v2 =	vmul.f32 v13, v14;
	v7 =	vld [tilespmem:s23+$0x4950]  }
0x2ba: {  	[tilespmem:s23+$0x48C0] =	vst v3;
	v3 =	vmul.f32 v8, v14;
	v8 =	vld [tilespmem:s23+$0x4960]  }
0x2bb: {  	[tilespmem:s23+$0x4900] =	vst v2;
	v2 =	vmul.f32 v12, v14;
	v10 =	vld [tilespmem:s23+$0x4970]  }
0x2bc: {  	[tilespmem:s23+$0x4910] =	vst v3;
	v3 =	vld [tilespmem:s23+$0x4980]  }
0x2bd: {  	[tilespmem:s23+$0x4350] =	vst v11;
	v9 =	vmul.f32 v9, v14;
	v11 =	vld [tilespmem:s23+$0x4990]  }
0x2be: {  	[tilespmem:s23+$0x48E0] =	vst v5;
	v5 =	vmul.f32 v7, v14;
	v7 =	vld [tilespmem:s23+$0x49A0]  }
0x2bf: {  	[tilespmem:s23+$0x4940] =	vst v9;
	v8 =	vmul.f32 v8, v14;
	v9 =	vbroadcast v1, $0xD;
	v12 =	vld [tilespmem:s23+$0x49B0]  }
0x2c0: {  	[tilespmem:s23+$0x4950] =	vst v5;
	v5 =	vmul.f32 v10, v14;
	v10 =	vld [tilespmem:s23+$0x49C0]  }
0x2c1: {  	[tilespmem:s23+$0x4960] =	vst v8;
	v3 =	vmul.f32 v3, v9;
	v8 =	vld [tilespmem:s23+$0x49D0]  }
0x2c2: {  	[tilespmem:s23+$0x4970] =	vst v5;
	v5 =	vmul.f32 v11, v9;
	v11 =	vld [tilespmem:s23+$0x49E0]  }
0x2c3: {  	[tilespmem:s23+$0x4980] =	vst v3;
	v3 =	vmul.f32 v7, v9;
	v7 =	vld [tilespmem:s23+$0x49F0]  }
0x2c4: {  	[tilespmem:s23+$0x4990] =	vst v5;
	v5 =	vmul.f32 v12, v9;
	v12 =	vld [tilespmem:s23+$0x4A00]  }
0x2c5: {  	[tilespmem:s23+$0x49A0] =	vst v3;
	v3 =	vmul.f32 v10, v9;
	v10 =	vld [tilespmem:s23+$0x4A10]  }
0x2c6: {  	[tilespmem:s23+$0x49B0] =	vst v5;
	v5 =	vmul.f32 v8, v9;
	v8 =	vld [tilespmem:s23+$0x4A20]  }
0x2c7: {  	v1 =	vbroadcast v1, $0xE;
	[tilespmem:s23+$0x48F0] =	vst v6;
	v6 =	vmul.f32 v11, v9;
	v11 =	vld [tilespmem:s23+$0x4A30]  }
0x2c8: {  	[tilespmem:s23+$0x49D0] =	vst v5;
	v5 =	vmul.f32 v7, v9;
	v7 =	vld [tilespmem:s23+$0x4A40]  }
0x2c9: {  	[tilespmem:s23+$0x49E0] =	vst v6;
	v6 =	vmul.f32 v12, v1;
	v9 =	vld [tilespmem:s23+$0x4A50]  }
0x2ca: {  	[tilespmem:s23+$0x49F0] =	vst v5;
	v5 =	vmul.f32 v10, v1;
	v10 =	vld [tilespmem:s23+$0x4A60]  }
0x2cb: {  	[tilespmem:s23+$0x4A00] =	vst v6;
	v6 =	vmul.f32 v8, v1;
	v8 =	vld [tilespmem:s23+$0x4A70]  }
0x2cc: {  	[tilespmem:s23+$0x4A10] =	vst v5;
	v5 =	vmul.f32 v11, v1;
	v11 =	vld [tilespmem:s23+$0x4A80]  }
0x2cd: {  	[tilespmem:s23+$0x4A20] =	vst v6;
	v6 =	vmul.f32 v7, v1;
	v7 =	vld [tilespmem:s23+$0x4A90]  }
0x2ce: {  	[tilespmem:s23+$0x4A30] =	vst v5;
	v5 =	vmul.f32 v9, v1;
	v9 =	vld [tilespmem:s23+$0x4AA0]  }
0x2cf: {  	[tilespmem:s23+$0x4A40] =	vst v6;
	v6 =	vmul.f32 v10, v1;
	v10 =	vld [tilespmem:s23+$0x4AB0]  }
0x2d0: {  	[tilespmem:s23+$0x49C0] =	vst v3;
	v1 =	vmul.f32 v8, v1;
	v3 =	vld [tilespmem:s23+$0x4AC0]  }
0x2d1: {  	[tilespmem:s23+$0x4A60] =	vst v6;
	v6 =	vmul.f32 v11, v4;
	v8 =	vld [tilespmem:s23+$0x4AE0]  }
0x2d2: {  	[tilespmem:s23+$0x4A70] =	vst v1;
	v1 =	vmul.f32 v7, v4;
	v7 =	vld [tilespmem:s23+$0x4AF0]  }
0x2d3: {  	[tilespmem:s23+$0x4A80] =	vst v6;
	v6 =	vmul.f32 v9, v4  }
0x2d4: {  	[tilespmem:s23+$0x4A90] =	vst v1;
	v1 =	vmul.f32 v10, v4  }
0x2d5: {  	v9 =	vmul.f32 v15, v14;
	[tilespmem:s23+$0x4AA0] =	vst v6  }
0x2d6: {  	[tilespmem:s23+$0x4AB0] =	vst v1;
	v1 =	vmul.f32 v3, v4  }
.Ltmp4:
0x2d7: {  	[tilespmem:s23+$0x4930] =	vst v9;
	v3 =	vmul.f32 v7, v4;
	(pc) =	sbr.rel @p1 .LBB2_7-.Ltmp4, $4  }
0x2d8: {  	[tilespmem:s23+$0x4AC0] =	vst v1  }
0x2d9: {  	v1 =	vmul.f32 v8, v4;
	[tilespmem:s23+$0x4AF0] =	vst v3  }
0x2da: {  	[tilespmem:s23+$0x4A50] =	vst v5  }
0x2db: {  	[tilespmem:s23+$0x4AE0] =	vst v1  }
0x2dc: {  	[tilespmem:s23+$0x4920] =	vst v2  }
0x2dd: {  	v1 =	vld [tilespmem:$0x180]  }
0x2de: {  	v2 =	vld [tilespmem:$0x190]  }
0x2df: {  	v3 =	vld [tilespmem:$0x1A0]  }
0x2e0: {  	v4 =	vld [tilespmem:$0x1B0]  }
0x2e1: {  	v5 =	vld [tilespmem:$0x1C0]  }
0x2e2: {  	[tilespmem:$0x8380] =	vst v1;
	v1 =	vld [tilespmem:$0x1D0]  }
0x2e3: {  	[tilespmem:$0x8390] =	vst v2;
	v2 =	vld [tilespmem:$0x1E0]  }
0x2e4: {  	[tilespmem:$0x83A0] =	vst v3;
	v3 =	vld [tilespmem:$0x1F0]  }
0x2e5: {  	[tilespmem:$0x83B0] =	vst v4  }
.Ltmp5:
0x2e6: {  	[tilespmem:$0x83C0] =	vst v5;
	(pc) =	sbr.rel @p0 .LBB2_10-.Ltmp5, $4  }
0x2e7: {  	[tilespmem:$0x83D0] =	vst v1  }
0x2e8: {  	[tilespmem:$0x83E0] =	vst v2  }
0x2e9: {  	[tilespmem:$0x83F0] =	vst v3  }
0x2ea: {  	[spmem:s2] =	stream.indirect.scatter.add.f32 [tilespmem:s13], [sflag:$0x6], $0x80, s17, s0, $0xb8;
	[tilespmem:$0x1C400] =	vst v63  }
0x2eb: {  	s18 =	sadd.s32 s25, s22  }
0x2ec: {  	s19 =	sadd.s32 s6, s18  }
0x2ed: {  	[tilespmem:s0], [sflag:$0x2] =	stream.linear.gather [hbm4b:s19+s3], $0x80, $0x38;
	[tilespmem:$0x1C400] =	vst v63  }
.Ltmp6:
0x2ee: {  	_ = 	snop;
	(pc) =	sbr.rel .LBB2_4-.Ltmp6, $4  }
0x2ef: {  	s26 =	sadd.s32 s5, s18  }
0x2f0: {  	[tilespmem:s30], [sflag:$0x2] =	stream.linear.gather [hbm4b:s26+s3], $0x80, $0x38;
	[tilespmem:$0x1C400] =	vst v63  }
0x2f1: {  	s21 =	sadd.s32 $0x1, s21;
	s18 =	sadd.s32 s7, s18  }
0x2f2: {  	[tilespmem:s31], [sflag:$0x2] =	stream.linear.gather [hbm4b:s18+s3], $0x80, $0x38;
	[tilespmem:$0x1C400] =	vst v63  }
.LBB2_11:
0x2f3: {  	_ =	sfence.sel $0x180000  }
0x2f4: {  	[bflag:$0x0] =	sbarrier.arrive $0xFFFF  }
0x2f5: {  	_ =	strace $0x90000047  }
0x2f6: {  	s0 =	stileid.u32;
	[bflag:$0x2] =	sbarrier.arrive $0xFFFF  }
0x2f7: {  	p0 =	sne.s32 s0, $0x0;
	s0 =	rddreg [dreg:$0x3]  }
0x2f8: {  	s0 =	sadd.s32 @!p0 $0x100000, s0  }
0x2f9: {  	[sflag:s0] =	ssyncadd.tile.s32 @!p0 $0x1;
	_ =	shalt  }
.Lfunc_end2:
_tile_overlayer_lowered:
.L_overlay_start_2:
0x2fa: {  	(tag) =	ssettag $0x2  }
0x2fb: {  	s0 =	rddreg [dreg:$0x0];
	s2 =	stileid.u32  }
0x2fc: {  	s1 =	rddreg [dreg:$0x1];
	p0 =	sne.s32 s2, $0x0  }
0x2fd: {  	s3 =	rddreg [dreg:$0x2];
	[bflag:$0x3] =	sbarrier.arrive $0xFFFF;
	s2 =	simm.s32 @!p0 $0x1C07  }
0x2fe: {  	[timem:s3], [sflag:s2] =	dma.local @!p0 [hbm:s0], s1  }
0x2ff: {  	s0 =	simm.s32 @!p0 $0x7  }
0x300: {  	_ =	swait.ge @!p0 [sflag:s0], s1  }
0x301: {  	s1 =	ssub.s32 @!p0 $0x0, s1;
	[sflag:s0] =	ssyncset.done @!p0 $0x0  }
0x302: {  	[sflag:s0] =	ssyncadd.s32 @!p0 s1  }
0x303: {  	[bflag:$0x3] =	sbarrier.arrive $0xFFFF  }
0x304: {  	_ =	shalt  }

</sc_bundles>
